<compile_context>
chip_gen: v7x
topology: tpu7x:2x2x1
jax: 0.10.2.dev20260603
libtpu: 0.0.44.dev20260713+nightly
codegen_flags: <defaults>
</compile_context>

<pallas_src>
import functools

import jax
import jax.numpy as jnp
from jax import lax
from jax.experimental import pallas as pl
from jax.experimental.pallas import tpu as pltpu
from jax.experimental.pallas import tpu_sc as plsc

_B = 4096
_BOX_DIM = 256
_BOX_OUT = 64
_V_DISC = 100000
_D_DISC = 32
_NF = 26
_V_MD = 1000
_D_MD = 16
_NFP = 32

_NC = 2
_NS = 16
_NW = _NC * _NS
_BPW = _B // _NW
_MD_CHUNK = 128
_MD_PW = _NFP * _BPW
_MD_NCHUNK = _MD_PW // _MD_CHUNK


def _sc_disc_body(idx_hbm, tab_hbm, out_hbm, idx_v, rows_v, sem, osem):
    wid = lax.axis_index("s") * _NC + lax.axis_index("c")
    pltpu.sync_copy(idx_hbm.at[pl.ds(wid * _BPW, _BPW)], idx_v)
    for g in range(_BPW // 16):
        v = idx_v[pl.ds(g * 16, 16)]
        for l in range(16):
            j = g * 16 + l
            pltpu.make_async_copy(
                tab_hbm.at[pl.ds(v[l], 1)], rows_v.at[pl.ds(j, 1)],
                sem).start()

    def drain(j, carry):
        pltpu.make_async_copy(
            tab_hbm.at[pl.ds(0, 1)], rows_v.at[pl.ds(j, 1)], sem).wait()
        return carry

    lax.fori_loop(0, _BPW, drain, 0, unroll=8)
    pltpu.async_copy(rows_v, out_hbm.at[wid], osem).wait()


@functools.cache
def _sc_disc():
    return pl.kernel(
        _sc_disc_body,
        mesh=plsc.VectorSubcoreMesh(core_axis_name="c", subcore_axis_name="s"),
        out_type=jax.ShapeDtypeStruct((_NW, _BPW, _D_DISC), jnp.float32),
        scratch_types=[
            pltpu.VMEM((_BPW,), jnp.int32),
            pltpu.VMEM((_BPW, _D_DISC), jnp.float32),
            pltpu.SemaphoreType.DMA,
            pltpu.SemaphoreType.DMA,
        ],
    )


def _sc_md_body(idx_hbm, tab_hbm, out_hbm, idx_v, rows_v, sem, osem):
    wid = lax.axis_index("s") * _NC + lax.axis_index("c")
    pltpu.sync_copy(idx_hbm.at[pl.ds(wid * _MD_PW, _MD_PW)], idx_v)
    cps = []
    for c in range(_MD_NCHUNK):
        cps.append(pltpu.async_copy(
            tab_hbm.at[idx_v.at[pl.ds(c * _MD_CHUNK, _MD_CHUNK)]],
            rows_v.at[c], sem))
    for cp in cps:
        cp.wait()
    pltpu.async_copy(rows_v, out_hbm.at[wid], osem).wait()


@functools.cache
def _sc_md():
    return pl.kernel(
        _sc_md_body,
        mesh=plsc.VectorSubcoreMesh(core_axis_name="c", subcore_axis_name="s"),
        out_type=jax.ShapeDtypeStruct((_NW, _MD_NCHUNK, _MD_CHUNK, _D_MD),
                                      jnp.float32),
        scratch_types=[
            pltpu.VMEM((_MD_PW,), jnp.int32),
            pltpu.VMEM((_MD_NCHUNK, _MD_CHUNK, _D_MD), jnp.float32),
            pltpu.SemaphoreType.DMA,
            pltpu.SemaphoreType.DMA,
        ],
        compiler_params=pltpu.CompilerParams(use_tc_tiling_on_sc=False),
    )


def _tc_assemble_body(obs_ref, w_ref, b_ref, disc_ref, md_ref, out_ref):
    acc = jnp.dot(obs_ref[...], w_ref[...], preferred_element_type=jnp.float32)
    acc = acc + b_ref[...]
    md = md_ref[...].reshape(_BM, _NFP * _D_MD)[:, : _NF * _D_MD]
    out_ref[...] = jnp.concatenate([acc, disc_ref[...], md], axis=-1)


_BM = 512
_MDR = _NFP * _D_MD // 128

_tc_assemble = pl.pallas_call(
    _tc_assemble_body,
    grid=(_B // _BM,),
    in_specs=[
        pl.BlockSpec((_BM, _BOX_DIM), lambda i: (i, 0)),
        pl.BlockSpec((_BOX_DIM, _BOX_OUT), lambda i: (0, 0)),
        pl.BlockSpec((1, _BOX_OUT), lambda i: (0, 0)),
        pl.BlockSpec((_BM, _D_DISC), lambda i: (i, 0)),
        pl.BlockSpec((_BM * _NFP * _D_MD,), lambda i: (i,)),
    ],
    out_specs=pl.BlockSpec((_BM, _BOX_OUT + _D_DISC + _NF * _D_MD),
                           lambda i: (i, 0)),
    out_shape=jax.ShapeDtypeStruct(
        (_B, _BOX_OUT + _D_DISC + _NF * _D_MD), jnp.float32),
)


def kernel(obs_box, obs_discrete, obs_multidiscrete, W_box, b_box,
           emb_discrete, emb_multi):
    f = jnp.arange(_NFP, dtype=jnp.int32)[None, :]
    offs = jnp.where(f < _NF, f * _V_MD, 0)
    b = jnp.arange(_B, dtype=jnp.int32)[:, None]
    pad_idx = (b * (_NFP - _NF) + (f - _NF)) % (_NF * _V_MD)
    idx32 = jnp.where(
        f < _NF,
        jnp.pad(obs_multidiscrete, ((0, 0), (0, _NFP - _NF))) + offs,
        pad_idx,
    ).reshape(-1)
    tab_md = emb_multi.reshape(_NF * _V_MD, _D_MD)

    f_disc = _sc_disc()(obs_discrete, emb_discrete)
    f_md = _sc_md()(idx32, tab_md)
    f_disc = f_disc.reshape(_B, _D_DISC)
    f_md = f_md.reshape(-1)

    return _tc_assemble(obs_box, W_box, b_box.reshape(1, _BOX_OUT),
                        f_disc, f_md)

# --- scband reference (transcript-rebuilt; emitter-appended) ---
"""Pipeline reference for scband-dict-to-tensor-preprocessor-20547123544885 (READ-ONLY COPY).

The authoritative reference and input builder live on the scoring server;
editing this copy changes nothing except your own understanding.
"""

import jax, jax.numpy as jnp
import numpy as np

B = 4096
BOX_DIM = 256
BOX_OUT = 64
V_DISC = 100000
D_DISC = 32
NF = 26
V_MD = 1000
D_MD = 16


def setup_inputs(seed: int = 0) -> dict:
    key = jax.random.key(seed)
    ks = jax.random.split(key, 8)
    return {
        "obs_box": jax.random.normal(ks[0], (B, BOX_DIM), dtype=jnp.float32),
        "obs_discrete": jax.random.randint(ks[1], (B,), 0, V_DISC, dtype=jnp.int32),
        "obs_multidiscrete": jax.random.randint(ks[2], (B, NF), 0, V_MD, dtype=jnp.int32),
        "W_box": jax.random.normal(ks[3], (BOX_DIM, BOX_OUT), dtype=jnp.float32) * 0.05,
        "b_box": jnp.zeros((BOX_OUT,), dtype=jnp.float32),
        "emb_discrete": jax.random.normal(ks[4], (V_DISC, D_DISC), dtype=jnp.float32) * 0.05,
        "emb_multi": jax.random.normal(ks[5], (NF, V_MD, D_MD), dtype=jnp.float32) * 0.05,
    }


def reference(obs_box, obs_discrete, obs_multidiscrete, W_box, b_box, emb_discrete, emb_multi):
    # keys processed in sorted order: box, discrete, multidiscrete
    # Box -> Linear(256, 64)
    f_box = obs_box.reshape(obs_box.shape[0], -1) @ W_box + b_box
    # Discrete -> Embedding(100000, 32)
    f_disc = jnp.take(emb_discrete, obs_discrete, axis=0)
    # MultiDiscrete -> 26 x Embedding(1000, 16), concatenated on last dim
    field_idx = jnp.arange(NF)[None, :]  # [1, NF]
    sub = emb_multi[field_idx, obs_multidiscrete]  # [B, NF, D_MD]
    f_md = sub.reshape(obs_multidiscrete.shape[0], NF * D_MD)
    return jnp.concatenate([f_box, f_disc, f_md], axis=-1)

if __name__ == "__main__":
    import jax
    _d = setup_inputs()
    print(jax.jit(kernel)(*tuple(_d.values())))

</pallas_src>

<mosaic_0001>
#map = affine_map<(d0, d1) -> (0)>
#map1 = affine_map<(d0, d1) -> (0, 0)>
#map2 = affine_map<(d0, d1) -> (0, 0, 0, 0)>
module attributes {stable_mosaic.version = 14 : i64} {
  func.func @_sc_md_body(%arg0: i32, %arg1: i32, %arg2: memref<131072xi32, #tpu.memory_space<hbm>>, %arg3: memref<26000x16xf32, #tpu.memory_space<hbm>>, %arg4: memref<32x32x128x16xf32, #tpu.memory_space<hbm>>, %arg5: memref<4096xi32, #tpu.memory_space<vmem>>, %arg6: memref<32x128x16xf32, #tpu.memory_space<vmem>>, %arg7: memref<!tpu.dma_semaphore, #tpu.memory_space<semaphore_mem>>, %arg8: memref<!tpu.dma_semaphore, #tpu.memory_space<semaphore_mem>>) attributes {dimension_semantics = [#tpu.dimension_semantics<core_parallel>, #tpu.dimension_semantics<subcore_parallel>], iteration_bounds = array<i64: 2, 16>, scalar_prefetch = 0 : i64, scratch_operands = 4 : i64, tpu.core_type = #tpu.core_type<sc_vector_subcore>, window_params = [{transform_indices = #map}, {transform_indices = #map1}, {transform_indices = #map2}]} {
    %mul3A = arith.constant 2 : i32
    %mul3A_0 = arith.muli %arg1, %mul3A : i32
    %add3A = arith.addi %mul3A_0, %arg0 : i32
    %mul3A_1 = arith.constant 4096 : i32
    %mul3A_2 = arith.muli %add3A, %mul3A_1 : i32
    "tpu.region"() ({
      %run_scoped3A = tpu.sem_alloc : memref<!tpu.dma_semaphore, #tpu.memory_space<semaphore_mem>>
      %dma_start3A_661 = tpu.memref_slice %arg2[%mul3A_2] : memref<131072xi32, #tpu.memory_space<hbm>> -> memref<4096xi32, #tpu.memory_space<hbm>>
      %dma_start3A_662 = tpu.memref_slice %arg2[%mul3A_2] : memref<131072xi32, #tpu.memory_space<hbm>> -> memref<4096xi32, #tpu.memory_space<hbm>>
      tpu.enqueue_dma source(%dma_start3A_662 : memref<4096xi32, #tpu.memory_space<hbm>>) target(%arg5 : memref<4096xi32, #tpu.memory_space<vmem>>) target_semaphore(%run_scoped3A : memref<!tpu.dma_semaphore, #tpu.memory_space<semaphore_mem>>)
      %dma_wait3A_663 = tpu.memref_slice %arg2[%mul3A_2] : memref<131072xi32, #tpu.memory_space<hbm>> -> memref<4096xi32, #tpu.memory_space<hbm>>
      %dma_wait3A_664 = tpu.memref_slice %arg2[%mul3A_2] : memref<131072xi32, #tpu.memory_space<hbm>> -> memref<4096xi32, #tpu.memory_space<hbm>>
      tpu.wait_dma2 semaphore(%run_scoped3A : memref<!tpu.dma_semaphore, #tpu.memory_space<semaphore_mem>>) src(%dma_wait3A_664 : memref<4096xi32, #tpu.memory_space<hbm>>) dst(%arg5 : memref<4096xi32, #tpu.memory_space<vmem>>)
      tpu.yield
    }) : () -> ()
    %dma_start3A = arith.constant 0 : i32
    %dma_start3A_3 = arith.constant 0 : i32
    %dma_start3A_4 = arith.constant 0 : i32
    %dma_start3A_5 = tpu.memref_slice %arg6[%dma_start3A, %dma_start3A_3, %dma_start3A_4] : memref<32x128x16xf32, #tpu.memory_space<vmem>> -> memref<1x128x16xf32, #tpu.memory_space<vmem>>
    %dma_start3A_6 = tpu.memref_squeeze %dma_start3A_5 : memref<1x128x16xf32, #tpu.memory_space<vmem>> -> memref<128x16xf32, #tpu.memory_space<vmem>>
    %dma_start3A_7 = arith.constant 0 : i32
    %dma_start3A_8 = tpu.memref_slice %arg5[%dma_start3A_7] : memref<4096xi32, #tpu.memory_space<vmem>> -> memref<128xi32, #tpu.memory_space<vmem>>
    %dma_start3A_9 = arith.constant 0 : i32
    %dma_start3A_10 = arith.constant 0 : i32
    %dma_start3A_11 = tpu.memref_slice %arg3[%dma_start3A_9, %dma_start3A_10] : memref<26000x16xf32, #tpu.memory_space<hbm>> -> memref<26000x16xf32, #tpu.memory_space<hbm>>
    tpu.enqueue_indirect_dma source(%dma_start3A_11 : memref<26000x16xf32, #tpu.memory_space<hbm>>) target(%dma_start3A_6 : memref<128x16xf32, #tpu.memory_space<vmem>>) offsets(%dma_start3A_8 : memref<128xi32, #tpu.memory_space<vmem>>) semaphore(%arg7 : memref<!tpu.dma_semaphore, #tpu.memory_space<semaphore_mem>>)
    %dma_start3A_12 = arith.constant 1 : i32
    %dma_start3A_13 = arith.constant 0 : i32
    %dma_start3A_14 = arith.constant 0 : i32
    %dma_start3A_15 = tpu.memref_slice %arg6[%dma_start3A_12, %dma_start3A_13, %dma_start3A_14] : memref<32x128x16xf32, #tpu.memory_space<vmem>> -> memref<1x128x16xf32, #tpu.memory_space<vmem>>
    %dma_start3A_16 = tpu.memref_squeeze %dma_start3A_15 : memref<1x128x16xf32, #tpu.memory_space<vmem>> -> memref<128x16xf32, #tpu.memory_space<vmem>>
    %dma_start3A_17 = arith.constant 128 : i32
    %dma_start3A_18 = tpu.memref_slice %arg5[%dma_start3A_17] : memref<4096xi32, #tpu.memory_space<vmem>> -> memref<128xi32, #tpu.memory_space<vmem>>
    %dma_start3A_19 = arith.constant 0 : i32
    %dma_start3A_20 = arith.constant 0 : i32
    %dma_start3A_21 = tpu.memref_slice %arg3[%dma_start3A_19, %dma_start3A_20] : memref<26000x16xf32, #tpu.memory_space<hbm>> -> memref<26000x16xf32, #tpu.memory_space<hbm>>
    tpu.enqueue_indirect_dma source(%dma_start3A_21 : memref<26000x16xf32, #tpu.memory_space<hbm>>) target(%dma_start3A_16 : memref<128x16xf32, #tpu.memory_space<vmem>>) offsets(%dma_start3A_18 : memref<128xi32, #tpu.memory_space<vmem>>) semaphore(%arg7 : memref<!tpu.dma_semaphore, #tpu.memory_space<semaphore_mem>>)
    %dma_start3A_22 = arith.constant 2 : i32
    %dma_start3A_23 = arith.constant 0 : i32
    %dma_start3A_24 = arith.constant 0 : i32
    %dma_start3A_25 = tpu.memref_slice %arg6[%dma_start3A_22, %dma_start3A_23, %dma_start3A_24] : memref<32x128x16xf32, #tpu.memory_space<vmem>> -> memref<1x128x16xf32, #tpu.memory_space<vmem>>
    %dma_start3A_26 = tpu.memref_squeeze %dma_start3A_25 : memref<1x128x16xf32, #tpu.memory_space<vmem>> -> memref<128x16xf32, #tpu.memory_space<vmem>>
    %dma_start3A_27 = arith.constant 256 : i32
    %dma_start3A_28 = tpu.memref_slice %arg5[%dma_start3A_27] : memref<4096xi32, #tpu.memory_space<vmem>> -> memref<128xi32, #tpu.memory_space<vmem>>
    %dma_start3A_29 = arith.constant 0 : i32
    %dma_start3A_30 = arith.constant 0 : i32
    %dma_start3A_31 = tpu.memref_slice %arg3[%dma_start3A_29, %dma_start3A_30] : memref<26000x16xf32, #tpu.memory_space<hbm>> -> memref<26000x16xf32, #tpu.memory_space<hbm>>
    tpu.enqueue_indirect_dma source(%dma_start3A_31 : memref<26000x16xf32, #tpu.memory_space<hbm>>) target(%dma_start3A_26 : memref<128x16xf32, #tpu.memory_space<vmem>>) offsets(%dma_start3A_28 : memref<128xi32, #tpu.memory_space<vmem>>) semaphore(%arg7 : memref<!tpu.dma_semaphore, #tpu.memory_space<semaphore_mem>>)
    %dma_start3A_32 = arith.constant 3 : i32
    %dma_start3A_33 = arith.constant 0 : i32
    %dma_start3A_34 = arith.constant 0 : i32
    %dma_start3A_35 = tpu.memref_slice %arg6[%dma_start3A_32, %dma_start3A_33, %dma_start3A_34] : memref<32x128x16xf32, #tpu.memory_space<vmem>> -> memref<1x128x16xf32, #tpu.memory_space<vmem>>
    %dma_start3A_36 = tpu.memref_squeeze %dma_start3A_35 : memref<1x128x16xf32, #tpu.memory_space<vmem>> -> memref<128x16xf32, #tpu.memory_space<vmem>>
    %dma_start3A_37 = arith.constant 384 : i32
    %dma_start3A_38 = tpu.memref_slice %arg5[%dma_start3A_37] : memref<4096xi32, #tpu.memory_space<vmem>> -> memref<128xi32, #tpu.memory_space<vmem>>
    %dma_start3A_39 = arith.constant 0 : i32
    %dma_start3A_40 = arith.constant 0 : i32
    %dma_start3A_41 = tpu.memref_slice %arg3[%dma_start3A_39, %dma_start3A_40] : memref<26000x16xf32, #tpu.memory_space<hbm>> -> memref<26000x16xf32, #tpu.memory_space<hbm>>
    tpu.enqueue_indirect_dma source(%dma_start3A_41 : memref<26000x16xf32, #tpu.memory_space<hbm>>) target(%dma_start3A_36 : memref<128x16xf32, #tpu.memory_space<vmem>>) offsets(%dma_start3A_38 : memref<128xi32, #tpu.memory_space<vmem>>) semaphore(%arg7 : memref<!tpu.dma_semaphore, #tpu.memory_space<semaphore_mem>>)
    %dma_start3A_42 = arith.constant 4 : i32
    %dma_start3A_43 = arith.constant 0 : i32
    %dma_start3A_44 = arith.constant 0 : i32
    %dma_start3A_45 = tpu.memref_slice %arg6[%dma_start3A_42, %dma_start3A_43, %dma_start3A_44] : memref<32x128x16xf32, #tpu.memory_space<vmem>> -> memref<1x128x16xf32, #tpu.memory_space<vmem>>
    %dma_start3A_46 = tpu.memref_squeeze %dma_start3A_45 : memref<1x128x16xf32, #tpu.memory_space<vmem>> -> memref<128x16xf32, #tpu.memory_space<vmem>>
    %dma_start3A_47 = arith.constant 512 : i32
    %dma_start3A_48 = tpu.memref_slice %arg5[%dma_start3A_47] : memref<4096xi32, #tpu.memory_space<vmem>> -> memref<128xi32, #tpu.memory_space<vmem>>
    %dma_start3A_49 = arith.constant 0 : i32
    %dma_start3A_50 = arith.constant 0 : i32
    %dma_start3A_51 = tpu.memref_slice %arg3[%dma_start3A_49, %dma_start3A_50] : memref<26000x16xf32, #tpu.memory_space<hbm>> -> memref<26000x16xf32, #tpu.memory_space<hbm>>
    tpu.enqueue_indirect_dma source(%dma_start3A_51 : memref<26000x16xf32, #tpu.memory_space<hbm>>) target(%dma_start3A_46 : memref<128x16xf32, #tpu.memory_space<vmem>>) offsets(%dma_start3A_48 : memref<128xi32, #tpu.memory_space<vmem>>) semaphore(%arg7 : memref<!tpu.dma_semaphore, #tpu.memory_space<semaphore_mem>>)
    %dma_start3A_52 = arith.constant 5 : i32
    %dma_start3A_53 = arith.constant 0 : i32
    %dma_start3A_54 = arith.constant 0 : i32
    %dma_start3A_55 = tpu.memref_slice %arg6[%dma_start3A_52, %dma_start3A_53, %dma_start3A_54] : memref<32x128x16xf32, #tpu.memory_space<vmem>> -> memref<1x128x16xf32, #tpu.memory_space<vmem>>
    %dma_start3A_56 = tpu.memref_squeeze %dma_start3A_55 : memref<1x128x16xf32, #tpu.memory_space<vmem>> -> memref<128x16xf32, #tpu.memory_space<vmem>>
    %dma_start3A_57 = arith.constant 640 : i32
    %dma_start3A_58 = tpu.memref_slice %arg5[%dma_start3A_57] : memref<4096xi32, #tpu.memory_space<vmem>> -> memref<128xi32, #tpu.memory_space<vmem>>
    %dma_start3A_59 = arith.constant 0 : i32
    %dma_start3A_60 = arith.constant 0 : i32
    %dma_start3A_61 = tpu.memref_slice %arg3[%dma_start3A_59, %dma_start3A_60] : memref<26000x16xf32, #tpu.memory_space<hbm>> -> memref<26000x16xf32, #tpu.memory_space<hbm>>
    tpu.enqueue_indirect_dma source(%dma_start3A_61 : memref<26000x16xf32, #tpu.memory_space<hbm>>) target(%dma_start3A_56 : memref<128x16xf32, #tpu.memory_space<vmem>>) offsets(%dma_start3A_58 : memref<128xi32, #tpu.memory_space<vmem>>) semaphore(%arg7 : memref<!tpu.dma_semaphore, #tpu.memory_space<semaphore_mem>>)
    %dma_start3A_62 = arith.constant 6 : i32
    %dma_start3A_63 = arith.constant 0 : i32
    %dma_start3A_64 = arith.constant 0 : i32
    %dma_start3A_65 = tpu.memref_slice %arg6[%dma_start3A_62, %dma_start3A_63, %dma_start3A_64] : memref<32x128x16xf32, #tpu.memory_space<vmem>> -> memref<1x128x16xf32, #tpu.memory_space<vmem>>
    %dma_start3A_66 = tpu.memref_squeeze %dma_start3A_65 : memref<1x128x16xf32, #tpu.memory_space<vmem>> -> memref<128x16xf32, #tpu.memory_space<vmem>>
    %dma_start3A_67 = arith.constant 768 : i32
    %dma_start3A_68 = tpu.memref_slice %arg5[%dma_start3A_67] : memref<4096xi32, #tpu.memory_space<vmem>> -> memref<128xi32, #tpu.memory_space<vmem>>
    %dma_start3A_69 = arith.constant 0 : i32
    %dma_start3A_70 = arith.constant 0 : i32
    %dma_start3A_71 = tpu.memref_slice %arg3[%dma_start3A_69, %dma_start3A_70] : memref<26000x16xf32, #tpu.memory_space<hbm>> -> memref<26000x16xf32, #tpu.memory_space<hbm>>
    tpu.enqueue_indirect_dma source(%dma_start3A_71 : memref<26000x16xf32, #tpu.memory_space<hbm>>) target(%dma_start3A_66 : memref<128x16xf32, #tpu.memory_space<vmem>>) offsets(%dma_start3A_68 : memref<128xi32, #tpu.memory_space<vmem>>) semaphore(%arg7 : memref<!tpu.dma_semaphore, #tpu.memory_space<semaphore_mem>>)
    %dma_start3A_72 = arith.constant 7 : i32
    %dma_start3A_73 = arith.constant 0 : i32
    %dma_start3A_74 = arith.constant 0 : i32
    %dma_start3A_75 = tpu.memref_slice %arg6[%dma_start3A_72, %dma_start3A_73, %dma_start3A_74] : memref<32x128x16xf32, #tpu.memory_space<vmem>> -> memref<1x128x16xf32, #tpu.memory_space<vmem>>
    %dma_start3A_76 = tpu.memref_squeeze %dma_start3A_75 : memref<1x128x16xf32, #tpu.memory_space<vmem>> -> memref<128x16xf32, #tpu.memory_space<vmem>>
    %dma_start3A_77 = arith.constant 896 : i32
    %dma_start3A_78 = tpu.memref_slice %arg5[%dma_start3A_77] : memref<4096xi32, #tpu.memory_space<vmem>> -> memref<128xi32, #tpu.memory_space<vmem>>
    %dma_start3A_79 = arith.constant 0 : i32
    %dma_start3A_80 = arith.constant 0 : i32
    %dma_start3A_81 = tpu.memref_slice %arg3[%dma_start3A_79, %dma_start3A_80] : memref<26000x16xf32, #tpu.memory_space<hbm>> -> memref<26000x16xf32, #tpu.memory_space<hbm>>
    tpu.enqueue_indirect_dma source(%dma_start3A_81 : memref<26000x16xf32, #tpu.memory_space<hbm>>) target(%dma_start3A_76 : memref<128x16xf32, #tpu.memory_space<vmem>>) offsets(%dma_start3A_78 : memref<128xi32, #tpu.memory_space<vmem>>) semaphore(%arg7 : memref<!tpu.dma_semaphore, #tpu.memory_space<semaphore_mem>>)
    %dma_start3A_82 = arith.constant 8 : i32
    %dma_start3A_83 = arith.constant 0 : i32
    %dma_start3A_84 = arith.constant 0 : i32
    %dma_start3A_85 = tpu.memref_slice %arg6[%dma_start3A_82, %dma_start3A_83, %dma_start3A_84] : memref<32x128x16xf32, #tpu.memory_space<vmem>> -> memref<1x128x16xf32, #tpu.memory_space<vmem>>
    %dma_start3A_86 = tpu.memref_squeeze %dma_start3A_85 : memref<1x128x16xf32, #tpu.memory_space<vmem>> -> memref<128x16xf32, #tpu.memory_space<vmem>>
    %dma_start3A_87 = arith.constant 1024 : i32
    %dma_start3A_88 = tpu.memref_slice %arg5[%dma_start3A_87] : memref<4096xi32, #tpu.memory_space<vmem>> -> memref<128xi32, #tpu.memory_space<vmem>>
    %dma_start3A_89 = arith.constant 0 : i32
    %dma_start3A_90 = arith.constant 0 : i32
    %dma_start3A_91 = tpu.memref_slice %arg3[%dma_start3A_89, %dma_start3A_90] : memref<26000x16xf32, #tpu.memory_space<hbm>> -> memref<26000x16xf32, #tpu.memory_space<hbm>>
    tpu.enqueue_indirect_dma source(%dma_start3A_91 : memref<26000x16xf32, #tpu.memory_space<hbm>>) target(%dma_start3A_86 : memref<128x16xf32, #tpu.memory_space<vmem>>) offsets(%dma_start3A_88 : memref<128xi32, #tpu.memory_space<vmem>>) semaphore(%arg7 : memref<!tpu.dma_semaphore, #tpu.memory_space<semaphore_mem>>)
    %dma_start3A_92 = arith.constant 9 : i32
    %dma_start3A_93 = arith.constant 0 : i32
    %dma_start3A_94 = arith.constant 0 : i32
    %dma_start3A_95 = tpu.memref_slice %arg6[%dma_start3A_92, %dma_start3A_93, %dma_start3A_94] : memref<32x128x16xf32, #tpu.memory_space<vmem>> -> memref<1x128x16xf32, #tpu.memory_space<vmem>>
    %dma_start3A_96 = tpu.memref_squeeze %dma_start3A_95 : memref<1x128x16xf32, #tpu.memory_space<vmem>> -> memref<128x16xf32, #tpu.memory_space<vmem>>
    %dma_start3A_97 = arith.constant 1152 : i32
    %dma_start3A_98 = tpu.memref_slice %arg5[%dma_start3A_97] : memref<4096xi32, #tpu.memory_space<vmem>> -> memref<128xi32, #tpu.memory_space<vmem>>
    %dma_start3A_99 = arith.constant 0 : i32
    %dma_start3A_100 = arith.constant 0 : i32
    %dma_start3A_101 = tpu.memref_slice %arg3[%dma_start3A_99, %dma_start3A_100] : memref<26000x16xf32, #tpu.memory_space<hbm>> -> memref<26000x16xf32, #tpu.memory_space<hbm>>
    tpu.enqueue_indirect_dma source(%dma_start3A_101 : memref<26000x16xf32, #tpu.memory_space<hbm>>) target(%dma_start3A_96 : memref<128x16xf32, #tpu.memory_space<vmem>>) offsets(%dma_start3A_98 : memref<128xi32, #tpu.memory_space<vmem>>) semaphore(%arg7 : memref<!tpu.dma_semaphore, #tpu.memory_space<semaphore_mem>>)
    %dma_start3A_102 = arith.constant 10 : i32
    %dma_start3A_103 = arith.constant 0 : i32
    %dma_start3A_104 = arith.constant 0 : i32
    %dma_start3A_105 = tpu.memref_slice %arg6[%dma_start3A_102, %dma_start3A_103, %dma_start3A_104] : memref<32x128x16xf32, #tpu.memory_space<vmem>> -> memref<1x128x16xf32, #tpu.memory_space<vmem>>
    %dma_start3A_106 = tpu.memref_squeeze %dma_start3A_105 : memref<1x128x16xf32, #tpu.memory_space<vmem>> -> memref<128x16xf32, #tpu.memory_space<vmem>>
    %dma_start3A_107 = arith.constant 1280 : i32
    %dma_start3A_108 = tpu.memref_slice %arg5[%dma_start3A_107] : memref<4096xi32, #tpu.memory_space<vmem>> -> memref<128xi32, #tpu.memory_space<vmem>>
    %dma_start3A_109 = arith.constant 0 : i32
    %dma_start3A_110 = arith.constant 0 : i32
    %dma_start3A_111 = tpu.memref_slice %arg3[%dma_start3A_109, %dma_start3A_110] : memref<26000x16xf32, #tpu.memory_space<hbm>> -> memref<26000x16xf32, #tpu.memory_space<hbm>>
    tpu.enqueue_indirect_dma source(%dma_start3A_111 : memref<26000x16xf32, #tpu.memory_space<hbm>>) target(%dma_start3A_106 : memref<128x16xf32, #tpu.memory_space<vmem>>) offsets(%dma_start3A_108 : memref<128xi32, #tpu.memory_space<vmem>>) semaphore(%arg7 : memref<!tpu.dma_semaphore, #tpu.memory_space<semaphore_mem>>)
    %dma_start3A_112 = arith.constant 11 : i32
    %dma_start3A_113 = arith.constant 0 : i32
    %dma_start3A_114 = arith.constant 0 : i32
    %dma_start3A_115 = tpu.memref_slice %arg6[%dma_start3A_112, %dma_start3A_113, %dma_start3A_114] : memref<32x128x16xf32, #tpu.memory_space<vmem>> -> memref<1x128x16xf32, #tpu.memory_space<vmem>>
    %dma_start3A_116 = tpu.memref_squeeze %dma_start3A_115 : memref<1x128x16xf32, #tpu.memory_space<vmem>> -> memref<128x16xf32, #tpu.memory_space<vmem>>
    %dma_start3A_117 = arith.constant 1408 : i32
    %dma_start3A_118 = tpu.memref_slice %arg5[%dma_start3A_117] : memref<4096xi32, #tpu.memory_space<vmem>> -> memref<128xi32, #tpu.memory_space<vmem>>
    %dma_start3A_119 = arith.constant 0 : i32
    %dma_start3A_120 = arith.constant 0 : i32
    %dma_start3A_121 = tpu.memref_slice %arg3[%dma_start3A_119, %dma_start3A_120] : memref<26000x16xf32, #tpu.memory_space<hbm>> -> memref<26000x16xf32, #tpu.memory_space<hbm>>
    tpu.enqueue_indirect_dma source(%dma_start3A_121 : memref<26000x16xf32, #tpu.memory_space<hbm>>) target(%dma_start3A_116 : memref<128x16xf32, #tpu.memory_space<vmem>>) offsets(%dma_start3A_118 : memref<128xi32, #tpu.memory_space<vmem>>) semaphore(%arg7 : memref<!tpu.dma_semaphore, #tpu.memory_space<semaphore_mem>>)
    %dma_start3A_122 = arith.constant 12 : i32
    %dma_start3A_123 = arith.constant 0 : i32
    %dma_start3A_124 = arith.constant 0 : i32
    %dma_start3A_125 = tpu.memref_slice %arg6[%dma_start3A_122, %dma_start3A_123, %dma_start3A_124] : memref<32x128x16xf32, #tpu.memory_space<vmem>> -> memref<1x128x16xf32, #tpu.memory_space<vmem>>
    %dma_start3A_126 = tpu.memref_squeeze %dma_start3A_125 : memref<1x128x16xf32, #tpu.memory_space<vmem>> -> memref<128x16xf32, #tpu.memory_space<vmem>>
    %dma_start3A_127 = arith.constant 1536 : i32
    %dma_start3A_128 = tpu.memref_slice %arg5[%dma_start3A_127] : memref<4096xi32, #tpu.memory_space<vmem>> -> memref<128xi32, #tpu.memory_space<vmem>>
    %dma_start3A_129 = arith.constant 0 : i32
    %dma_start3A_130 = arith.constant 0 : i32
    %dma_start3A_131 = tpu.memref_slice %arg3[%dma_start3A_129, %dma_start3A_130] : memref<26000x16xf32, #tpu.memory_space<hbm>> -> memref<26000x16xf32, #tpu.memory_space<hbm>>
    tpu.enqueue_indirect_dma source(%dma_start3A_131 : memref<26000x16xf32, #tpu.memory_space<hbm>>) target(%dma_start3A_126 : memref<128x16xf32, #tpu.memory_space<vmem>>) offsets(%dma_start3A_128 : memref<128xi32, #tpu.memory_space<vmem>>) semaphore(%arg7 : memref<!tpu.dma_semaphore, #tpu.memory_space<semaphore_mem>>)
    %dma_start3A_132 = arith.constant 13 : i32
    %dma_start3A_133 = arith.constant 0 : i32
    %dma_start3A_134 = arith.constant 0 : i32
    %dma_start3A_135 = tpu.memref_slice %arg6[%dma_start3A_132, %dma_start3A_133, %dma_start3A_134] : memref<32x128x16xf32, #tpu.memory_space<vmem>> -> memref<1x128x16xf32, #tpu.memory_space<vmem>>
    %dma_start3A_136 = tpu.memref_squeeze %dma_start3A_135 : memref<1x128x16xf32, #tpu.memory_space<vmem>> -> memref<128x16xf32, #tpu.memory_space<vmem>>
    %dma_start3A_137 = arith.constant 1664 : i32
    %dma_start3A_138 = tpu.memref_slice %arg5[%dma_start3A_137] : memref<4096xi32, #tpu.memory_space<vmem>> -> memref<128xi32, #tpu.memory_space<vmem>>
    %dma_start3A_139 = arith.constant 0 : i32
    %dma_start3A_140 = arith.constant 0 : i32
    %dma_start3A_141 = tpu.memref_slice %arg3[%dma_start3A_139, %dma_start3A_140] : memref<26000x16xf32, #tpu.memory_space<hbm>> -> memref<26000x16xf32, #tpu.memory_space<hbm>>
    tpu.enqueue_indirect_dma source(%dma_start3A_141 : memref<26000x16xf32, #tpu.memory_space<hbm>>) target(%dma_start3A_136 : memref<128x16xf32, #tpu.memory_space<vmem>>) offsets(%dma_start3A_138 : memref<128xi32, #tpu.memory_space<vmem>>) semaphore(%arg7 : memref<!tpu.dma_semaphore, #tpu.memory_space<semaphore_mem>>)
    %dma_start3A_142 = arith.constant 14 : i32
    %dma_start3A_143 = arith.constant 0 : i32
    %dma_start3A_144 = arith.constant 0 : i32
    %dma_start3A_145 = tpu.memref_slice %arg6[%dma_start3A_142, %dma_start3A_143, %dma_start3A_144] : memref<32x128x16xf32, #tpu.memory_space<vmem>> -> memref<1x128x16xf32, #tpu.memory_space<vmem>>
    %dma_start3A_146 = tpu.memref_squeeze %dma_start3A_145 : memref<1x128x16xf32, #tpu.memory_space<vmem>> -> memref<128x16xf32, #tpu.memory_space<vmem>>
    %dma_start3A_147 = arith.constant 1792 : i32
    %dma_start3A_148 = tpu.memref_slice %arg5[%dma_start3A_147] : memref<4096xi32, #tpu.memory_space<vmem>> -> memref<128xi32, #tpu.memory_space<vmem>>
    %dma_start3A_149 = arith.constant 0 : i32
    %dma_start3A_150 = arith.constant 0 : i32
    %dma_start3A_151 = tpu.memref_slice %arg3[%dma_start3A_149, %dma_start3A_150] : memref<26000x16xf32, #tpu.memory_space<hbm>> -> memref<26000x16xf32, #tpu.memory_space<hbm>>
    tpu.enqueue_indirect_dma source(%dma_start3A_151 : memref<26000x16xf32, #tpu.memory_space<hbm>>) target(%dma_start3A_146 : memref<128x16xf32, #tpu.memory_space<vmem>>) offsets(%dma_start3A_148 : memref<128xi32, #tpu.memory_space<vmem>>) semaphore(%arg7 : memref<!tpu.dma_semaphore, #tpu.memory_space<semaphore_mem>>)
    %dma_start3A_152 = arith.constant 15 : i32
    %dma_start3A_153 = arith.constant 0 : i32
    %dma_start3A_154 = arith.constant 0 : i32
    %dma_start3A_155 = tpu.memref_slice %arg6[%dma_start3A_152, %dma_start3A_153, %dma_start3A_154] : memref<32x128x16xf32, #tpu.memory_space<vmem>> -> memref<1x128x16xf32, #tpu.memory_space<vmem>>
    %dma_start3A_156 = tpu.memref_squeeze %dma_start3A_155 : memref<1x128x16xf32, #tpu.memory_space<vmem>> -> memref<128x16xf32, #tpu.memory_space<vmem>>
    %dma_start3A_157 = arith.constant 1920 : i32
    %dma_start3A_158 = tpu.memref_slice %arg5[%dma_start3A_157] : memref<4096xi32, #tpu.memory_space<vmem>> -> memref<128xi32, #tpu.memory_space<vmem>>
    %dma_start3A_159 = arith.constant 0 : i32
    %dma_start3A_160 = arith.constant 0 : i32
    %dma_start3A_161 = tpu.memref_slice %arg3[%dma_start3A_159, %dma_start3A_160] : memref<26000x16xf32, #tpu.memory_space<hbm>> -> memref<26000x16xf32, #tpu.memory_space<hbm>>
    tpu.enqueue_indirect_dma source(%dma_start3A_161 : memref<26000x16xf32, #tpu.memory_space<hbm>>) target(%dma_start3A_156 : memref<128x16xf32, #tpu.memory_space<vmem>>) offsets(%dma_start3A_158 : memref<128xi32, #tpu.memory_space<vmem>>) semaphore(%arg7 : memref<!tpu.dma_semaphore, #tpu.memory_space<semaphore_mem>>)
    %dma_start3A_162 = arith.constant 16 : i32
    %dma_start3A_163 = arith.constant 0 : i32
    %dma_start3A_164 = arith.constant 0 : i32
    %dma_start3A_165 = tpu.memref_slice %arg6[%dma_start3A_162, %dma_start3A_163, %dma_start3A_164] : memref<32x128x16xf32, #tpu.memory_space<vmem>> -> memref<1x128x16xf32, #tpu.memory_space<vmem>>
    %dma_start3A_166 = tpu.memref_squeeze %dma_start3A_165 : memref<1x128x16xf32, #tpu.memory_space<vmem>> -> memref<128x16xf32, #tpu.memory_space<vmem>>
    %dma_start3A_167 = arith.constant 2048 : i32
    %dma_start3A_168 = tpu.memref_slice %arg5[%dma_start3A_167] : memref<4096xi32, #tpu.memory_space<vmem>> -> memref<128xi32, #tpu.memory_space<vmem>>
    %dma_start3A_169 = arith.constant 0 : i32
    %dma_start3A_170 = arith.constant 0 : i32
    %dma_start3A_171 = tpu.memref_slice %arg3[%dma_start3A_169, %dma_start3A_170] : memref<26000x16xf32, #tpu.memory_space<hbm>> -> memref<26000x16xf32, #tpu.memory_space<hbm>>
    tpu.enqueue_indirect_dma source(%dma_start3A_171 : memref<26000x16xf32, #tpu.memory_space<hbm>>) target(%dma_start3A_166 : memref<128x16xf32, #tpu.memory_space<vmem>>) offsets(%dma_start3A_168 : memref<128xi32, #tpu.memory_space<vmem>>) semaphore(%arg7 : memref<!tpu.dma_semaphore, #tpu.memory_space<semaphore_mem>>)
    %dma_start3A_172 = arith.constant 17 : i32
    %dma_start3A_173 = arith.constant 0 : i32
    %dma_start3A_174 = arith.constant 0 : i32
    %dma_start3A_175 = tpu.memref_slice %arg6[%dma_start3A_172, %dma_start3A_173, %dma_start3A_174] : memref<32x128x16xf32, #tpu.memory_space<vmem>> -> memref<1x128x16xf32, #tpu.memory_space<vmem>>
    %dma_start3A_176 = tpu.memref_squeeze %dma_start3A_175 : memref<1x128x16xf32, #tpu.memory_space<vmem>> -> memref<128x16xf32, #tpu.memory_space<vmem>>
    %dma_start3A_177 = arith.constant 2176 : i32
    %dma_start3A_178 = tpu.memref_slice %arg5[%dma_start3A_177] : memref<4096xi32, #tpu.memory_space<vmem>> -> memref<128xi32, #tpu.memory_space<vmem>>
    %dma_start3A_179 = arith.constant 0 : i32
    %dma_start3A_180 = arith.constant 0 : i32
    %dma_start3A_181 = tpu.memref_slice %arg3[%dma_start3A_179, %dma_start3A_180] : memref<26000x16xf32, #tpu.memory_space<hbm>> -> memref<26000x16xf32, #tpu.memory_space<hbm>>
    tpu.enqueue_indirect_dma source(%dma_start3A_181 : memref<26000x16xf32, #tpu.memory_space<hbm>>) target(%dma_start3A_176 : memref<128x16xf32, #tpu.memory_space<vmem>>) offsets(%dma_start3A_178 : memref<128xi32, #tpu.memory_space<vmem>>) semaphore(%arg7 : memref<!tpu.dma_semaphore, #tpu.memory_space<semaphore_mem>>)
    %dma_start3A_182 = arith.constant 18 : i32
    %dma_start3A_183 = arith.constant 0 : i32
    %dma_start3A_184 = arith.constant 0 : i32
    %dma_start3A_185 = tpu.memref_slice %arg6[%dma_start3A_182, %dma_start3A_183, %dma_start3A_184] : memref<32x128x16xf32, #tpu.memory_space<vmem>> -> memref<1x128x16xf32, #tpu.memory_space<vmem>>
    %dma_start3A_186 = tpu.memref_squeeze %dma_start3A_185 : memref<1x128x16xf32, #tpu.memory_space<vmem>> -> memref<128x16xf32, #tpu.memory_space<vmem>>
    %dma_start3A_187 = arith.constant 2304 : i32
    %dma_start3A_188 = tpu.memref_slice %arg5[%dma_start3A_187] : memref<4096xi32, #tpu.memory_space<vmem>> -> memref<128xi32, #tpu.memory_space<vmem>>
    %dma_start3A_189 = arith.constant 0 : i32
    %dma_start3A_190 = arith.constant 0 : i32
    %dma_start3A_191 = tpu.memref_slice %arg3[%dma_start3A_189, %dma_start3A_190] : memref<26000x16xf32, #tpu.memory_space<hbm>> -> memref<26000x16xf32, #tpu.memory_space<hbm>>
    tpu.enqueue_indirect_dma source(%dma_start3A_191 : memref<26000x16xf32, #tpu.memory_space<hbm>>) target(%dma_start3A_186 : memref<128x16xf32, #tpu.memory_space<vmem>>) offsets(%dma_start3A_188 : memref<128xi32, #tpu.memory_space<vmem>>) semaphore(%arg7 : memref<!tpu.dma_semaphore, #tpu.memory_space<semaphore_mem>>)
    %dma_start3A_192 = arith.constant 19 : i32
    %dma_start3A_193 = arith.constant 0 : i32
    %dma_start3A_194 = arith.constant 0 : i32
    %dma_start3A_195 = tpu.memref_slice %arg6[%dma_start3A_192, %dma_start3A_193, %dma_start3A_194] : memref<32x128x16xf32, #tpu.memory_space<vmem>> -> memref<1x128x16xf32, #tpu.memory_space<vmem>>
    %dma_start3A_196 = tpu.memref_squeeze %dma_start3A_195 : memref<1x128x16xf32, #tpu.memory_space<vmem>> -> memref<128x16xf32, #tpu.memory_space<vmem>>
    %dma_start3A_197 = arith.constant 2432 : i32
    %dma_start3A_198 = tpu.memref_slice %arg5[%dma_start3A_197] : memref<4096xi32, #tpu.memory_space<vmem>> -> memref<128xi32, #tpu.memory_space<vmem>>
    %dma_start3A_199 = arith.constant 0 : i32
    %dma_start3A_200 = arith.constant 0 : i32
    %dma_start3A_201 = tpu.memref_slice %arg3[%dma_start3A_199, %dma_start3A_200] : memref<26000x16xf32, #tpu.memory_space<hbm>> -> memref<26000x16xf32, #tpu.memory_space<hbm>>
    tpu.enqueue_indirect_dma source(%dma_start3A_201 : memref<26000x16xf32, #tpu.memory_space<hbm>>) target(%dma_start3A_196 : memref<128x16xf32, #tpu.memory_space<vmem>>) offsets(%dma_start3A_198 : memref<128xi32, #tpu.memory_space<vmem>>) semaphore(%arg7 : memref<!tpu.dma_semaphore, #tpu.memory_space<semaphore_mem>>)
    %dma_start3A_202 = arith.constant 20 : i32
    %dma_start3A_203 = arith.constant 0 : i32
    %dma_start3A_204 = arith.constant 0 : i32
    %dma_start3A_205 = tpu.memref_slice %arg6[%dma_start3A_202, %dma_start3A_203, %dma_start3A_204] : memref<32x128x16xf32, #tpu.memory_space<vmem>> -> memref<1x128x16xf32, #tpu.memory_space<vmem>>
    %dma_start3A_206 = tpu.memref_squeeze %dma_start3A_205 : memref<1x128x16xf32, #tpu.memory_space<vmem>> -> memref<128x16xf32, #tpu.memory_space<vmem>>
    %dma_start3A_207 = arith.constant 2560 : i32
    %dma_start3A_208 = tpu.memref_slice %arg5[%dma_start3A_207] : memref<4096xi32, #tpu.memory_space<vmem>> -> memref<128xi32, #tpu.memory_space<vmem>>
    %dma_start3A_209 = arith.constant 0 : i32
    %dma_start3A_210 = arith.constant 0 : i32
    %dma_start3A_211 = tpu.memref_slice %arg3[%dma_start3A_209, %dma_start3A_210] : memref<26000x16xf32, #tpu.memory_space<hbm>> -> memref<26000x16xf32, #tpu.memory_space<hbm>>
    tpu.enqueue_indirect_dma source(%dma_start3A_211 : memref<26000x16xf32, #tpu.memory_space<hbm>>) target(%dma_start3A_206 : memref<128x16xf32, #tpu.memory_space<vmem>>) offsets(%dma_start3A_208 : memref<128xi32, #tpu.memory_space<vmem>>) semaphore(%arg7 : memref<!tpu.dma_semaphore, #tpu.memory_space<semaphore_mem>>)
    %dma_start3A_212 = arith.constant 21 : i32
    %dma_start3A_213 = arith.constant 0 : i32
    %dma_start3A_214 = arith.constant 0 : i32
    %dma_start3A_215 = tpu.memref_slice %arg6[%dma_start3A_212, %dma_start3A_213, %dma_start3A_214] : memref<32x128x16xf32, #tpu.memory_space<vmem>> -> memref<1x128x16xf32, #tpu.memory_space<vmem>>
    %dma_start3A_216 = tpu.memref_squeeze %dma_start3A_215 : memref<1x128x16xf32, #tpu.memory_space<vmem>> -> memref<128x16xf32, #tpu.memory_space<vmem>>
    %dma_start3A_217 = arith.constant 2688 : i32
    %dma_start3A_218 = tpu.memref_slice %arg5[%dma_start3A_217] : memref<4096xi32, #tpu.memory_space<vmem>> -> memref<128xi32, #tpu.memory_space<vmem>>
    %dma_start3A_219 = arith.constant 0 : i32
    %dma_start3A_220 = arith.constant 0 : i32
    %dma_start3A_221 = tpu.memref_slice %arg3[%dma_start3A_219, %dma_start3A_220] : memref<26000x16xf32, #tpu.memory_space<hbm>> -> memref<26000x16xf32, #tpu.memory_space<hbm>>
    tpu.enqueue_indirect_dma source(%dma_start3A_221 : memref<26000x16xf32, #tpu.memory_space<hbm>>) target(%dma_start3A_216 : memref<128x16xf32, #tpu.memory_space<vmem>>) offsets(%dma_start3A_218 : memref<128xi32, #tpu.memory_space<vmem>>) semaphore(%arg7 : memref<!tpu.dma_semaphore, #tpu.memory_space<semaphore_mem>>)
    %dma_start3A_222 = arith.constant 22 : i32
    %dma_start3A_223 = arith.constant 0 : i32
    %dma_start3A_224 = arith.constant 0 : i32
    %dma_start3A_225 = tpu.memref_slice %arg6[%dma_start3A_222, %dma_start3A_223, %dma_start3A_224] : memref<32x128x16xf32, #tpu.memory_space<vmem>> -> memref<1x128x16xf32, #tpu.memory_space<vmem>>
    %dma_start3A_226 = tpu.memref_squeeze %dma_start3A_225 : memref<1x128x16xf32, #tpu.memory_space<vmem>> -> memref<128x16xf32, #tpu.memory_space<vmem>>
    %dma_start3A_227 = arith.constant 2816 : i32
    %dma_start3A_228 = tpu.memref_slice %arg5[%dma_start3A_227] : memref<4096xi32, #tpu.memory_space<vmem>> -> memref<128xi32, #tpu.memory_space<vmem>>
    %dma_start3A_229 = arith.constant 0 : i32
    %dma_start3A_230 = arith.constant 0 : i32
    %dma_start3A_231 = tpu.memref_slice %arg3[%dma_start3A_229, %dma_start3A_230] : memref<26000x16xf32, #tpu.memory_space<hbm>> -> memref<26000x16xf32, #tpu.memory_space<hbm>>
    tpu.enqueue_indirect_dma source(%dma_start3A_231 : memref<26000x16xf32, #tpu.memory_space<hbm>>) target(%dma_start3A_226 : memref<128x16xf32, #tpu.memory_space<vmem>>) offsets(%dma_start3A_228 : memref<128xi32, #tpu.memory_space<vmem>>) semaphore(%arg7 : memref<!tpu.dma_semaphore, #tpu.memory_space<semaphore_mem>>)
    %dma_start3A_232 = arith.constant 23 : i32
    %dma_start3A_233 = arith.constant 0 : i32
    %dma_start3A_234 = arith.constant 0 : i32
    %dma_start3A_235 = tpu.memref_slice %arg6[%dma_start3A_232, %dma_start3A_233, %dma_start3A_234] : memref<32x128x16xf32, #tpu.memory_space<vmem>> -> memref<1x128x16xf32, #tpu.memory_space<vmem>>
    %dma_start3A_236 = tpu.memref_squeeze %dma_start3A_235 : memref<1x128x16xf32, #tpu.memory_space<vmem>> -> memref<128x16xf32, #tpu.memory_space<vmem>>
    %dma_start3A_237 = arith.constant 2944 : i32
    %dma_start3A_238 = tpu.memref_slice %arg5[%dma_start3A_237] : memref<4096xi32, #tpu.memory_space<vmem>> -> memref<128xi32, #tpu.memory_space<vmem>>
    %dma_start3A_239 = arith.constant 0 : i32
    %dma_start3A_240 = arith.constant 0 : i32
    %dma_start3A_241 = tpu.memref_slice %arg3[%dma_start3A_239, %dma_start3A_240] : memref<26000x16xf32, #tpu.memory_space<hbm>> -> memref<26000x16xf32, #tpu.memory_space<hbm>>
    tpu.enqueue_indirect_dma source(%dma_start3A_241 : memref<26000x16xf32, #tpu.memory_space<hbm>>) target(%dma_start3A_236 : memref<128x16xf32, #tpu.memory_space<vmem>>) offsets(%dma_start3A_238 : memref<128xi32, #tpu.memory_space<vmem>>) semaphore(%arg7 : memref<!tpu.dma_semaphore, #tpu.memory_space<semaphore_mem>>)
    %dma_start3A_242 = arith.constant 24 : i32
    %dma_start3A_243 = arith.constant 0 : i32
    %dma_start3A_244 = arith.constant 0 : i32
    %dma_start3A_245 = tpu.memref_slice %arg6[%dma_start3A_242, %dma_start3A_243, %dma_start3A_244] : memref<32x128x16xf32, #tpu.memory_space<vmem>> -> memref<1x128x16xf32, #tpu.memory_space<vmem>>
    %dma_start3A_246 = tpu.memref_squeeze %dma_start3A_245 : memref<1x128x16xf32, #tpu.memory_space<vmem>> -> memref<128x16xf32, #tpu.memory_space<vmem>>
    %dma_start3A_247 = arith.constant 3072 : i32
    %dma_start3A_248 = tpu.memref_slice %arg5[%dma_start3A_247] : memref<4096xi32, #tpu.memory_space<vmem>> -> memref<128xi32, #tpu.memory_space<vmem>>
    %dma_start3A_249 = arith.constant 0 : i32
    %dma_start3A_250 = arith.constant 0 : i32
    %dma_start3A_251 = tpu.memref_slice %arg3[%dma_start3A_249, %dma_start3A_250] : memref<26000x16xf32, #tpu.memory_space<hbm>> -> memref<26000x16xf32, #tpu.memory_space<hbm>>
    tpu.enqueue_indirect_dma source(%dma_start3A_251 : memref<26000x16xf32, #tpu.memory_space<hbm>>) target(%dma_start3A_246 : memref<128x16xf32, #tpu.memory_space<vmem>>) offsets(%dma_start3A_248 : memref<128xi32, #tpu.memory_space<vmem>>) semaphore(%arg7 : memref<!tpu.dma_semaphore, #tpu.memory_space<semaphore_mem>>)
    %dma_start3A_252 = arith.constant 25 : i32
    %dma_start3A_253 = arith.constant 0 : i32
    %dma_start3A_254 = arith.constant 0 : i32
    %dma_start3A_255 = tpu.memref_slice %arg6[%dma_start3A_252, %dma_start3A_253, %dma_start3A_254] : memref<32x128x16xf32, #tpu.memory_space<vmem>> -> memref<1x128x16xf32, #tpu.memory_space<vmem>>
    %dma_start3A_256 = tpu.memref_squeeze %dma_start3A_255 : memref<1x128x16xf32, #tpu.memory_space<vmem>> -> memref<128x16xf32, #tpu.memory_space<vmem>>
    %dma_start3A_257 = arith.constant 3200 : i32
    %dma_start3A_258 = tpu.memref_slice %arg5[%dma_start3A_257] : memref<4096xi32, #tpu.memory_space<vmem>> -> memref<128xi32, #tpu.memory_space<vmem>>
    %dma_start3A_259 = arith.constant 0 : i32
    %dma_start3A_260 = arith.constant 0 : i32
    %dma_start3A_261 = tpu.memref_slice %arg3[%dma_start3A_259, %dma_start3A_260] : memref<26000x16xf32, #tpu.memory_space<hbm>> -> memref<26000x16xf32, #tpu.memory_space<hbm>>
    tpu.enqueue_indirect_dma source(%dma_start3A_261 : memref<26000x16xf32, #tpu.memory_space<hbm>>) target(%dma_start3A_256 : memref<128x16xf32, #tpu.memory_space<vmem>>) offsets(%dma_start3A_258 : memref<128xi32, #tpu.memory_space<vmem>>) semaphore(%arg7 : memref<!tpu.dma_semaphore, #tpu.memory_space<semaphore_mem>>)
    %dma_start3A_262 = arith.constant 26 : i32
    %dma_start3A_263 = arith.constant 0 : i32
    %dma_start3A_264 = arith.constant 0 : i32
    %dma_start3A_265 = tpu.memref_slice %arg6[%dma_start3A_262, %dma_start3A_263, %dma_start3A_264] : memref<32x128x16xf32, #tpu.memory_space<vmem>> -> memref<1x128x16xf32, #tpu.memory_space<vmem>>
    %dma_start3A_266 = tpu.memref_squeeze %dma_start3A_265 : memref<1x128x16xf32, #tpu.memory_space<vmem>> -> memref<128x16xf32, #tpu.memory_space<vmem>>
    %dma_start3A_267 = arith.constant 3328 : i32
    %dma_start3A_268 = tpu.memref_slice %arg5[%dma_start3A_267] : memref<4096xi32, #tpu.memory_space<vmem>> -> memref<128xi32, #tpu.memory_space<vmem>>
    %dma_start3A_269 = arith.constant 0 : i32
    %dma_start3A_270 = arith.constant 0 : i32
    %dma_start3A_271 = tpu.memref_slice %arg3[%dma_start3A_269, %dma_start3A_270] : memref<26000x16xf32, #tpu.memory_space<hbm>> -> memref<26000x16xf32, #tpu.memory_space<hbm>>
    tpu.enqueue_indirect_dma source(%dma_start3A_271 : memref<26000x16xf32, #tpu.memory_space<hbm>>) target(%dma_start3A_266 : memref<128x16xf32, #tpu.memory_space<vmem>>) offsets(%dma_start3A_268 : memref<128xi32, #tpu.memory_space<vmem>>) semaphore(%arg7 : memref<!tpu.dma_semaphore, #tpu.memory_space<semaphore_mem>>)
    %dma_start3A_272 = arith.constant 27 : i32
    %dma_start3A_273 = arith.constant 0 : i32
    %dma_start3A_274 = arith.constant 0 : i32
    %dma_start3A_275 = tpu.memref_slice %arg6[%dma_start3A_272, %dma_start3A_273, %dma_start3A_274] : memref<32x128x16xf32, #tpu.memory_space<vmem>> -> memref<1x128x16xf32, #tpu.memory_space<vmem>>
    %dma_start3A_276 = tpu.memref_squeeze %dma_start3A_275 : memref<1x128x16xf32, #tpu.memory_space<vmem>> -> memref<128x16xf32, #tpu.memory_space<vmem>>
    %dma_start3A_277 = arith.constant 3456 : i32
    %dma_start3A_278 = tpu.memref_slice %arg5[%dma_start3A_277] : memref<4096xi32, #tpu.memory_space<vmem>> -> memref<128xi32, #tpu.memory_space<vmem>>
    %dma_start3A_279 = arith.constant 0 : i32
    %dma_start3A_280 = arith.constant 0 : i32
    %dma_start3A_281 = tpu.memref_slice %arg3[%dma_start3A_279, %dma_start3A_280] : memref<26000x16xf32, #tpu.memory_space<hbm>> -> memref<26000x16xf32, #tpu.memory_space<hbm>>
    tpu.enqueue_indirect_dma source(%dma_start3A_281 : memref<26000x16xf32, #tpu.memory_space<hbm>>) target(%dma_start3A_276 : memref<128x16xf32, #tpu.memory_space<vmem>>) offsets(%dma_start3A_278 : memref<128xi32, #tpu.memory_space<vmem>>) semaphore(%arg7 : memref<!tpu.dma_semaphore, #tpu.memory_space<semaphore_mem>>)
    %dma_start3A_282 = arith.constant 28 : i32
    %dma_start3A_283 = arith.constant 0 : i32
    %dma_start3A_284 = arith.constant 0 : i32
    %dma_start3A_285 = tpu.memref_slice %arg6[%dma_start3A_282, %dma_start3A_283, %dma_start3A_284] : memref<32x128x16xf32, #tpu.memory_space<vmem>> -> memref<1x128x16xf32, #tpu.memory_space<vmem>>
    %dma_start3A_286 = tpu.memref_squeeze %dma_start3A_285 : memref<1x128x16xf32, #tpu.memory_space<vmem>> -> memref<128x16xf32, #tpu.memory_space<vmem>>
    %dma_start3A_287 = arith.constant 3584 : i32
    %dma_start3A_288 = tpu.memref_slice %arg5[%dma_start3A_287] : memref<4096xi32, #tpu.memory_space<vmem>> -> memref<128xi32, #tpu.memory_space<vmem>>
    %dma_start3A_289 = arith.constant 0 : i32
    %dma_start3A_290 = arith.constant 0 : i32
    %dma_start3A_291 = tpu.memref_slice %arg3[%dma_start3A_289, %dma_start3A_290] : memref<26000x16xf32, #tpu.memory_space<hbm>> -> memref<26000x16xf32, #tpu.memory_space<hbm>>
    tpu.enqueue_indirect_dma source(%dma_start3A_291 : memref<26000x16xf32, #tpu.memory_space<hbm>>) target(%dma_start3A_286 : memref<128x16xf32, #tpu.memory_space<vmem>>) offsets(%dma_start3A_288 : memref<128xi32, #tpu.memory_space<vmem>>) semaphore(%arg7 : memref<!tpu.dma_semaphore, #tpu.memory_space<semaphore_mem>>)
    %dma_start3A_292 = arith.constant 29 : i32
    %dma_start3A_293 = arith.constant 0 : i32
    %dma_start3A_294 = arith.constant 0 : i32
    %dma_start3A_295 = tpu.memref_slice %arg6[%dma_start3A_292, %dma_start3A_293, %dma_start3A_294] : memref<32x128x16xf32, #tpu.memory_space<vmem>> -> memref<1x128x16xf32, #tpu.memory_space<vmem>>
    %dma_start3A_296 = tpu.memref_squeeze %dma_start3A_295 : memref<1x128x16xf32, #tpu.memory_space<vmem>> -> memref<128x16xf32, #tpu.memory_space<vmem>>
    %dma_start3A_297 = arith.constant 3712 : i32
    %dma_start3A_298 = tpu.memref_slice %arg5[%dma_start3A_297] : memref<4096xi32, #tpu.memory_space<vmem>> -> memref<128xi32, #tpu.memory_space<vmem>>
    %dma_start3A_299 = arith.constant 0 : i32
    %dma_start3A_300 = arith.constant 0 : i32
    %dma_start3A_301 = tpu.memref_slice %arg3[%dma_start3A_299, %dma_start3A_300] : memref<26000x16xf32, #tpu.memory_space<hbm>> -> memref<26000x16xf32, #tpu.memory_space<hbm>>
    tpu.enqueue_indirect_dma source(%dma_start3A_301 : memref<26000x16xf32, #tpu.memory_space<hbm>>) target(%dma_start3A_296 : memref<128x16xf32, #tpu.memory_space<vmem>>) offsets(%dma_start3A_298 : memref<128xi32, #tpu.memory_space<vmem>>) semaphore(%arg7 : memref<!tpu.dma_semaphore, #tpu.memory_space<semaphore_mem>>)
    %dma_start3A_302 = arith.constant 30 : i32
    %dma_start3A_303 = arith.constant 0 : i32
    %dma_start3A_304 = arith.constant 0 : i32
    %dma_start3A_305 = tpu.memref_slice %arg6[%dma_start3A_302, %dma_start3A_303, %dma_start3A_304] : memref<32x128x16xf32, #tpu.memory_space<vmem>> -> memref<1x128x16xf32, #tpu.memory_space<vmem>>
    %dma_start3A_306 = tpu.memref_squeeze %dma_start3A_305 : memref<1x128x16xf32, #tpu.memory_space<vmem>> -> memref<128x16xf32, #tpu.memory_space<vmem>>
    %dma_start3A_307 = arith.constant 3840 : i32
    %dma_start3A_308 = tpu.memref_slice %arg5[%dma_start3A_307] : memref<4096xi32, #tpu.memory_space<vmem>> -> memref<128xi32, #tpu.memory_space<vmem>>
    %dma_start3A_309 = arith.constant 0 : i32
    %dma_start3A_310 = arith.constant 0 : i32
    %dma_start3A_311 = tpu.memref_slice %arg3[%dma_start3A_309, %dma_start3A_310] : memref<26000x16xf32, #tpu.memory_space<hbm>> -> memref<26000x16xf32, #tpu.memory_space<hbm>>
    tpu.enqueue_indirect_dma source(%dma_start3A_311 : memref<26000x16xf32, #tpu.memory_space<hbm>>) target(%dma_start3A_306 : memref<128x16xf32, #tpu.memory_space<vmem>>) offsets(%dma_start3A_308 : memref<128xi32, #tpu.memory_space<vmem>>) semaphore(%arg7 : memref<!tpu.dma_semaphore, #tpu.memory_space<semaphore_mem>>)
    %dma_start3A_312 = arith.constant 31 : i32
    %dma_start3A_313 = arith.constant 0 : i32
    %dma_start3A_314 = arith.constant 0 : i32
    %dma_start3A_315 = tpu.memref_slice %arg6[%dma_start3A_312, %dma_start3A_313, %dma_start3A_314] : memref<32x128x16xf32, #tpu.memory_space<vmem>> -> memref<1x128x16xf32, #tpu.memory_space<vmem>>
    %dma_start3A_316 = tpu.memref_squeeze %dma_start3A_315 : memref<1x128x16xf32, #tpu.memory_space<vmem>> -> memref<128x16xf32, #tpu.memory_space<vmem>>
    %dma_start3A_317 = arith.constant 3968 : i32
    %dma_start3A_318 = tpu.memref_slice %arg5[%dma_start3A_317] : memref<4096xi32, #tpu.memory_space<vmem>> -> memref<128xi32, #tpu.memory_space<vmem>>
    %dma_start3A_319 = arith.constant 0 : i32
    %dma_start3A_320 = arith.constant 0 : i32
    %dma_start3A_321 = tpu.memref_slice %arg3[%dma_start3A_319, %dma_start3A_320] : memref<26000x16xf32, #tpu.memory_space<hbm>> -> memref<26000x16xf32, #tpu.memory_space<hbm>>
    tpu.enqueue_indirect_dma source(%dma_start3A_321 : memref<26000x16xf32, #tpu.memory_space<hbm>>) target(%dma_start3A_316 : memref<128x16xf32, #tpu.memory_space<vmem>>) offsets(%dma_start3A_318 : memref<128xi32, #tpu.memory_space<vmem>>) semaphore(%arg7 : memref<!tpu.dma_semaphore, #tpu.memory_space<semaphore_mem>>)
    %dma_wait3A = arith.constant 0 : i32
    %dma_wait3A_322 = arith.constant 0 : i32
    %dma_wait3A_323 = arith.constant 0 : i32
    %dma_wait3A_324 = tpu.memref_slice %arg6[%dma_wait3A, %dma_wait3A_322, %dma_wait3A_323] : memref<32x128x16xf32, #tpu.memory_space<vmem>> -> memref<1x128x16xf32, #tpu.memory_space<vmem>>
    %dma_wait3A_325 = tpu.memref_squeeze %dma_wait3A_324 : memref<1x128x16xf32, #tpu.memory_space<vmem>> -> memref<128x16xf32, #tpu.memory_space<vmem>>
    %dma_wait3A_326 = arith.constant 0 : i32
    %dma_wait3A_327 = tpu.memref_slice %arg5[%dma_wait3A_326] : memref<4096xi32, #tpu.memory_space<vmem>> -> memref<128xi32, #tpu.memory_space<vmem>>
    %dma_wait3A_328 = arith.constant 0 : i32
    %dma_wait3A_329 = arith.constant 0 : i32
    %dma_wait3A_330 = tpu.memref_slice %arg3[%dma_wait3A_328, %dma_wait3A_329] : memref<26000x16xf32, #tpu.memory_space<hbm>> -> memref<26000x16xf32, #tpu.memory_space<hbm>>
    tpu.wait_indirect_dma semaphore(%arg7 : memref<!tpu.dma_semaphore, #tpu.memory_space<semaphore_mem>>) src(%dma_wait3A_330 : memref<26000x16xf32, #tpu.memory_space<hbm>>) dst(%dma_wait3A_325 : memref<128x16xf32, #tpu.memory_space<vmem>>)
    %dma_wait3A_331 = arith.constant 1 : i32
    %dma_wait3A_332 = arith.constant 0 : i32
    %dma_wait3A_333 = arith.constant 0 : i32
    %dma_wait3A_334 = tpu.memref_slice %arg6[%dma_wait3A_331, %dma_wait3A_332, %dma_wait3A_333] : memref<32x128x16xf32, #tpu.memory_space<vmem>> -> memref<1x128x16xf32, #tpu.memory_space<vmem>>
    %dma_wait3A_335 = tpu.memref_squeeze %dma_wait3A_334 : memref<1x128x16xf32, #tpu.memory_space<vmem>> -> memref<128x16xf32, #tpu.memory_space<vmem>>
    %dma_wait3A_336 = arith.constant 128 : i32
    %dma_wait3A_337 = tpu.memref_slice %arg5[%dma_wait3A_336] : memref<4096xi32, #tpu.memory_space<vmem>> -> memref<128xi32, #tpu.memory_space<vmem>>
    %dma_wait3A_338 = arith.constant 0 : i32
    %dma_wait3A_339 = arith.constant 0 : i32
    %dma_wait3A_340 = tpu.memref_slice %arg3[%dma_wait3A_338, %dma_wait3A_339] : memref<26000x16xf32, #tpu.memory_space<hbm>> -> memref<26000x16xf32, #tpu.memory_space<hbm>>
    tpu.wait_indirect_dma semaphore(%arg7 : memref<!tpu.dma_semaphore, #tpu.memory_space<semaphore_mem>>) src(%dma_wait3A_340 : memref<26000x16xf32, #tpu.memory_space<hbm>>) dst(%dma_wait3A_335 : memref<128x16xf32, #tpu.memory_space<vmem>>)
    %dma_wait3A_341 = arith.constant 2 : i32
    %dma_wait3A_342 = arith.constant 0 : i32
    %dma_wait3A_343 = arith.constant 0 : i32
    %dma_wait3A_344 = tpu.memref_slice %arg6[%dma_wait3A_341, %dma_wait3A_342, %dma_wait3A_343] : memref<32x128x16xf32, #tpu.memory_space<vmem>> -> memref<1x128x16xf32, #tpu.memory_space<vmem>>
    %dma_wait3A_345 = tpu.memref_squeeze %dma_wait3A_344 : memref<1x128x16xf32, #tpu.memory_space<vmem>> -> memref<128x16xf32, #tpu.memory_space<vmem>>
    %dma_wait3A_346 = arith.constant 256 : i32
    %dma_wait3A_347 = tpu.memref_slice %arg5[%dma_wait3A_346] : memref<4096xi32, #tpu.memory_space<vmem>> -> memref<128xi32, #tpu.memory_space<vmem>>
    %dma_wait3A_348 = arith.constant 0 : i32
    %dma_wait3A_349 = arith.constant 0 : i32
    %dma_wait3A_350 = tpu.memref_slice %arg3[%dma_wait3A_348, %dma_wait3A_349] : memref<26000x16xf32, #tpu.memory_space<hbm>> -> memref<26000x16xf32, #tpu.memory_space<hbm>>
    tpu.wait_indirect_dma semaphore(%arg7 : memref<!tpu.dma_semaphore, #tpu.memory_space<semaphore_mem>>) src(%dma_wait3A_350 : memref<26000x16xf32, #tpu.memory_space<hbm>>) dst(%dma_wait3A_345 : memref<128x16xf32, #tpu.memory_space<vmem>>)
    %dma_wait3A_351 = arith.constant 3 : i32
    %dma_wait3A_352 = arith.constant 0 : i32
    %dma_wait3A_353 = arith.constant 0 : i32
    %dma_wait3A_354 = tpu.memref_slice %arg6[%dma_wait3A_351, %dma_wait3A_352, %dma_wait3A_353] : memref<32x128x16xf32, #tpu.memory_space<vmem>> -> memref<1x128x16xf32, #tpu.memory_space<vmem>>
    %dma_wait3A_355 = tpu.memref_squeeze %dma_wait3A_354 : memref<1x128x16xf32, #tpu.memory_space<vmem>> -> memref<128x16xf32, #tpu.memory_space<vmem>>
    %dma_wait3A_356 = arith.constant 384 : i32
    %dma_wait3A_357 = tpu.memref_slice %arg5[%dma_wait3A_356] : memref<4096xi32, #tpu.memory_space<vmem>> -> memref<128xi32, #tpu.memory_space<vmem>>
    %dma_wait3A_358 = arith.constant 0 : i32
    %dma_wait3A_359 = arith.constant 0 : i32
    %dma_wait3A_360 = tpu.memref_slice %arg3[%dma_wait3A_358, %dma_wait3A_359] : memref<26000x16xf32, #tpu.memory_space<hbm>> -> memref<26000x16xf32, #tpu.memory_space<hbm>>
    tpu.wait_indirect_dma semaphore(%arg7 : memref<!tpu.dma_semaphore, #tpu.memory_space<semaphore_mem>>) src(%dma_wait3A_360 : memref<26000x16xf32, #tpu.memory_space<hbm>>) dst(%dma_wait3A_355 : memref<128x16xf32, #tpu.memory_space<vmem>>)
    %dma_wait3A_361 = arith.constant 4 : i32
    %dma_wait3A_362 = arith.constant 0 : i32
    %dma_wait3A_363 = arith.constant 0 : i32
    %dma_wait3A_364 = tpu.memref_slice %arg6[%dma_wait3A_361, %dma_wait3A_362, %dma_wait3A_363] : memref<32x128x16xf32, #tpu.memory_space<vmem>> -> memref<1x128x16xf32, #tpu.memory_space<vmem>>
    %dma_wait3A_365 = tpu.memref_squeeze %dma_wait3A_364 : memref<1x128x16xf32, #tpu.memory_space<vmem>> -> memref<128x16xf32, #tpu.memory_space<vmem>>
    %dma_wait3A_366 = arith.constant 512 : i32
    %dma_wait3A_367 = tpu.memref_slice %arg5[%dma_wait3A_366] : memref<4096xi32, #tpu.memory_space<vmem>> -> memref<128xi32, #tpu.memory_space<vmem>>
    %dma_wait3A_368 = arith.constant 0 : i32
    %dma_wait3A_369 = arith.constant 0 : i32
    %dma_wait3A_370 = tpu.memref_slice %arg3[%dma_wait3A_368, %dma_wait3A_369] : memref<26000x16xf32, #tpu.memory_space<hbm>> -> memref<26000x16xf32, #tpu.memory_space<hbm>>
    tpu.wait_indirect_dma semaphore(%arg7 : memref<!tpu.dma_semaphore, #tpu.memory_space<semaphore_mem>>) src(%dma_wait3A_370 : memref<26000x16xf32, #tpu.memory_space<hbm>>) dst(%dma_wait3A_365 : memref<128x16xf32, #tpu.memory_space<vmem>>)
    %dma_wait3A_371 = arith.constant 5 : i32
    %dma_wait3A_372 = arith.constant 0 : i32
    %dma_wait3A_373 = arith.constant 0 : i32
    %dma_wait3A_374 = tpu.memref_slice %arg6[%dma_wait3A_371, %dma_wait3A_372, %dma_wait3A_373] : memref<32x128x16xf32, #tpu.memory_space<vmem>> -> memref<1x128x16xf32, #tpu.memory_space<vmem>>
    %dma_wait3A_375 = tpu.memref_squeeze %dma_wait3A_374 : memref<1x128x16xf32, #tpu.memory_space<vmem>> -> memref<128x16xf32, #tpu.memory_space<vmem>>
    %dma_wait3A_376 = arith.constant 640 : i32
    %dma_wait3A_377 = tpu.memref_slice %arg5[%dma_wait3A_376] : memref<4096xi32, #tpu.memory_space<vmem>> -> memref<128xi32, #tpu.memory_space<vmem>>
    %dma_wait3A_378 = arith.constant 0 : i32
    %dma_wait3A_379 = arith.constant 0 : i32
    %dma_wait3A_380 = tpu.memref_slice %arg3[%dma_wait3A_378, %dma_wait3A_379] : memref<26000x16xf32, #tpu.memory_space<hbm>> -> memref<26000x16xf32, #tpu.memory_space<hbm>>
    tpu.wait_indirect_dma semaphore(%arg7 : memref<!tpu.dma_semaphore, #tpu.memory_space<semaphore_mem>>) src(%dma_wait3A_380 : memref<26000x16xf32, #tpu.memory_space<hbm>>) dst(%dma_wait3A_375 : memref<128x16xf32, #tpu.memory_space<vmem>>)
    %dma_wait3A_381 = arith.constant 6 : i32
    %dma_wait3A_382 = arith.constant 0 : i32
    %dma_wait3A_383 = arith.constant 0 : i32
    %dma_wait3A_384 = tpu.memref_slice %arg6[%dma_wait3A_381, %dma_wait3A_382, %dma_wait3A_383] : memref<32x128x16xf32, #tpu.memory_space<vmem>> -> memref<1x128x16xf32, #tpu.memory_space<vmem>>
    %dma_wait3A_385 = tpu.memref_squeeze %dma_wait3A_384 : memref<1x128x16xf32, #tpu.memory_space<vmem>> -> memref<128x16xf32, #tpu.memory_space<vmem>>
    %dma_wait3A_386 = arith.constant 768 : i32
    %dma_wait3A_387 = tpu.memref_slice %arg5[%dma_wait3A_386] : memref<4096xi32, #tpu.memory_space<vmem>> -> memref<128xi32, #tpu.memory_space<vmem>>
    %dma_wait3A_388 = arith.constant 0 : i32
    %dma_wait3A_389 = arith.constant 0 : i32
    %dma_wait3A_390 = tpu.memref_slice %arg3[%dma_wait3A_388, %dma_wait3A_389] : memref<26000x16xf32, #tpu.memory_space<hbm>> -> memref<26000x16xf32, #tpu.memory_space<hbm>>
    tpu.wait_indirect_dma semaphore(%arg7 : memref<!tpu.dma_semaphore, #tpu.memory_space<semaphore_mem>>) src(%dma_wait3A_390 : memref<26000x16xf32, #tpu.memory_space<hbm>>) dst(%dma_wait3A_385 : memref<128x16xf32, #tpu.memory_space<vmem>>)
    %dma_wait3A_391 = arith.constant 7 : i32
    %dma_wait3A_392 = arith.constant 0 : i32
    %dma_wait3A_393 = arith.constant 0 : i32
    %dma_wait3A_394 = tpu.memref_slice %arg6[%dma_wait3A_391, %dma_wait3A_392, %dma_wait3A_393] : memref<32x128x16xf32, #tpu.memory_space<vmem>> -> memref<1x128x16xf32, #tpu.memory_space<vmem>>
    %dma_wait3A_395 = tpu.memref_squeeze %dma_wait3A_394 : memref<1x128x16xf32, #tpu.memory_space<vmem>> -> memref<128x16xf32, #tpu.memory_space<vmem>>
    %dma_wait3A_396 = arith.constant 896 : i32
    %dma_wait3A_397 = tpu.memref_slice %arg5[%dma_wait3A_396] : memref<4096xi32, #tpu.memory_space<vmem>> -> memref<128xi32, #tpu.memory_space<vmem>>
    %dma_wait3A_398 = arith.constant 0 : i32
    %dma_wait3A_399 = arith.constant 0 : i32
    %dma_wait3A_400 = tpu.memref_slice %arg3[%dma_wait3A_398, %dma_wait3A_399] : memref<26000x16xf32, #tpu.memory_space<hbm>> -> memref<26000x16xf32, #tpu.memory_space<hbm>>
    tpu.wait_indirect_dma semaphore(%arg7 : memref<!tpu.dma_semaphore, #tpu.memory_space<semaphore_mem>>) src(%dma_wait3A_400 : memref<26000x16xf32, #tpu.memory_space<hbm>>) dst(%dma_wait3A_395 : memref<128x16xf32, #tpu.memory_space<vmem>>)
    %dma_wait3A_401 = arith.constant 8 : i32
    %dma_wait3A_402 = arith.constant 0 : i32
    %dma_wait3A_403 = arith.constant 0 : i32
    %dma_wait3A_404 = tpu.memref_slice %arg6[%dma_wait3A_401, %dma_wait3A_402, %dma_wait3A_403] : memref<32x128x16xf32, #tpu.memory_space<vmem>> -> memref<1x128x16xf32, #tpu.memory_space<vmem>>
    %dma_wait3A_405 = tpu.memref_squeeze %dma_wait3A_404 : memref<1x128x16xf32, #tpu.memory_space<vmem>> -> memref<128x16xf32, #tpu.memory_space<vmem>>
    %dma_wait3A_406 = arith.constant 1024 : i32
    %dma_wait3A_407 = tpu.memref_slice %arg5[%dma_wait3A_406] : memref<4096xi32, #tpu.memory_space<vmem>> -> memref<128xi32, #tpu.memory_space<vmem>>
    %dma_wait3A_408 = arith.constant 0 : i32
    %dma_wait3A_409 = arith.constant 0 : i32
    %dma_wait3A_410 = tpu.memref_slice %arg3[%dma_wait3A_408, %dma_wait3A_409] : memref<26000x16xf32, #tpu.memory_space<hbm>> -> memref<26000x16xf32, #tpu.memory_space<hbm>>
    tpu.wait_indirect_dma semaphore(%arg7 : memref<!tpu.dma_semaphore, #tpu.memory_space<semaphore_mem>>) src(%dma_wait3A_410 : memref<26000x16xf32, #tpu.memory_space<hbm>>) dst(%dma_wait3A_405 : memref<128x16xf32, #tpu.memory_space<vmem>>)
    %dma_wait3A_411 = arith.constant 9 : i32
    %dma_wait3A_412 = arith.constant 0 : i32
    %dma_wait3A_413 = arith.constant 0 : i32
    %dma_wait3A_414 = tpu.memref_slice %arg6[%dma_wait3A_411, %dma_wait3A_412, %dma_wait3A_413] : memref<32x128x16xf32, #tpu.memory_space<vmem>> -> memref<1x128x16xf32, #tpu.memory_space<vmem>>
    %dma_wait3A_415 = tpu.memref_squeeze %dma_wait3A_414 : memref<1x128x16xf32, #tpu.memory_space<vmem>> -> memref<128x16xf32, #tpu.memory_space<vmem>>
    %dma_wait3A_416 = arith.constant 1152 : i32
    %dma_wait3A_417 = tpu.memref_slice %arg5[%dma_wait3A_416] : memref<4096xi32, #tpu.memory_space<vmem>> -> memref<128xi32, #tpu.memory_space<vmem>>
    %dma_wait3A_418 = arith.constant 0 : i32
    %dma_wait3A_419 = arith.constant 0 : i32
    %dma_wait3A_420 = tpu.memref_slice %arg3[%dma_wait3A_418, %dma_wait3A_419] : memref<26000x16xf32, #tpu.memory_space<hbm>> -> memref<26000x16xf32, #tpu.memory_space<hbm>>
    tpu.wait_indirect_dma semaphore(%arg7 : memref<!tpu.dma_semaphore, #tpu.memory_space<semaphore_mem>>) src(%dma_wait3A_420 : memref<26000x16xf32, #tpu.memory_space<hbm>>) dst(%dma_wait3A_415 : memref<128x16xf32, #tpu.memory_space<vmem>>)
    %dma_wait3A_421 = arith.constant 10 : i32
    %dma_wait3A_422 = arith.constant 0 : i32
    %dma_wait3A_423 = arith.constant 0 : i32
    %dma_wait3A_424 = tpu.memref_slice %arg6[%dma_wait3A_421, %dma_wait3A_422, %dma_wait3A_423] : memref<32x128x16xf32, #tpu.memory_space<vmem>> -> memref<1x128x16xf32, #tpu.memory_space<vmem>>
    %dma_wait3A_425 = tpu.memref_squeeze %dma_wait3A_424 : memref<1x128x16xf32, #tpu.memory_space<vmem>> -> memref<128x16xf32, #tpu.memory_space<vmem>>
    %dma_wait3A_426 = arith.constant 1280 : i32
    %dma_wait3A_427 = tpu.memref_slice %arg5[%dma_wait3A_426] : memref<4096xi32, #tpu.memory_space<vmem>> -> memref<128xi32, #tpu.memory_space<vmem>>
    %dma_wait3A_428 = arith.constant 0 : i32
    %dma_wait3A_429 = arith.constant 0 : i32
    %dma_wait3A_430 = tpu.memref_slice %arg3[%dma_wait3A_428, %dma_wait3A_429] : memref<26000x16xf32, #tpu.memory_space<hbm>> -> memref<26000x16xf32, #tpu.memory_space<hbm>>
    tpu.wait_indirect_dma semaphore(%arg7 : memref<!tpu.dma_semaphore, #tpu.memory_space<semaphore_mem>>) src(%dma_wait3A_430 : memref<26000x16xf32, #tpu.memory_space<hbm>>) dst(%dma_wait3A_425 : memref<128x16xf32, #tpu.memory_space<vmem>>)
    %dma_wait3A_431 = arith.constant 11 : i32
    %dma_wait3A_432 = arith.constant 0 : i32
    %dma_wait3A_433 = arith.constant 0 : i32
    %dma_wait3A_434 = tpu.memref_slice %arg6[%dma_wait3A_431, %dma_wait3A_432, %dma_wait3A_433] : memref<32x128x16xf32, #tpu.memory_space<vmem>> -> memref<1x128x16xf32, #tpu.memory_space<vmem>>
    %dma_wait3A_435 = tpu.memref_squeeze %dma_wait3A_434 : memref<1x128x16xf32, #tpu.memory_space<vmem>> -> memref<128x16xf32, #tpu.memory_space<vmem>>
    %dma_wait3A_436 = arith.constant 1408 : i32
    %dma_wait3A_437 = tpu.memref_slice %arg5[%dma_wait3A_436] : memref<4096xi32, #tpu.memory_space<vmem>> -> memref<128xi32, #tpu.memory_space<vmem>>
    %dma_wait3A_438 = arith.constant 0 : i32
    %dma_wait3A_439 = arith.constant 0 : i32
    %dma_wait3A_440 = tpu.memref_slice %arg3[%dma_wait3A_438, %dma_wait3A_439] : memref<26000x16xf32, #tpu.memory_space<hbm>> -> memref<26000x16xf32, #tpu.memory_space<hbm>>
    tpu.wait_indirect_dma semaphore(%arg7 : memref<!tpu.dma_semaphore, #tpu.memory_space<semaphore_mem>>) src(%dma_wait3A_440 : memref<26000x16xf32, #tpu.memory_space<hbm>>) dst(%dma_wait3A_435 : memref<128x16xf32, #tpu.memory_space<vmem>>)
    %dma_wait3A_441 = arith.constant 12 : i32
    %dma_wait3A_442 = arith.constant 0 : i32
    %dma_wait3A_443 = arith.constant 0 : i32
    %dma_wait3A_444 = tpu.memref_slice %arg6[%dma_wait3A_441, %dma_wait3A_442, %dma_wait3A_443] : memref<32x128x16xf32, #tpu.memory_space<vmem>> -> memref<1x128x16xf32, #tpu.memory_space<vmem>>
    %dma_wait3A_445 = tpu.memref_squeeze %dma_wait3A_444 : memref<1x128x16xf32, #tpu.memory_space<vmem>> -> memref<128x16xf32, #tpu.memory_space<vmem>>
    %dma_wait3A_446 = arith.constant 1536 : i32
    %dma_wait3A_447 = tpu.memref_slice %arg5[%dma_wait3A_446] : memref<4096xi32, #tpu.memory_space<vmem>> -> memref<128xi32, #tpu.memory_space<vmem>>
    %dma_wait3A_448 = arith.constant 0 : i32
    %dma_wait3A_449 = arith.constant 0 : i32
    %dma_wait3A_450 = tpu.memref_slice %arg3[%dma_wait3A_448, %dma_wait3A_449] : memref<26000x16xf32, #tpu.memory_space<hbm>> -> memref<26000x16xf32, #tpu.memory_space<hbm>>
    tpu.wait_indirect_dma semaphore(%arg7 : memref<!tpu.dma_semaphore, #tpu.memory_space<semaphore_mem>>) src(%dma_wait3A_450 : memref<26000x16xf32, #tpu.memory_space<hbm>>) dst(%dma_wait3A_445 : memref<128x16xf32, #tpu.memory_space<vmem>>)
    %dma_wait3A_451 = arith.constant 13 : i32
    %dma_wait3A_452 = arith.constant 0 : i32
    %dma_wait3A_453 = arith.constant 0 : i32
    %dma_wait3A_454 = tpu.memref_slice %arg6[%dma_wait3A_451, %dma_wait3A_452, %dma_wait3A_453] : memref<32x128x16xf32, #tpu.memory_space<vmem>> -> memref<1x128x16xf32, #tpu.memory_space<vmem>>
    %dma_wait3A_455 = tpu.memref_squeeze %dma_wait3A_454 : memref<1x128x16xf32, #tpu.memory_space<vmem>> -> memref<128x16xf32, #tpu.memory_space<vmem>>
    %dma_wait3A_456 = arith.constant 1664 : i32
    %dma_wait3A_457 = tpu.memref_slice %arg5[%dma_wait3A_456] : memref<4096xi32, #tpu.memory_space<vmem>> -> memref<128xi32, #tpu.memory_space<vmem>>
    %dma_wait3A_458 = arith.constant 0 : i32
    %dma_wait3A_459 = arith.constant 0 : i32
    %dma_wait3A_460 = tpu.memref_slice %arg3[%dma_wait3A_458, %dma_wait3A_459] : memref<26000x16xf32, #tpu.memory_space<hbm>> -> memref<26000x16xf32, #tpu.memory_space<hbm>>
    tpu.wait_indirect_dma semaphore(%arg7 : memref<!tpu.dma_semaphore, #tpu.memory_space<semaphore_mem>>) src(%dma_wait3A_460 : memref<26000x16xf32, #tpu.memory_space<hbm>>) dst(%dma_wait3A_455 : memref<128x16xf32, #tpu.memory_space<vmem>>)
    %dma_wait3A_461 = arith.constant 14 : i32
    %dma_wait3A_462 = arith.constant 0 : i32
    %dma_wait3A_463 = arith.constant 0 : i32
    %dma_wait3A_464 = tpu.memref_slice %arg6[%dma_wait3A_461, %dma_wait3A_462, %dma_wait3A_463] : memref<32x128x16xf32, #tpu.memory_space<vmem>> -> memref<1x128x16xf32, #tpu.memory_space<vmem>>
    %dma_wait3A_465 = tpu.memref_squeeze %dma_wait3A_464 : memref<1x128x16xf32, #tpu.memory_space<vmem>> -> memref<128x16xf32, #tpu.memory_space<vmem>>
    %dma_wait3A_466 = arith.constant 1792 : i32
    %dma_wait3A_467 = tpu.memref_slice %arg5[%dma_wait3A_466] : memref<4096xi32, #tpu.memory_space<vmem>> -> memref<128xi32, #tpu.memory_space<vmem>>
    %dma_wait3A_468 = arith.constant 0 : i32
    %dma_wait3A_469 = arith.constant 0 : i32
    %dma_wait3A_470 = tpu.memref_slice %arg3[%dma_wait3A_468, %dma_wait3A_469] : memref<26000x16xf32, #tpu.memory_space<hbm>> -> memref<26000x16xf32, #tpu.memory_space<hbm>>
    tpu.wait_indirect_dma semaphore(%arg7 : memref<!tpu.dma_semaphore, #tpu.memory_space<semaphore_mem>>) src(%dma_wait3A_470 : memref<26000x16xf32, #tpu.memory_space<hbm>>) dst(%dma_wait3A_465 : memref<128x16xf32, #tpu.memory_space<vmem>>)
    %dma_wait3A_471 = arith.constant 15 : i32
    %dma_wait3A_472 = arith.constant 0 : i32
    %dma_wait3A_473 = arith.constant 0 : i32
    %dma_wait3A_474 = tpu.memref_slice %arg6[%dma_wait3A_471, %dma_wait3A_472, %dma_wait3A_473] : memref<32x128x16xf32, #tpu.memory_space<vmem>> -> memref<1x128x16xf32, #tpu.memory_space<vmem>>
    %dma_wait3A_475 = tpu.memref_squeeze %dma_wait3A_474 : memref<1x128x16xf32, #tpu.memory_space<vmem>> -> memref<128x16xf32, #tpu.memory_space<vmem>>
    %dma_wait3A_476 = arith.constant 1920 : i32
    %dma_wait3A_477 = tpu.memref_slice %arg5[%dma_wait3A_476] : memref<4096xi32, #tpu.memory_space<vmem>> -> memref<128xi32, #tpu.memory_space<vmem>>
    %dma_wait3A_478 = arith.constant 0 : i32
    %dma_wait3A_479 = arith.constant 0 : i32
    %dma_wait3A_480 = tpu.memref_slice %arg3[%dma_wait3A_478, %dma_wait3A_479] : memref<26000x16xf32, #tpu.memory_space<hbm>> -> memref<26000x16xf32, #tpu.memory_space<hbm>>
    tpu.wait_indirect_dma semaphore(%arg7 : memref<!tpu.dma_semaphore, #tpu.memory_space<semaphore_mem>>) src(%dma_wait3A_480 : memref<26000x16xf32, #tpu.memory_space<hbm>>) dst(%dma_wait3A_475 : memref<128x16xf32, #tpu.memory_space<vmem>>)
    %dma_wait3A_481 = arith.constant 16 : i32
    %dma_wait3A_482 = arith.constant 0 : i32
    %dma_wait3A_483 = arith.constant 0 : i32
    %dma_wait3A_484 = tpu.memref_slice %arg6[%dma_wait3A_481, %dma_wait3A_482, %dma_wait3A_483] : memref<32x128x16xf32, #tpu.memory_space<vmem>> -> memref<1x128x16xf32, #tpu.memory_space<vmem>>
    %dma_wait3A_485 = tpu.memref_squeeze %dma_wait3A_484 : memref<1x128x16xf32, #tpu.memory_space<vmem>> -> memref<128x16xf32, #tpu.memory_space<vmem>>
    %dma_wait3A_486 = arith.constant 2048 : i32
    %dma_wait3A_487 = tpu.memref_slice %arg5[%dma_wait3A_486] : memref<4096xi32, #tpu.memory_space<vmem>> -> memref<128xi32, #tpu.memory_space<vmem>>
    %dma_wait3A_488 = arith.constant 0 : i32
    %dma_wait3A_489 = arith.constant 0 : i32
    %dma_wait3A_490 = tpu.memref_slice %arg3[%dma_wait3A_488, %dma_wait3A_489] : memref<26000x16xf32, #tpu.memory_space<hbm>> -> memref<26000x16xf32, #tpu.memory_space<hbm>>
    tpu.wait_indirect_dma semaphore(%arg7 : memref<!tpu.dma_semaphore, #tpu.memory_space<semaphore_mem>>) src(%dma_wait3A_490 : memref<26000x16xf32, #tpu.memory_space<hbm>>) dst(%dma_wait3A_485 : memref<128x16xf32, #tpu.memory_space<vmem>>)
    %dma_wait3A_491 = arith.constant 17 : i32
    %dma_wait3A_492 = arith.constant 0 : i32
    %dma_wait3A_493 = arith.constant 0 : i32
    %dma_wait3A_494 = tpu.memref_slice %arg6[%dma_wait3A_491, %dma_wait3A_492, %dma_wait3A_493] : memref<32x128x16xf32, #tpu.memory_space<vmem>> -> memref<1x128x16xf32, #tpu.memory_space<vmem>>
    %dma_wait3A_495 = tpu.memref_squeeze %dma_wait3A_494 : memref<1x128x16xf32, #tpu.memory_space<vmem>> -> memref<128x16xf32, #tpu.memory_space<vmem>>
    %dma_wait3A_496 = arith.constant 2176 : i32
    %dma_wait3A_497 = tpu.memref_slice %arg5[%dma_wait3A_496] : memref<4096xi32, #tpu.memory_space<vmem>> -> memref<128xi32, #tpu.memory_space<vmem>>
    %dma_wait3A_498 = arith.constant 0 : i32
    %dma_wait3A_499 = arith.constant 0 : i32
    %dma_wait3A_500 = tpu.memref_slice %arg3[%dma_wait3A_498, %dma_wait3A_499] : memref<26000x16xf32, #tpu.memory_space<hbm>> -> memref<26000x16xf32, #tpu.memory_space<hbm>>
    tpu.wait_indirect_dma semaphore(%arg7 : memref<!tpu.dma_semaphore, #tpu.memory_space<semaphore_mem>>) src(%dma_wait3A_500 : memref<26000x16xf32, #tpu.memory_space<hbm>>) dst(%dma_wait3A_495 : memref<128x16xf32, #tpu.memory_space<vmem>>)
    %dma_wait3A_501 = arith.constant 18 : i32
    %dma_wait3A_502 = arith.constant 0 : i32
    %dma_wait3A_503 = arith.constant 0 : i32
    %dma_wait3A_504 = tpu.memref_slice %arg6[%dma_wait3A_501, %dma_wait3A_502, %dma_wait3A_503] : memref<32x128x16xf32, #tpu.memory_space<vmem>> -> memref<1x128x16xf32, #tpu.memory_space<vmem>>
    %dma_wait3A_505 = tpu.memref_squeeze %dma_wait3A_504 : memref<1x128x16xf32, #tpu.memory_space<vmem>> -> memref<128x16xf32, #tpu.memory_space<vmem>>
    %dma_wait3A_506 = arith.constant 2304 : i32
    %dma_wait3A_507 = tpu.memref_slice %arg5[%dma_wait3A_506] : memref<4096xi32, #tpu.memory_space<vmem>> -> memref<128xi32, #tpu.memory_space<vmem>>
    %dma_wait3A_508 = arith.constant 0 : i32
    %dma_wait3A_509 = arith.constant 0 : i32
    %dma_wait3A_510 = tpu.memref_slice %arg3[%dma_wait3A_508, %dma_wait3A_509] : memref<26000x16xf32, #tpu.memory_space<hbm>> -> memref<26000x16xf32, #tpu.memory_space<hbm>>
    tpu.wait_indirect_dma semaphore(%arg7 : memref<!tpu.dma_semaphore, #tpu.memory_space<semaphore_mem>>) src(%dma_wait3A_510 : memref<26000x16xf32, #tpu.memory_space<hbm>>) dst(%dma_wait3A_505 : memref<128x16xf32, #tpu.memory_space<vmem>>)
    %dma_wait3A_511 = arith.constant 19 : i32
    %dma_wait3A_512 = arith.constant 0 : i32
    %dma_wait3A_513 = arith.constant 0 : i32
    %dma_wait3A_514 = tpu.memref_slice %arg6[%dma_wait3A_511, %dma_wait3A_512, %dma_wait3A_513] : memref<32x128x16xf32, #tpu.memory_space<vmem>> -> memref<1x128x16xf32, #tpu.memory_space<vmem>>
    %dma_wait3A_515 = tpu.memref_squeeze %dma_wait3A_514 : memref<1x128x16xf32, #tpu.memory_space<vmem>> -> memref<128x16xf32, #tpu.memory_space<vmem>>
    %dma_wait3A_516 = arith.constant 2432 : i32
    %dma_wait3A_517 = tpu.memref_slice %arg5[%dma_wait3A_516] : memref<4096xi32, #tpu.memory_space<vmem>> -> memref<128xi32, #tpu.memory_space<vmem>>
    %dma_wait3A_518 = arith.constant 0 : i32
    %dma_wait3A_519 = arith.constant 0 : i32
    %dma_wait3A_520 = tpu.memref_slice %arg3[%dma_wait3A_518, %dma_wait3A_519] : memref<26000x16xf32, #tpu.memory_space<hbm>> -> memref<26000x16xf32, #tpu.memory_space<hbm>>
    tpu.wait_indirect_dma semaphore(%arg7 : memref<!tpu.dma_semaphore, #tpu.memory_space<semaphore_mem>>) src(%dma_wait3A_520 : memref<26000x16xf32, #tpu.memory_space<hbm>>) dst(%dma_wait3A_515 : memref<128x16xf32, #tpu.memory_space<vmem>>)
    %dma_wait3A_521 = arith.constant 20 : i32
    %dma_wait3A_522 = arith.constant 0 : i32
    %dma_wait3A_523 = arith.constant 0 : i32
    %dma_wait3A_524 = tpu.memref_slice %arg6[%dma_wait3A_521, %dma_wait3A_522, %dma_wait3A_523] : memref<32x128x16xf32, #tpu.memory_space<vmem>> -> memref<1x128x16xf32, #tpu.memory_space<vmem>>
    %dma_wait3A_525 = tpu.memref_squeeze %dma_wait3A_524 : memref<1x128x16xf32, #tpu.memory_space<vmem>> -> memref<128x16xf32, #tpu.memory_space<vmem>>
    %dma_wait3A_526 = arith.constant 2560 : i32
    %dma_wait3A_527 = tpu.memref_slice %arg5[%dma_wait3A_526] : memref<4096xi32, #tpu.memory_space<vmem>> -> memref<128xi32, #tpu.memory_space<vmem>>
    %dma_wait3A_528 = arith.constant 0 : i32
    %dma_wait3A_529 = arith.constant 0 : i32
    %dma_wait3A_530 = tpu.memref_slice %arg3[%dma_wait3A_528, %dma_wait3A_529] : memref<26000x16xf32, #tpu.memory_space<hbm>> -> memref<26000x16xf32, #tpu.memory_space<hbm>>
    tpu.wait_indirect_dma semaphore(%arg7 : memref<!tpu.dma_semaphore, #tpu.memory_space<semaphore_mem>>) src(%dma_wait3A_530 : memref<26000x16xf32, #tpu.memory_space<hbm>>) dst(%dma_wait3A_525 : memref<128x16xf32, #tpu.memory_space<vmem>>)
    %dma_wait3A_531 = arith.constant 21 : i32
    %dma_wait3A_532 = arith.constant 0 : i32
    %dma_wait3A_533 = arith.constant 0 : i32
    %dma_wait3A_534 = tpu.memref_slice %arg6[%dma_wait3A_531, %dma_wait3A_532, %dma_wait3A_533] : memref<32x128x16xf32, #tpu.memory_space<vmem>> -> memref<1x128x16xf32, #tpu.memory_space<vmem>>
    %dma_wait3A_535 = tpu.memref_squeeze %dma_wait3A_534 : memref<1x128x16xf32, #tpu.memory_space<vmem>> -> memref<128x16xf32, #tpu.memory_space<vmem>>
    %dma_wait3A_536 = arith.constant 2688 : i32
    %dma_wait3A_537 = tpu.memref_slice %arg5[%dma_wait3A_536] : memref<4096xi32, #tpu.memory_space<vmem>> -> memref<128xi32, #tpu.memory_space<vmem>>
    %dma_wait3A_538 = arith.constant 0 : i32
    %dma_wait3A_539 = arith.constant 0 : i32
    %dma_wait3A_540 = tpu.memref_slice %arg3[%dma_wait3A_538, %dma_wait3A_539] : memref<26000x16xf32, #tpu.memory_space<hbm>> -> memref<26000x16xf32, #tpu.memory_space<hbm>>
    tpu.wait_indirect_dma semaphore(%arg7 : memref<!tpu.dma_semaphore, #tpu.memory_space<semaphore_mem>>) src(%dma_wait3A_540 : memref<26000x16xf32, #tpu.memory_space<hbm>>) dst(%dma_wait3A_535 : memref<128x16xf32, #tpu.memory_space<vmem>>)
    %dma_wait3A_541 = arith.constant 22 : i32
    %dma_wait3A_542 = arith.constant 0 : i32
    %dma_wait3A_543 = arith.constant 0 : i32
    %dma_wait3A_544 = tpu.memref_slice %arg6[%dma_wait3A_541, %dma_wait3A_542, %dma_wait3A_543] : memref<32x128x16xf32, #tpu.memory_space<vmem>> -> memref<1x128x16xf32, #tpu.memory_space<vmem>>
    %dma_wait3A_545 = tpu.memref_squeeze %dma_wait3A_544 : memref<1x128x16xf32, #tpu.memory_space<vmem>> -> memref<128x16xf32, #tpu.memory_space<vmem>>
    %dma_wait3A_546 = arith.constant 2816 : i32
    %dma_wait3A_547 = tpu.memref_slice %arg5[%dma_wait3A_546] : memref<4096xi32, #tpu.memory_space<vmem>> -> memref<128xi32, #tpu.memory_space<vmem>>
    %dma_wait3A_548 = arith.constant 0 : i32
    %dma_wait3A_549 = arith.constant 0 : i32
    %dma_wait3A_550 = tpu.memref_slice %arg3[%dma_wait3A_548, %dma_wait3A_549] : memref<26000x16xf32, #tpu.memory_space<hbm>> -> memref<26000x16xf32, #tpu.memory_space<hbm>>
    tpu.wait_indirect_dma semaphore(%arg7 : memref<!tpu.dma_semaphore, #tpu.memory_space<semaphore_mem>>) src(%dma_wait3A_550 : memref<26000x16xf32, #tpu.memory_space<hbm>>) dst(%dma_wait3A_545 : memref<128x16xf32, #tpu.memory_space<vmem>>)
    %dma_wait3A_551 = arith.constant 23 : i32
    %dma_wait3A_552 = arith.constant 0 : i32
    %dma_wait3A_553 = arith.constant 0 : i32
    %dma_wait3A_554 = tpu.memref_slice %arg6[%dma_wait3A_551, %dma_wait3A_552, %dma_wait3A_553] : memref<32x128x16xf32, #tpu.memory_space<vmem>> -> memref<1x128x16xf32, #tpu.memory_space<vmem>>
    %dma_wait3A_555 = tpu.memref_squeeze %dma_wait3A_554 : memref<1x128x16xf32, #tpu.memory_space<vmem>> -> memref<128x16xf32, #tpu.memory_space<vmem>>
    %dma_wait3A_556 = arith.constant 2944 : i32
    %dma_wait3A_557 = tpu.memref_slice %arg5[%dma_wait3A_556] : memref<4096xi32, #tpu.memory_space<vmem>> -> memref<128xi32, #tpu.memory_space<vmem>>
    %dma_wait3A_558 = arith.constant 0 : i32
    %dma_wait3A_559 = arith.constant 0 : i32
    %dma_wait3A_560 = tpu.memref_slice %arg3[%dma_wait3A_558, %dma_wait3A_559] : memref<26000x16xf32, #tpu.memory_space<hbm>> -> memref<26000x16xf32, #tpu.memory_space<hbm>>
    tpu.wait_indirect_dma semaphore(%arg7 : memref<!tpu.dma_semaphore, #tpu.memory_space<semaphore_mem>>) src(%dma_wait3A_560 : memref<26000x16xf32, #tpu.memory_space<hbm>>) dst(%dma_wait3A_555 : memref<128x16xf32, #tpu.memory_space<vmem>>)
    %dma_wait3A_561 = arith.constant 24 : i32
    %dma_wait3A_562 = arith.constant 0 : i32
    %dma_wait3A_563 = arith.constant 0 : i32
    %dma_wait3A_564 = tpu.memref_slice %arg6[%dma_wait3A_561, %dma_wait3A_562, %dma_wait3A_563] : memref<32x128x16xf32, #tpu.memory_space<vmem>> -> memref<1x128x16xf32, #tpu.memory_space<vmem>>
    %dma_wait3A_565 = tpu.memref_squeeze %dma_wait3A_564 : memref<1x128x16xf32, #tpu.memory_space<vmem>> -> memref<128x16xf32, #tpu.memory_space<vmem>>
    %dma_wait3A_566 = arith.constant 3072 : i32
    %dma_wait3A_567 = tpu.memref_slice %arg5[%dma_wait3A_566] : memref<4096xi32, #tpu.memory_space<vmem>> -> memref<128xi32, #tpu.memory_space<vmem>>
    %dma_wait3A_568 = arith.constant 0 : i32
    %dma_wait3A_569 = arith.constant 0 : i32
    %dma_wait3A_570 = tpu.memref_slice %arg3[%dma_wait3A_568, %dma_wait3A_569] : memref<26000x16xf32, #tpu.memory_space<hbm>> -> memref<26000x16xf32, #tpu.memory_space<hbm>>
    tpu.wait_indirect_dma semaphore(%arg7 : memref<!tpu.dma_semaphore, #tpu.memory_space<semaphore_mem>>) src(%dma_wait3A_570 : memref<26000x16xf32, #tpu.memory_space<hbm>>) dst(%dma_wait3A_565 : memref<128x16xf32, #tpu.memory_space<vmem>>)
    %dma_wait3A_571 = arith.constant 25 : i32
    %dma_wait3A_572 = arith.constant 0 : i32
    %dma_wait3A_573 = arith.constant 0 : i32
    %dma_wait3A_574 = tpu.memref_slice %arg6[%dma_wait3A_571, %dma_wait3A_572, %dma_wait3A_573] : memref<32x128x16xf32, #tpu.memory_space<vmem>> -> memref<1x128x16xf32, #tpu.memory_space<vmem>>
    %dma_wait3A_575 = tpu.memref_squeeze %dma_wait3A_574 : memref<1x128x16xf32, #tpu.memory_space<vmem>> -> memref<128x16xf32, #tpu.memory_space<vmem>>
    %dma_wait3A_576 = arith.constant 3200 : i32
    %dma_wait3A_577 = tpu.memref_slice %arg5[%dma_wait3A_576] : memref<4096xi32, #tpu.memory_space<vmem>> -> memref<128xi32, #tpu.memory_space<vmem>>
    %dma_wait3A_578 = arith.constant 0 : i32
    %dma_wait3A_579 = arith.constant 0 : i32
    %dma_wait3A_580 = tpu.memref_slice %arg3[%dma_wait3A_578, %dma_wait3A_579] : memref<26000x16xf32, #tpu.memory_space<hbm>> -> memref<26000x16xf32, #tpu.memory_space<hbm>>
    tpu.wait_indirect_dma semaphore(%arg7 : memref<!tpu.dma_semaphore, #tpu.memory_space<semaphore_mem>>) src(%dma_wait3A_580 : memref<26000x16xf32, #tpu.memory_space<hbm>>) dst(%dma_wait3A_575 : memref<128x16xf32, #tpu.memory_space<vmem>>)
    %dma_wait3A_581 = arith.constant 26 : i32
    %dma_wait3A_582 = arith.constant 0 : i32
    %dma_wait3A_583 = arith.constant 0 : i32
    %dma_wait3A_584 = tpu.memref_slice %arg6[%dma_wait3A_581, %dma_wait3A_582, %dma_wait3A_583] : memref<32x128x16xf32, #tpu.memory_space<vmem>> -> memref<1x128x16xf32, #tpu.memory_space<vmem>>
    %dma_wait3A_585 = tpu.memref_squeeze %dma_wait3A_584 : memref<1x128x16xf32, #tpu.memory_space<vmem>> -> memref<128x16xf32, #tpu.memory_space<vmem>>
    %dma_wait3A_586 = arith.constant 3328 : i32
    %dma_wait3A_587 = tpu.memref_slice %arg5[%dma_wait3A_586] : memref<4096xi32, #tpu.memory_space<vmem>> -> memref<128xi32, #tpu.memory_space<vmem>>
    %dma_wait3A_588 = arith.constant 0 : i32
    %dma_wait3A_589 = arith.constant 0 : i32
    %dma_wait3A_590 = tpu.memref_slice %arg3[%dma_wait3A_588, %dma_wait3A_589] : memref<26000x16xf32, #tpu.memory_space<hbm>> -> memref<26000x16xf32, #tpu.memory_space<hbm>>
    tpu.wait_indirect_dma semaphore(%arg7 : memref<!tpu.dma_semaphore, #tpu.memory_space<semaphore_mem>>) src(%dma_wait3A_590 : memref<26000x16xf32, #tpu.memory_space<hbm>>) dst(%dma_wait3A_585 : memref<128x16xf32, #tpu.memory_space<vmem>>)
    %dma_wait3A_591 = arith.constant 27 : i32
    %dma_wait3A_592 = arith.constant 0 : i32
    %dma_wait3A_593 = arith.constant 0 : i32
    %dma_wait3A_594 = tpu.memref_slice %arg6[%dma_wait3A_591, %dma_wait3A_592, %dma_wait3A_593] : memref<32x128x16xf32, #tpu.memory_space<vmem>> -> memref<1x128x16xf32, #tpu.memory_space<vmem>>
    %dma_wait3A_595 = tpu.memref_squeeze %dma_wait3A_594 : memref<1x128x16xf32, #tpu.memory_space<vmem>> -> memref<128x16xf32, #tpu.memory_space<vmem>>
    %dma_wait3A_596 = arith.constant 3456 : i32
    %dma_wait3A_597 = tpu.memref_slice %arg5[%dma_wait3A_596] : memref<4096xi32, #tpu.memory_space<vmem>> -> memref<128xi32, #tpu.memory_space<vmem>>
    %dma_wait3A_598 = arith.constant 0 : i32
    %dma_wait3A_599 = arith.constant 0 : i32
    %dma_wait3A_600 = tpu.memref_slice %arg3[%dma_wait3A_598, %dma_wait3A_599] : memref<26000x16xf32, #tpu.memory_space<hbm>> -> memref<26000x16xf32, #tpu.memory_space<hbm>>
    tpu.wait_indirect_dma semaphore(%arg7 : memref<!tpu.dma_semaphore, #tpu.memory_space<semaphore_mem>>) src(%dma_wait3A_600 : memref<26000x16xf32, #tpu.memory_space<hbm>>) dst(%dma_wait3A_595 : memref<128x16xf32, #tpu.memory_space<vmem>>)
    %dma_wait3A_601 = arith.constant 28 : i32
    %dma_wait3A_602 = arith.constant 0 : i32
    %dma_wait3A_603 = arith.constant 0 : i32
    %dma_wait3A_604 = tpu.memref_slice %arg6[%dma_wait3A_601, %dma_wait3A_602, %dma_wait3A_603] : memref<32x128x16xf32, #tpu.memory_space<vmem>> -> memref<1x128x16xf32, #tpu.memory_space<vmem>>
    %dma_wait3A_605 = tpu.memref_squeeze %dma_wait3A_604 : memref<1x128x16xf32, #tpu.memory_space<vmem>> -> memref<128x16xf32, #tpu.memory_space<vmem>>
    %dma_wait3A_606 = arith.constant 3584 : i32
    %dma_wait3A_607 = tpu.memref_slice %arg5[%dma_wait3A_606] : memref<4096xi32, #tpu.memory_space<vmem>> -> memref<128xi32, #tpu.memory_space<vmem>>
    %dma_wait3A_608 = arith.constant 0 : i32
    %dma_wait3A_609 = arith.constant 0 : i32
    %dma_wait3A_610 = tpu.memref_slice %arg3[%dma_wait3A_608, %dma_wait3A_609] : memref<26000x16xf32, #tpu.memory_space<hbm>> -> memref<26000x16xf32, #tpu.memory_space<hbm>>
    tpu.wait_indirect_dma semaphore(%arg7 : memref<!tpu.dma_semaphore, #tpu.memory_space<semaphore_mem>>) src(%dma_wait3A_610 : memref<26000x16xf32, #tpu.memory_space<hbm>>) dst(%dma_wait3A_605 : memref<128x16xf32, #tpu.memory_space<vmem>>)
    %dma_wait3A_611 = arith.constant 29 : i32
    %dma_wait3A_612 = arith.constant 0 : i32
    %dma_wait3A_613 = arith.constant 0 : i32
    %dma_wait3A_614 = tpu.memref_slice %arg6[%dma_wait3A_611, %dma_wait3A_612, %dma_wait3A_613] : memref<32x128x16xf32, #tpu.memory_space<vmem>> -> memref<1x128x16xf32, #tpu.memory_space<vmem>>
    %dma_wait3A_615 = tpu.memref_squeeze %dma_wait3A_614 : memref<1x128x16xf32, #tpu.memory_space<vmem>> -> memref<128x16xf32, #tpu.memory_space<vmem>>
    %dma_wait3A_616 = arith.constant 3712 : i32
    %dma_wait3A_617 = tpu.memref_slice %arg5[%dma_wait3A_616] : memref<4096xi32, #tpu.memory_space<vmem>> -> memref<128xi32, #tpu.memory_space<vmem>>
    %dma_wait3A_618 = arith.constant 0 : i32
    %dma_wait3A_619 = arith.constant 0 : i32
    %dma_wait3A_620 = tpu.memref_slice %arg3[%dma_wait3A_618, %dma_wait3A_619] : memref<26000x16xf32, #tpu.memory_space<hbm>> -> memref<26000x16xf32, #tpu.memory_space<hbm>>
    tpu.wait_indirect_dma semaphore(%arg7 : memref<!tpu.dma_semaphore, #tpu.memory_space<semaphore_mem>>) src(%dma_wait3A_620 : memref<26000x16xf32, #tpu.memory_space<hbm>>) dst(%dma_wait3A_615 : memref<128x16xf32, #tpu.memory_space<vmem>>)
    %dma_wait3A_621 = arith.constant 30 : i32
    %dma_wait3A_622 = arith.constant 0 : i32
    %dma_wait3A_623 = arith.constant 0 : i32
    %dma_wait3A_624 = tpu.memref_slice %arg6[%dma_wait3A_621, %dma_wait3A_622, %dma_wait3A_623] : memref<32x128x16xf32, #tpu.memory_space<vmem>> -> memref<1x128x16xf32, #tpu.memory_space<vmem>>
    %dma_wait3A_625 = tpu.memref_squeeze %dma_wait3A_624 : memref<1x128x16xf32, #tpu.memory_space<vmem>> -> memref<128x16xf32, #tpu.memory_space<vmem>>
    %dma_wait3A_626 = arith.constant 3840 : i32
    %dma_wait3A_627 = tpu.memref_slice %arg5[%dma_wait3A_626] : memref<4096xi32, #tpu.memory_space<vmem>> -> memref<128xi32, #tpu.memory_space<vmem>>
    %dma_wait3A_628 = arith.constant 0 : i32
    %dma_wait3A_629 = arith.constant 0 : i32
    %dma_wait3A_630 = tpu.memref_slice %arg3[%dma_wait3A_628, %dma_wait3A_629] : memref<26000x16xf32, #tpu.memory_space<hbm>> -> memref<26000x16xf32, #tpu.memory_space<hbm>>
    tpu.wait_indirect_dma semaphore(%arg7 : memref<!tpu.dma_semaphore, #tpu.memory_space<semaphore_mem>>) src(%dma_wait3A_630 : memref<26000x16xf32, #tpu.memory_space<hbm>>) dst(%dma_wait3A_625 : memref<128x16xf32, #tpu.memory_space<vmem>>)
    %dma_wait3A_631 = arith.constant 31 : i32
    %dma_wait3A_632 = arith.constant 0 : i32
    %dma_wait3A_633 = arith.constant 0 : i32
    %dma_wait3A_634 = tpu.memref_slice %arg6[%dma_wait3A_631, %dma_wait3A_632, %dma_wait3A_633] : memref<32x128x16xf32, #tpu.memory_space<vmem>> -> memref<1x128x16xf32, #tpu.memory_space<vmem>>
    %dma_wait3A_635 = tpu.memref_squeeze %dma_wait3A_634 : memref<1x128x16xf32, #tpu.memory_space<vmem>> -> memref<128x16xf32, #tpu.memory_space<vmem>>
    %dma_wait3A_636 = arith.constant 3968 : i32
    %dma_wait3A_637 = tpu.memref_slice %arg5[%dma_wait3A_636] : memref<4096xi32, #tpu.memory_space<vmem>> -> memref<128xi32, #tpu.memory_space<vmem>>
    %dma_wait3A_638 = arith.constant 0 : i32
    %dma_wait3A_639 = arith.constant 0 : i32
    %dma_wait3A_640 = tpu.memref_slice %arg3[%dma_wait3A_638, %dma_wait3A_639] : memref<26000x16xf32, #tpu.memory_space<hbm>> -> memref<26000x16xf32, #tpu.memory_space<hbm>>
    tpu.wait_indirect_dma semaphore(%arg7 : memref<!tpu.dma_semaphore, #tpu.memory_space<semaphore_mem>>) src(%dma_wait3A_640 : memref<26000x16xf32, #tpu.memory_space<hbm>>) dst(%dma_wait3A_635 : memref<128x16xf32, #tpu.memory_space<vmem>>)
    %dma_start3A_641 = arith.constant 0 : i32
    %dma_start3A_642 = arith.constant 0 : i32
    %dma_start3A_643 = arith.constant 0 : i32
    %dma_start3A_644 = tpu.memref_slice %arg4[%add3A, %dma_start3A_641, %dma_start3A_642, %dma_start3A_643] : memref<32x32x128x16xf32, #tpu.memory_space<hbm>> -> memref<1x32x128x16xf32, #tpu.memory_space<hbm>>
    %dma_start3A_645 = tpu.memref_squeeze %dma_start3A_644 : memref<1x32x128x16xf32, #tpu.memory_space<hbm>> -> memref<32x128x16xf32, #tpu.memory_space<hbm>>
    %dma_start3A_646 = arith.constant 0 : i32
    %dma_start3A_647 = arith.constant 0 : i32
    %dma_start3A_648 = arith.constant 0 : i32
    %dma_start3A_649 = tpu.memref_slice %arg4[%add3A, %dma_start3A_646, %dma_start3A_647, %dma_start3A_648] : memref<32x32x128x16xf32, #tpu.memory_space<hbm>> -> memref<1x32x128x16xf32, #tpu.memory_space<hbm>>
    %dma_start3A_650 = tpu.memref_squeeze %dma_start3A_649 : memref<1x32x128x16xf32, #tpu.memory_space<hbm>> -> memref<32x128x16xf32, #tpu.memory_space<hbm>>
    tpu.enqueue_dma source(%arg6 : memref<32x128x16xf32, #tpu.memory_space<vmem>>) target(%dma_start3A_650 : memref<32x128x16xf32, #tpu.memory_space<hbm>>) target_semaphore(%arg8 : memref<!tpu.dma_semaphore, #tpu.memory_space<semaphore_mem>>)
    %dma_wait3A_651 = arith.constant 0 : i32
    %dma_wait3A_652 = arith.constant 0 : i32
    %dma_wait3A_653 = arith.constant 0 : i32
    %dma_wait3A_654 = tpu.memref_slice %arg4[%add3A, %dma_wait3A_651, %dma_wait3A_652, %dma_wait3A_653] : memref<32x32x128x16xf32, #tpu.memory_space<hbm>> -> memref<1x32x128x16xf32, #tpu.memory_space<hbm>>
    %dma_wait3A_655 = tpu.memref_squeeze %dma_wait3A_654 : memref<1x32x128x16xf32, #tpu.memory_space<hbm>> -> memref<32x128x16xf32, #tpu.memory_space<hbm>>
    %dma_wait3A_656 = arith.constant 0 : i32
    %dma_wait3A_657 = arith.constant 0 : i32
    %dma_wait3A_658 = arith.constant 0 : i32
    %dma_wait3A_659 = tpu.memref_slice %arg4[%add3A, %dma_wait3A_656, %dma_wait3A_657, %dma_wait3A_658] : memref<32x32x128x16xf32, #tpu.memory_space<hbm>> -> memref<1x32x128x16xf32, #tpu.memory_space<hbm>>
    %dma_wait3A_660 = tpu.memref_squeeze %dma_wait3A_659 : memref<1x32x128x16xf32, #tpu.memory_space<hbm>> -> memref<32x128x16xf32, #tpu.memory_space<hbm>>
    tpu.wait_dma2 semaphore(%arg8 : memref<!tpu.dma_semaphore, #tpu.memory_space<semaphore_mem>>) src(%arg6 : memref<32x128x16xf32, #tpu.memory_space<vmem>>) dst(%dma_wait3A_660 : memref<32x128x16xf32, #tpu.memory_space<hbm>>)
    return
  }
}

#map = affine_map<(d0, d1) -> (0)>
#map1 = affine_map<(d0, d1) -> (0, 0)>
#map2 = affine_map<(d0, d1) -> (0, 0, 0)>
module attributes {stable_mosaic.version = 14 : i64} {
  func.func @_sc_disc_body(%arg0: i32, %arg1: i32, %arg2: memref<4096xi32, #tpu.memory_space<hbm>>, %arg3: memref<100000x32xf32, #tpu.memory_space<hbm>>, %arg4: memref<32x128x32xf32, #tpu.memory_space<hbm>>, %arg5: memref<128xi32, #tpu.memory_space<vmem>>, %arg6: memref<128x32xf32, #tpu.memory_space<vmem>>, %arg7: memref<!tpu.dma_semaphore, #tpu.memory_space<semaphore_mem>>, %arg8: memref<!tpu.dma_semaphore, #tpu.memory_space<semaphore_mem>>) attributes {dimension_semantics = [#tpu.dimension_semantics<core_parallel>, #tpu.dimension_semantics<subcore_parallel>], iteration_bounds = array<i64: 2, 16>, scalar_prefetch = 0 : i64, scratch_operands = 4 : i64, tpu.core_type = #tpu.core_type<sc_vector_subcore>, window_params = [{transform_indices = #map}, {transform_indices = #map1}, {transform_indices = #map2}]} {
    %mul3A = arith.constant 2 : i32
    %mul3A_0 = arith.muli %arg1, %mul3A : i32
    %add3A = arith.addi %mul3A_0, %arg0 : i32
    %mul3A_1 = arith.constant 128 : i32
    %mul3A_2 = arith.muli %add3A, %mul3A_1 : i32
    "tpu.region"() ({
      %run_scoped3A = tpu.sem_alloc : memref<!tpu.dma_semaphore, #tpu.memory_space<semaphore_mem>>
      %dma_start3A_1579 = tpu.memref_slice %arg2[%mul3A_2] : memref<4096xi32, #tpu.memory_space<hbm>> -> memref<128xi32, #tpu.memory_space<hbm>>
      %dma_start3A_1580 = tpu.memref_slice %arg2[%mul3A_2] : memref<4096xi32, #tpu.memory_space<hbm>> -> memref<128xi32, #tpu.memory_space<hbm>>
      tpu.enqueue_dma source(%dma_start3A_1580 : memref<128xi32, #tpu.memory_space<hbm>>) target(%arg5 : memref<128xi32, #tpu.memory_space<vmem>>) target_semaphore(%run_scoped3A : memref<!tpu.dma_semaphore, #tpu.memory_space<semaphore_mem>>)
      %dma_wait3A_1581 = tpu.memref_slice %arg2[%mul3A_2] : memref<4096xi32, #tpu.memory_space<hbm>> -> memref<128xi32, #tpu.memory_space<hbm>>
      %dma_wait3A_1582 = tpu.memref_slice %arg2[%mul3A_2] : memref<4096xi32, #tpu.memory_space<hbm>> -> memref<128xi32, #tpu.memory_space<hbm>>
      tpu.wait_dma2 semaphore(%run_scoped3A : memref<!tpu.dma_semaphore, #tpu.memory_space<semaphore_mem>>) src(%dma_wait3A_1582 : memref<128xi32, #tpu.memory_space<hbm>>) dst(%arg5 : memref<128xi32, #tpu.memory_space<vmem>>)
      tpu.yield
    }) : () -> ()
    %get3A = arith.constant 0 : index
    %get3A_3 = tpu.vector_load %arg5[%get3A] {strides = array<i32>} : memref<128xi32, #tpu.memory_space<vmem>>, vector<16xi32>,
    %get3A_4 = vector.shape_cast %get3A_3 : vector<16xi32> to vector<16xi32>
    %slice3A = vector.extract_strided_slice %get3A_4 {offsets = [0], sizes = [1], strides = [1]} : vector<16xi32> to vector<1xi32>
    %squeeze3A = vector.extract %slice3A[0] : i32 from vector<1xi32>
    %dma_start3A = arith.constant 0 : i32
    %dma_start3A_5 = arith.constant 0 : i32
    %dma_start3A_6 = tpu.memref_slice %arg6[%dma_start3A, %dma_start3A_5] : memref<128x32xf32, #tpu.memory_space<vmem>> -> memref<1x32xf32, #tpu.memory_space<vmem>>
    %dma_start3A_7 = arith.constant 0 : i32
    %dma_start3A_8 = tpu.memref_slice %arg3[%squeeze3A, %dma_start3A_7] : memref<100000x32xf32, #tpu.memory_space<hbm>> -> memref<1x32xf32, #tpu.memory_space<hbm>>
    %dma_start3A_9 = arith.constant 0 : i32
    %dma_start3A_10 = arith.constant 0 : i32
    %dma_start3A_11 = tpu.memref_slice %arg6[%dma_start3A_9, %dma_start3A_10] : memref<128x32xf32, #tpu.memory_space<vmem>> -> memref<1x32xf32, #tpu.memory_space<vmem>>
    %dma_start3A_12 = arith.constant 0 : i32
    %dma_start3A_13 = tpu.memref_slice %arg3[%squeeze3A, %dma_start3A_12] : memref<100000x32xf32, #tpu.memory_space<hbm>> -> memref<1x32xf32, #tpu.memory_space<hbm>>
    tpu.enqueue_dma source(%dma_start3A_13 : memref<1x32xf32, #tpu.memory_space<hbm>>) target(%dma_start3A_11 : memref<1x32xf32, #tpu.memory_space<vmem>>) target_semaphore(%arg7 : memref<!tpu.dma_semaphore, #tpu.memory_space<semaphore_mem>>)
    %slice3A_14 = vector.extract_strided_slice %get3A_4 {offsets = [1], sizes = [1], strides = [1]} : vector<16xi32> to vector<1xi32>
    %squeeze3A_15 = vector.extract %slice3A_14[0] : i32 from vector<1xi32>
    %dma_start3A_16 = arith.constant 1 : i32
    %dma_start3A_17 = arith.constant 0 : i32
    %dma_start3A_18 = tpu.memref_slice %arg6[%dma_start3A_16, %dma_start3A_17] : memref<128x32xf32, #tpu.memory_space<vmem>> -> memref<1x32xf32, #tpu.memory_space<vmem>>
    %dma_start3A_19 = arith.constant 0 : i32
    %dma_start3A_20 = tpu.memref_slice %arg3[%squeeze3A_15, %dma_start3A_19] : memref<100000x32xf32, #tpu.memory_space<hbm>> -> memref<1x32xf32, #tpu.memory_space<hbm>>
    %dma_start3A_21 = arith.constant 1 : i32
    %dma_start3A_22 = arith.constant 0 : i32
    %dma_start3A_23 = tpu.memref_slice %arg6[%dma_start3A_21, %dma_start3A_22] : memref<128x32xf32, #tpu.memory_space<vmem>> -> memref<1x32xf32, #tpu.memory_space<vmem>>
    %dma_start3A_24 = arith.constant 0 : i32
    %dma_start3A_25 = tpu.memref_slice %arg3[%squeeze3A_15, %dma_start3A_24] : memref<100000x32xf32, #tpu.memory_space<hbm>> -> memref<1x32xf32, #tpu.memory_space<hbm>>
    tpu.enqueue_dma source(%dma_start3A_25 : memref<1x32xf32, #tpu.memory_space<hbm>>) target(%dma_start3A_23 : memref<1x32xf32, #tpu.memory_space<vmem>>) target_semaphore(%arg7 : memref<!tpu.dma_semaphore, #tpu.memory_space<semaphore_mem>>)
    %slice3A_26 = vector.extract_strided_slice %get3A_4 {offsets = [2], sizes = [1], strides = [1]} : vector<16xi32> to vector<1xi32>
    %squeeze3A_27 = vector.extract %slice3A_26[0] : i32 from vector<1xi32>
    %dma_start3A_28 = arith.constant 2 : i32
    %dma_start3A_29 = arith.constant 0 : i32
    %dma_start3A_30 = tpu.memref_slice %arg6[%dma_start3A_28, %dma_start3A_29] : memref<128x32xf32, #tpu.memory_space<vmem>> -> memref<1x32xf32, #tpu.memory_space<vmem>>
    %dma_start3A_31 = arith.constant 0 : i32
    %dma_start3A_32 = tpu.memref_slice %arg3[%squeeze3A_27, %dma_start3A_31] : memref<100000x32xf32, #tpu.memory_space<hbm>> -> memref<1x32xf32, #tpu.memory_space<hbm>>
    %dma_start3A_33 = arith.constant 2 : i32
    %dma_start3A_34 = arith.constant 0 : i32
    %dma_start3A_35 = tpu.memref_slice %arg6[%dma_start3A_33, %dma_start3A_34] : memref<128x32xf32, #tpu.memory_space<vmem>> -> memref<1x32xf32, #tpu.memory_space<vmem>>
    %dma_start3A_36 = arith.constant 0 : i32
    %dma_start3A_37 = tpu.memref_slice %arg3[%squeeze3A_27, %dma_start3A_36] : memref<100000x32xf32, #tpu.memory_space<hbm>> -> memref<1x32xf32, #tpu.memory_space<hbm>>
    tpu.enqueue_dma source(%dma_start3A_37 : memref<1x32xf32, #tpu.memory_space<hbm>>) target(%dma_start3A_35 : memref<1x32xf32, #tpu.memory_space<vmem>>) target_semaphore(%arg7 : memref<!tpu.dma_semaphore, #tpu.memory_space<semaphore_mem>>)
    %slice3A_38 = vector.extract_strided_slice %get3A_4 {offsets = [3], sizes = [1], strides = [1]} : vector<16xi32> to vector<1xi32>
    %squeeze3A_39 = vector.extract %slice3A_38[0] : i32 from vector<1xi32>
    %dma_start3A_40 = arith.constant 3 : i32
    %dma_start3A_41 = arith.constant 0 : i32
    %dma_start3A_42 = tpu.memref_slice %arg6[%dma_start3A_40, %dma_start3A_41] : memref<128x32xf32, #tpu.memory_space<vmem>> -> memref<1x32xf32, #tpu.memory_space<vmem>>
    %dma_start3A_43 = arith.constant 0 : i32
    %dma_start3A_44 = tpu.memref_slice %arg3[%squeeze3A_39, %dma_start3A_43] : memref<100000x32xf32, #tpu.memory_space<hbm>> -> memref<1x32xf32, #tpu.memory_space<hbm>>
    %dma_start3A_45 = arith.constant 3 : i32
    %dma_start3A_46 = arith.constant 0 : i32
    %dma_start3A_47 = tpu.memref_slice %arg6[%dma_start3A_45, %dma_start3A_46] : memref<128x32xf32, #tpu.memory_space<vmem>> -> memref<1x32xf32, #tpu.memory_space<vmem>>
    %dma_start3A_48 = arith.constant 0 : i32
    %dma_start3A_49 = tpu.memref_slice %arg3[%squeeze3A_39, %dma_start3A_48] : memref<100000x32xf32, #tpu.memory_space<hbm>> -> memref<1x32xf32, #tpu.memory_space<hbm>>
    tpu.enqueue_dma source(%dma_start3A_49 : memref<1x32xf32, #tpu.memory_space<hbm>>) target(%dma_start3A_47 : memref<1x32xf32, #tpu.memory_space<vmem>>) target_semaphore(%arg7 : memref<!tpu.dma_semaphore, #tpu.memory_space<semaphore_mem>>)
    %slice3A_50 = vector.extract_strided_slice %get3A_4 {offsets = [4], sizes = [1], strides = [1]} : vector<16xi32> to vector<1xi32>
    %squeeze3A_51 = vector.extract %slice3A_50[0] : i32 from vector<1xi32>
    %dma_start3A_52 = arith.constant 4 : i32
    %dma_start3A_53 = arith.constant 0 : i32
    %dma_start3A_54 = tpu.memref_slice %arg6[%dma_start3A_52, %dma_start3A_53] : memref<128x32xf32, #tpu.memory_space<vmem>> -> memref<1x32xf32, #tpu.memory_space<vmem>>
    %dma_start3A_55 = arith.constant 0 : i32
    %dma_start3A_56 = tpu.memref_slice %arg3[%squeeze3A_51, %dma_start3A_55] : memref<100000x32xf32, #tpu.memory_space<hbm>> -> memref<1x32xf32, #tpu.memory_space<hbm>>
    %dma_start3A_57 = arith.constant 4 : i32
    %dma_start3A_58 = arith.constant 0 : i32
    %dma_start3A_59 = tpu.memref_slice %arg6[%dma_start3A_57, %dma_start3A_58] : memref<128x32xf32, #tpu.memory_space<vmem>> -> memref<1x32xf32, #tpu.memory_space<vmem>>
    %dma_start3A_60 = arith.constant 0 : i32
    %dma_start3A_61 = tpu.memref_slice %arg3[%squeeze3A_51, %dma_start3A_60] : memref<100000x32xf32, #tpu.memory_space<hbm>> -> memref<1x32xf32, #tpu.memory_space<hbm>>
    tpu.enqueue_dma source(%dma_start3A_61 : memref<1x32xf32, #tpu.memory_space<hbm>>) target(%dma_start3A_59 : memref<1x32xf32, #tpu.memory_space<vmem>>) target_semaphore(%arg7 : memref<!tpu.dma_semaphore, #tpu.memory_space<semaphore_mem>>)
    %slice3A_62 = vector.extract_strided_slice %get3A_4 {offsets = [5], sizes = [1], strides = [1]} : vector<16xi32> to vector<1xi32>
    %squeeze3A_63 = vector.extract %slice3A_62[0] : i32 from vector<1xi32>
    %dma_start3A_64 = arith.constant 5 : i32
    %dma_start3A_65 = arith.constant 0 : i32
    %dma_start3A_66 = tpu.memref_slice %arg6[%dma_start3A_64, %dma_start3A_65] : memref<128x32xf32, #tpu.memory_space<vmem>> -> memref<1x32xf32, #tpu.memory_space<vmem>>
    %dma_start3A_67 = arith.constant 0 : i32
    %dma_start3A_68 = tpu.memref_slice %arg3[%squeeze3A_63, %dma_start3A_67] : memref<100000x32xf32, #tpu.memory_space<hbm>> -> memref<1x32xf32, #tpu.memory_space<hbm>>
    %dma_start3A_69 = arith.constant 5 : i32
    %dma_start3A_70 = arith.constant 0 : i32
    %dma_start3A_71 = tpu.memref_slice %arg6[%dma_start3A_69, %dma_start3A_70] : memref<128x32xf32, #tpu.memory_space<vmem>> -> memref<1x32xf32, #tpu.memory_space<vmem>>
    %dma_start3A_72 = arith.constant 0 : i32
    %dma_start3A_73 = tpu.memref_slice %arg3[%squeeze3A_63, %dma_start3A_72] : memref<100000x32xf32, #tpu.memory_space<hbm>> -> memref<1x32xf32, #tpu.memory_space<hbm>>
    tpu.enqueue_dma source(%dma_start3A_73 : memref<1x32xf32, #tpu.memory_space<hbm>>) target(%dma_start3A_71 : memref<1x32xf32, #tpu.memory_space<vmem>>) target_semaphore(%arg7 : memref<!tpu.dma_semaphore, #tpu.memory_space<semaphore_mem>>)
    %slice3A_74 = vector.extract_strided_slice %get3A_4 {offsets = [6], sizes = [1], strides = [1]} : vector<16xi32> to vector<1xi32>
    %squeeze3A_75 = vector.extract %slice3A_74[0] : i32 from vector<1xi32>
    %dma_start3A_76 = arith.constant 6 : i32
    %dma_start3A_77 = arith.constant 0 : i32
    %dma_start3A_78 = tpu.memref_slice %arg6[%dma_start3A_76, %dma_start3A_77] : memref<128x32xf32, #tpu.memory_space<vmem>> -> memref<1x32xf32, #tpu.memory_space<vmem>>
    %dma_start3A_79 = arith.constant 0 : i32
    %dma_start3A_80 = tpu.memref_slice %arg3[%squeeze3A_75, %dma_start3A_79] : memref<100000x32xf32, #tpu.memory_space<hbm>> -> memref<1x32xf32, #tpu.memory_space<hbm>>
    %dma_start3A_81 = arith.constant 6 : i32
    %dma_start3A_82 = arith.constant 0 : i32
    %dma_start3A_83 = tpu.memref_slice %arg6[%dma_start3A_81, %dma_start3A_82] : memref<128x32xf32, #tpu.memory_space<vmem>> -> memref<1x32xf32, #tpu.memory_space<vmem>>
    %dma_start3A_84 = arith.constant 0 : i32
    %dma_start3A_85 = tpu.memref_slice %arg3[%squeeze3A_75, %dma_start3A_84] : memref<100000x32xf32, #tpu.memory_space<hbm>> -> memref<1x32xf32, #tpu.memory_space<hbm>>
    tpu.enqueue_dma source(%dma_start3A_85 : memref<1x32xf32, #tpu.memory_space<hbm>>) target(%dma_start3A_83 : memref<1x32xf32, #tpu.memory_space<vmem>>) target_semaphore(%arg7 : memref<!tpu.dma_semaphore, #tpu.memory_space<semaphore_mem>>)
    %slice3A_86 = vector.extract_strided_slice %get3A_4 {offsets = [7], sizes = [1], strides = [1]} : vector<16xi32> to vector<1xi32>
    %squeeze3A_87 = vector.extract %slice3A_86[0] : i32 from vector<1xi32>
    %dma_start3A_88 = arith.constant 7 : i32
    %dma_start3A_89 = arith.constant 0 : i32
    %dma_start3A_90 = tpu.memref_slice %arg6[%dma_start3A_88, %dma_start3A_89] : memref<128x32xf32, #tpu.memory_space<vmem>> -> memref<1x32xf32, #tpu.memory_space<vmem>>
    %dma_start3A_91 = arith.constant 0 : i32
    %dma_start3A_92 = tpu.memref_slice %arg3[%squeeze3A_87, %dma_start3A_91] : memref<100000x32xf32, #tpu.memory_space<hbm>> -> memref<1x32xf32, #tpu.memory_space<hbm>>
    %dma_start3A_93 = arith.constant 7 : i32
    %dma_start3A_94 = arith.constant 0 : i32
    %dma_start3A_95 = tpu.memref_slice %arg6[%dma_start3A_93, %dma_start3A_94] : memref<128x32xf32, #tpu.memory_space<vmem>> -> memref<1x32xf32, #tpu.memory_space<vmem>>
    %dma_start3A_96 = arith.constant 0 : i32
    %dma_start3A_97 = tpu.memref_slice %arg3[%squeeze3A_87, %dma_start3A_96] : memref<100000x32xf32, #tpu.memory_space<hbm>> -> memref<1x32xf32, #tpu.memory_space<hbm>>
    tpu.enqueue_dma source(%dma_start3A_97 : memref<1x32xf32, #tpu.memory_space<hbm>>) target(%dma_start3A_95 : memref<1x32xf32, #tpu.memory_space<vmem>>) target_semaphore(%arg7 : memref<!tpu.dma_semaphore, #tpu.memory_space<semaphore_mem>>)
    %slice3A_98 = vector.extract_strided_slice %get3A_4 {offsets = [8], sizes = [1], strides = [1]} : vector<16xi32> to vector<1xi32>
    %squeeze3A_99 = vector.extract %slice3A_98[0] : i32 from vector<1xi32>
    %dma_start3A_100 = arith.constant 8 : i32
    %dma_start3A_101 = arith.constant 0 : i32
    %dma_start3A_102 = tpu.memref_slice %arg6[%dma_start3A_100, %dma_start3A_101] : memref<128x32xf32, #tpu.memory_space<vmem>> -> memref<1x32xf32, #tpu.memory_space<vmem>>
    %dma_start3A_103 = arith.constant 0 : i32
    %dma_start3A_104 = tpu.memref_slice %arg3[%squeeze3A_99, %dma_start3A_103] : memref<100000x32xf32, #tpu.memory_space<hbm>> -> memref<1x32xf32, #tpu.memory_space<hbm>>
    %dma_start3A_105 = arith.constant 8 : i32
    %dma_start3A_106 = arith.constant 0 : i32
    %dma_start3A_107 = tpu.memref_slice %arg6[%dma_start3A_105, %dma_start3A_106] : memref<128x32xf32, #tpu.memory_space<vmem>> -> memref<1x32xf32, #tpu.memory_space<vmem>>
    %dma_start3A_108 = arith.constant 0 : i32
    %dma_start3A_109 = tpu.memref_slice %arg3[%squeeze3A_99, %dma_start3A_108] : memref<100000x32xf32, #tpu.memory_space<hbm>> -> memref<1x32xf32, #tpu.memory_space<hbm>>
    tpu.enqueue_dma source(%dma_start3A_109 : memref<1x32xf32, #tpu.memory_space<hbm>>) target(%dma_start3A_107 : memref<1x32xf32, #tpu.memory_space<vmem>>) target_semaphore(%arg7 : memref<!tpu.dma_semaphore, #tpu.memory_space<semaphore_mem>>)
    %slice3A_110 = vector.extract_strided_slice %get3A_4 {offsets = [9], sizes = [1], strides = [1]} : vector<16xi32> to vector<1xi32>
    %squeeze3A_111 = vector.extract %slice3A_110[0] : i32 from vector<1xi32>
    %dma_start3A_112 = arith.constant 9 : i32
    %dma_start3A_113 = arith.constant 0 : i32
    %dma_start3A_114 = tpu.memref_slice %arg6[%dma_start3A_112, %dma_start3A_113] : memref<128x32xf32, #tpu.memory_space<vmem>> -> memref<1x32xf32, #tpu.memory_space<vmem>>
    %dma_start3A_115 = arith.constant 0 : i32
    %dma_start3A_116 = tpu.memref_slice %arg3[%squeeze3A_111, %dma_start3A_115] : memref<100000x32xf32, #tpu.memory_space<hbm>> -> memref<1x32xf32, #tpu.memory_space<hbm>>
    %dma_start3A_117 = arith.constant 9 : i32
    %dma_start3A_118 = arith.constant 0 : i32
    %dma_start3A_119 = tpu.memref_slice %arg6[%dma_start3A_117, %dma_start3A_118] : memref<128x32xf32, #tpu.memory_space<vmem>> -> memref<1x32xf32, #tpu.memory_space<vmem>>
    %dma_start3A_120 = arith.constant 0 : i32
    %dma_start3A_121 = tpu.memref_slice %arg3[%squeeze3A_111, %dma_start3A_120] : memref<100000x32xf32, #tpu.memory_space<hbm>> -> memref<1x32xf32, #tpu.memory_space<hbm>>
    tpu.enqueue_dma source(%dma_start3A_121 : memref<1x32xf32, #tpu.memory_space<hbm>>) target(%dma_start3A_119 : memref<1x32xf32, #tpu.memory_space<vmem>>) target_semaphore(%arg7 : memref<!tpu.dma_semaphore, #tpu.memory_space<semaphore_mem>>)
    %slice3A_122 = vector.extract_strided_slice %get3A_4 {offsets = [10], sizes = [1], strides = [1]} : vector<16xi32> to vector<1xi32>
    %squeeze3A_123 = vector.extract %slice3A_122[0] : i32 from vector<1xi32>
    %dma_start3A_124 = arith.constant 10 : i32
    %dma_start3A_125 = arith.constant 0 : i32
    %dma_start3A_126 = tpu.memref_slice %arg6[%dma_start3A_124, %dma_start3A_125] : memref<128x32xf32, #tpu.memory_space<vmem>> -> memref<1x32xf32, #tpu.memory_space<vmem>>
    %dma_start3A_127 = arith.constant 0 : i32
    %dma_start3A_128 = tpu.memref_slice %arg3[%squeeze3A_123, %dma_start3A_127] : memref<100000x32xf32, #tpu.memory_space<hbm>> -> memref<1x32xf32, #tpu.memory_space<hbm>>
    %dma_start3A_129 = arith.constant 10 : i32
    %dma_start3A_130 = arith.constant 0 : i32
    %dma_start3A_131 = tpu.memref_slice %arg6[%dma_start3A_129, %dma_start3A_130] : memref<128x32xf32, #tpu.memory_space<vmem>> -> memref<1x32xf32, #tpu.memory_space<vmem>>
    %dma_start3A_132 = arith.constant 0 : i32
    %dma_start3A_133 = tpu.memref_slice %arg3[%squeeze3A_123, %dma_start3A_132] : memref<100000x32xf32, #tpu.memory_space<hbm>> -> memref<1x32xf32, #tpu.memory_space<hbm>>
    tpu.enqueue_dma source(%dma_start3A_133 : memref<1x32xf32, #tpu.memory_space<hbm>>) target(%dma_start3A_131 : memref<1x32xf32, #tpu.memory_space<vmem>>) target_semaphore(%arg7 : memref<!tpu.dma_semaphore, #tpu.memory_space<semaphore_mem>>)
    %slice3A_134 = vector.extract_strided_slice %get3A_4 {offsets = [11], sizes = [1], strides = [1]} : vector<16xi32> to vector<1xi32>
    %squeeze3A_135 = vector.extract %slice3A_134[0] : i32 from vector<1xi32>
    %dma_start3A_136 = arith.constant 11 : i32
    %dma_start3A_137 = arith.constant 0 : i32
    %dma_start3A_138 = tpu.memref_slice %arg6[%dma_start3A_136, %dma_start3A_137] : memref<128x32xf32, #tpu.memory_space<vmem>> -> memref<1x32xf32, #tpu.memory_space<vmem>>
    %dma_start3A_139 = arith.constant 0 : i32
    %dma_start3A_140 = tpu.memref_slice %arg3[%squeeze3A_135, %dma_start3A_139] : memref<100000x32xf32, #tpu.memory_space<hbm>> -> memref<1x32xf32, #tpu.memory_space<hbm>>
    %dma_start3A_141 = arith.constant 11 : i32
    %dma_start3A_142 = arith.constant 0 : i32
    %dma_start3A_143 = tpu.memref_slice %arg6[%dma_start3A_141, %dma_start3A_142] : memref<128x32xf32, #tpu.memory_space<vmem>> -> memref<1x32xf32, #tpu.memory_space<vmem>>
    %dma_start3A_144 = arith.constant 0 : i32
    %dma_start3A_145 = tpu.memref_slice %arg3[%squeeze3A_135, %dma_start3A_144] : memref<100000x32xf32, #tpu.memory_space<hbm>> -> memref<1x32xf32, #tpu.memory_space<hbm>>
    tpu.enqueue_dma source(%dma_start3A_145 : memref<1x32xf32, #tpu.memory_space<hbm>>) target(%dma_start3A_143 : memref<1x32xf32, #tpu.memory_space<vmem>>) target_semaphore(%arg7 : memref<!tpu.dma_semaphore, #tpu.memory_space<semaphore_mem>>)
    %slice3A_146 = vector.extract_strided_slice %get3A_4 {offsets = [12], sizes = [1], strides = [1]} : vector<16xi32> to vector<1xi32>
    %squeeze3A_147 = vector.extract %slice3A_146[0] : i32 from vector<1xi32>
    %dma_start3A_148 = arith.constant 12 : i32
    %dma_start3A_149 = arith.constant 0 : i32
    %dma_start3A_150 = tpu.memref_slice %arg6[%dma_start3A_148, %dma_start3A_149] : memref<128x32xf32, #tpu.memory_space<vmem>> -> memref<1x32xf32, #tpu.memory_space<vmem>>
    %dma_start3A_151 = arith.constant 0 : i32
    %dma_start3A_152 = tpu.memref_slice %arg3[%squeeze3A_147, %dma_start3A_151] : memref<100000x32xf32, #tpu.memory_space<hbm>> -> memref<1x32xf32, #tpu.memory_space<hbm>>
    %dma_start3A_153 = arith.constant 12 : i32
    %dma_start3A_154 = arith.constant 0 : i32
    %dma_start3A_155 = tpu.memref_slice %arg6[%dma_start3A_153, %dma_start3A_154] : memref<128x32xf32, #tpu.memory_space<vmem>> -> memref<1x32xf32, #tpu.memory_space<vmem>>
    %dma_start3A_156 = arith.constant 0 : i32
    %dma_start3A_157 = tpu.memref_slice %arg3[%squeeze3A_147, %dma_start3A_156] : memref<100000x32xf32, #tpu.memory_space<hbm>> -> memref<1x32xf32, #tpu.memory_space<hbm>>
    tpu.enqueue_dma source(%dma_start3A_157 : memref<1x32xf32, #tpu.memory_space<hbm>>) target(%dma_start3A_155 : memref<1x32xf32, #tpu.memory_space<vmem>>) target_semaphore(%arg7 : memref<!tpu.dma_semaphore, #tpu.memory_space<semaphore_mem>>)
    %slice3A_158 = vector.extract_strided_slice %get3A_4 {offsets = [13], sizes = [1], strides = [1]} : vector<16xi32> to vector<1xi32>
    %squeeze3A_159 = vector.extract %slice3A_158[0] : i32 from vector<1xi32>
    %dma_start3A_160 = arith.constant 13 : i32
    %dma_start3A_161 = arith.constant 0 : i32
    %dma_start3A_162 = tpu.memref_slice %arg6[%dma_start3A_160, %dma_start3A_161] : memref<128x32xf32, #tpu.memory_space<vmem>> -> memref<1x32xf32, #tpu.memory_space<vmem>>
    %dma_start3A_163 = arith.constant 0 : i32
    %dma_start3A_164 = tpu.memref_slice %arg3[%squeeze3A_159, %dma_start3A_163] : memref<100000x32xf32, #tpu.memory_space<hbm>> -> memref<1x32xf32, #tpu.memory_space<hbm>>
    %dma_start3A_165 = arith.constant 13 : i32
    %dma_start3A_166 = arith.constant 0 : i32
    %dma_start3A_167 = tpu.memref_slice %arg6[%dma_start3A_165, %dma_start3A_166] : memref<128x32xf32, #tpu.memory_space<vmem>> -> memref<1x32xf32, #tpu.memory_space<vmem>>
    %dma_start3A_168 = arith.constant 0 : i32
    %dma_start3A_169 = tpu.memref_slice %arg3[%squeeze3A_159, %dma_start3A_168] : memref<100000x32xf32, #tpu.memory_space<hbm>> -> memref<1x32xf32, #tpu.memory_space<hbm>>
    tpu.enqueue_dma source(%dma_start3A_169 : memref<1x32xf32, #tpu.memory_space<hbm>>) target(%dma_start3A_167 : memref<1x32xf32, #tpu.memory_space<vmem>>) target_semaphore(%arg7 : memref<!tpu.dma_semaphore, #tpu.memory_space<semaphore_mem>>)
    %slice3A_170 = vector.extract_strided_slice %get3A_4 {offsets = [14], sizes = [1], strides = [1]} : vector<16xi32> to vector<1xi32>
    %squeeze3A_171 = vector.extract %slice3A_170[0] : i32 from vector<1xi32>
    %dma_start3A_172 = arith.constant 14 : i32
    %dma_start3A_173 = arith.constant 0 : i32
    %dma_start3A_174 = tpu.memref_slice %arg6[%dma_start3A_172, %dma_start3A_173] : memref<128x32xf32, #tpu.memory_space<vmem>> -> memref<1x32xf32, #tpu.memory_space<vmem>>
    %dma_start3A_175 = arith.constant 0 : i32
    %dma_start3A_176 = tpu.memref_slice %arg3[%squeeze3A_171, %dma_start3A_175] : memref<100000x32xf32, #tpu.memory_space<hbm>> -> memref<1x32xf32, #tpu.memory_space<hbm>>
    %dma_start3A_177 = arith.constant 14 : i32
    %dma_start3A_178 = arith.constant 0 : i32
    %dma_start3A_179 = tpu.memref_slice %arg6[%dma_start3A_177, %dma_start3A_178] : memref<128x32xf32, #tpu.memory_space<vmem>> -> memref<1x32xf32, #tpu.memory_space<vmem>>
    %dma_start3A_180 = arith.constant 0 : i32
    %dma_start3A_181 = tpu.memref_slice %arg3[%squeeze3A_171, %dma_start3A_180] : memref<100000x32xf32, #tpu.memory_space<hbm>> -> memref<1x32xf32, #tpu.memory_space<hbm>>
    tpu.enqueue_dma source(%dma_start3A_181 : memref<1x32xf32, #tpu.memory_space<hbm>>) target(%dma_start3A_179 : memref<1x32xf32, #tpu.memory_space<vmem>>) target_semaphore(%arg7 : memref<!tpu.dma_semaphore, #tpu.memory_space<semaphore_mem>>)
    %slice3A_182 = vector.extract_strided_slice %get3A_4 {offsets = [15], sizes = [1], strides = [1]} : vector<16xi32> to vector<1xi32>
    %squeeze3A_183 = vector.extract %slice3A_182[0] : i32 from vector<1xi32>
    %dma_start3A_184 = arith.constant 15 : i32
    %dma_start3A_185 = arith.constant 0 : i32
    %dma_start3A_186 = tpu.memref_slice %arg6[%dma_start3A_184, %dma_start3A_185] : memref<128x32xf32, #tpu.memory_space<vmem>> -> memref<1x32xf32, #tpu.memory_space<vmem>>
    %dma_start3A_187 = arith.constant 0 : i32
    %dma_start3A_188 = tpu.memref_slice %arg3[%squeeze3A_183, %dma_start3A_187] : memref<100000x32xf32, #tpu.memory_space<hbm>> -> memref<1x32xf32, #tpu.memory_space<hbm>>
    %dma_start3A_189 = arith.constant 15 : i32
    %dma_start3A_190 = arith.constant 0 : i32
    %dma_start3A_191 = tpu.memref_slice %arg6[%dma_start3A_189, %dma_start3A_190] : memref<128x32xf32, #tpu.memory_space<vmem>> -> memref<1x32xf32, #tpu.memory_space<vmem>>
    %dma_start3A_192 = arith.constant 0 : i32
    %dma_start3A_193 = tpu.memref_slice %arg3[%squeeze3A_183, %dma_start3A_192] : memref<100000x32xf32, #tpu.memory_space<hbm>> -> memref<1x32xf32, #tpu.memory_space<hbm>>
    tpu.enqueue_dma source(%dma_start3A_193 : memref<1x32xf32, #tpu.memory_space<hbm>>) target(%dma_start3A_191 : memref<1x32xf32, #tpu.memory_space<vmem>>) target_semaphore(%arg7 : memref<!tpu.dma_semaphore, #tpu.memory_space<semaphore_mem>>)
    %get3A_194 = arith.constant 16 : index
    %get3A_195 = tpu.vector_load %arg5[%get3A_194] {strides = array<i32>} : memref<128xi32, #tpu.memory_space<vmem>>, vector<16xi32>,
    %get3A_196 = vector.shape_cast %get3A_195 : vector<16xi32> to vector<16xi32>
    %slice3A_197 = vector.extract_strided_slice %get3A_196 {offsets = [0], sizes = [1], strides = [1]} : vector<16xi32> to vector<1xi32>
    %squeeze3A_198 = vector.extract %slice3A_197[0] : i32 from vector<1xi32>
    %dma_start3A_199 = arith.constant 16 : i32
    %dma_start3A_200 = arith.constant 0 : i32
    %dma_start3A_201 = tpu.memref_slice %arg6[%dma_start3A_199, %dma_start3A_200] : memref<128x32xf32, #tpu.memory_space<vmem>> -> memref<1x32xf32, #tpu.memory_space<vmem>>
    %dma_start3A_202 = arith.constant 0 : i32
    %dma_start3A_203 = tpu.memref_slice %arg3[%squeeze3A_198, %dma_start3A_202] : memref<100000x32xf32, #tpu.memory_space<hbm>> -> memref<1x32xf32, #tpu.memory_space<hbm>>
    %dma_start3A_204 = arith.constant 16 : i32
    %dma_start3A_205 = arith.constant 0 : i32
    %dma_start3A_206 = tpu.memref_slice %arg6[%dma_start3A_204, %dma_start3A_205] : memref<128x32xf32, #tpu.memory_space<vmem>> -> memref<1x32xf32, #tpu.memory_space<vmem>>
    %dma_start3A_207 = arith.constant 0 : i32
    %dma_start3A_208 = tpu.memref_slice %arg3[%squeeze3A_198, %dma_start3A_207] : memref<100000x32xf32, #tpu.memory_space<hbm>> -> memref<1x32xf32, #tpu.memory_space<hbm>>
    tpu.enqueue_dma source(%dma_start3A_208 : memref<1x32xf32, #tpu.memory_space<hbm>>) target(%dma_start3A_206 : memref<1x32xf32, #tpu.memory_space<vmem>>) target_semaphore(%arg7 : memref<!tpu.dma_semaphore, #tpu.memory_space<semaphore_mem>>)
    %slice3A_209 = vector.extract_strided_slice %get3A_196 {offsets = [1], sizes = [1], strides = [1]} : vector<16xi32> to vector<1xi32>
    %squeeze3A_210 = vector.extract %slice3A_209[0] : i32 from vector<1xi32>
    %dma_start3A_211 = arith.constant 17 : i32
    %dma_start3A_212 = arith.constant 0 : i32
    %dma_start3A_213 = tpu.memref_slice %arg6[%dma_start3A_211, %dma_start3A_212] : memref<128x32xf32, #tpu.memory_space<vmem>> -> memref<1x32xf32, #tpu.memory_space<vmem>>
    %dma_start3A_214 = arith.constant 0 : i32
    %dma_start3A_215 = tpu.memref_slice %arg3[%squeeze3A_210, %dma_start3A_214] : memref<100000x32xf32, #tpu.memory_space<hbm>> -> memref<1x32xf32, #tpu.memory_space<hbm>>
    %dma_start3A_216 = arith.constant 17 : i32
    %dma_start3A_217 = arith.constant 0 : i32
    %dma_start3A_218 = tpu.memref_slice %arg6[%dma_start3A_216, %dma_start3A_217] : memref<128x32xf32, #tpu.memory_space<vmem>> -> memref<1x32xf32, #tpu.memory_space<vmem>>
    %dma_start3A_219 = arith.constant 0 : i32
    %dma_start3A_220 = tpu.memref_slice %arg3[%squeeze3A_210, %dma_start3A_219] : memref<100000x32xf32, #tpu.memory_space<hbm>> -> memref<1x32xf32, #tpu.memory_space<hbm>>
    tpu.enqueue_dma source(%dma_start3A_220 : memref<1x32xf32, #tpu.memory_space<hbm>>) target(%dma_start3A_218 : memref<1x32xf32, #tpu.memory_space<vmem>>) target_semaphore(%arg7 : memref<!tpu.dma_semaphore, #tpu.memory_space<semaphore_mem>>)
    %slice3A_221 = vector.extract_strided_slice %get3A_196 {offsets = [2], sizes = [1], strides = [1]} : vector<16xi32> to vector<1xi32>
    %squeeze3A_222 = vector.extract %slice3A_221[0] : i32 from vector<1xi32>
    %dma_start3A_223 = arith.constant 18 : i32
    %dma_start3A_224 = arith.constant 0 : i32
    %dma_start3A_225 = tpu.memref_slice %arg6[%dma_start3A_223, %dma_start3A_224] : memref<128x32xf32, #tpu.memory_space<vmem>> -> memref<1x32xf32, #tpu.memory_space<vmem>>
    %dma_start3A_226 = arith.constant 0 : i32
    %dma_start3A_227 = tpu.memref_slice %arg3[%squeeze3A_222, %dma_start3A_226] : memref<100000x32xf32, #tpu.memory_space<hbm>> -> memref<1x32xf32, #tpu.memory_space<hbm>>
    %dma_start3A_228 = arith.constant 18 : i32
    %dma_start3A_229 = arith.constant 0 : i32
    %dma_start3A_230 = tpu.memref_slice %arg6[%dma_start3A_228, %dma_start3A_229] : memref<128x32xf32, #tpu.memory_space<vmem>> -> memref<1x32xf32, #tpu.memory_space<vmem>>
    %dma_start3A_231 = arith.constant 0 : i32
    %dma_start3A_232 = tpu.memref_slice %arg3[%squeeze3A_222, %dma_start3A_231] : memref<100000x32xf32, #tpu.memory_space<hbm>> -> memref<1x32xf32, #tpu.memory_space<hbm>>
    tpu.enqueue_dma source(%dma_start3A_232 : memref<1x32xf32, #tpu.memory_space<hbm>>) target(%dma_start3A_230 : memref<1x32xf32, #tpu.memory_space<vmem>>) target_semaphore(%arg7 : memref<!tpu.dma_semaphore, #tpu.memory_space<semaphore_mem>>)
    %slice3A_233 = vector.extract_strided_slice %get3A_196 {offsets = [3], sizes = [1], strides = [1]} : vector<16xi32> to vector<1xi32>
    %squeeze3A_234 = vector.extract %slice3A_233[0] : i32 from vector<1xi32>
    %dma_start3A_235 = arith.constant 19 : i32
    %dma_start3A_236 = arith.constant 0 : i32
    %dma_start3A_237 = tpu.memref_slice %arg6[%dma_start3A_235, %dma_start3A_236] : memref<128x32xf32, #tpu.memory_space<vmem>> -> memref<1x32xf32, #tpu.memory_space<vmem>>
    %dma_start3A_238 = arith.constant 0 : i32
    %dma_start3A_239 = tpu.memref_slice %arg3[%squeeze3A_234, %dma_start3A_238] : memref<100000x32xf32, #tpu.memory_space<hbm>> -> memref<1x32xf32, #tpu.memory_space<hbm>>
    %dma_start3A_240 = arith.constant 19 : i32
    %dma_start3A_241 = arith.constant 0 : i32
    %dma_start3A_242 = tpu.memref_slice %arg6[%dma_start3A_240, %dma_start3A_241] : memref<128x32xf32, #tpu.memory_space<vmem>> -> memref<1x32xf32, #tpu.memory_space<vmem>>
    %dma_start3A_243 = arith.constant 0 : i32
    %dma_start3A_244 = tpu.memref_slice %arg3[%squeeze3A_234, %dma_start3A_243] : memref<100000x32xf32, #tpu.memory_space<hbm>> -> memref<1x32xf32, #tpu.memory_space<hbm>>
    tpu.enqueue_dma source(%dma_start3A_244 : memref<1x32xf32, #tpu.memory_space<hbm>>) target(%dma_start3A_242 : memref<1x32xf32, #tpu.memory_space<vmem>>) target_semaphore(%arg7 : memref<!tpu.dma_semaphore, #tpu.memory_space<semaphore_mem>>)
    %slice3A_245 = vector.extract_strided_slice %get3A_196 {offsets = [4], sizes = [1], strides = [1]} : vector<16xi32> to vector<1xi32>
    %squeeze3A_246 = vector.extract %slice3A_245[0] : i32 from vector<1xi32>
    %dma_start3A_247 = arith.constant 20 : i32
    %dma_start3A_248 = arith.constant 0 : i32
    %dma_start3A_249 = tpu.memref_slice %arg6[%dma_start3A_247, %dma_start3A_248] : memref<128x32xf32, #tpu.memory_space<vmem>> -> memref<1x32xf32, #tpu.memory_space<vmem>>
    %dma_start3A_250 = arith.constant 0 : i32
    %dma_start3A_251 = tpu.memref_slice %arg3[%squeeze3A_246, %dma_start3A_250] : memref<100000x32xf32, #tpu.memory_space<hbm>> -> memref<1x32xf32, #tpu.memory_space<hbm>>
    %dma_start3A_252 = arith.constant 20 : i32
    %dma_start3A_253 = arith.constant 0 : i32
    %dma_start3A_254 = tpu.memref_slice %arg6[%dma_start3A_252, %dma_start3A_253] : memref<128x32xf32, #tpu.memory_space<vmem>> -> memref<1x32xf32, #tpu.memory_space<vmem>>
    %dma_start3A_255 = arith.constant 0 : i32
    %dma_start3A_256 = tpu.memref_slice %arg3[%squeeze3A_246, %dma_start3A_255] : memref<100000x32xf32, #tpu.memory_space<hbm>> -> memref<1x32xf32, #tpu.memory_space<hbm>>
    tpu.enqueue_dma source(%dma_start3A_256 : memref<1x32xf32, #tpu.memory_space<hbm>>) target(%dma_start3A_254 : memref<1x32xf32, #tpu.memory_space<vmem>>) target_semaphore(%arg7 : memref<!tpu.dma_semaphore, #tpu.memory_space<semaphore_mem>>)
    %slice3A_257 = vector.extract_strided_slice %get3A_196 {offsets = [5], sizes = [1], strides = [1]} : vector<16xi32> to vector<1xi32>
    %squeeze3A_258 = vector.extract %slice3A_257[0] : i32 from vector<1xi32>
    %dma_start3A_259 = arith.constant 21 : i32
    %dma_start3A_260 = arith.constant 0 : i32
    %dma_start3A_261 = tpu.memref_slice %arg6[%dma_start3A_259, %dma_start3A_260] : memref<128x32xf32, #tpu.memory_space<vmem>> -> memref<1x32xf32, #tpu.memory_space<vmem>>
    %dma_start3A_262 = arith.constant 0 : i32
    %dma_start3A_263 = tpu.memref_slice %arg3[%squeeze3A_258, %dma_start3A_262] : memref<100000x32xf32, #tpu.memory_space<hbm>> -> memref<1x32xf32, #tpu.memory_space<hbm>>
    %dma_start3A_264 = arith.constant 21 : i32
    %dma_start3A_265 = arith.constant 0 : i32
    %dma_start3A_266 = tpu.memref_slice %arg6[%dma_start3A_264, %dma_start3A_265] : memref<128x32xf32, #tpu.memory_space<vmem>> -> memref<1x32xf32, #tpu.memory_space<vmem>>
    %dma_start3A_267 = arith.constant 0 : i32
    %dma_start3A_268 = tpu.memref_slice %arg3[%squeeze3A_258, %dma_start3A_267] : memref<100000x32xf32, #tpu.memory_space<hbm>> -> memref<1x32xf32, #tpu.memory_space<hbm>>
    tpu.enqueue_dma source(%dma_start3A_268 : memref<1x32xf32, #tpu.memory_space<hbm>>) target(%dma_start3A_266 : memref<1x32xf32, #tpu.memory_space<vmem>>) target_semaphore(%arg7 : memref<!tpu.dma_semaphore, #tpu.memory_space<semaphore_mem>>)
    %slice3A_269 = vector.extract_strided_slice %get3A_196 {offsets = [6], sizes = [1], strides = [1]} : vector<16xi32> to vector<1xi32>
    %squeeze3A_270 = vector.extract %slice3A_269[0] : i32 from vector<1xi32>
    %dma_start3A_271 = arith.constant 22 : i32
    %dma_start3A_272 = arith.constant 0 : i32
    %dma_start3A_273 = tpu.memref_slice %arg6[%dma_start3A_271, %dma_start3A_272] : memref<128x32xf32, #tpu.memory_space<vmem>> -> memref<1x32xf32, #tpu.memory_space<vmem>>
    %dma_start3A_274 = arith.constant 0 : i32
    %dma_start3A_275 = tpu.memref_slice %arg3[%squeeze3A_270, %dma_start3A_274] : memref<100000x32xf32, #tpu.memory_space<hbm>> -> memref<1x32xf32, #tpu.memory_space<hbm>>
    %dma_start3A_276 = arith.constant 22 : i32
    %dma_start3A_277 = arith.constant 0 : i32
    %dma_start3A_278 = tpu.memref_slice %arg6[%dma_start3A_276, %dma_start3A_277] : memref<128x32xf32, #tpu.memory_space<vmem>> -> memref<1x32xf32, #tpu.memory_space<vmem>>
    %dma_start3A_279 = arith.constant 0 : i32
    %dma_start3A_280 = tpu.memref_slice %arg3[%squeeze3A_270, %dma_start3A_279] : memref<100000x32xf32, #tpu.memory_space<hbm>> -> memref<1x32xf32, #tpu.memory_space<hbm>>
    tpu.enqueue_dma source(%dma_start3A_280 : memref<1x32xf32, #tpu.memory_space<hbm>>) target(%dma_start3A_278 : memref<1x32xf32, #tpu.memory_space<vmem>>) target_semaphore(%arg7 : memref<!tpu.dma_semaphore, #tpu.memory_space<semaphore_mem>>)
    %slice3A_281 = vector.extract_strided_slice %get3A_196 {offsets = [7], sizes = [1], strides = [1]} : vector<16xi32> to vector<1xi32>
    %squeeze3A_282 = vector.extract %slice3A_281[0] : i32 from vector<1xi32>
    %dma_start3A_283 = arith.constant 23 : i32
    %dma_start3A_284 = arith.constant 0 : i32
    %dma_start3A_285 = tpu.memref_slice %arg6[%dma_start3A_283, %dma_start3A_284] : memref<128x32xf32, #tpu.memory_space<vmem>> -> memref<1x32xf32, #tpu.memory_space<vmem>>
    %dma_start3A_286 = arith.constant 0 : i32
    %dma_start3A_287 = tpu.memref_slice %arg3[%squeeze3A_282, %dma_start3A_286] : memref<100000x32xf32, #tpu.memory_space<hbm>> -> memref<1x32xf32, #tpu.memory_space<hbm>>
    %dma_start3A_288 = arith.constant 23 : i32
    %dma_start3A_289 = arith.constant 0 : i32
    %dma_start3A_290 = tpu.memref_slice %arg6[%dma_start3A_288, %dma_start3A_289] : memref<128x32xf32, #tpu.memory_space<vmem>> -> memref<1x32xf32, #tpu.memory_space<vmem>>
    %dma_start3A_291 = arith.constant 0 : i32
    %dma_start3A_292 = tpu.memref_slice %arg3[%squeeze3A_282, %dma_start3A_291] : memref<100000x32xf32, #tpu.memory_space<hbm>> -> memref<1x32xf32, #tpu.memory_space<hbm>>
    tpu.enqueue_dma source(%dma_start3A_292 : memref<1x32xf32, #tpu.memory_space<hbm>>) target(%dma_start3A_290 : memref<1x32xf32, #tpu.memory_space<vmem>>) target_semaphore(%arg7 : memref<!tpu.dma_semaphore, #tpu.memory_space<semaphore_mem>>)
    %slice3A_293 = vector.extract_strided_slice %get3A_196 {offsets = [8], sizes = [1], strides = [1]} : vector<16xi32> to vector<1xi32>
    %squeeze3A_294 = vector.extract %slice3A_293[0] : i32 from vector<1xi32>
    %dma_start3A_295 = arith.constant 24 : i32
    %dma_start3A_296 = arith.constant 0 : i32
    %dma_start3A_297 = tpu.memref_slice %arg6[%dma_start3A_295, %dma_start3A_296] : memref<128x32xf32, #tpu.memory_space<vmem>> -> memref<1x32xf32, #tpu.memory_space<vmem>>
    %dma_start3A_298 = arith.constant 0 : i32
    %dma_start3A_299 = tpu.memref_slice %arg3[%squeeze3A_294, %dma_start3A_298] : memref<100000x32xf32, #tpu.memory_space<hbm>> -> memref<1x32xf32, #tpu.memory_space<hbm>>
    %dma_start3A_300 = arith.constant 24 : i32
    %dma_start3A_301 = arith.constant 0 : i32
    %dma_start3A_302 = tpu.memref_slice %arg6[%dma_start3A_300, %dma_start3A_301] : memref<128x32xf32, #tpu.memory_space<vmem>> -> memref<1x32xf32, #tpu.memory_space<vmem>>
    %dma_start3A_303 = arith.constant 0 : i32
    %dma_start3A_304 = tpu.memref_slice %arg3[%squeeze3A_294, %dma_start3A_303] : memref<100000x32xf32, #tpu.memory_space<hbm>> -> memref<1x32xf32, #tpu.memory_space<hbm>>
    tpu.enqueue_dma source(%dma_start3A_304 : memref<1x32xf32, #tpu.memory_space<hbm>>) target(%dma_start3A_302 : memref<1x32xf32, #tpu.memory_space<vmem>>) target_semaphore(%arg7 : memref<!tpu.dma_semaphore, #tpu.memory_space<semaphore_mem>>)
    %slice3A_305 = vector.extract_strided_slice %get3A_196 {offsets = [9], sizes = [1], strides = [1]} : vector<16xi32> to vector<1xi32>
    %squeeze3A_306 = vector.extract %slice3A_305[0] : i32 from vector<1xi32>
    %dma_start3A_307 = arith.constant 25 : i32
    %dma_start3A_308 = arith.constant 0 : i32
    %dma_start3A_309 = tpu.memref_slice %arg6[%dma_start3A_307, %dma_start3A_308] : memref<128x32xf32, #tpu.memory_space<vmem>> -> memref<1x32xf32, #tpu.memory_space<vmem>>
    %dma_start3A_310 = arith.constant 0 : i32
    %dma_start3A_311 = tpu.memref_slice %arg3[%squeeze3A_306, %dma_start3A_310] : memref<100000x32xf32, #tpu.memory_space<hbm>> -> memref<1x32xf32, #tpu.memory_space<hbm>>
    %dma_start3A_312 = arith.constant 25 : i32
    %dma_start3A_313 = arith.constant 0 : i32
    %dma_start3A_314 = tpu.memref_slice %arg6[%dma_start3A_312, %dma_start3A_313] : memref<128x32xf32, #tpu.memory_space<vmem>> -> memref<1x32xf32, #tpu.memory_space<vmem>>
    %dma_start3A_315 = arith.constant 0 : i32
    %dma_start3A_316 = tpu.memref_slice %arg3[%squeeze3A_306, %dma_start3A_315] : memref<100000x32xf32, #tpu.memory_space<hbm>> -> memref<1x32xf32, #tpu.memory_space<hbm>>
    tpu.enqueue_dma source(%dma_start3A_316 : memref<1x32xf32, #tpu.memory_space<hbm>>) target(%dma_start3A_314 : memref<1x32xf32, #tpu.memory_space<vmem>>) target_semaphore(%arg7 : memref<!tpu.dma_semaphore, #tpu.memory_space<semaphore_mem>>)
    %slice3A_317 = vector.extract_strided_slice %get3A_196 {offsets = [10], sizes = [1], strides = [1]} : vector<16xi32> to vector<1xi32>
    %squeeze3A_318 = vector.extract %slice3A_317[0] : i32 from vector<1xi32>
    %dma_start3A_319 = arith.constant 26 : i32
    %dma_start3A_320 = arith.constant 0 : i32
    %dma_start3A_321 = tpu.memref_slice %arg6[%dma_start3A_319, %dma_start3A_320] : memref<128x32xf32, #tpu.memory_space<vmem>> -> memref<1x32xf32, #tpu.memory_space<vmem>>
    %dma_start3A_322 = arith.constant 0 : i32
    %dma_start3A_323 = tpu.memref_slice %arg3[%squeeze3A_318, %dma_start3A_322] : memref<100000x32xf32, #tpu.memory_space<hbm>> -> memref<1x32xf32, #tpu.memory_space<hbm>>
    %dma_start3A_324 = arith.constant 26 : i32
    %dma_start3A_325 = arith.constant 0 : i32
    %dma_start3A_326 = tpu.memref_slice %arg6[%dma_start3A_324, %dma_start3A_325] : memref<128x32xf32, #tpu.memory_space<vmem>> -> memref<1x32xf32, #tpu.memory_space<vmem>>
    %dma_start3A_327 = arith.constant 0 : i32
    %dma_start3A_328 = tpu.memref_slice %arg3[%squeeze3A_318, %dma_start3A_327] : memref<100000x32xf32, #tpu.memory_space<hbm>> -> memref<1x32xf32, #tpu.memory_space<hbm>>
    tpu.enqueue_dma source(%dma_start3A_328 : memref<1x32xf32, #tpu.memory_space<hbm>>) target(%dma_start3A_326 : memref<1x32xf32, #tpu.memory_space<vmem>>) target_semaphore(%arg7 : memref<!tpu.dma_semaphore, #tpu.memory_space<semaphore_mem>>)
    %slice3A_329 = vector.extract_strided_slice %get3A_196 {offsets = [11], sizes = [1], strides = [1]} : vector<16xi32> to vector<1xi32>
    %squeeze3A_330 = vector.extract %slice3A_329[0] : i32 from vector<1xi32>
    %dma_start3A_331 = arith.constant 27 : i32
    %dma_start3A_332 = arith.constant 0 : i32
    %dma_start3A_333 = tpu.memref_slice %arg6[%dma_start3A_331, %dma_start3A_332] : memref<128x32xf32, #tpu.memory_space<vmem>> -> memref<1x32xf32, #tpu.memory_space<vmem>>
    %dma_start3A_334 = arith.constant 0 : i32
    %dma_start3A_335 = tpu.memref_slice %arg3[%squeeze3A_330, %dma_start3A_334] : memref<100000x32xf32, #tpu.memory_space<hbm>> -> memref<1x32xf32, #tpu.memory_space<hbm>>
    %dma_start3A_336 = arith.constant 27 : i32
    %dma_start3A_337 = arith.constant 0 : i32
    %dma_start3A_338 = tpu.memref_slice %arg6[%dma_start3A_336, %dma_start3A_337] : memref<128x32xf32, #tpu.memory_space<vmem>> -> memref<1x32xf32, #tpu.memory_space<vmem>>
    %dma_start3A_339 = arith.constant 0 : i32
    %dma_start3A_340 = tpu.memref_slice %arg3[%squeeze3A_330, %dma_start3A_339] : memref<100000x32xf32, #tpu.memory_space<hbm>> -> memref<1x32xf32, #tpu.memory_space<hbm>>
    tpu.enqueue_dma source(%dma_start3A_340 : memref<1x32xf32, #tpu.memory_space<hbm>>) target(%dma_start3A_338 : memref<1x32xf32, #tpu.memory_space<vmem>>) target_semaphore(%arg7 : memref<!tpu.dma_semaphore, #tpu.memory_space<semaphore_mem>>)
    %slice3A_341 = vector.extract_strided_slice %get3A_196 {offsets = [12], sizes = [1], strides = [1]} : vector<16xi32> to vector<1xi32>
    %squeeze3A_342 = vector.extract %slice3A_341[0] : i32 from vector<1xi32>
    %dma_start3A_343 = arith.constant 28 : i32
    %dma_start3A_344 = arith.constant 0 : i32
    %dma_start3A_345 = tpu.memref_slice %arg6[%dma_start3A_343, %dma_start3A_344] : memref<128x32xf32, #tpu.memory_space<vmem>> -> memref<1x32xf32, #tpu.memory_space<vmem>>
    %dma_start3A_346 = arith.constant 0 : i32
    %dma_start3A_347 = tpu.memref_slice %arg3[%squeeze3A_342, %dma_start3A_346] : memref<100000x32xf32, #tpu.memory_space<hbm>> -> memref<1x32xf32, #tpu.memory_space<hbm>>
    %dma_start3A_348 = arith.constant 28 : i32
    %dma_start3A_349 = arith.constant 0 : i32
    %dma_start3A_350 = tpu.memref_slice %arg6[%dma_start3A_348, %dma_start3A_349] : memref<128x32xf32, #tpu.memory_space<vmem>> -> memref<1x32xf32, #tpu.memory_space<vmem>>
    %dma_start3A_351 = arith.constant 0 : i32
    %dma_start3A_352 = tpu.memref_slice %arg3[%squeeze3A_342, %dma_start3A_351] : memref<100000x32xf32, #tpu.memory_space<hbm>> -> memref<1x32xf32, #tpu.memory_space<hbm>>
    tpu.enqueue_dma source(%dma_start3A_352 : memref<1x32xf32, #tpu.memory_space<hbm>>) target(%dma_start3A_350 : memref<1x32xf32, #tpu.memory_space<vmem>>) target_semaphore(%arg7 : memref<!tpu.dma_semaphore, #tpu.memory_space<semaphore_mem>>)
    %slice3A_353 = vector.extract_strided_slice %get3A_196 {offsets = [13], sizes = [1], strides = [1]} : vector<16xi32> to vector<1xi32>
    %squeeze3A_354 = vector.extract %slice3A_353[0] : i32 from vector<1xi32>
    %dma_start3A_355 = arith.constant 29 : i32
    %dma_start3A_356 = arith.constant 0 : i32
    %dma_start3A_357 = tpu.memref_slice %arg6[%dma_start3A_355, %dma_start3A_356] : memref<128x32xf32, #tpu.memory_space<vmem>> -> memref<1x32xf32, #tpu.memory_space<vmem>>
    %dma_start3A_358 = arith.constant 0 : i32
    %dma_start3A_359 = tpu.memref_slice %arg3[%squeeze3A_354, %dma_start3A_358] : memref<100000x32xf32, #tpu.memory_space<hbm>> -> memref<1x32xf32, #tpu.memory_space<hbm>>
    %dma_start3A_360 = arith.constant 29 : i32
    %dma_start3A_361 = arith.constant 0 : i32
    %dma_start3A_362 = tpu.memref_slice %arg6[%dma_start3A_360, %dma_start3A_361] : memref<128x32xf32, #tpu.memory_space<vmem>> -> memref<1x32xf32, #tpu.memory_space<vmem>>
    %dma_start3A_363 = arith.constant 0 : i32
    %dma_start3A_364 = tpu.memref_slice %arg3[%squeeze3A_354, %dma_start3A_363] : memref<100000x32xf32, #tpu.memory_space<hbm>> -> memref<1x32xf32, #tpu.memory_space<hbm>>
    tpu.enqueue_dma source(%dma_start3A_364 : memref<1x32xf32, #tpu.memory_space<hbm>>) target(%dma_start3A_362 : memref<1x32xf32, #tpu.memory_space<vmem>>) target_semaphore(%arg7 : memref<!tpu.dma_semaphore, #tpu.memory_space<semaphore_mem>>)
    %slice3A_365 = vector.extract_strided_slice %get3A_196 {offsets = [14], sizes = [1], strides = [1]} : vector<16xi32> to vector<1xi32>
    %squeeze3A_366 = vector.extract %slice3A_365[0] : i32 from vector<1xi32>
    %dma_start3A_367 = arith.constant 30 : i32
    %dma_start3A_368 = arith.constant 0 : i32
    %dma_start3A_369 = tpu.memref_slice %arg6[%dma_start3A_367, %dma_start3A_368] : memref<128x32xf32, #tpu.memory_space<vmem>> -> memref<1x32xf32, #tpu.memory_space<vmem>>
    %dma_start3A_370 = arith.constant 0 : i32
    %dma_start3A_371 = tpu.memref_slice %arg3[%squeeze3A_366, %dma_start3A_370] : memref<100000x32xf32, #tpu.memory_space<hbm>> -> memref<1x32xf32, #tpu.memory_space<hbm>>
    %dma_start3A_372 = arith.constant 30 : i32
    %dma_start3A_373 = arith.constant 0 : i32
    %dma_start3A_374 = tpu.memref_slice %arg6[%dma_start3A_372, %dma_start3A_373] : memref<128x32xf32, #tpu.memory_space<vmem>> -> memref<1x32xf32, #tpu.memory_space<vmem>>
    %dma_start3A_375 = arith.constant 0 : i32
    %dma_start3A_376 = tpu.memref_slice %arg3[%squeeze3A_366, %dma_start3A_375] : memref<100000x32xf32, #tpu.memory_space<hbm>> -> memref<1x32xf32, #tpu.memory_space<hbm>>
    tpu.enqueue_dma source(%dma_start3A_376 : memref<1x32xf32, #tpu.memory_space<hbm>>) target(%dma_start3A_374 : memref<1x32xf32, #tpu.memory_space<vmem>>) target_semaphore(%arg7 : memref<!tpu.dma_semaphore, #tpu.memory_space<semaphore_mem>>)
    %slice3A_377 = vector.extract_strided_slice %get3A_196 {offsets = [15], sizes = [1], strides = [1]} : vector<16xi32> to vector<1xi32>
    %squeeze3A_378 = vector.extract %slice3A_377[0] : i32 from vector<1xi32>
    %dma_start3A_379 = arith.constant 31 : i32
    %dma_start3A_380 = arith.constant 0 : i32
    %dma_start3A_381 = tpu.memref_slice %arg6[%dma_start3A_379, %dma_start3A_380] : memref<128x32xf32, #tpu.memory_space<vmem>> -> memref<1x32xf32, #tpu.memory_space<vmem>>
    %dma_start3A_382 = arith.constant 0 : i32
    %dma_start3A_383 = tpu.memref_slice %arg3[%squeeze3A_378, %dma_start3A_382] : memref<100000x32xf32, #tpu.memory_space<hbm>> -> memref<1x32xf32, #tpu.memory_space<hbm>>
    %dma_start3A_384 = arith.constant 31 : i32
    %dma_start3A_385 = arith.constant 0 : i32
    %dma_start3A_386 = tpu.memref_slice %arg6[%dma_start3A_384, %dma_start3A_385] : memref<128x32xf32, #tpu.memory_space<vmem>> -> memref<1x32xf32, #tpu.memory_space<vmem>>
    %dma_start3A_387 = arith.constant 0 : i32
    %dma_start3A_388 = tpu.memref_slice %arg3[%squeeze3A_378, %dma_start3A_387] : memref<100000x32xf32, #tpu.memory_space<hbm>> -> memref<1x32xf32, #tpu.memory_space<hbm>>
    tpu.enqueue_dma source(%dma_start3A_388 : memref<1x32xf32, #tpu.memory_space<hbm>>) target(%dma_start3A_386 : memref<1x32xf32, #tpu.memory_space<vmem>>) target_semaphore(%arg7 : memref<!tpu.dma_semaphore, #tpu.memory_space<semaphore_mem>>)
    %get3A_389 = arith.constant 32 : index
    %get3A_390 = tpu.vector_load %arg5[%get3A_389] {strides = array<i32>} : memref<128xi32, #tpu.memory_space<vmem>>, vector<16xi32>,
    %get3A_391 = vector.shape_cast %get3A_390 : vector<16xi32> to vector<16xi32>
    %slice3A_392 = vector.extract_strided_slice %get3A_391 {offsets = [0], sizes = [1], strides = [1]} : vector<16xi32> to vector<1xi32>
    %squeeze3A_393 = vector.extract %slice3A_392[0] : i32 from vector<1xi32>
    %dma_start3A_394 = arith.constant 32 : i32
    %dma_start3A_395 = arith.constant 0 : i32
    %dma_start3A_396 = tpu.memref_slice %arg6[%dma_start3A_394, %dma_start3A_395] : memref<128x32xf32, #tpu.memory_space<vmem>> -> memref<1x32xf32, #tpu.memory_space<vmem>>
    %dma_start3A_397 = arith.constant 0 : i32
    %dma_start3A_398 = tpu.memref_slice %arg3[%squeeze3A_393, %dma_start3A_397] : memref<100000x32xf32, #tpu.memory_space<hbm>> -> memref<1x32xf32, #tpu.memory_space<hbm>>
    %dma_start3A_399 = arith.constant 32 : i32
    %dma_start3A_400 = arith.constant 0 : i32
    %dma_start3A_401 = tpu.memref_slice %arg6[%dma_start3A_399, %dma_start3A_400] : memref<128x32xf32, #tpu.memory_space<vmem>> -> memref<1x32xf32, #tpu.memory_space<vmem>>
    %dma_start3A_402 = arith.constant 0 : i32
    %dma_start3A_403 = tpu.memref_slice %arg3[%squeeze3A_393, %dma_start3A_402] : memref<100000x32xf32, #tpu.memory_space<hbm>> -> memref<1x32xf32, #tpu.memory_space<hbm>>
    tpu.enqueue_dma source(%dma_start3A_403 : memref<1x32xf32, #tpu.memory_space<hbm>>) target(%dma_start3A_401 : memref<1x32xf32, #tpu.memory_space<vmem>>) target_semaphore(%arg7 : memref<!tpu.dma_semaphore, #tpu.memory_space<semaphore_mem>>)
    %slice3A_404 = vector.extract_strided_slice %get3A_391 {offsets = [1], sizes = [1], strides = [1]} : vector<16xi32> to vector<1xi32>
    %squeeze3A_405 = vector.extract %slice3A_404[0] : i32 from vector<1xi32>
    %dma_start3A_406 = arith.constant 33 : i32
    %dma_start3A_407 = arith.constant 0 : i32
    %dma_start3A_408 = tpu.memref_slice %arg6[%dma_start3A_406, %dma_start3A_407] : memref<128x32xf32, #tpu.memory_space<vmem>> -> memref<1x32xf32, #tpu.memory_space<vmem>>
    %dma_start3A_409 = arith.constant 0 : i32
    %dma_start3A_410 = tpu.memref_slice %arg3[%squeeze3A_405, %dma_start3A_409] : memref<100000x32xf32, #tpu.memory_space<hbm>> -> memref<1x32xf32, #tpu.memory_space<hbm>>
    %dma_start3A_411 = arith.constant 33 : i32
    %dma_start3A_412 = arith.constant 0 : i32
    %dma_start3A_413 = tpu.memref_slice %arg6[%dma_start3A_411, %dma_start3A_412] : memref<128x32xf32, #tpu.memory_space<vmem>> -> memref<1x32xf32, #tpu.memory_space<vmem>>
    %dma_start3A_414 = arith.constant 0 : i32
    %dma_start3A_415 = tpu.memref_slice %arg3[%squeeze3A_405, %dma_start3A_414] : memref<100000x32xf32, #tpu.memory_space<hbm>> -> memref<1x32xf32, #tpu.memory_space<hbm>>
    tpu.enqueue_dma source(%dma_start3A_415 : memref<1x32xf32, #tpu.memory_space<hbm>>) target(%dma_start3A_413 : memref<1x32xf32, #tpu.memory_space<vmem>>) target_semaphore(%arg7 : memref<!tpu.dma_semaphore, #tpu.memory_space<semaphore_mem>>)
    %slice3A_416 = vector.extract_strided_slice %get3A_391 {offsets = [2], sizes = [1], strides = [1]} : vector<16xi32> to vector<1xi32>
    %squeeze3A_417 = vector.extract %slice3A_416[0] : i32 from vector<1xi32>
    %dma_start3A_418 = arith.constant 34 : i32
    %dma_start3A_419 = arith.constant 0 : i32
    %dma_start3A_420 = tpu.memref_slice %arg6[%dma_start3A_418, %dma_start3A_419] : memref<128x32xf32, #tpu.memory_space<vmem>> -> memref<1x32xf32, #tpu.memory_space<vmem>>
    %dma_start3A_421 = arith.constant 0 : i32
    %dma_start3A_422 = tpu.memref_slice %arg3[%squeeze3A_417, %dma_start3A_421] : memref<100000x32xf32, #tpu.memory_space<hbm>> -> memref<1x32xf32, #tpu.memory_space<hbm>>
    %dma_start3A_423 = arith.constant 34 : i32
    %dma_start3A_424 = arith.constant 0 : i32
    %dma_start3A_425 = tpu.memref_slice %arg6[%dma_start3A_423, %dma_start3A_424] : memref<128x32xf32, #tpu.memory_space<vmem>> -> memref<1x32xf32, #tpu.memory_space<vmem>>
    %dma_start3A_426 = arith.constant 0 : i32
    %dma_start3A_427 = tpu.memref_slice %arg3[%squeeze3A_417, %dma_start3A_426] : memref<100000x32xf32, #tpu.memory_space<hbm>> -> memref<1x32xf32, #tpu.memory_space<hbm>>
    tpu.enqueue_dma source(%dma_start3A_427 : memref<1x32xf32, #tpu.memory_space<hbm>>) target(%dma_start3A_425 : memref<1x32xf32, #tpu.memory_space<vmem>>) target_semaphore(%arg7 : memref<!tpu.dma_semaphore, #tpu.memory_space<semaphore_mem>>)
    %slice3A_428 = vector.extract_strided_slice %get3A_391 {offsets = [3], sizes = [1], strides = [1]} : vector<16xi32> to vector<1xi32>
    %squeeze3A_429 = vector.extract %slice3A_428[0] : i32 from vector<1xi32>
    %dma_start3A_430 = arith.constant 35 : i32
    %dma_start3A_431 = arith.constant 0 : i32
    %dma_start3A_432 = tpu.memref_slice %arg6[%dma_start3A_430, %dma_start3A_431] : memref<128x32xf32, #tpu.memory_space<vmem>> -> memref<1x32xf32, #tpu.memory_space<vmem>>
    %dma_start3A_433 = arith.constant 0 : i32
    %dma_start3A_434 = tpu.memref_slice %arg3[%squeeze3A_429, %dma_start3A_433] : memref<100000x32xf32, #tpu.memory_space<hbm>> -> memref<1x32xf32, #tpu.memory_space<hbm>>
    %dma_start3A_435 = arith.constant 35 : i32
    %dma_start3A_436 = arith.constant 0 : i32
    %dma_start3A_437 = tpu.memref_slice %arg6[%dma_start3A_435, %dma_start3A_436] : memref<128x32xf32, #tpu.memory_space<vmem>> -> memref<1x32xf32, #tpu.memory_space<vmem>>
    %dma_start3A_438 = arith.constant 0 : i32
    %dma_start3A_439 = tpu.memref_slice %arg3[%squeeze3A_429, %dma_start3A_438] : memref<100000x32xf32, #tpu.memory_space<hbm>> -> memref<1x32xf32, #tpu.memory_space<hbm>>
    tpu.enqueue_dma source(%dma_start3A_439 : memref<1x32xf32, #tpu.memory_space<hbm>>) target(%dma_start3A_437 : memref<1x32xf32, #tpu.memory_space<vmem>>) target_semaphore(%arg7 : memref<!tpu.dma_semaphore, #tpu.memory_space<semaphore_mem>>)
    %slice3A_440 = vector.extract_strided_slice %get3A_391 {offsets = [4], sizes = [1], strides = [1]} : vector<16xi32> to vector<1xi32>
    %squeeze3A_441 = vector.extract %slice3A_440[0] : i32 from vector<1xi32>
    %dma_start3A_442 = arith.constant 36 : i32
    %dma_start3A_443 = arith.constant 0 : i32
    %dma_start3A_444 = tpu.memref_slice %arg6[%dma_start3A_442, %dma_start3A_443] : memref<128x32xf32, #tpu.memory_space<vmem>> -> memref<1x32xf32, #tpu.memory_space<vmem>>
    %dma_start3A_445 = arith.constant 0 : i32
    %dma_start3A_446 = tpu.memref_slice %arg3[%squeeze3A_441, %dma_start3A_445] : memref<100000x32xf32, #tpu.memory_space<hbm>> -> memref<1x32xf32, #tpu.memory_space<hbm>>
    %dma_start3A_447 = arith.constant 36 : i32
    %dma_start3A_448 = arith.constant 0 : i32
    %dma_start3A_449 = tpu.memref_slice %arg6[%dma_start3A_447, %dma_start3A_448] : memref<128x32xf32, #tpu.memory_space<vmem>> -> memref<1x32xf32, #tpu.memory_space<vmem>>
    %dma_start3A_450 = arith.constant 0 : i32
    %dma_start3A_451 = tpu.memref_slice %arg3[%squeeze3A_441, %dma_start3A_450] : memref<100000x32xf32, #tpu.memory_space<hbm>> -> memref<1x32xf32, #tpu.memory_space<hbm>>
    tpu.enqueue_dma source(%dma_start3A_451 : memref<1x32xf32, #tpu.memory_space<hbm>>) target(%dma_start3A_449 : memref<1x32xf32, #tpu.memory_space<vmem>>) target_semaphore(%arg7 : memref<!tpu.dma_semaphore, #tpu.memory_space<semaphore_mem>>)
    %slice3A_452 = vector.extract_strided_slice %get3A_391 {offsets = [5], sizes = [1], strides = [1]} : vector<16xi32> to vector<1xi32>
    %squeeze3A_453 = vector.extract %slice3A_452[0] : i32 from vector<1xi32>
    %dma_start3A_454 = arith.constant 37 : i32
    %dma_start3A_455 = arith.constant 0 : i32
    %dma_start3A_456 = tpu.memref_slice %arg6[%dma_start3A_454, %dma_start3A_455] : memref<128x32xf32, #tpu.memory_space<vmem>> -> memref<1x32xf32, #tpu.memory_space<vmem>>
    %dma_start3A_457 = arith.constant 0 : i32
    %dma_start3A_458 = tpu.memref_slice %arg3[%squeeze3A_453, %dma_start3A_457] : memref<100000x32xf32, #tpu.memory_space<hbm>> -> memref<1x32xf32, #tpu.memory_space<hbm>>
    %dma_start3A_459 = arith.constant 37 : i32
    %dma_start3A_460 = arith.constant 0 : i32
    %dma_start3A_461 = tpu.memref_slice %arg6[%dma_start3A_459, %dma_start3A_460] : memref<128x32xf32, #tpu.memory_space<vmem>> -> memref<1x32xf32, #tpu.memory_space<vmem>>
    %dma_start3A_462 = arith.constant 0 : i32
    %dma_start3A_463 = tpu.memref_slice %arg3[%squeeze3A_453, %dma_start3A_462] : memref<100000x32xf32, #tpu.memory_space<hbm>> -> memref<1x32xf32, #tpu.memory_space<hbm>>
    tpu.enqueue_dma source(%dma_start3A_463 : memref<1x32xf32, #tpu.memory_space<hbm>>) target(%dma_start3A_461 : memref<1x32xf32, #tpu.memory_space<vmem>>) target_semaphore(%arg7 : memref<!tpu.dma_semaphore, #tpu.memory_space<semaphore_mem>>)
    %slice3A_464 = vector.extract_strided_slice %get3A_391 {offsets = [6], sizes = [1], strides = [1]} : vector<16xi32> to vector<1xi32>
    %squeeze3A_465 = vector.extract %slice3A_464[0] : i32 from vector<1xi32>
    %dma_start3A_466 = arith.constant 38 : i32
    %dma_start3A_467 = arith.constant 0 : i32
    %dma_start3A_468 = tpu.memref_slice %arg6[%dma_start3A_466, %dma_start3A_467] : memref<128x32xf32, #tpu.memory_space<vmem>> -> memref<1x32xf32, #tpu.memory_space<vmem>>
    %dma_start3A_469 = arith.constant 0 : i32
    %dma_start3A_470 = tpu.memref_slice %arg3[%squeeze3A_465, %dma_start3A_469] : memref<100000x32xf32, #tpu.memory_space<hbm>> -> memref<1x32xf32, #tpu.memory_space<hbm>>
    %dma_start3A_471 = arith.constant 38 : i32
    %dma_start3A_472 = arith.constant 0 : i32
    %dma_start3A_473 = tpu.memref_slice %arg6[%dma_start3A_471, %dma_start3A_472] : memref<128x32xf32, #tpu.memory_space<vmem>> -> memref<1x32xf32, #tpu.memory_space<vmem>>
    %dma_start3A_474 = arith.constant 0 : i32
    %dma_start3A_475 = tpu.memref_slice %arg3[%squeeze3A_465, %dma_start3A_474] : memref<100000x32xf32, #tpu.memory_space<hbm>> -> memref<1x32xf32, #tpu.memory_space<hbm>>
    tpu.enqueue_dma source(%dma_start3A_475 : memref<1x32xf32, #tpu.memory_space<hbm>>) target(%dma_start3A_473 : memref<1x32xf32, #tpu.memory_space<vmem>>) target_semaphore(%arg7 : memref<!tpu.dma_semaphore, #tpu.memory_space<semaphore_mem>>)
    %slice3A_476 = vector.extract_strided_slice %get3A_391 {offsets = [7], sizes = [1], strides = [1]} : vector<16xi32> to vector<1xi32>
    %squeeze3A_477 = vector.extract %slice3A_476[0] : i32 from vector<1xi32>
    %dma_start3A_478 = arith.constant 39 : i32
    %dma_start3A_479 = arith.constant 0 : i32
    %dma_start3A_480 = tpu.memref_slice %arg6[%dma_start3A_478, %dma_start3A_479] : memref<128x32xf32, #tpu.memory_space<vmem>> -> memref<1x32xf32, #tpu.memory_space<vmem>>
    %dma_start3A_481 = arith.constant 0 : i32
    %dma_start3A_482 = tpu.memref_slice %arg3[%squeeze3A_477, %dma_start3A_481] : memref<100000x32xf32, #tpu.memory_space<hbm>> -> memref<1x32xf32, #tpu.memory_space<hbm>>
    %dma_start3A_483 = arith.constant 39 : i32
    %dma_start3A_484 = arith.constant 0 : i32
    %dma_start3A_485 = tpu.memref_slice %arg6[%dma_start3A_483, %dma_start3A_484] : memref<128x32xf32, #tpu.memory_space<vmem>> -> memref<1x32xf32, #tpu.memory_space<vmem>>
    %dma_start3A_486 = arith.constant 0 : i32
    %dma_start3A_487 = tpu.memref_slice %arg3[%squeeze3A_477, %dma_start3A_486] : memref<100000x32xf32, #tpu.memory_space<hbm>> -> memref<1x32xf32, #tpu.memory_space<hbm>>
    tpu.enqueue_dma source(%dma_start3A_487 : memref<1x32xf32, #tpu.memory_space<hbm>>) target(%dma_start3A_485 : memref<1x32xf32, #tpu.memory_space<vmem>>) target_semaphore(%arg7 : memref<!tpu.dma_semaphore, #tpu.memory_space<semaphore_mem>>)
    %slice3A_488 = vector.extract_strided_slice %get3A_391 {offsets = [8], sizes = [1], strides = [1]} : vector<16xi32> to vector<1xi32>
    %squeeze3A_489 = vector.extract %slice3A_488[0] : i32 from vector<1xi32>
    %dma_start3A_490 = arith.constant 40 : i32
    %dma_start3A_491 = arith.constant 0 : i32
    %dma_start3A_492 = tpu.memref_slice %arg6[%dma_start3A_490, %dma_start3A_491] : memref<128x32xf32, #tpu.memory_space<vmem>> -> memref<1x32xf32, #tpu.memory_space<vmem>>
    %dma_start3A_493 = arith.constant 0 : i32
    %dma_start3A_494 = tpu.memref_slice %arg3[%squeeze3A_489, %dma_start3A_493] : memref<100000x32xf32, #tpu.memory_space<hbm>> -> memref<1x32xf32, #tpu.memory_space<hbm>>
    %dma_start3A_495 = arith.constant 40 : i32
    %dma_start3A_496 = arith.constant 0 : i32
    %dma_start3A_497 = tpu.memref_slice %arg6[%dma_start3A_495, %dma_start3A_496] : memref<128x32xf32, #tpu.memory_space<vmem>> -> memref<1x32xf32, #tpu.memory_space<vmem>>
    %dma_start3A_498 = arith.constant 0 : i32
    %dma_start3A_499 = tpu.memref_slice %arg3[%squeeze3A_489, %dma_start3A_498] : memref<100000x32xf32, #tpu.memory_space<hbm>> -> memref<1x32xf32, #tpu.memory_space<hbm>>
    tpu.enqueue_dma source(%dma_start3A_499 : memref<1x32xf32, #tpu.memory_space<hbm>>) target(%dma_start3A_497 : memref<1x32xf32, #tpu.memory_space<vmem>>) target_semaphore(%arg7 : memref<!tpu.dma_semaphore, #tpu.memory_space<semaphore_mem>>)
    %slice3A_500 = vector.extract_strided_slice %get3A_391 {offsets = [9], sizes = [1], strides = [1]} : vector<16xi32> to vector<1xi32>
    %squeeze3A_501 = vector.extract %slice3A_500[0] : i32 from vector<1xi32>
    %dma_start3A_502 = arith.constant 41 : i32
    %dma_start3A_503 = arith.constant 0 : i32
    %dma_start3A_504 = tpu.memref_slice %arg6[%dma_start3A_502, %dma_start3A_503] : memref<128x32xf32, #tpu.memory_space<vmem>> -> memref<1x32xf32, #tpu.memory_space<vmem>>
    %dma_start3A_505 = arith.constant 0 : i32
    %dma_start3A_506 = tpu.memref_slice %arg3[%squeeze3A_501, %dma_start3A_505] : memref<100000x32xf32, #tpu.memory_space<hbm>> -> memref<1x32xf32, #tpu.memory_space<hbm>>
    %dma_start3A_507 = arith.constant 41 : i32
    %dma_start3A_508 = arith.constant 0 : i32
    %dma_start3A_509 = tpu.memref_slice %arg6[%dma_start3A_507, %dma_start3A_508] : memref<128x32xf32, #tpu.memory_space<vmem>> -> memref<1x32xf32, #tpu.memory_space<vmem>>
    %dma_start3A_510 = arith.constant 0 : i32
    %dma_start3A_511 = tpu.memref_slice %arg3[%squeeze3A_501, %dma_start3A_510] : memref<100000x32xf32, #tpu.memory_space<hbm>> -> memref<1x32xf32, #tpu.memory_space<hbm>>
    tpu.enqueue_dma source(%dma_start3A_511 : memref<1x32xf32, #tpu.memory_space<hbm>>) target(%dma_start3A_509 : memref<1x32xf32, #tpu.memory_space<vmem>>) target_semaphore(%arg7 : memref<!tpu.dma_semaphore, #tpu.memory_space<semaphore_mem>>)
    %slice3A_512 = vector.extract_strided_slice %get3A_391 {offsets = [10], sizes = [1], strides = [1]} : vector<16xi32> to vector<1xi32>
    %squeeze3A_513 = vector.extract %slice3A_512[0] : i32 from vector<1xi32>
    %dma_start3A_514 = arith.constant 42 : i32
    %dma_start3A_515 = arith.constant 0 : i32
    %dma_start3A_516 = tpu.memref_slice %arg6[%dma_start3A_514, %dma_start3A_515] : memref<128x32xf32, #tpu.memory_space<vmem>> -> memref<1x32xf32, #tpu.memory_space<vmem>>
    %dma_start3A_517 = arith.constant 0 : i32
    %dma_start3A_518 = tpu.memref_slice %arg3[%squeeze3A_513, %dma_start3A_517] : memref<100000x32xf32, #tpu.memory_space<hbm>> -> memref<1x32xf32, #tpu.memory_space<hbm>>
    %dma_start3A_519 = arith.constant 42 : i32
    %dma_start3A_520 = arith.constant 0 : i32
    %dma_start3A_521 = tpu.memref_slice %arg6[%dma_start3A_519, %dma_start3A_520] : memref<128x32xf32, #tpu.memory_space<vmem>> -> memref<1x32xf32, #tpu.memory_space<vmem>>
    %dma_start3A_522 = arith.constant 0 : i32
    %dma_start3A_523 = tpu.memref_slice %arg3[%squeeze3A_513, %dma_start3A_522] : memref<100000x32xf32, #tpu.memory_space<hbm>> -> memref<1x32xf32, #tpu.memory_space<hbm>>
    tpu.enqueue_dma source(%dma_start3A_523 : memref<1x32xf32, #tpu.memory_space<hbm>>) target(%dma_start3A_521 : memref<1x32xf32, #tpu.memory_space<vmem>>) target_semaphore(%arg7 : memref<!tpu.dma_semaphore, #tpu.memory_space<semaphore_mem>>)
    %slice3A_524 = vector.extract_strided_slice %get3A_391 {offsets = [11], sizes = [1], strides = [1]} : vector<16xi32> to vector<1xi32>
    %squeeze3A_525 = vector.extract %slice3A_524[0] : i32 from vector<1xi32>
    %dma_start3A_526 = arith.constant 43 : i32
    %dma_start3A_527 = arith.constant 0 : i32
    %dma_start3A_528 = tpu.memref_slice %arg6[%dma_start3A_526, %dma_start3A_527] : memref<128x32xf32, #tpu.memory_space<vmem>> -> memref<1x32xf32, #tpu.memory_space<vmem>>
    %dma_start3A_529 = arith.constant 0 : i32
    %dma_start3A_530 = tpu.memref_slice %arg3[%squeeze3A_525, %dma_start3A_529] : memref<100000x32xf32, #tpu.memory_space<hbm>> -> memref<1x32xf32, #tpu.memory_space<hbm>>
    %dma_start3A_531 = arith.constant 43 : i32
    %dma_start3A_532 = arith.constant 0 : i32
    %dma_start3A_533 = tpu.memref_slice %arg6[%dma_start3A_531, %dma_start3A_532] : memref<128x32xf32, #tpu.memory_space<vmem>> -> memref<1x32xf32, #tpu.memory_space<vmem>>
    %dma_start3A_534 = arith.constant 0 : i32
    %dma_start3A_535 = tpu.memref_slice %arg3[%squeeze3A_525, %dma_start3A_534] : memref<100000x32xf32, #tpu.memory_space<hbm>> -> memref<1x32xf32, #tpu.memory_space<hbm>>
    tpu.enqueue_dma source(%dma_start3A_535 : memref<1x32xf32, #tpu.memory_space<hbm>>) target(%dma_start3A_533 : memref<1x32xf32, #tpu.memory_space<vmem>>) target_semaphore(%arg7 : memref<!tpu.dma_semaphore, #tpu.memory_space<semaphore_mem>>)
    %slice3A_536 = vector.extract_strided_slice %get3A_391 {offsets = [12], sizes = [1], strides = [1]} : vector<16xi32> to vector<1xi32>
    %squeeze3A_537 = vector.extract %slice3A_536[0] : i32 from vector<1xi32>
    %dma_start3A_538 = arith.constant 44 : i32
    %dma_start3A_539 = arith.constant 0 : i32
    %dma_start3A_540 = tpu.memref_slice %arg6[%dma_start3A_538, %dma_start3A_539] : memref<128x32xf32, #tpu.memory_space<vmem>> -> memref<1x32xf32, #tpu.memory_space<vmem>>
    %dma_start3A_541 = arith.constant 0 : i32
    %dma_start3A_542 = tpu.memref_slice %arg3[%squeeze3A_537, %dma_start3A_541] : memref<100000x32xf32, #tpu.memory_space<hbm>> -> memref<1x32xf32, #tpu.memory_space<hbm>>
    %dma_start3A_543 = arith.constant 44 : i32
    %dma_start3A_544 = arith.constant 0 : i32
    %dma_start3A_545 = tpu.memref_slice %arg6[%dma_start3A_543, %dma_start3A_544] : memref<128x32xf32, #tpu.memory_space<vmem>> -> memref<1x32xf32, #tpu.memory_space<vmem>>
    %dma_start3A_546 = arith.constant 0 : i32
    %dma_start3A_547 = tpu.memref_slice %arg3[%squeeze3A_537, %dma_start3A_546] : memref<100000x32xf32, #tpu.memory_space<hbm>> -> memref<1x32xf32, #tpu.memory_space<hbm>>
    tpu.enqueue_dma source(%dma_start3A_547 : memref<1x32xf32, #tpu.memory_space<hbm>>) target(%dma_start3A_545 : memref<1x32xf32, #tpu.memory_space<vmem>>) target_semaphore(%arg7 : memref<!tpu.dma_semaphore, #tpu.memory_space<semaphore_mem>>)
    %slice3A_548 = vector.extract_strided_slice %get3A_391 {offsets = [13], sizes = [1], strides = [1]} : vector<16xi32> to vector<1xi32>
    %squeeze3A_549 = vector.extract %slice3A_548[0] : i32 from vector<1xi32>
    %dma_start3A_550 = arith.constant 45 : i32
    %dma_start3A_551 = arith.constant 0 : i32
    %dma_start3A_552 = tpu.memref_slice %arg6[%dma_start3A_550, %dma_start3A_551] : memref<128x32xf32, #tpu.memory_space<vmem>> -> memref<1x32xf32, #tpu.memory_space<vmem>>
    %dma_start3A_553 = arith.constant 0 : i32
    %dma_start3A_554 = tpu.memref_slice %arg3[%squeeze3A_549, %dma_start3A_553] : memref<100000x32xf32, #tpu.memory_space<hbm>> -> memref<1x32xf32, #tpu.memory_space<hbm>>
    %dma_start3A_555 = arith.constant 45 : i32
    %dma_start3A_556 = arith.constant 0 : i32
    %dma_start3A_557 = tpu.memref_slice %arg6[%dma_start3A_555, %dma_start3A_556] : memref<128x32xf32, #tpu.memory_space<vmem>> -> memref<1x32xf32, #tpu.memory_space<vmem>>
    %dma_start3A_558 = arith.constant 0 : i32
    %dma_start3A_559 = tpu.memref_slice %arg3[%squeeze3A_549, %dma_start3A_558] : memref<100000x32xf32, #tpu.memory_space<hbm>> -> memref<1x32xf32, #tpu.memory_space<hbm>>
    tpu.enqueue_dma source(%dma_start3A_559 : memref<1x32xf32, #tpu.memory_space<hbm>>) target(%dma_start3A_557 : memref<1x32xf32, #tpu.memory_space<vmem>>) target_semaphore(%arg7 : memref<!tpu.dma_semaphore, #tpu.memory_space<semaphore_mem>>)
    %slice3A_560 = vector.extract_strided_slice %get3A_391 {offsets = [14], sizes = [1], strides = [1]} : vector<16xi32> to vector<1xi32>
    %squeeze3A_561 = vector.extract %slice3A_560[0] : i32 from vector<1xi32>
    %dma_start3A_562 = arith.constant 46 : i32
    %dma_start3A_563 = arith.constant 0 : i32
    %dma_start3A_564 = tpu.memref_slice %arg6[%dma_start3A_562, %dma_start3A_563] : memref<128x32xf32, #tpu.memory_space<vmem>> -> memref<1x32xf32, #tpu.memory_space<vmem>>
    %dma_start3A_565 = arith.constant 0 : i32
    %dma_start3A_566 = tpu.memref_slice %arg3[%squeeze3A_561, %dma_start3A_565] : memref<100000x32xf32, #tpu.memory_space<hbm>> -> memref<1x32xf32, #tpu.memory_space<hbm>>
    %dma_start3A_567 = arith.constant 46 : i32
    %dma_start3A_568 = arith.constant 0 : i32
    %dma_start3A_569 = tpu.memref_slice %arg6[%dma_start3A_567, %dma_start3A_568] : memref<128x32xf32, #tpu.memory_space<vmem>> -> memref<1x32xf32, #tpu.memory_space<vmem>>
    %dma_start3A_570 = arith.constant 0 : i32
    %dma_start3A_571 = tpu.memref_slice %arg3[%squeeze3A_561, %dma_start3A_570] : memref<100000x32xf32, #tpu.memory_space<hbm>> -> memref<1x32xf32, #tpu.memory_space<hbm>>
    tpu.enqueue_dma source(%dma_start3A_571 : memref<1x32xf32, #tpu.memory_space<hbm>>) target(%dma_start3A_569 : memref<1x32xf32, #tpu.memory_space<vmem>>) target_semaphore(%arg7 : memref<!tpu.dma_semaphore, #tpu.memory_space<semaphore_mem>>)
    %slice3A_572 = vector.extract_strided_slice %get3A_391 {offsets = [15], sizes = [1], strides = [1]} : vector<16xi32> to vector<1xi32>
    %squeeze3A_573 = vector.extract %slice3A_572[0] : i32 from vector<1xi32>
    %dma_start3A_574 = arith.constant 47 : i32
    %dma_start3A_575 = arith.constant 0 : i32
    %dma_start3A_576 = tpu.memref_slice %arg6[%dma_start3A_574, %dma_start3A_575] : memref<128x32xf32, #tpu.memory_space<vmem>> -> memref<1x32xf32, #tpu.memory_space<vmem>>
    %dma_start3A_577 = arith.constant 0 : i32
    %dma_start3A_578 = tpu.memref_slice %arg3[%squeeze3A_573, %dma_start3A_577] : memref<100000x32xf32, #tpu.memory_space<hbm>> -> memref<1x32xf32, #tpu.memory_space<hbm>>
    %dma_start3A_579 = arith.constant 47 : i32
    %dma_start3A_580 = arith.constant 0 : i32
    %dma_start3A_581 = tpu.memref_slice %arg6[%dma_start3A_579, %dma_start3A_580] : memref<128x32xf32, #tpu.memory_space<vmem>> -> memref<1x32xf32, #tpu.memory_space<vmem>>
    %dma_start3A_582 = arith.constant 0 : i32
    %dma_start3A_583 = tpu.memref_slice %arg3[%squeeze3A_573, %dma_start3A_582] : memref<100000x32xf32, #tpu.memory_space<hbm>> -> memref<1x32xf32, #tpu.memory_space<hbm>>
    tpu.enqueue_dma source(%dma_start3A_583 : memref<1x32xf32, #tpu.memory_space<hbm>>) target(%dma_start3A_581 : memref<1x32xf32, #tpu.memory_space<vmem>>) target_semaphore(%arg7 : memref<!tpu.dma_semaphore, #tpu.memory_space<semaphore_mem>>)
    %get3A_584 = arith.constant 48 : index
    %get3A_585 = tpu.vector_load %arg5[%get3A_584] {strides = array<i32>} : memref<128xi32, #tpu.memory_space<vmem>>, vector<16xi32>,
    %get3A_586 = vector.shape_cast %get3A_585 : vector<16xi32> to vector<16xi32>
    %slice3A_587 = vector.extract_strided_slice %get3A_586 {offsets = [0], sizes = [1], strides = [1]} : vector<16xi32> to vector<1xi32>
    %squeeze3A_588 = vector.extract %slice3A_587[0] : i32 from vector<1xi32>
    %dma_start3A_589 = arith.constant 48 : i32
    %dma_start3A_590 = arith.constant 0 : i32
    %dma_start3A_591 = tpu.memref_slice %arg6[%dma_start3A_589, %dma_start3A_590] : memref<128x32xf32, #tpu.memory_space<vmem>> -> memref<1x32xf32, #tpu.memory_space<vmem>>
    %dma_start3A_592 = arith.constant 0 : i32
    %dma_start3A_593 = tpu.memref_slice %arg3[%squeeze3A_588, %dma_start3A_592] : memref<100000x32xf32, #tpu.memory_space<hbm>> -> memref<1x32xf32, #tpu.memory_space<hbm>>
    %dma_start3A_594 = arith.constant 48 : i32
    %dma_start3A_595 = arith.constant 0 : i32
    %dma_start3A_596 = tpu.memref_slice %arg6[%dma_start3A_594, %dma_start3A_595] : memref<128x32xf32, #tpu.memory_space<vmem>> -> memref<1x32xf32, #tpu.memory_space<vmem>>
    %dma_start3A_597 = arith.constant 0 : i32
    %dma_start3A_598 = tpu.memref_slice %arg3[%squeeze3A_588, %dma_start3A_597] : memref<100000x32xf32, #tpu.memory_space<hbm>> -> memref<1x32xf32, #tpu.memory_space<hbm>>
    tpu.enqueue_dma source(%dma_start3A_598 : memref<1x32xf32, #tpu.memory_space<hbm>>) target(%dma_start3A_596 : memref<1x32xf32, #tpu.memory_space<vmem>>) target_semaphore(%arg7 : memref<!tpu.dma_semaphore, #tpu.memory_space<semaphore_mem>>)
    %slice3A_599 = vector.extract_strided_slice %get3A_586 {offsets = [1], sizes = [1], strides = [1]} : vector<16xi32> to vector<1xi32>
    %squeeze3A_600 = vector.extract %slice3A_599[0] : i32 from vector<1xi32>
    %dma_start3A_601 = arith.constant 49 : i32
    %dma_start3A_602 = arith.constant 0 : i32
    %dma_start3A_603 = tpu.memref_slice %arg6[%dma_start3A_601, %dma_start3A_602] : memref<128x32xf32, #tpu.memory_space<vmem>> -> memref<1x32xf32, #tpu.memory_space<vmem>>
    %dma_start3A_604 = arith.constant 0 : i32
    %dma_start3A_605 = tpu.memref_slice %arg3[%squeeze3A_600, %dma_start3A_604] : memref<100000x32xf32, #tpu.memory_space<hbm>> -> memref<1x32xf32, #tpu.memory_space<hbm>>
    %dma_start3A_606 = arith.constant 49 : i32
    %dma_start3A_607 = arith.constant 0 : i32
    %dma_start3A_608 = tpu.memref_slice %arg6[%dma_start3A_606, %dma_start3A_607] : memref<128x32xf32, #tpu.memory_space<vmem>> -> memref<1x32xf32, #tpu.memory_space<vmem>>
    %dma_start3A_609 = arith.constant 0 : i32
    %dma_start3A_610 = tpu.memref_slice %arg3[%squeeze3A_600, %dma_start3A_609] : memref<100000x32xf32, #tpu.memory_space<hbm>> -> memref<1x32xf32, #tpu.memory_space<hbm>>
    tpu.enqueue_dma source(%dma_start3A_610 : memref<1x32xf32, #tpu.memory_space<hbm>>) target(%dma_start3A_608 : memref<1x32xf32, #tpu.memory_space<vmem>>) target_semaphore(%arg7 : memref<!tpu.dma_semaphore, #tpu.memory_space<semaphore_mem>>)
    %slice3A_611 = vector.extract_strided_slice %get3A_586 {offsets = [2], sizes = [1], strides = [1]} : vector<16xi32> to vector<1xi32>
    %squeeze3A_612 = vector.extract %slice3A_611[0] : i32 from vector<1xi32>
    %dma_start3A_613 = arith.constant 50 : i32
    %dma_start3A_614 = arith.constant 0 : i32
    %dma_start3A_615 = tpu.memref_slice %arg6[%dma_start3A_613, %dma_start3A_614] : memref<128x32xf32, #tpu.memory_space<vmem>> -> memref<1x32xf32, #tpu.memory_space<vmem>>
    %dma_start3A_616 = arith.constant 0 : i32
    %dma_start3A_617 = tpu.memref_slice %arg3[%squeeze3A_612, %dma_start3A_616] : memref<100000x32xf32, #tpu.memory_space<hbm>> -> memref<1x32xf32, #tpu.memory_space<hbm>>
    %dma_start3A_618 = arith.constant 50 : i32
    %dma_start3A_619 = arith.constant 0 : i32
    %dma_start3A_620 = tpu.memref_slice %arg6[%dma_start3A_618, %dma_start3A_619] : memref<128x32xf32, #tpu.memory_space<vmem>> -> memref<1x32xf32, #tpu.memory_space<vmem>>
    %dma_start3A_621 = arith.constant 0 : i32
    %dma_start3A_622 = tpu.memref_slice %arg3[%squeeze3A_612, %dma_start3A_621] : memref<100000x32xf32, #tpu.memory_space<hbm>> -> memref<1x32xf32, #tpu.memory_space<hbm>>
    tpu.enqueue_dma source(%dma_start3A_622 : memref<1x32xf32, #tpu.memory_space<hbm>>) target(%dma_start3A_620 : memref<1x32xf32, #tpu.memory_space<vmem>>) target_semaphore(%arg7 : memref<!tpu.dma_semaphore, #tpu.memory_space<semaphore_mem>>)
    %slice3A_623 = vector.extract_strided_slice %get3A_586 {offsets = [3], sizes = [1], strides = [1]} : vector<16xi32> to vector<1xi32>
    %squeeze3A_624 = vector.extract %slice3A_623[0] : i32 from vector<1xi32>
    %dma_start3A_625 = arith.constant 51 : i32
    %dma_start3A_626 = arith.constant 0 : i32
    %dma_start3A_627 = tpu.memref_slice %arg6[%dma_start3A_625, %dma_start3A_626] : memref<128x32xf32, #tpu.memory_space<vmem>> -> memref<1x32xf32, #tpu.memory_space<vmem>>
    %dma_start3A_628 = arith.constant 0 : i32
    %dma_start3A_629 = tpu.memref_slice %arg3[%squeeze3A_624, %dma_start3A_628] : memref<100000x32xf32, #tpu.memory_space<hbm>> -> memref<1x32xf32, #tpu.memory_space<hbm>>
    %dma_start3A_630 = arith.constant 51 : i32
    %dma_start3A_631 = arith.constant 0 : i32
    %dma_start3A_632 = tpu.memref_slice %arg6[%dma_start3A_630, %dma_start3A_631] : memref<128x32xf32, #tpu.memory_space<vmem>> -> memref<1x32xf32, #tpu.memory_space<vmem>>
    %dma_start3A_633 = arith.constant 0 : i32
    %dma_start3A_634 = tpu.memref_slice %arg3[%squeeze3A_624, %dma_start3A_633] : memref<100000x32xf32, #tpu.memory_space<hbm>> -> memref<1x32xf32, #tpu.memory_space<hbm>>
    tpu.enqueue_dma source(%dma_start3A_634 : memref<1x32xf32, #tpu.memory_space<hbm>>) target(%dma_start3A_632 : memref<1x32xf32, #tpu.memory_space<vmem>>) target_semaphore(%arg7 : memref<!tpu.dma_semaphore, #tpu.memory_space<semaphore_mem>>)
    %slice3A_635 = vector.extract_strided_slice %get3A_586 {offsets = [4], sizes = [1], strides = [1]} : vector<16xi32> to vector<1xi32>
    %squeeze3A_636 = vector.extract %slice3A_635[0] : i32 from vector<1xi32>
    %dma_start3A_637 = arith.constant 52 : i32
    %dma_start3A_638 = arith.constant 0 : i32
    %dma_start3A_639 = tpu.memref_slice %arg6[%dma_start3A_637, %dma_start3A_638] : memref<128x32xf32, #tpu.memory_space<vmem>> -> memref<1x32xf32, #tpu.memory_space<vmem>>
    %dma_start3A_640 = arith.constant 0 : i32
    %dma_start3A_641 = tpu.memref_slice %arg3[%squeeze3A_636, %dma_start3A_640] : memref<100000x32xf32, #tpu.memory_space<hbm>> -> memref<1x32xf32, #tpu.memory_space<hbm>>
    %dma_start3A_642 = arith.constant 52 : i32
    %dma_start3A_643 = arith.constant 0 : i32
    %dma_start3A_644 = tpu.memref_slice %arg6[%dma_start3A_642, %dma_start3A_643] : memref<128x32xf32, #tpu.memory_space<vmem>> -> memref<1x32xf32, #tpu.memory_space<vmem>>
    %dma_start3A_645 = arith.constant 0 : i32
    %dma_start3A_646 = tpu.memref_slice %arg3[%squeeze3A_636, %dma_start3A_645] : memref<100000x32xf32, #tpu.memory_space<hbm>> -> memref<1x32xf32, #tpu.memory_space<hbm>>
    tpu.enqueue_dma source(%dma_start3A_646 : memref<1x32xf32, #tpu.memory_space<hbm>>) target(%dma_start3A_644 : memref<1x32xf32, #tpu.memory_space<vmem>>) target_semaphore(%arg7 : memref<!tpu.dma_semaphore, #tpu.memory_space<semaphore_mem>>)
    %slice3A_647 = vector.extract_strided_slice %get3A_586 {offsets = [5], sizes = [1], strides = [1]} : vector<16xi32> to vector<1xi32>
    %squeeze3A_648 = vector.extract %slice3A_647[0] : i32 from vector<1xi32>
    %dma_start3A_649 = arith.constant 53 : i32
    %dma_start3A_650 = arith.constant 0 : i32
    %dma_start3A_651 = tpu.memref_slice %arg6[%dma_start3A_649, %dma_start3A_650] : memref<128x32xf32, #tpu.memory_space<vmem>> -> memref<1x32xf32, #tpu.memory_space<vmem>>
    %dma_start3A_652 = arith.constant 0 : i32
    %dma_start3A_653 = tpu.memref_slice %arg3[%squeeze3A_648, %dma_start3A_652] : memref<100000x32xf32, #tpu.memory_space<hbm>> -> memref<1x32xf32, #tpu.memory_space<hbm>>
    %dma_start3A_654 = arith.constant 53 : i32
    %dma_start3A_655 = arith.constant 0 : i32
    %dma_start3A_656 = tpu.memref_slice %arg6[%dma_start3A_654, %dma_start3A_655] : memref<128x32xf32, #tpu.memory_space<vmem>> -> memref<1x32xf32, #tpu.memory_space<vmem>>
    %dma_start3A_657 = arith.constant 0 : i32
    %dma_start3A_658 = tpu.memref_slice %arg3[%squeeze3A_648, %dma_start3A_657] : memref<100000x32xf32, #tpu.memory_space<hbm>> -> memref<1x32xf32, #tpu.memory_space<hbm>>
    tpu.enqueue_dma source(%dma_start3A_658 : memref<1x32xf32, #tpu.memory_space<hbm>>) target(%dma_start3A_656 : memref<1x32xf32, #tpu.memory_space<vmem>>) target_semaphore(%arg7 : memref<!tpu.dma_semaphore, #tpu.memory_space<semaphore_mem>>)
    %slice3A_659 = vector.extract_strided_slice %get3A_586 {offsets = [6], sizes = [1], strides = [1]} : vector<16xi32> to vector<1xi32>
    %squeeze3A_660 = vector.extract %slice3A_659[0] : i32 from vector<1xi32>
    %dma_start3A_661 = arith.constant 54 : i32
    %dma_start3A_662 = arith.constant 0 : i32
    %dma_start3A_663 = tpu.memref_slice %arg6[%dma_start3A_661, %dma_start3A_662] : memref<128x32xf32, #tpu.memory_space<vmem>> -> memref<1x32xf32, #tpu.memory_space<vmem>>
    %dma_start3A_664 = arith.constant 0 : i32
    %dma_start3A_665 = tpu.memref_slice %arg3[%squeeze3A_660, %dma_start3A_664] : memref<100000x32xf32, #tpu.memory_space<hbm>> -> memref<1x32xf32, #tpu.memory_space<hbm>>
    %dma_start3A_666 = arith.constant 54 : i32
    %dma_start3A_667 = arith.constant 0 : i32
    %dma_start3A_668 = tpu.memref_slice %arg6[%dma_start3A_666, %dma_start3A_667] : memref<128x32xf32, #tpu.memory_space<vmem>> -> memref<1x32xf32, #tpu.memory_space<vmem>>
    %dma_start3A_669 = arith.constant 0 : i32
    %dma_start3A_670 = tpu.memref_slice %arg3[%squeeze3A_660, %dma_start3A_669] : memref<100000x32xf32, #tpu.memory_space<hbm>> -> memref<1x32xf32, #tpu.memory_space<hbm>>
    tpu.enqueue_dma source(%dma_start3A_670 : memref<1x32xf32, #tpu.memory_space<hbm>>) target(%dma_start3A_668 : memref<1x32xf32, #tpu.memory_space<vmem>>) target_semaphore(%arg7 : memref<!tpu.dma_semaphore, #tpu.memory_space<semaphore_mem>>)
    %slice3A_671 = vector.extract_strided_slice %get3A_586 {offsets = [7], sizes = [1], strides = [1]} : vector<16xi32> to vector<1xi32>
    %squeeze3A_672 = vector.extract %slice3A_671[0] : i32 from vector<1xi32>
    %dma_start3A_673 = arith.constant 55 : i32
    %dma_start3A_674 = arith.constant 0 : i32
    %dma_start3A_675 = tpu.memref_slice %arg6[%dma_start3A_673, %dma_start3A_674] : memref<128x32xf32, #tpu.memory_space<vmem>> -> memref<1x32xf32, #tpu.memory_space<vmem>>
    %dma_start3A_676 = arith.constant 0 : i32
    %dma_start3A_677 = tpu.memref_slice %arg3[%squeeze3A_672, %dma_start3A_676] : memref<100000x32xf32, #tpu.memory_space<hbm>> -> memref<1x32xf32, #tpu.memory_space<hbm>>
    %dma_start3A_678 = arith.constant 55 : i32
    %dma_start3A_679 = arith.constant 0 : i32
    %dma_start3A_680 = tpu.memref_slice %arg6[%dma_start3A_678, %dma_start3A_679] : memref<128x32xf32, #tpu.memory_space<vmem>> -> memref<1x32xf32, #tpu.memory_space<vmem>>
    %dma_start3A_681 = arith.constant 0 : i32
    %dma_start3A_682 = tpu.memref_slice %arg3[%squeeze3A_672, %dma_start3A_681] : memref<100000x32xf32, #tpu.memory_space<hbm>> -> memref<1x32xf32, #tpu.memory_space<hbm>>
    tpu.enqueue_dma source(%dma_start3A_682 : memref<1x32xf32, #tpu.memory_space<hbm>>) target(%dma_start3A_680 : memref<1x32xf32, #tpu.memory_space<vmem>>) target_semaphore(%arg7 : memref<!tpu.dma_semaphore, #tpu.memory_space<semaphore_mem>>)
    %slice3A_683 = vector.extract_strided_slice %get3A_586 {offsets = [8], sizes = [1], strides = [1]} : vector<16xi32> to vector<1xi32>
    %squeeze3A_684 = vector.extract %slice3A_683[0] : i32 from vector<1xi32>
    %dma_start3A_685 = arith.constant 56 : i32
    %dma_start3A_686 = arith.constant 0 : i32
    %dma_start3A_687 = tpu.memref_slice %arg6[%dma_start3A_685, %dma_start3A_686] : memref<128x32xf32, #tpu.memory_space<vmem>> -> memref<1x32xf32, #tpu.memory_space<vmem>>
    %dma_start3A_688 = arith.constant 0 : i32
    %dma_start3A_689 = tpu.memref_slice %arg3[%squeeze3A_684, %dma_start3A_688] : memref<100000x32xf32, #tpu.memory_space<hbm>> -> memref<1x32xf32, #tpu.memory_space<hbm>>
    %dma_start3A_690 = arith.constant 56 : i32
    %dma_start3A_691 = arith.constant 0 : i32
    %dma_start3A_692 = tpu.memref_slice %arg6[%dma_start3A_690, %dma_start3A_691] : memref<128x32xf32, #tpu.memory_space<vmem>> -> memref<1x32xf32, #tpu.memory_space<vmem>>
    %dma_start3A_693 = arith.constant 0 : i32
    %dma_start3A_694 = tpu.memref_slice %arg3[%squeeze3A_684, %dma_start3A_693] : memref<100000x32xf32, #tpu.memory_space<hbm>> -> memref<1x32xf32, #tpu.memory_space<hbm>>
    tpu.enqueue_dma source(%dma_start3A_694 : memref<1x32xf32, #tpu.memory_space<hbm>>) target(%dma_start3A_692 : memref<1x32xf32, #tpu.memory_space<vmem>>) target_semaphore(%arg7 : memref<!tpu.dma_semaphore, #tpu.memory_space<semaphore_mem>>)
    %slice3A_695 = vector.extract_strided_slice %get3A_586 {offsets = [9], sizes = [1], strides = [1]} : vector<16xi32> to vector<1xi32>
    %squeeze3A_696 = vector.extract %slice3A_695[0] : i32 from vector<1xi32>
    %dma_start3A_697 = arith.constant 57 : i32
    %dma_start3A_698 = arith.constant 0 : i32
    %dma_start3A_699 = tpu.memref_slice %arg6[%dma_start3A_697, %dma_start3A_698] : memref<128x32xf32, #tpu.memory_space<vmem>> -> memref<1x32xf32, #tpu.memory_space<vmem>>
    %dma_start3A_700 = arith.constant 0 : i32
    %dma_start3A_701 = tpu.memref_slice %arg3[%squeeze3A_696, %dma_start3A_700] : memref<100000x32xf32, #tpu.memory_space<hbm>> -> memref<1x32xf32, #tpu.memory_space<hbm>>
    %dma_start3A_702 = arith.constant 57 : i32
    %dma_start3A_703 = arith.constant 0 : i32
    %dma_start3A_704 = tpu.memref_slice %arg6[%dma_start3A_702, %dma_start3A_703] : memref<128x32xf32, #tpu.memory_space<vmem>> -> memref<1x32xf32, #tpu.memory_space<vmem>>
    %dma_start3A_705 = arith.constant 0 : i32
    %dma_start3A_706 = tpu.memref_slice %arg3[%squeeze3A_696, %dma_start3A_705] : memref<100000x32xf32, #tpu.memory_space<hbm>> -> memref<1x32xf32, #tpu.memory_space<hbm>>
    tpu.enqueue_dma source(%dma_start3A_706 : memref<1x32xf32, #tpu.memory_space<hbm>>) target(%dma_start3A_704 : memref<1x32xf32, #tpu.memory_space<vmem>>) target_semaphore(%arg7 : memref<!tpu.dma_semaphore, #tpu.memory_space<semaphore_mem>>)
    %slice3A_707 = vector.extract_strided_slice %get3A_586 {offsets = [10], sizes = [1], strides = [1]} : vector<16xi32> to vector<1xi32>
    %squeeze3A_708 = vector.extract %slice3A_707[0] : i32 from vector<1xi32>
    %dma_start3A_709 = arith.constant 58 : i32
    %dma_start3A_710 = arith.constant 0 : i32
    %dma_start3A_711 = tpu.memref_slice %arg6[%dma_start3A_709, %dma_start3A_710] : memref<128x32xf32, #tpu.memory_space<vmem>> -> memref<1x32xf32, #tpu.memory_space<vmem>>
    %dma_start3A_712 = arith.constant 0 : i32
    %dma_start3A_713 = tpu.memref_slice %arg3[%squeeze3A_708, %dma_start3A_712] : memref<100000x32xf32, #tpu.memory_space<hbm>> -> memref<1x32xf32, #tpu.memory_space<hbm>>
    %dma_start3A_714 = arith.constant 58 : i32
    %dma_start3A_715 = arith.constant 0 : i32
    %dma_start3A_716 = tpu.memref_slice %arg6[%dma_start3A_714, %dma_start3A_715] : memref<128x32xf32, #tpu.memory_space<vmem>> -> memref<1x32xf32, #tpu.memory_space<vmem>>
    %dma_start3A_717 = arith.constant 0 : i32
    %dma_start3A_718 = tpu.memref_slice %arg3[%squeeze3A_708, %dma_start3A_717] : memref<100000x32xf32, #tpu.memory_space<hbm>> -> memref<1x32xf32, #tpu.memory_space<hbm>>
    tpu.enqueue_dma source(%dma_start3A_718 : memref<1x32xf32, #tpu.memory_space<hbm>>) target(%dma_start3A_716 : memref<1x32xf32, #tpu.memory_space<vmem>>) target_semaphore(%arg7 : memref<!tpu.dma_semaphore, #tpu.memory_space<semaphore_mem>>)
    %slice3A_719 = vector.extract_strided_slice %get3A_586 {offsets = [11], sizes = [1], strides = [1]} : vector<16xi32> to vector<1xi32>
    %squeeze3A_720 = vector.extract %slice3A_719[0] : i32 from vector<1xi32>
    %dma_start3A_721 = arith.constant 59 : i32
    %dma_start3A_722 = arith.constant 0 : i32
    %dma_start3A_723 = tpu.memref_slice %arg6[%dma_start3A_721, %dma_start3A_722] : memref<128x32xf32, #tpu.memory_space<vmem>> -> memref<1x32xf32, #tpu.memory_space<vmem>>
    %dma_start3A_724 = arith.constant 0 : i32
    %dma_start3A_725 = tpu.memref_slice %arg3[%squeeze3A_720, %dma_start3A_724] : memref<100000x32xf32, #tpu.memory_space<hbm>> -> memref<1x32xf32, #tpu.memory_space<hbm>>
    %dma_start3A_726 = arith.constant 59 : i32
    %dma_start3A_727 = arith.constant 0 : i32
    %dma_start3A_728 = tpu.memref_slice %arg6[%dma_start3A_726, %dma_start3A_727] : memref<128x32xf32, #tpu.memory_space<vmem>> -> memref<1x32xf32, #tpu.memory_space<vmem>>
    %dma_start3A_729 = arith.constant 0 : i32
    %dma_start3A_730 = tpu.memref_slice %arg3[%squeeze3A_720, %dma_start3A_729] : memref<100000x32xf32, #tpu.memory_space<hbm>> -> memref<1x32xf32, #tpu.memory_space<hbm>>
    tpu.enqueue_dma source(%dma_start3A_730 : memref<1x32xf32, #tpu.memory_space<hbm>>) target(%dma_start3A_728 : memref<1x32xf32, #tpu.memory_space<vmem>>) target_semaphore(%arg7 : memref<!tpu.dma_semaphore, #tpu.memory_space<semaphore_mem>>)
    %slice3A_731 = vector.extract_strided_slice %get3A_586 {offsets = [12], sizes = [1], strides = [1]} : vector<16xi32> to vector<1xi32>
    %squeeze3A_732 = vector.extract %slice3A_731[0] : i32 from vector<1xi32>
    %dma_start3A_733 = arith.constant 60 : i32
    %dma_start3A_734 = arith.constant 0 : i32
    %dma_start3A_735 = tpu.memref_slice %arg6[%dma_start3A_733, %dma_start3A_734] : memref<128x32xf32, #tpu.memory_space<vmem>> -> memref<1x32xf32, #tpu.memory_space<vmem>>
    %dma_start3A_736 = arith.constant 0 : i32
    %dma_start3A_737 = tpu.memref_slice %arg3[%squeeze3A_732, %dma_start3A_736] : memref<100000x32xf32, #tpu.memory_space<hbm>> -> memref<1x32xf32, #tpu.memory_space<hbm>>
    %dma_start3A_738 = arith.constant 60 : i32
    %dma_start3A_739 = arith.constant 0 : i32
    %dma_start3A_740 = tpu.memref_slice %arg6[%dma_start3A_738, %dma_start3A_739] : memref<128x32xf32, #tpu.memory_space<vmem>> -> memref<1x32xf32, #tpu.memory_space<vmem>>
    %dma_start3A_741 = arith.constant 0 : i32
    %dma_start3A_742 = tpu.memref_slice %arg3[%squeeze3A_732, %dma_start3A_741] : memref<100000x32xf32, #tpu.memory_space<hbm>> -> memref<1x32xf32, #tpu.memory_space<hbm>>
    tpu.enqueue_dma source(%dma_start3A_742 : memref<1x32xf32, #tpu.memory_space<hbm>>) target(%dma_start3A_740 : memref<1x32xf32, #tpu.memory_space<vmem>>) target_semaphore(%arg7 : memref<!tpu.dma_semaphore, #tpu.memory_space<semaphore_mem>>)
    %slice3A_743 = vector.extract_strided_slice %get3A_586 {offsets = [13], sizes = [1], strides = [1]} : vector<16xi32> to vector<1xi32>
    %squeeze3A_744 = vector.extract %slice3A_743[0] : i32 from vector<1xi32>
    %dma_start3A_745 = arith.constant 61 : i32
    %dma_start3A_746 = arith.constant 0 : i32
    %dma_start3A_747 = tpu.memref_slice %arg6[%dma_start3A_745, %dma_start3A_746] : memref<128x32xf32, #tpu.memory_space<vmem>> -> memref<1x32xf32, #tpu.memory_space<vmem>>
    %dma_start3A_748 = arith.constant 0 : i32
    %dma_start3A_749 = tpu.memref_slice %arg3[%squeeze3A_744, %dma_start3A_748] : memref<100000x32xf32, #tpu.memory_space<hbm>> -> memref<1x32xf32, #tpu.memory_space<hbm>>
    %dma_start3A_750 = arith.constant 61 : i32
    %dma_start3A_751 = arith.constant 0 : i32
    %dma_start3A_752 = tpu.memref_slice %arg6[%dma_start3A_750, %dma_start3A_751] : memref<128x32xf32, #tpu.memory_space<vmem>> -> memref<1x32xf32, #tpu.memory_space<vmem>>
    %dma_start3A_753 = arith.constant 0 : i32
    %dma_start3A_754 = tpu.memref_slice %arg3[%squeeze3A_744, %dma_start3A_753] : memref<100000x32xf32, #tpu.memory_space<hbm>> -> memref<1x32xf32, #tpu.memory_space<hbm>>
    tpu.enqueue_dma source(%dma_start3A_754 : memref<1x32xf32, #tpu.memory_space<hbm>>) target(%dma_start3A_752 : memref<1x32xf32, #tpu.memory_space<vmem>>) target_semaphore(%arg7 : memref<!tpu.dma_semaphore, #tpu.memory_space<semaphore_mem>>)
    %slice3A_755 = vector.extract_strided_slice %get3A_586 {offsets = [14], sizes = [1], strides = [1]} : vector<16xi32> to vector<1xi32>
    %squeeze3A_756 = vector.extract %slice3A_755[0] : i32 from vector<1xi32>
    %dma_start3A_757 = arith.constant 62 : i32
    %dma_start3A_758 = arith.constant 0 : i32
    %dma_start3A_759 = tpu.memref_slice %arg6[%dma_start3A_757, %dma_start3A_758] : memref<128x32xf32, #tpu.memory_space<vmem>> -> memref<1x32xf32, #tpu.memory_space<vmem>>
    %dma_start3A_760 = arith.constant 0 : i32
    %dma_start3A_761 = tpu.memref_slice %arg3[%squeeze3A_756, %dma_start3A_760] : memref<100000x32xf32, #tpu.memory_space<hbm>> -> memref<1x32xf32, #tpu.memory_space<hbm>>
    %dma_start3A_762 = arith.constant 62 : i32
    %dma_start3A_763 = arith.constant 0 : i32
    %dma_start3A_764 = tpu.memref_slice %arg6[%dma_start3A_762, %dma_start3A_763] : memref<128x32xf32, #tpu.memory_space<vmem>> -> memref<1x32xf32, #tpu.memory_space<vmem>>
    %dma_start3A_765 = arith.constant 0 : i32
    %dma_start3A_766 = tpu.memref_slice %arg3[%squeeze3A_756, %dma_start3A_765] : memref<100000x32xf32, #tpu.memory_space<hbm>> -> memref<1x32xf32, #tpu.memory_space<hbm>>
    tpu.enqueue_dma source(%dma_start3A_766 : memref<1x32xf32, #tpu.memory_space<hbm>>) target(%dma_start3A_764 : memref<1x32xf32, #tpu.memory_space<vmem>>) target_semaphore(%arg7 : memref<!tpu.dma_semaphore, #tpu.memory_space<semaphore_mem>>)
    %slice3A_767 = vector.extract_strided_slice %get3A_586 {offsets = [15], sizes = [1], strides = [1]} : vector<16xi32> to vector<1xi32>
    %squeeze3A_768 = vector.extract %slice3A_767[0] : i32 from vector<1xi32>
    %dma_start3A_769 = arith.constant 63 : i32
    %dma_start3A_770 = arith.constant 0 : i32
    %dma_start3A_771 = tpu.memref_slice %arg6[%dma_start3A_769, %dma_start3A_770] : memref<128x32xf32, #tpu.memory_space<vmem>> -> memref<1x32xf32, #tpu.memory_space<vmem>>
    %dma_start3A_772 = arith.constant 0 : i32
    %dma_start3A_773 = tpu.memref_slice %arg3[%squeeze3A_768, %dma_start3A_772] : memref<100000x32xf32, #tpu.memory_space<hbm>> -> memref<1x32xf32, #tpu.memory_space<hbm>>
    %dma_start3A_774 = arith.constant 63 : i32
    %dma_start3A_775 = arith.constant 0 : i32
    %dma_start3A_776 = tpu.memref_slice %arg6[%dma_start3A_774, %dma_start3A_775] : memref<128x32xf32, #tpu.memory_space<vmem>> -> memref<1x32xf32, #tpu.memory_space<vmem>>
    %dma_start3A_777 = arith.constant 0 : i32
    %dma_start3A_778 = tpu.memref_slice %arg3[%squeeze3A_768, %dma_start3A_777] : memref<100000x32xf32, #tpu.memory_space<hbm>> -> memref<1x32xf32, #tpu.memory_space<hbm>>
    tpu.enqueue_dma source(%dma_start3A_778 : memref<1x32xf32, #tpu.memory_space<hbm>>) target(%dma_start3A_776 : memref<1x32xf32, #tpu.memory_space<vmem>>) target_semaphore(%arg7 : memref<!tpu.dma_semaphore, #tpu.memory_space<semaphore_mem>>)
    %get3A_779 = arith.constant 64 : index
    %get3A_780 = tpu.vector_load %arg5[%get3A_779] {strides = array<i32>} : memref<128xi32, #tpu.memory_space<vmem>>, vector<16xi32>,
    %get3A_781 = vector.shape_cast %get3A_780 : vector<16xi32> to vector<16xi32>
    %slice3A_782 = vector.extract_strided_slice %get3A_781 {offsets = [0], sizes = [1], strides = [1]} : vector<16xi32> to vector<1xi32>
    %squeeze3A_783 = vector.extract %slice3A_782[0] : i32 from vector<1xi32>
    %dma_start3A_784 = arith.constant 64 : i32
    %dma_start3A_785 = arith.constant 0 : i32
    %dma_start3A_786 = tpu.memref_slice %arg6[%dma_start3A_784, %dma_start3A_785] : memref<128x32xf32, #tpu.memory_space<vmem>> -> memref<1x32xf32, #tpu.memory_space<vmem>>
    %dma_start3A_787 = arith.constant 0 : i32
    %dma_start3A_788 = tpu.memref_slice %arg3[%squeeze3A_783, %dma_start3A_787] : memref<100000x32xf32, #tpu.memory_space<hbm>> -> memref<1x32xf32, #tpu.memory_space<hbm>>
    %dma_start3A_789 = arith.constant 64 : i32
    %dma_start3A_790 = arith.constant 0 : i32
    %dma_start3A_791 = tpu.memref_slice %arg6[%dma_start3A_789, %dma_start3A_790] : memref<128x32xf32, #tpu.memory_space<vmem>> -> memref<1x32xf32, #tpu.memory_space<vmem>>
    %dma_start3A_792 = arith.constant 0 : i32
    %dma_start3A_793 = tpu.memref_slice %arg3[%squeeze3A_783, %dma_start3A_792] : memref<100000x32xf32, #tpu.memory_space<hbm>> -> memref<1x32xf32, #tpu.memory_space<hbm>>
    tpu.enqueue_dma source(%dma_start3A_793 : memref<1x32xf32, #tpu.memory_space<hbm>>) target(%dma_start3A_791 : memref<1x32xf32, #tpu.memory_space<vmem>>) target_semaphore(%arg7 : memref<!tpu.dma_semaphore, #tpu.memory_space<semaphore_mem>>)
    %slice3A_794 = vector.extract_strided_slice %get3A_781 {offsets = [1], sizes = [1], strides = [1]} : vector<16xi32> to vector<1xi32>
    %squeeze3A_795 = vector.extract %slice3A_794[0] : i32 from vector<1xi32>
    %dma_start3A_796 = arith.constant 65 : i32
    %dma_start3A_797 = arith.constant 0 : i32
    %dma_start3A_798 = tpu.memref_slice %arg6[%dma_start3A_796, %dma_start3A_797] : memref<128x32xf32, #tpu.memory_space<vmem>> -> memref<1x32xf32, #tpu.memory_space<vmem>>
    %dma_start3A_799 = arith.constant 0 : i32
    %dma_start3A_800 = tpu.memref_slice %arg3[%squeeze3A_795, %dma_start3A_799] : memref<100000x32xf32, #tpu.memory_space<hbm>> -> memref<1x32xf32, #tpu.memory_space<hbm>>
    %dma_start3A_801 = arith.constant 65 : i32
    %dma_start3A_802 = arith.constant 0 : i32
    %dma_start3A_803 = tpu.memref_slice %arg6[%dma_start3A_801, %dma_start3A_802] : memref<128x32xf32, #tpu.memory_space<vmem>> -> memref<1x32xf32, #tpu.memory_space<vmem>>
    %dma_start3A_804 = arith.constant 0 : i32
    %dma_start3A_805 = tpu.memref_slice %arg3[%squeeze3A_795, %dma_start3A_804] : memref<100000x32xf32, #tpu.memory_space<hbm>> -> memref<1x32xf32, #tpu.memory_space<hbm>>
    tpu.enqueue_dma source(%dma_start3A_805 : memref<1x32xf32, #tpu.memory_space<hbm>>) target(%dma_start3A_803 : memref<1x32xf32, #tpu.memory_space<vmem>>) target_semaphore(%arg7 : memref<!tpu.dma_semaphore, #tpu.memory_space<semaphore_mem>>)
    %slice3A_806 = vector.extract_strided_slice %get3A_781 {offsets = [2], sizes = [1], strides = [1]} : vector<16xi32> to vector<1xi32>
    %squeeze3A_807 = vector.extract %slice3A_806[0] : i32 from vector<1xi32>
    %dma_start3A_808 = arith.constant 66 : i32
    %dma_start3A_809 = arith.constant 0 : i32
    %dma_start3A_810 = tpu.memref_slice %arg6[%dma_start3A_808, %dma_start3A_809] : memref<128x32xf32, #tpu.memory_space<vmem>> -> memref<1x32xf32, #tpu.memory_space<vmem>>
    %dma_start3A_811 = arith.constant 0 : i32
    %dma_start3A_812 = tpu.memref_slice %arg3[%squeeze3A_807, %dma_start3A_811] : memref<100000x32xf32, #tpu.memory_space<hbm>> -> memref<1x32xf32, #tpu.memory_space<hbm>>
    %dma_start3A_813 = arith.constant 66 : i32
    %dma_start3A_814 = arith.constant 0 : i32
    %dma_start3A_815 = tpu.memref_slice %arg6[%dma_start3A_813, %dma_start3A_814] : memref<128x32xf32, #tpu.memory_space<vmem>> -> memref<1x32xf32, #tpu.memory_space<vmem>>
    %dma_start3A_816 = arith.constant 0 : i32
    %dma_start3A_817 = tpu.memref_slice %arg3[%squeeze3A_807, %dma_start3A_816] : memref<100000x32xf32, #tpu.memory_space<hbm>> -> memref<1x32xf32, #tpu.memory_space<hbm>>
    tpu.enqueue_dma source(%dma_start3A_817 : memref<1x32xf32, #tpu.memory_space<hbm>>) target(%dma_start3A_815 : memref<1x32xf32, #tpu.memory_space<vmem>>) target_semaphore(%arg7 : memref<!tpu.dma_semaphore, #tpu.memory_space<semaphore_mem>>)
    %slice3A_818 = vector.extract_strided_slice %get3A_781 {offsets = [3], sizes = [1], strides = [1]} : vector<16xi32> to vector<1xi32>
    %squeeze3A_819 = vector.extract %slice3A_818[0] : i32 from vector<1xi32>
    %dma_start3A_820 = arith.constant 67 : i32
    %dma_start3A_821 = arith.constant 0 : i32
    %dma_start3A_822 = tpu.memref_slice %arg6[%dma_start3A_820, %dma_start3A_821] : memref<128x32xf32, #tpu.memory_space<vmem>> -> memref<1x32xf32, #tpu.memory_space<vmem>>
    %dma_start3A_823 = arith.constant 0 : i32
    %dma_start3A_824 = tpu.memref_slice %arg3[%squeeze3A_819, %dma_start3A_823] : memref<100000x32xf32, #tpu.memory_space<hbm>> -> memref<1x32xf32, #tpu.memory_space<hbm>>
    %dma_start3A_825 = arith.constant 67 : i32
    %dma_start3A_826 = arith.constant 0 : i32
    %dma_start3A_827 = tpu.memref_slice %arg6[%dma_start3A_825, %dma_start3A_826] : memref<128x32xf32, #tpu.memory_space<vmem>> -> memref<1x32xf32, #tpu.memory_space<vmem>>
    %dma_start3A_828 = arith.constant 0 : i32
    %dma_start3A_829 = tpu.memref_slice %arg3[%squeeze3A_819, %dma_start3A_828] : memref<100000x32xf32, #tpu.memory_space<hbm>> -> memref<1x32xf32, #tpu.memory_space<hbm>>
    tpu.enqueue_dma source(%dma_start3A_829 : memref<1x32xf32, #tpu.memory_space<hbm>>) target(%dma_start3A_827 : memref<1x32xf32, #tpu.memory_space<vmem>>) target_semaphore(%arg7 : memref<!tpu.dma_semaphore, #tpu.memory_space<semaphore_mem>>)
    %slice3A_830 = vector.extract_strided_slice %get3A_781 {offsets = [4], sizes = [1], strides = [1]} : vector<16xi32> to vector<1xi32>
    %squeeze3A_831 = vector.extract %slice3A_830[0] : i32 from vector<1xi32>
    %dma_start3A_832 = arith.constant 68 : i32
    %dma_start3A_833 = arith.constant 0 : i32
    %dma_start3A_834 = tpu.memref_slice %arg6[%dma_start3A_832, %dma_start3A_833] : memref<128x32xf32, #tpu.memory_space<vmem>> -> memref<1x32xf32, #tpu.memory_space<vmem>>
    %dma_start3A_835 = arith.constant 0 : i32
    %dma_start3A_836 = tpu.memref_slice %arg3[%squeeze3A_831, %dma_start3A_835] : memref<100000x32xf32, #tpu.memory_space<hbm>> -> memref<1x32xf32, #tpu.memory_space<hbm>>
    %dma_start3A_837 = arith.constant 68 : i32
    %dma_start3A_838 = arith.constant 0 : i32
    %dma_start3A_839 = tpu.memref_slice %arg6[%dma_start3A_837, %dma_start3A_838] : memref<128x32xf32, #tpu.memory_space<vmem>> -> memref<1x32xf32, #tpu.memory_space<vmem>>
    %dma_start3A_840 = arith.constant 0 : i32
    %dma_start3A_841 = tpu.memref_slice %arg3[%squeeze3A_831, %dma_start3A_840] : memref<100000x32xf32, #tpu.memory_space<hbm>> -> memref<1x32xf32, #tpu.memory_space<hbm>>
    tpu.enqueue_dma source(%dma_start3A_841 : memref<1x32xf32, #tpu.memory_space<hbm>>) target(%dma_start3A_839 : memref<1x32xf32, #tpu.memory_space<vmem>>) target_semaphore(%arg7 : memref<!tpu.dma_semaphore, #tpu.memory_space<semaphore_mem>>)
    %slice3A_842 = vector.extract_strided_slice %get3A_781 {offsets = [5], sizes = [1], strides = [1]} : vector<16xi32> to vector<1xi32>
    %squeeze3A_843 = vector.extract %slice3A_842[0] : i32 from vector<1xi32>
    %dma_start3A_844 = arith.constant 69 : i32
    %dma_start3A_845 = arith.constant 0 : i32
    %dma_start3A_846 = tpu.memref_slice %arg6[%dma_start3A_844, %dma_start3A_845] : memref<128x32xf32, #tpu.memory_space<vmem>> -> memref<1x32xf32, #tpu.memory_space<vmem>>
    %dma_start3A_847 = arith.constant 0 : i32
    %dma_start3A_848 = tpu.memref_slice %arg3[%squeeze3A_843, %dma_start3A_847] : memref<100000x32xf32, #tpu.memory_space<hbm>> -> memref<1x32xf32, #tpu.memory_space<hbm>>
    %dma_start3A_849 = arith.constant 69 : i32
    %dma_start3A_850 = arith.constant 0 : i32
    %dma_start3A_851 = tpu.memref_slice %arg6[%dma_start3A_849, %dma_start3A_850] : memref<128x32xf32, #tpu.memory_space<vmem>> -> memref<1x32xf32, #tpu.memory_space<vmem>>
    %dma_start3A_852 = arith.constant 0 : i32
    %dma_start3A_853 = tpu.memref_slice %arg3[%squeeze3A_843, %dma_start3A_852] : memref<100000x32xf32, #tpu.memory_space<hbm>> -> memref<1x32xf32, #tpu.memory_space<hbm>>
    tpu.enqueue_dma source(%dma_start3A_853 : memref<1x32xf32, #tpu.memory_space<hbm>>) target(%dma_start3A_851 : memref<1x32xf32, #tpu.memory_space<vmem>>) target_semaphore(%arg7 : memref<!tpu.dma_semaphore, #tpu.memory_space<semaphore_mem>>)
    %slice3A_854 = vector.extract_strided_slice %get3A_781 {offsets = [6], sizes = [1], strides = [1]} : vector<16xi32> to vector<1xi32>
    %squeeze3A_855 = vector.extract %slice3A_854[0] : i32 from vector<1xi32>
    %dma_start3A_856 = arith.constant 70 : i32
    %dma_start3A_857 = arith.constant 0 : i32
    %dma_start3A_858 = tpu.memref_slice %arg6[%dma_start3A_856, %dma_start3A_857] : memref<128x32xf32, #tpu.memory_space<vmem>> -> memref<1x32xf32, #tpu.memory_space<vmem>>
    %dma_start3A_859 = arith.constant 0 : i32
    %dma_start3A_860 = tpu.memref_slice %arg3[%squeeze3A_855, %dma_start3A_859] : memref<100000x32xf32, #tpu.memory_space<hbm>> -> memref<1x32xf32, #tpu.memory_space<hbm>>
    %dma_start3A_861 = arith.constant 70 : i32
    %dma_start3A_862 = arith.constant 0 : i32
    %dma_start3A_863 = tpu.memref_slice %arg6[%dma_start3A_861, %dma_start3A_862] : memref<128x32xf32, #tpu.memory_space<vmem>> -> memref<1x32xf32, #tpu.memory_space<vmem>>
    %dma_start3A_864 = arith.constant 0 : i32
    %dma_start3A_865 = tpu.memref_slice %arg3[%squeeze3A_855, %dma_start3A_864] : memref<100000x32xf32, #tpu.memory_space<hbm>> -> memref<1x32xf32, #tpu.memory_space<hbm>>
    tpu.enqueue_dma source(%dma_start3A_865 : memref<1x32xf32, #tpu.memory_space<hbm>>) target(%dma_start3A_863 : memref<1x32xf32, #tpu.memory_space<vmem>>) target_semaphore(%arg7 : memref<!tpu.dma_semaphore, #tpu.memory_space<semaphore_mem>>)
    %slice3A_866 = vector.extract_strided_slice %get3A_781 {offsets = [7], sizes = [1], strides = [1]} : vector<16xi32> to vector<1xi32>
    %squeeze3A_867 = vector.extract %slice3A_866[0] : i32 from vector<1xi32>
    %dma_start3A_868 = arith.constant 71 : i32
    %dma_start3A_869 = arith.constant 0 : i32
    %dma_start3A_870 = tpu.memref_slice %arg6[%dma_start3A_868, %dma_start3A_869] : memref<128x32xf32, #tpu.memory_space<vmem>> -> memref<1x32xf32, #tpu.memory_space<vmem>>
    %dma_start3A_871 = arith.constant 0 : i32
    %dma_start3A_872 = tpu.memref_slice %arg3[%squeeze3A_867, %dma_start3A_871] : memref<100000x32xf32, #tpu.memory_space<hbm>> -> memref<1x32xf32, #tpu.memory_space<hbm>>
    %dma_start3A_873 = arith.constant 71 : i32
    %dma_start3A_874 = arith.constant 0 : i32
    %dma_start3A_875 = tpu.memref_slice %arg6[%dma_start3A_873, %dma_start3A_874] : memref<128x32xf32, #tpu.memory_space<vmem>> -> memref<1x32xf32, #tpu.memory_space<vmem>>
    %dma_start3A_876 = arith.constant 0 : i32
    %dma_start3A_877 = tpu.memref_slice %arg3[%squeeze3A_867, %dma_start3A_876] : memref<100000x32xf32, #tpu.memory_space<hbm>> -> memref<1x32xf32, #tpu.memory_space<hbm>>
    tpu.enqueue_dma source(%dma_start3A_877 : memref<1x32xf32, #tpu.memory_space<hbm>>) target(%dma_start3A_875 : memref<1x32xf32, #tpu.memory_space<vmem>>) target_semaphore(%arg7 : memref<!tpu.dma_semaphore, #tpu.memory_space<semaphore_mem>>)
    %slice3A_878 = vector.extract_strided_slice %get3A_781 {offsets = [8], sizes = [1], strides = [1]} : vector<16xi32> to vector<1xi32>
    %squeeze3A_879 = vector.extract %slice3A_878[0] : i32 from vector<1xi32>
    %dma_start3A_880 = arith.constant 72 : i32
    %dma_start3A_881 = arith.constant 0 : i32
    %dma_start3A_882 = tpu.memref_slice %arg6[%dma_start3A_880, %dma_start3A_881] : memref<128x32xf32, #tpu.memory_space<vmem>> -> memref<1x32xf32, #tpu.memory_space<vmem>>
    %dma_start3A_883 = arith.constant 0 : i32
    %dma_start3A_884 = tpu.memref_slice %arg3[%squeeze3A_879, %dma_start3A_883] : memref<100000x32xf32, #tpu.memory_space<hbm>> -> memref<1x32xf32, #tpu.memory_space<hbm>>
    %dma_start3A_885 = arith.constant 72 : i32
    %dma_start3A_886 = arith.constant 0 : i32
    %dma_start3A_887 = tpu.memref_slice %arg6[%dma_start3A_885, %dma_start3A_886] : memref<128x32xf32, #tpu.memory_space<vmem>> -> memref<1x32xf32, #tpu.memory_space<vmem>>
    %dma_start3A_888 = arith.constant 0 : i32
    %dma_start3A_889 = tpu.memref_slice %arg3[%squeeze3A_879, %dma_start3A_888] : memref<100000x32xf32, #tpu.memory_space<hbm>> -> memref<1x32xf32, #tpu.memory_space<hbm>>
    tpu.enqueue_dma source(%dma_start3A_889 : memref<1x32xf32, #tpu.memory_space<hbm>>) target(%dma_start3A_887 : memref<1x32xf32, #tpu.memory_space<vmem>>) target_semaphore(%arg7 : memref<!tpu.dma_semaphore, #tpu.memory_space<semaphore_mem>>)
    %slice3A_890 = vector.extract_strided_slice %get3A_781 {offsets = [9], sizes = [1], strides = [1]} : vector<16xi32> to vector<1xi32>
    %squeeze3A_891 = vector.extract %slice3A_890[0] : i32 from vector<1xi32>
    %dma_start3A_892 = arith.constant 73 : i32
    %dma_start3A_893 = arith.constant 0 : i32
    %dma_start3A_894 = tpu.memref_slice %arg6[%dma_start3A_892, %dma_start3A_893] : memref<128x32xf32, #tpu.memory_space<vmem>> -> memref<1x32xf32, #tpu.memory_space<vmem>>
    %dma_start3A_895 = arith.constant 0 : i32
    %dma_start3A_896 = tpu.memref_slice %arg3[%squeeze3A_891, %dma_start3A_895] : memref<100000x32xf32, #tpu.memory_space<hbm>> -> memref<1x32xf32, #tpu.memory_space<hbm>>
    %dma_start3A_897 = arith.constant 73 : i32
    %dma_start3A_898 = arith.constant 0 : i32
    %dma_start3A_899 = tpu.memref_slice %arg6[%dma_start3A_897, %dma_start3A_898] : memref<128x32xf32, #tpu.memory_space<vmem>> -> memref<1x32xf32, #tpu.memory_space<vmem>>
    %dma_start3A_900 = arith.constant 0 : i32
    %dma_start3A_901 = tpu.memref_slice %arg3[%squeeze3A_891, %dma_start3A_900] : memref<100000x32xf32, #tpu.memory_space<hbm>> -> memref<1x32xf32, #tpu.memory_space<hbm>>
    tpu.enqueue_dma source(%dma_start3A_901 : memref<1x32xf32, #tpu.memory_space<hbm>>) target(%dma_start3A_899 : memref<1x32xf32, #tpu.memory_space<vmem>>) target_semaphore(%arg7 : memref<!tpu.dma_semaphore, #tpu.memory_space<semaphore_mem>>)
    %slice3A_902 = vector.extract_strided_slice %get3A_781 {offsets = [10], sizes = [1], strides = [1]} : vector<16xi32> to vector<1xi32>
    %squeeze3A_903 = vector.extract %slice3A_902[0] : i32 from vector<1xi32>
    %dma_start3A_904 = arith.constant 74 : i32
    %dma_start3A_905 = arith.constant 0 : i32
    %dma_start3A_906 = tpu.memref_slice %arg6[%dma_start3A_904, %dma_start3A_905] : memref<128x32xf32, #tpu.memory_space<vmem>> -> memref<1x32xf32, #tpu.memory_space<vmem>>
    %dma_start3A_907 = arith.constant 0 : i32
    %dma_start3A_908 = tpu.memref_slice %arg3[%squeeze3A_903, %dma_start3A_907] : memref<100000x32xf32, #tpu.memory_space<hbm>> -> memref<1x32xf32, #tpu.memory_space<hbm>>
    %dma_start3A_909 = arith.constant 74 : i32
    %dma_start3A_910 = arith.constant 0 : i32
    %dma_start3A_911 = tpu.memref_slice %arg6[%dma_start3A_909, %dma_start3A_910] : memref<128x32xf32, #tpu.memory_space<vmem>> -> memref<1x32xf32, #tpu.memory_space<vmem>>
    %dma_start3A_912 = arith.constant 0 : i32
    %dma_start3A_913 = tpu.memref_slice %arg3[%squeeze3A_903, %dma_start3A_912] : memref<100000x32xf32, #tpu.memory_space<hbm>> -> memref<1x32xf32, #tpu.memory_space<hbm>>
    tpu.enqueue_dma source(%dma_start3A_913 : memref<1x32xf32, #tpu.memory_space<hbm>>) target(%dma_start3A_911 : memref<1x32xf32, #tpu.memory_space<vmem>>) target_semaphore(%arg7 : memref<!tpu.dma_semaphore, #tpu.memory_space<semaphore_mem>>)
    %slice3A_914 = vector.extract_strided_slice %get3A_781 {offsets = [11], sizes = [1], strides = [1]} : vector<16xi32> to vector<1xi32>
    %squeeze3A_915 = vector.extract %slice3A_914[0] : i32 from vector<1xi32>
    %dma_start3A_916 = arith.constant 75 : i32
    %dma_start3A_917 = arith.constant 0 : i32
    %dma_start3A_918 = tpu.memref_slice %arg6[%dma_start3A_916, %dma_start3A_917] : memref<128x32xf32, #tpu.memory_space<vmem>> -> memref<1x32xf32, #tpu.memory_space<vmem>>
    %dma_start3A_919 = arith.constant 0 : i32
    %dma_start3A_920 = tpu.memref_slice %arg3[%squeeze3A_915, %dma_start3A_919] : memref<100000x32xf32, #tpu.memory_space<hbm>> -> memref<1x32xf32, #tpu.memory_space<hbm>>
    %dma_start3A_921 = arith.constant 75 : i32
    %dma_start3A_922 = arith.constant 0 : i32
    %dma_start3A_923 = tpu.memref_slice %arg6[%dma_start3A_921, %dma_start3A_922] : memref<128x32xf32, #tpu.memory_space<vmem>> -> memref<1x32xf32, #tpu.memory_space<vmem>>
    %dma_start3A_924 = arith.constant 0 : i32
    %dma_start3A_925 = tpu.memref_slice %arg3[%squeeze3A_915, %dma_start3A_924] : memref<100000x32xf32, #tpu.memory_space<hbm>> -> memref<1x32xf32, #tpu.memory_space<hbm>>
    tpu.enqueue_dma source(%dma_start3A_925 : memref<1x32xf32, #tpu.memory_space<hbm>>) target(%dma_start3A_923 : memref<1x32xf32, #tpu.memory_space<vmem>>) target_semaphore(%arg7 : memref<!tpu.dma_semaphore, #tpu.memory_space<semaphore_mem>>)
    %slice3A_926 = vector.extract_strided_slice %get3A_781 {offsets = [12], sizes = [1], strides = [1]} : vector<16xi32> to vector<1xi32>
    %squeeze3A_927 = vector.extract %slice3A_926[0] : i32 from vector<1xi32>
    %dma_start3A_928 = arith.constant 76 : i32
    %dma_start3A_929 = arith.constant 0 : i32
    %dma_start3A_930 = tpu.memref_slice %arg6[%dma_start3A_928, %dma_start3A_929] : memref<128x32xf32, #tpu.memory_space<vmem>> -> memref<1x32xf32, #tpu.memory_space<vmem>>
    %dma_start3A_931 = arith.constant 0 : i32
    %dma_start3A_932 = tpu.memref_slice %arg3[%squeeze3A_927, %dma_start3A_931] : memref<100000x32xf32, #tpu.memory_space<hbm>> -> memref<1x32xf32, #tpu.memory_space<hbm>>
    %dma_start3A_933 = arith.constant 76 : i32
    %dma_start3A_934 = arith.constant 0 : i32
    %dma_start3A_935 = tpu.memref_slice %arg6[%dma_start3A_933, %dma_start3A_934] : memref<128x32xf32, #tpu.memory_space<vmem>> -> memref<1x32xf32, #tpu.memory_space<vmem>>
    %dma_start3A_936 = arith.constant 0 : i32
    %dma_start3A_937 = tpu.memref_slice %arg3[%squeeze3A_927, %dma_start3A_936] : memref<100000x32xf32, #tpu.memory_space<hbm>> -> memref<1x32xf32, #tpu.memory_space<hbm>>
    tpu.enqueue_dma source(%dma_start3A_937 : memref<1x32xf32, #tpu.memory_space<hbm>>) target(%dma_start3A_935 : memref<1x32xf32, #tpu.memory_space<vmem>>) target_semaphore(%arg7 : memref<!tpu.dma_semaphore, #tpu.memory_space<semaphore_mem>>)
    %slice3A_938 = vector.extract_strided_slice %get3A_781 {offsets = [13], sizes = [1], strides = [1]} : vector<16xi32> to vector<1xi32>
    %squeeze3A_939 = vector.extract %slice3A_938[0] : i32 from vector<1xi32>
    %dma_start3A_940 = arith.constant 77 : i32
    %dma_start3A_941 = arith.constant 0 : i32
    %dma_start3A_942 = tpu.memref_slice %arg6[%dma_start3A_940, %dma_start3A_941] : memref<128x32xf32, #tpu.memory_space<vmem>> -> memref<1x32xf32, #tpu.memory_space<vmem>>
    %dma_start3A_943 = arith.constant 0 : i32
    %dma_start3A_944 = tpu.memref_slice %arg3[%squeeze3A_939, %dma_start3A_943] : memref<100000x32xf32, #tpu.memory_space<hbm>> -> memref<1x32xf32, #tpu.memory_space<hbm>>
    %dma_start3A_945 = arith.constant 77 : i32
    %dma_start3A_946 = arith.constant 0 : i32
    %dma_start3A_947 = tpu.memref_slice %arg6[%dma_start3A_945, %dma_start3A_946] : memref<128x32xf32, #tpu.memory_space<vmem>> -> memref<1x32xf32, #tpu.memory_space<vmem>>
    %dma_start3A_948 = arith.constant 0 : i32
    %dma_start3A_949 = tpu.memref_slice %arg3[%squeeze3A_939, %dma_start3A_948] : memref<100000x32xf32, #tpu.memory_space<hbm>> -> memref<1x32xf32, #tpu.memory_space<hbm>>
    tpu.enqueue_dma source(%dma_start3A_949 : memref<1x32xf32, #tpu.memory_space<hbm>>) target(%dma_start3A_947 : memref<1x32xf32, #tpu.memory_space<vmem>>) target_semaphore(%arg7 : memref<!tpu.dma_semaphore, #tpu.memory_space<semaphore_mem>>)
    %slice3A_950 = vector.extract_strided_slice %get3A_781 {offsets = [14], sizes = [1], strides = [1]} : vector<16xi32> to vector<1xi32>
    %squeeze3A_951 = vector.extract %slice3A_950[0] : i32 from vector<1xi32>
    %dma_start3A_952 = arith.constant 78 : i32
    %dma_start3A_953 = arith.constant 0 : i32
    %dma_start3A_954 = tpu.memref_slice %arg6[%dma_start3A_952, %dma_start3A_953] : memref<128x32xf32, #tpu.memory_space<vmem>> -> memref<1x32xf32, #tpu.memory_space<vmem>>
    %dma_start3A_955 = arith.constant 0 : i32
    %dma_start3A_956 = tpu.memref_slice %arg3[%squeeze3A_951, %dma_start3A_955] : memref<100000x32xf32, #tpu.memory_space<hbm>> -> memref<1x32xf32, #tpu.memory_space<hbm>>
    %dma_start3A_957 = arith.constant 78 : i32
    %dma_start3A_958 = arith.constant 0 : i32
    %dma_start3A_959 = tpu.memref_slice %arg6[%dma_start3A_957, %dma_start3A_958] : memref<128x32xf32, #tpu.memory_space<vmem>> -> memref<1x32xf32, #tpu.memory_space<vmem>>
    %dma_start3A_960 = arith.constant 0 : i32
    %dma_start3A_961 = tpu.memref_slice %arg3[%squeeze3A_951, %dma_start3A_960] : memref<100000x32xf32, #tpu.memory_space<hbm>> -> memref<1x32xf32, #tpu.memory_space<hbm>>
    tpu.enqueue_dma source(%dma_start3A_961 : memref<1x32xf32, #tpu.memory_space<hbm>>) target(%dma_start3A_959 : memref<1x32xf32, #tpu.memory_space<vmem>>) target_semaphore(%arg7 : memref<!tpu.dma_semaphore, #tpu.memory_space<semaphore_mem>>)
    %slice3A_962 = vector.extract_strided_slice %get3A_781 {offsets = [15], sizes = [1], strides = [1]} : vector<16xi32> to vector<1xi32>
    %squeeze3A_963 = vector.extract %slice3A_962[0] : i32 from vector<1xi32>
    %dma_start3A_964 = arith.constant 79 : i32
    %dma_start3A_965 = arith.constant 0 : i32
    %dma_start3A_966 = tpu.memref_slice %arg6[%dma_start3A_964, %dma_start3A_965] : memref<128x32xf32, #tpu.memory_space<vmem>> -> memref<1x32xf32, #tpu.memory_space<vmem>>
    %dma_start3A_967 = arith.constant 0 : i32
    %dma_start3A_968 = tpu.memref_slice %arg3[%squeeze3A_963, %dma_start3A_967] : memref<100000x32xf32, #tpu.memory_space<hbm>> -> memref<1x32xf32, #tpu.memory_space<hbm>>
    %dma_start3A_969 = arith.constant 79 : i32
    %dma_start3A_970 = arith.constant 0 : i32
    %dma_start3A_971 = tpu.memref_slice %arg6[%dma_start3A_969, %dma_start3A_970] : memref<128x32xf32, #tpu.memory_space<vmem>> -> memref<1x32xf32, #tpu.memory_space<vmem>>
    %dma_start3A_972 = arith.constant 0 : i32
    %dma_start3A_973 = tpu.memref_slice %arg3[%squeeze3A_963, %dma_start3A_972] : memref<100000x32xf32, #tpu.memory_space<hbm>> -> memref<1x32xf32, #tpu.memory_space<hbm>>
    tpu.enqueue_dma source(%dma_start3A_973 : memref<1x32xf32, #tpu.memory_space<hbm>>) target(%dma_start3A_971 : memref<1x32xf32, #tpu.memory_space<vmem>>) target_semaphore(%arg7 : memref<!tpu.dma_semaphore, #tpu.memory_space<semaphore_mem>>)
    %get3A_974 = arith.constant 80 : index
    %get3A_975 = tpu.vector_load %arg5[%get3A_974] {strides = array<i32>} : memref<128xi32, #tpu.memory_space<vmem>>, vector<16xi32>,
    %get3A_976 = vector.shape_cast %get3A_975 : vector<16xi32> to vector<16xi32>
    %slice3A_977 = vector.extract_strided_slice %get3A_976 {offsets = [0], sizes = [1], strides = [1]} : vector<16xi32> to vector<1xi32>
    %squeeze3A_978 = vector.extract %slice3A_977[0] : i32 from vector<1xi32>
    %dma_start3A_979 = arith.constant 80 : i32
    %dma_start3A_980 = arith.constant 0 : i32
    %dma_start3A_981 = tpu.memref_slice %arg6[%dma_start3A_979, %dma_start3A_980] : memref<128x32xf32, #tpu.memory_space<vmem>> -> memref<1x32xf32, #tpu.memory_space<vmem>>
    %dma_start3A_982 = arith.constant 0 : i32
    %dma_start3A_983 = tpu.memref_slice %arg3[%squeeze3A_978, %dma_start3A_982] : memref<100000x32xf32, #tpu.memory_space<hbm>> -> memref<1x32xf32, #tpu.memory_space<hbm>>
    %dma_start3A_984 = arith.constant 80 : i32
    %dma_start3A_985 = arith.constant 0 : i32
    %dma_start3A_986 = tpu.memref_slice %arg6[%dma_start3A_984, %dma_start3A_985] : memref<128x32xf32, #tpu.memory_space<vmem>> -> memref<1x32xf32, #tpu.memory_space<vmem>>
    %dma_start3A_987 = arith.constant 0 : i32
    %dma_start3A_988 = tpu.memref_slice %arg3[%squeeze3A_978, %dma_start3A_987] : memref<100000x32xf32, #tpu.memory_space<hbm>> -> memref<1x32xf32, #tpu.memory_space<hbm>>
    tpu.enqueue_dma source(%dma_start3A_988 : memref<1x32xf32, #tpu.memory_space<hbm>>) target(%dma_start3A_986 : memref<1x32xf32, #tpu.memory_space<vmem>>) target_semaphore(%arg7 : memref<!tpu.dma_semaphore, #tpu.memory_space<semaphore_mem>>)
    %slice3A_989 = vector.extract_strided_slice %get3A_976 {offsets = [1], sizes = [1], strides = [1]} : vector<16xi32> to vector<1xi32>
    %squeeze3A_990 = vector.extract %slice3A_989[0] : i32 from vector<1xi32>
    %dma_start3A_991 = arith.constant 81 : i32
    %dma_start3A_992 = arith.constant 0 : i32
    %dma_start3A_993 = tpu.memref_slice %arg6[%dma_start3A_991, %dma_start3A_992] : memref<128x32xf32, #tpu.memory_space<vmem>> -> memref<1x32xf32, #tpu.memory_space<vmem>>
    %dma_start3A_994 = arith.constant 0 : i32
    %dma_start3A_995 = tpu.memref_slice %arg3[%squeeze3A_990, %dma_start3A_994] : memref<100000x32xf32, #tpu.memory_space<hbm>> -> memref<1x32xf32, #tpu.memory_space<hbm>>
    %dma_start3A_996 = arith.constant 81 : i32
    %dma_start3A_997 = arith.constant 0 : i32
    %dma_start3A_998 = tpu.memref_slice %arg6[%dma_start3A_996, %dma_start3A_997] : memref<128x32xf32, #tpu.memory_space<vmem>> -> memref<1x32xf32, #tpu.memory_space<vmem>>
    %dma_start3A_999 = arith.constant 0 : i32
    %dma_start3A_1000 = tpu.memref_slice %arg3[%squeeze3A_990, %dma_start3A_999] : memref<100000x32xf32, #tpu.memory_space<hbm>> -> memref<1x32xf32, #tpu.memory_space<hbm>>
    tpu.enqueue_dma source(%dma_start3A_1000 : memref<1x32xf32, #tpu.memory_space<hbm>>) target(%dma_start3A_998 : memref<1x32xf32, #tpu.memory_space<vmem>>) target_semaphore(%arg7 : memref<!tpu.dma_semaphore, #tpu.memory_space<semaphore_mem>>)
    %slice3A_1001 = vector.extract_strided_slice %get3A_976 {offsets = [2], sizes = [1], strides = [1]} : vector<16xi32> to vector<1xi32>
    %squeeze3A_1002 = vector.extract %slice3A_1001[0] : i32 from vector<1xi32>
    %dma_start3A_1003 = arith.constant 82 : i32
    %dma_start3A_1004 = arith.constant 0 : i32
    %dma_start3A_1005 = tpu.memref_slice %arg6[%dma_start3A_1003, %dma_start3A_1004] : memref<128x32xf32, #tpu.memory_space<vmem>> -> memref<1x32xf32, #tpu.memory_space<vmem>>
    %dma_start3A_1006 = arith.constant 0 : i32
    %dma_start3A_1007 = tpu.memref_slice %arg3[%squeeze3A_1002, %dma_start3A_1006] : memref<100000x32xf32, #tpu.memory_space<hbm>> -> memref<1x32xf32, #tpu.memory_space<hbm>>
    %dma_start3A_1008 = arith.constant 82 : i32
    %dma_start3A_1009 = arith.constant 0 : i32
    %dma_start3A_1010 = tpu.memref_slice %arg6[%dma_start3A_1008, %dma_start3A_1009] : memref<128x32xf32, #tpu.memory_space<vmem>> -> memref<1x32xf32, #tpu.memory_space<vmem>>
    %dma_start3A_1011 = arith.constant 0 : i32
    %dma_start3A_1012 = tpu.memref_slice %arg3[%squeeze3A_1002, %dma_start3A_1011] : memref<100000x32xf32, #tpu.memory_space<hbm>> -> memref<1x32xf32, #tpu.memory_space<hbm>>
    tpu.enqueue_dma source(%dma_start3A_1012 : memref<1x32xf32, #tpu.memory_space<hbm>>) target(%dma_start3A_1010 : memref<1x32xf32, #tpu.memory_space<vmem>>) target_semaphore(%arg7 : memref<!tpu.dma_semaphore, #tpu.memory_space<semaphore_mem>>)
    %slice3A_1013 = vector.extract_strided_slice %get3A_976 {offsets = [3], sizes = [1], strides = [1]} : vector<16xi32> to vector<1xi32>
    %squeeze3A_1014 = vector.extract %slice3A_1013[0] : i32 from vector<1xi32>
    %dma_start3A_1015 = arith.constant 83 : i32
    %dma_start3A_1016 = arith.constant 0 : i32
    %dma_start3A_1017 = tpu.memref_slice %arg6[%dma_start3A_1015, %dma_start3A_1016] : memref<128x32xf32, #tpu.memory_space<vmem>> -> memref<1x32xf32, #tpu.memory_space<vmem>>
    %dma_start3A_1018 = arith.constant 0 : i32
    %dma_start3A_1019 = tpu.memref_slice %arg3[%squeeze3A_1014, %dma_start3A_1018] : memref<100000x32xf32, #tpu.memory_space<hbm>> -> memref<1x32xf32, #tpu.memory_space<hbm>>
    %dma_start3A_1020 = arith.constant 83 : i32
    %dma_start3A_1021 = arith.constant 0 : i32
    %dma_start3A_1022 = tpu.memref_slice %arg6[%dma_start3A_1020, %dma_start3A_1021] : memref<128x32xf32, #tpu.memory_space<vmem>> -> memref<1x32xf32, #tpu.memory_space<vmem>>
    %dma_start3A_1023 = arith.constant 0 : i32
    %dma_start3A_1024 = tpu.memref_slice %arg3[%squeeze3A_1014, %dma_start3A_1023] : memref<100000x32xf32, #tpu.memory_space<hbm>> -> memref<1x32xf32, #tpu.memory_space<hbm>>
    tpu.enqueue_dma source(%dma_start3A_1024 : memref<1x32xf32, #tpu.memory_space<hbm>>) target(%dma_start3A_1022 : memref<1x32xf32, #tpu.memory_space<vmem>>) target_semaphore(%arg7 : memref<!tpu.dma_semaphore, #tpu.memory_space<semaphore_mem>>)
    %slice3A_1025 = vector.extract_strided_slice %get3A_976 {offsets = [4], sizes = [1], strides = [1]} : vector<16xi32> to vector<1xi32>
    %squeeze3A_1026 = vector.extract %slice3A_1025[0] : i32 from vector<1xi32>
    %dma_start3A_1027 = arith.constant 84 : i32
    %dma_start3A_1028 = arith.constant 0 : i32
    %dma_start3A_1029 = tpu.memref_slice %arg6[%dma_start3A_1027, %dma_start3A_1028] : memref<128x32xf32, #tpu.memory_space<vmem>> -> memref<1x32xf32, #tpu.memory_space<vmem>>
    %dma_start3A_1030 = arith.constant 0 : i32
    %dma_start3A_1031 = tpu.memref_slice %arg3[%squeeze3A_1026, %dma_start3A_1030] : memref<100000x32xf32, #tpu.memory_space<hbm>> -> memref<1x32xf32, #tpu.memory_space<hbm>>
    %dma_start3A_1032 = arith.constant 84 : i32
    %dma_start3A_1033 = arith.constant 0 : i32
    %dma_start3A_1034 = tpu.memref_slice %arg6[%dma_start3A_1032, %dma_start3A_1033] : memref<128x32xf32, #tpu.memory_space<vmem>> -> memref<1x32xf32, #tpu.memory_space<vmem>>
    %dma_start3A_1035 = arith.constant 0 : i32
    %dma_start3A_1036 = tpu.memref_slice %arg3[%squeeze3A_1026, %dma_start3A_1035] : memref<100000x32xf32, #tpu.memory_space<hbm>> -> memref<1x32xf32, #tpu.memory_space<hbm>>
    tpu.enqueue_dma source(%dma_start3A_1036 : memref<1x32xf32, #tpu.memory_space<hbm>>) target(%dma_start3A_1034 : memref<1x32xf32, #tpu.memory_space<vmem>>) target_semaphore(%arg7 : memref<!tpu.dma_semaphore, #tpu.memory_space<semaphore_mem>>)
    %slice3A_1037 = vector.extract_strided_slice %get3A_976 {offsets = [5], sizes = [1], strides = [1]} : vector<16xi32> to vector<1xi32>
    %squeeze3A_1038 = vector.extract %slice3A_1037[0] : i32 from vector<1xi32>
    %dma_start3A_1039 = arith.constant 85 : i32
    %dma_start3A_1040 = arith.constant 0 : i32
    %dma_start3A_1041 = tpu.memref_slice %arg6[%dma_start3A_1039, %dma_start3A_1040] : memref<128x32xf32, #tpu.memory_space<vmem>> -> memref<1x32xf32, #tpu.memory_space<vmem>>
    %dma_start3A_1042 = arith.constant 0 : i32
    %dma_start3A_1043 = tpu.memref_slice %arg3[%squeeze3A_1038, %dma_start3A_1042] : memref<100000x32xf32, #tpu.memory_space<hbm>> -> memref<1x32xf32, #tpu.memory_space<hbm>>
    %dma_start3A_1044 = arith.constant 85 : i32
    %dma_start3A_1045 = arith.constant 0 : i32
    %dma_start3A_1046 = tpu.memref_slice %arg6[%dma_start3A_1044, %dma_start3A_1045] : memref<128x32xf32, #tpu.memory_space<vmem>> -> memref<1x32xf32, #tpu.memory_space<vmem>>
    %dma_start3A_1047 = arith.constant 0 : i32
    %dma_start3A_1048 = tpu.memref_slice %arg3[%squeeze3A_1038, %dma_start3A_1047] : memref<100000x32xf32, #tpu.memory_space<hbm>> -> memref<1x32xf32, #tpu.memory_space<hbm>>
    tpu.enqueue_dma source(%dma_start3A_1048 : memref<1x32xf32, #tpu.memory_space<hbm>>) target(%dma_start3A_1046 : memref<1x32xf32, #tpu.memory_space<vmem>>) target_semaphore(%arg7 : memref<!tpu.dma_semaphore, #tpu.memory_space<semaphore_mem>>)
    %slice3A_1049 = vector.extract_strided_slice %get3A_976 {offsets = [6], sizes = [1], strides = [1]} : vector<16xi32> to vector<1xi32>
    %squeeze3A_1050 = vector.extract %slice3A_1049[0] : i32 from vector<1xi32>
    %dma_start3A_1051 = arith.constant 86 : i32
    %dma_start3A_1052 = arith.constant 0 : i32
    %dma_start3A_1053 = tpu.memref_slice %arg6[%dma_start3A_1051, %dma_start3A_1052] : memref<128x32xf32, #tpu.memory_space<vmem>> -> memref<1x32xf32, #tpu.memory_space<vmem>>
    %dma_start3A_1054 = arith.constant 0 : i32
    %dma_start3A_1055 = tpu.memref_slice %arg3[%squeeze3A_1050, %dma_start3A_1054] : memref<100000x32xf32, #tpu.memory_space<hbm>> -> memref<1x32xf32, #tpu.memory_space<hbm>>
    %dma_start3A_1056 = arith.constant 86 : i32
    %dma_start3A_1057 = arith.constant 0 : i32
    %dma_start3A_1058 = tpu.memref_slice %arg6[%dma_start3A_1056, %dma_start3A_1057] : memref<128x32xf32, #tpu.memory_space<vmem>> -> memref<1x32xf32, #tpu.memory_space<vmem>>
    %dma_start3A_1059 = arith.constant 0 : i32
    %dma_start3A_1060 = tpu.memref_slice %arg3[%squeeze3A_1050, %dma_start3A_1059] : memref<100000x32xf32, #tpu.memory_space<hbm>> -> memref<1x32xf32, #tpu.memory_space<hbm>>
    tpu.enqueue_dma source(%dma_start3A_1060 : memref<1x32xf32, #tpu.memory_space<hbm>>) target(%dma_start3A_1058 : memref<1x32xf32, #tpu.memory_space<vmem>>) target_semaphore(%arg7 : memref<!tpu.dma_semaphore, #tpu.memory_space<semaphore_mem>>)
    %slice3A_1061 = vector.extract_strided_slice %get3A_976 {offsets = [7], sizes = [1], strides = [1]} : vector<16xi32> to vector<1xi32>
    %squeeze3A_1062 = vector.extract %slice3A_1061[0] : i32 from vector<1xi32>
    %dma_start3A_1063 = arith.constant 87 : i32
    %dma_start3A_1064 = arith.constant 0 : i32
    %dma_start3A_1065 = tpu.memref_slice %arg6[%dma_start3A_1063, %dma_start3A_1064] : memref<128x32xf32, #tpu.memory_space<vmem>> -> memref<1x32xf32, #tpu.memory_space<vmem>>
    %dma_start3A_1066 = arith.constant 0 : i32
    %dma_start3A_1067 = tpu.memref_slice %arg3[%squeeze3A_1062, %dma_start3A_1066] : memref<100000x32xf32, #tpu.memory_space<hbm>> -> memref<1x32xf32, #tpu.memory_space<hbm>>
    %dma_start3A_1068 = arith.constant 87 : i32
    %dma_start3A_1069 = arith.constant 0 : i32
    %dma_start3A_1070 = tpu.memref_slice %arg6[%dma_start3A_1068, %dma_start3A_1069] : memref<128x32xf32, #tpu.memory_space<vmem>> -> memref<1x32xf32, #tpu.memory_space<vmem>>
    %dma_start3A_1071 = arith.constant 0 : i32
    %dma_start3A_1072 = tpu.memref_slice %arg3[%squeeze3A_1062, %dma_start3A_1071] : memref<100000x32xf32, #tpu.memory_space<hbm>> -> memref<1x32xf32, #tpu.memory_space<hbm>>
    tpu.enqueue_dma source(%dma_start3A_1072 : memref<1x32xf32, #tpu.memory_space<hbm>>) target(%dma_start3A_1070 : memref<1x32xf32, #tpu.memory_space<vmem>>) target_semaphore(%arg7 : memref<!tpu.dma_semaphore, #tpu.memory_space<semaphore_mem>>)
    %slice3A_1073 = vector.extract_strided_slice %get3A_976 {offsets = [8], sizes = [1], strides = [1]} : vector<16xi32> to vector<1xi32>
    %squeeze3A_1074 = vector.extract %slice3A_1073[0] : i32 from vector<1xi32>
    %dma_start3A_1075 = arith.constant 88 : i32
    %dma_start3A_1076 = arith.constant 0 : i32
    %dma_start3A_1077 = tpu.memref_slice %arg6[%dma_start3A_1075, %dma_start3A_1076] : memref<128x32xf32, #tpu.memory_space<vmem>> -> memref<1x32xf32, #tpu.memory_space<vmem>>
    %dma_start3A_1078 = arith.constant 0 : i32
    %dma_start3A_1079 = tpu.memref_slice %arg3[%squeeze3A_1074, %dma_start3A_1078] : memref<100000x32xf32, #tpu.memory_space<hbm>> -> memref<1x32xf32, #tpu.memory_space<hbm>>
    %dma_start3A_1080 = arith.constant 88 : i32
    %dma_start3A_1081 = arith.constant 0 : i32
    %dma_start3A_1082 = tpu.memref_slice %arg6[%dma_start3A_1080, %dma_start3A_1081] : memref<128x32xf32, #tpu.memory_space<vmem>> -> memref<1x32xf32, #tpu.memory_space<vmem>>
    %dma_start3A_1083 = arith.constant 0 : i32
    %dma_start3A_1084 = tpu.memref_slice %arg3[%squeeze3A_1074, %dma_start3A_1083] : memref<100000x32xf32, #tpu.memory_space<hbm>> -> memref<1x32xf32, #tpu.memory_space<hbm>>
    tpu.enqueue_dma source(%dma_start3A_1084 : memref<1x32xf32, #tpu.memory_space<hbm>>) target(%dma_start3A_1082 : memref<1x32xf32, #tpu.memory_space<vmem>>) target_semaphore(%arg7 : memref<!tpu.dma_semaphore, #tpu.memory_space<semaphore_mem>>)
    %slice3A_1085 = vector.extract_strided_slice %get3A_976 {offsets = [9], sizes = [1], strides = [1]} : vector<16xi32> to vector<1xi32>
    %squeeze3A_1086 = vector.extract %slice3A_1085[0] : i32 from vector<1xi32>
    %dma_start3A_1087 = arith.constant 89 : i32
    %dma_start3A_1088 = arith.constant 0 : i32
    %dma_start3A_1089 = tpu.memref_slice %arg6[%dma_start3A_1087, %dma_start3A_1088] : memref<128x32xf32, #tpu.memory_space<vmem>> -> memref<1x32xf32, #tpu.memory_space<vmem>>
    %dma_start3A_1090 = arith.constant 0 : i32
    %dma_start3A_1091 = tpu.memref_slice %arg3[%squeeze3A_1086, %dma_start3A_1090] : memref<100000x32xf32, #tpu.memory_space<hbm>> -> memref<1x32xf32, #tpu.memory_space<hbm>>
    %dma_start3A_1092 = arith.constant 89 : i32
    %dma_start3A_1093 = arith.constant 0 : i32
    %dma_start3A_1094 = tpu.memref_slice %arg6[%dma_start3A_1092, %dma_start3A_1093] : memref<128x32xf32, #tpu.memory_space<vmem>> -> memref<1x32xf32, #tpu.memory_space<vmem>>
    %dma_start3A_1095 = arith.constant 0 : i32
    %dma_start3A_1096 = tpu.memref_slice %arg3[%squeeze3A_1086, %dma_start3A_1095] : memref<100000x32xf32, #tpu.memory_space<hbm>> -> memref<1x32xf32, #tpu.memory_space<hbm>>
    tpu.enqueue_dma source(%dma_start3A_1096 : memref<1x32xf32, #tpu.memory_space<hbm>>) target(%dma_start3A_1094 : memref<1x32xf32, #tpu.memory_space<vmem>>) target_semaphore(%arg7 : memref<!tpu.dma_semaphore, #tpu.memory_space<semaphore_mem>>)
    %slice3A_1097 = vector.extract_strided_slice %get3A_976 {offsets = [10], sizes = [1], strides = [1]} : vector<16xi32> to vector<1xi32>
    %squeeze3A_1098 = vector.extract %slice3A_1097[0] : i32 from vector<1xi32>
    %dma_start3A_1099 = arith.constant 90 : i32
    %dma_start3A_1100 = arith.constant 0 : i32
    %dma_start3A_1101 = tpu.memref_slice %arg6[%dma_start3A_1099, %dma_start3A_1100] : memref<128x32xf32, #tpu.memory_space<vmem>> -> memref<1x32xf32, #tpu.memory_space<vmem>>
    %dma_start3A_1102 = arith.constant 0 : i32
    %dma_start3A_1103 = tpu.memref_slice %arg3[%squeeze3A_1098, %dma_start3A_1102] : memref<100000x32xf32, #tpu.memory_space<hbm>> -> memref<1x32xf32, #tpu.memory_space<hbm>>
    %dma_start3A_1104 = arith.constant 90 : i32
    %dma_start3A_1105 = arith.constant 0 : i32
    %dma_start3A_1106 = tpu.memref_slice %arg6[%dma_start3A_1104, %dma_start3A_1105] : memref<128x32xf32, #tpu.memory_space<vmem>> -> memref<1x32xf32, #tpu.memory_space<vmem>>
    %dma_start3A_1107 = arith.constant 0 : i32
    %dma_start3A_1108 = tpu.memref_slice %arg3[%squeeze3A_1098, %dma_start3A_1107] : memref<100000x32xf32, #tpu.memory_space<hbm>> -> memref<1x32xf32, #tpu.memory_space<hbm>>
    tpu.enqueue_dma source(%dma_start3A_1108 : memref<1x32xf32, #tpu.memory_space<hbm>>) target(%dma_start3A_1106 : memref<1x32xf32, #tpu.memory_space<vmem>>) target_semaphore(%arg7 : memref<!tpu.dma_semaphore, #tpu.memory_space<semaphore_mem>>)
    %slice3A_1109 = vector.extract_strided_slice %get3A_976 {offsets = [11], sizes = [1], strides = [1]} : vector<16xi32> to vector<1xi32>
    %squeeze3A_1110 = vector.extract %slice3A_1109[0] : i32 from vector<1xi32>
    %dma_start3A_1111 = arith.constant 91 : i32
    %dma_start3A_1112 = arith.constant 0 : i32
    %dma_start3A_1113 = tpu.memref_slice %arg6[%dma_start3A_1111, %dma_start3A_1112] : memref<128x32xf32, #tpu.memory_space<vmem>> -> memref<1x32xf32, #tpu.memory_space<vmem>>
    %dma_start3A_1114 = arith.constant 0 : i32
    %dma_start3A_1115 = tpu.memref_slice %arg3[%squeeze3A_1110, %dma_start3A_1114] : memref<100000x32xf32, #tpu.memory_space<hbm>> -> memref<1x32xf32, #tpu.memory_space<hbm>>
    %dma_start3A_1116 = arith.constant 91 : i32
    %dma_start3A_1117 = arith.constant 0 : i32
    %dma_start3A_1118 = tpu.memref_slice %arg6[%dma_start3A_1116, %dma_start3A_1117] : memref<128x32xf32, #tpu.memory_space<vmem>> -> memref<1x32xf32, #tpu.memory_space<vmem>>
    %dma_start3A_1119 = arith.constant 0 : i32
    %dma_start3A_1120 = tpu.memref_slice %arg3[%squeeze3A_1110, %dma_start3A_1119] : memref<100000x32xf32, #tpu.memory_space<hbm>> -> memref<1x32xf32, #tpu.memory_space<hbm>>
    tpu.enqueue_dma source(%dma_start3A_1120 : memref<1x32xf32, #tpu.memory_space<hbm>>) target(%dma_start3A_1118 : memref<1x32xf32, #tpu.memory_space<vmem>>) target_semaphore(%arg7 : memref<!tpu.dma_semaphore, #tpu.memory_space<semaphore_mem>>)
    %slice3A_1121 = vector.extract_strided_slice %get3A_976 {offsets = [12], sizes = [1], strides = [1]} : vector<16xi32> to vector<1xi32>
    %squeeze3A_1122 = vector.extract %slice3A_1121[0] : i32 from vector<1xi32>
    %dma_start3A_1123 = arith.constant 92 : i32
    %dma_start3A_1124 = arith.constant 0 : i32
    %dma_start3A_1125 = tpu.memref_slice %arg6[%dma_start3A_1123, %dma_start3A_1124] : memref<128x32xf32, #tpu.memory_space<vmem>> -> memref<1x32xf32, #tpu.memory_space<vmem>>
    %dma_start3A_1126 = arith.constant 0 : i32
    %dma_start3A_1127 = tpu.memref_slice %arg3[%squeeze3A_1122, %dma_start3A_1126] : memref<100000x32xf32, #tpu.memory_space<hbm>> -> memref<1x32xf32, #tpu.memory_space<hbm>>
    %dma_start3A_1128 = arith.constant 92 : i32
    %dma_start3A_1129 = arith.constant 0 : i32
    %dma_start3A_1130 = tpu.memref_slice %arg6[%dma_start3A_1128, %dma_start3A_1129] : memref<128x32xf32, #tpu.memory_space<vmem>> -> memref<1x32xf32, #tpu.memory_space<vmem>>
    %dma_start3A_1131 = arith.constant 0 : i32
    %dma_start3A_1132 = tpu.memref_slice %arg3[%squeeze3A_1122, %dma_start3A_1131] : memref<100000x32xf32, #tpu.memory_space<hbm>> -> memref<1x32xf32, #tpu.memory_space<hbm>>
    tpu.enqueue_dma source(%dma_start3A_1132 : memref<1x32xf32, #tpu.memory_space<hbm>>) target(%dma_start3A_1130 : memref<1x32xf32, #tpu.memory_space<vmem>>) target_semaphore(%arg7 : memref<!tpu.dma_semaphore, #tpu.memory_space<semaphore_mem>>)
    %slice3A_1133 = vector.extract_strided_slice %get3A_976 {offsets = [13], sizes = [1], strides = [1]} : vector<16xi32> to vector<1xi32>
    %squeeze3A_1134 = vector.extract %slice3A_1133[0] : i32 from vector<1xi32>
    %dma_start3A_1135 = arith.constant 93 : i32
    %dma_start3A_1136 = arith.constant 0 : i32
    %dma_start3A_1137 = tpu.memref_slice %arg6[%dma_start3A_1135, %dma_start3A_1136] : memref<128x32xf32, #tpu.memory_space<vmem>> -> memref<1x32xf32, #tpu.memory_space<vmem>>
    %dma_start3A_1138 = arith.constant 0 : i32
    %dma_start3A_1139 = tpu.memref_slice %arg3[%squeeze3A_1134, %dma_start3A_1138] : memref<100000x32xf32, #tpu.memory_space<hbm>> -> memref<1x32xf32, #tpu.memory_space<hbm>>
    %dma_start3A_1140 = arith.constant 93 : i32
    %dma_start3A_1141 = arith.constant 0 : i32
    %dma_start3A_1142 = tpu.memref_slice %arg6[%dma_start3A_1140, %dma_start3A_1141] : memref<128x32xf32, #tpu.memory_space<vmem>> -> memref<1x32xf32, #tpu.memory_space<vmem>>
    %dma_start3A_1143 = arith.constant 0 : i32
    %dma_start3A_1144 = tpu.memref_slice %arg3[%squeeze3A_1134, %dma_start3A_1143] : memref<100000x32xf32, #tpu.memory_space<hbm>> -> memref<1x32xf32, #tpu.memory_space<hbm>>
    tpu.enqueue_dma source(%dma_start3A_1144 : memref<1x32xf32, #tpu.memory_space<hbm>>) target(%dma_start3A_1142 : memref<1x32xf32, #tpu.memory_space<vmem>>) target_semaphore(%arg7 : memref<!tpu.dma_semaphore, #tpu.memory_space<semaphore_mem>>)
    %slice3A_1145 = vector.extract_strided_slice %get3A_976 {offsets = [14], sizes = [1], strides = [1]} : vector<16xi32> to vector<1xi32>
    %squeeze3A_1146 = vector.extract %slice3A_1145[0] : i32 from vector<1xi32>
    %dma_start3A_1147 = arith.constant 94 : i32
    %dma_start3A_1148 = arith.constant 0 : i32
    %dma_start3A_1149 = tpu.memref_slice %arg6[%dma_start3A_1147, %dma_start3A_1148] : memref<128x32xf32, #tpu.memory_space<vmem>> -> memref<1x32xf32, #tpu.memory_space<vmem>>
    %dma_start3A_1150 = arith.constant 0 : i32
    %dma_start3A_1151 = tpu.memref_slice %arg3[%squeeze3A_1146, %dma_start3A_1150] : memref<100000x32xf32, #tpu.memory_space<hbm>> -> memref<1x32xf32, #tpu.memory_space<hbm>>
    %dma_start3A_1152 = arith.constant 94 : i32
    %dma_start3A_1153 = arith.constant 0 : i32
    %dma_start3A_1154 = tpu.memref_slice %arg6[%dma_start3A_1152, %dma_start3A_1153] : memref<128x32xf32, #tpu.memory_space<vmem>> -> memref<1x32xf32, #tpu.memory_space<vmem>>
    %dma_start3A_1155 = arith.constant 0 : i32
    %dma_start3A_1156 = tpu.memref_slice %arg3[%squeeze3A_1146, %dma_start3A_1155] : memref<100000x32xf32, #tpu.memory_space<hbm>> -> memref<1x32xf32, #tpu.memory_space<hbm>>
    tpu.enqueue_dma source(%dma_start3A_1156 : memref<1x32xf32, #tpu.memory_space<hbm>>) target(%dma_start3A_1154 : memref<1x32xf32, #tpu.memory_space<vmem>>) target_semaphore(%arg7 : memref<!tpu.dma_semaphore, #tpu.memory_space<semaphore_mem>>)
    %slice3A_1157 = vector.extract_strided_slice %get3A_976 {offsets = [15], sizes = [1], strides = [1]} : vector<16xi32> to vector<1xi32>
    %squeeze3A_1158 = vector.extract %slice3A_1157[0] : i32 from vector<1xi32>
    %dma_start3A_1159 = arith.constant 95 : i32
    %dma_start3A_1160 = arith.constant 0 : i32
    %dma_start3A_1161 = tpu.memref_slice %arg6[%dma_start3A_1159, %dma_start3A_1160] : memref<128x32xf32, #tpu.memory_space<vmem>> -> memref<1x32xf32, #tpu.memory_space<vmem>>
    %dma_start3A_1162 = arith.constant 0 : i32
    %dma_start3A_1163 = tpu.memref_slice %arg3[%squeeze3A_1158, %dma_start3A_1162] : memref<100000x32xf32, #tpu.memory_space<hbm>> -> memref<1x32xf32, #tpu.memory_space<hbm>>
    %dma_start3A_1164 = arith.constant 95 : i32
    %dma_start3A_1165 = arith.constant 0 : i32
    %dma_start3A_1166 = tpu.memref_slice %arg6[%dma_start3A_1164, %dma_start3A_1165] : memref<128x32xf32, #tpu.memory_space<vmem>> -> memref<1x32xf32, #tpu.memory_space<vmem>>
    %dma_start3A_1167 = arith.constant 0 : i32
    %dma_start3A_1168 = tpu.memref_slice %arg3[%squeeze3A_1158, %dma_start3A_1167] : memref<100000x32xf32, #tpu.memory_space<hbm>> -> memref<1x32xf32, #tpu.memory_space<hbm>>
    tpu.enqueue_dma source(%dma_start3A_1168 : memref<1x32xf32, #tpu.memory_space<hbm>>) target(%dma_start3A_1166 : memref<1x32xf32, #tpu.memory_space<vmem>>) target_semaphore(%arg7 : memref<!tpu.dma_semaphore, #tpu.memory_space<semaphore_mem>>)
    %get3A_1169 = arith.constant 96 : index
    %get3A_1170 = tpu.vector_load %arg5[%get3A_1169] {strides = array<i32>} : memref<128xi32, #tpu.memory_space<vmem>>, vector<16xi32>,
    %get3A_1171 = vector.shape_cast %get3A_1170 : vector<16xi32> to vector<16xi32>
    %slice3A_1172 = vector.extract_strided_slice %get3A_1171 {offsets = [0], sizes = [1], strides = [1]} : vector<16xi32> to vector<1xi32>
    %squeeze3A_1173 = vector.extract %slice3A_1172[0] : i32 from vector<1xi32>
    %dma_start3A_1174 = arith.constant 96 : i32
    %dma_start3A_1175 = arith.constant 0 : i32
    %dma_start3A_1176 = tpu.memref_slice %arg6[%dma_start3A_1174, %dma_start3A_1175] : memref<128x32xf32, #tpu.memory_space<vmem>> -> memref<1x32xf32, #tpu.memory_space<vmem>>
    %dma_start3A_1177 = arith.constant 0 : i32
    %dma_start3A_1178 = tpu.memref_slice %arg3[%squeeze3A_1173, %dma_start3A_1177] : memref<100000x32xf32, #tpu.memory_space<hbm>> -> memref<1x32xf32, #tpu.memory_space<hbm>>
    %dma_start3A_1179 = arith.constant 96 : i32
    %dma_start3A_1180 = arith.constant 0 : i32
    %dma_start3A_1181 = tpu.memref_slice %arg6[%dma_start3A_1179, %dma_start3A_1180] : memref<128x32xf32, #tpu.memory_space<vmem>> -> memref<1x32xf32, #tpu.memory_space<vmem>>
    %dma_start3A_1182 = arith.constant 0 : i32
    %dma_start3A_1183 = tpu.memref_slice %arg3[%squeeze3A_1173, %dma_start3A_1182] : memref<100000x32xf32, #tpu.memory_space<hbm>> -> memref<1x32xf32, #tpu.memory_space<hbm>>
    tpu.enqueue_dma source(%dma_start3A_1183 : memref<1x32xf32, #tpu.memory_space<hbm>>) target(%dma_start3A_1181 : memref<1x32xf32, #tpu.memory_space<vmem>>) target_semaphore(%arg7 : memref<!tpu.dma_semaphore, #tpu.memory_space<semaphore_mem>>)
    %slice3A_1184 = vector.extract_strided_slice %get3A_1171 {offsets = [1], sizes = [1], strides = [1]} : vector<16xi32> to vector<1xi32>
    %squeeze3A_1185 = vector.extract %slice3A_1184[0] : i32 from vector<1xi32>
    %dma_start3A_1186 = arith.constant 97 : i32
    %dma_start3A_1187 = arith.constant 0 : i32
    %dma_start3A_1188 = tpu.memref_slice %arg6[%dma_start3A_1186, %dma_start3A_1187] : memref<128x32xf32, #tpu.memory_space<vmem>> -> memref<1x32xf32, #tpu.memory_space<vmem>>
    %dma_start3A_1189 = arith.constant 0 : i32
    %dma_start3A_1190 = tpu.memref_slice %arg3[%squeeze3A_1185, %dma_start3A_1189] : memref<100000x32xf32, #tpu.memory_space<hbm>> -> memref<1x32xf32, #tpu.memory_space<hbm>>
    %dma_start3A_1191 = arith.constant 97 : i32
    %dma_start3A_1192 = arith.constant 0 : i32
    %dma_start3A_1193 = tpu.memref_slice %arg6[%dma_start3A_1191, %dma_start3A_1192] : memref<128x32xf32, #tpu.memory_space<vmem>> -> memref<1x32xf32, #tpu.memory_space<vmem>>
    %dma_start3A_1194 = arith.constant 0 : i32
    %dma_start3A_1195 = tpu.memref_slice %arg3[%squeeze3A_1185, %dma_start3A_1194] : memref<100000x32xf32, #tpu.memory_space<hbm>> -> memref<1x32xf32, #tpu.memory_space<hbm>>
    tpu.enqueue_dma source(%dma_start3A_1195 : memref<1x32xf32, #tpu.memory_space<hbm>>) target(%dma_start3A_1193 : memref<1x32xf32, #tpu.memory_space<vmem>>) target_semaphore(%arg7 : memref<!tpu.dma_semaphore, #tpu.memory_space<semaphore_mem>>)
    %slice3A_1196 = vector.extract_strided_slice %get3A_1171 {offsets = [2], sizes = [1], strides = [1]} : vector<16xi32> to vector<1xi32>
    %squeeze3A_1197 = vector.extract %slice3A_1196[0] : i32 from vector<1xi32>
    %dma_start3A_1198 = arith.constant 98 : i32
    %dma_start3A_1199 = arith.constant 0 : i32
    %dma_start3A_1200 = tpu.memref_slice %arg6[%dma_start3A_1198, %dma_start3A_1199] : memref<128x32xf32, #tpu.memory_space<vmem>> -> memref<1x32xf32, #tpu.memory_space<vmem>>
    %dma_start3A_1201 = arith.constant 0 : i32
    %dma_start3A_1202 = tpu.memref_slice %arg3[%squeeze3A_1197, %dma_start3A_1201] : memref<100000x32xf32, #tpu.memory_space<hbm>> -> memref<1x32xf32, #tpu.memory_space<hbm>>
    %dma_start3A_1203 = arith.constant 98 : i32
    %dma_start3A_1204 = arith.constant 0 : i32
    %dma_start3A_1205 = tpu.memref_slice %arg6[%dma_start3A_1203, %dma_start3A_1204] : memref<128x32xf32, #tpu.memory_space<vmem>> -> memref<1x32xf32, #tpu.memory_space<vmem>>
    %dma_start3A_1206 = arith.constant 0 : i32
    %dma_start3A_1207 = tpu.memref_slice %arg3[%squeeze3A_1197, %dma_start3A_1206] : memref<100000x32xf32, #tpu.memory_space<hbm>> -> memref<1x32xf32, #tpu.memory_space<hbm>>
    tpu.enqueue_dma source(%dma_start3A_1207 : memref<1x32xf32, #tpu.memory_space<hbm>>) target(%dma_start3A_1205 : memref<1x32xf32, #tpu.memory_space<vmem>>) target_semaphore(%arg7 : memref<!tpu.dma_semaphore, #tpu.memory_space<semaphore_mem>>)
    %slice3A_1208 = vector.extract_strided_slice %get3A_1171 {offsets = [3], sizes = [1], strides = [1]} : vector<16xi32> to vector<1xi32>
    %squeeze3A_1209 = vector.extract %slice3A_1208[0] : i32 from vector<1xi32>
    %dma_start3A_1210 = arith.constant 99 : i32
    %dma_start3A_1211 = arith.constant 0 : i32
    %dma_start3A_1212 = tpu.memref_slice %arg6[%dma_start3A_1210, %dma_start3A_1211] : memref<128x32xf32, #tpu.memory_space<vmem>> -> memref<1x32xf32, #tpu.memory_space<vmem>>
    %dma_start3A_1213 = arith.constant 0 : i32
    %dma_start3A_1214 = tpu.memref_slice %arg3[%squeeze3A_1209, %dma_start3A_1213] : memref<100000x32xf32, #tpu.memory_space<hbm>> -> memref<1x32xf32, #tpu.memory_space<hbm>>
    %dma_start3A_1215 = arith.constant 99 : i32
    %dma_start3A_1216 = arith.constant 0 : i32
    %dma_start3A_1217 = tpu.memref_slice %arg6[%dma_start3A_1215, %dma_start3A_1216] : memref<128x32xf32, #tpu.memory_space<vmem>> -> memref<1x32xf32, #tpu.memory_space<vmem>>
    %dma_start3A_1218 = arith.constant 0 : i32
    %dma_start3A_1219 = tpu.memref_slice %arg3[%squeeze3A_1209, %dma_start3A_1218] : memref<100000x32xf32, #tpu.memory_space<hbm>> -> memref<1x32xf32, #tpu.memory_space<hbm>>
    tpu.enqueue_dma source(%dma_start3A_1219 : memref<1x32xf32, #tpu.memory_space<hbm>>) target(%dma_start3A_1217 : memref<1x32xf32, #tpu.memory_space<vmem>>) target_semaphore(%arg7 : memref<!tpu.dma_semaphore, #tpu.memory_space<semaphore_mem>>)
    %slice3A_1220 = vector.extract_strided_slice %get3A_1171 {offsets = [4], sizes = [1], strides = [1]} : vector<16xi32> to vector<1xi32>
    %squeeze3A_1221 = vector.extract %slice3A_1220[0] : i32 from vector<1xi32>
    %dma_start3A_1222 = arith.constant 100 : i32
    %dma_start3A_1223 = arith.constant 0 : i32
    %dma_start3A_1224 = tpu.memref_slice %arg6[%dma_start3A_1222, %dma_start3A_1223] : memref<128x32xf32, #tpu.memory_space<vmem>> -> memref<1x32xf32, #tpu.memory_space<vmem>>
    %dma_start3A_1225 = arith.constant 0 : i32
    %dma_start3A_1226 = tpu.memref_slice %arg3[%squeeze3A_1221, %dma_start3A_1225] : memref<100000x32xf32, #tpu.memory_space<hbm>> -> memref<1x32xf32, #tpu.memory_space<hbm>>
    %dma_start3A_1227 = arith.constant 100 : i32
    %dma_start3A_1228 = arith.constant 0 : i32
    %dma_start3A_1229 = tpu.memref_slice %arg6[%dma_start3A_1227, %dma_start3A_1228] : memref<128x32xf32, #tpu.memory_space<vmem>> -> memref<1x32xf32, #tpu.memory_space<vmem>>
    %dma_start3A_1230 = arith.constant 0 : i32
    %dma_start3A_1231 = tpu.memref_slice %arg3[%squeeze3A_1221, %dma_start3A_1230] : memref<100000x32xf32, #tpu.memory_space<hbm>> -> memref<1x32xf32, #tpu.memory_space<hbm>>
    tpu.enqueue_dma source(%dma_start3A_1231 : memref<1x32xf32, #tpu.memory_space<hbm>>) target(%dma_start3A_1229 : memref<1x32xf32, #tpu.memory_space<vmem>>) target_semaphore(%arg7 : memref<!tpu.dma_semaphore, #tpu.memory_space<semaphore_mem>>)
    %slice3A_1232 = vector.extract_strided_slice %get3A_1171 {offsets = [5], sizes = [1], strides = [1]} : vector<16xi32> to vector<1xi32>
    %squeeze3A_1233 = vector.extract %slice3A_1232[0] : i32 from vector<1xi32>
    %dma_start3A_1234 = arith.constant 101 : i32
    %dma_start3A_1235 = arith.constant 0 : i32
    %dma_start3A_1236 = tpu.memref_slice %arg6[%dma_start3A_1234, %dma_start3A_1235] : memref<128x32xf32, #tpu.memory_space<vmem>> -> memref<1x32xf32, #tpu.memory_space<vmem>>
    %dma_start3A_1237 = arith.constant 0 : i32
    %dma_start3A_1238 = tpu.memref_slice %arg3[%squeeze3A_1233, %dma_start3A_1237] : memref<100000x32xf32, #tpu.memory_space<hbm>> -> memref<1x32xf32, #tpu.memory_space<hbm>>
    %dma_start3A_1239 = arith.constant 101 : i32
    %dma_start3A_1240 = arith.constant 0 : i32
    %dma_start3A_1241 = tpu.memref_slice %arg6[%dma_start3A_1239, %dma_start3A_1240] : memref<128x32xf32, #tpu.memory_space<vmem>> -> memref<1x32xf32, #tpu.memory_space<vmem>>
    %dma_start3A_1242 = arith.constant 0 : i32
    %dma_start3A_1243 = tpu.memref_slice %arg3[%squeeze3A_1233, %dma_start3A_1242] : memref<100000x32xf32, #tpu.memory_space<hbm>> -> memref<1x32xf32, #tpu.memory_space<hbm>>
    tpu.enqueue_dma source(%dma_start3A_1243 : memref<1x32xf32, #tpu.memory_space<hbm>>) target(%dma_start3A_1241 : memref<1x32xf32, #tpu.memory_space<vmem>>) target_semaphore(%arg7 : memref<!tpu.dma_semaphore, #tpu.memory_space<semaphore_mem>>)
    %slice3A_1244 = vector.extract_strided_slice %get3A_1171 {offsets = [6], sizes = [1], strides = [1]} : vector<16xi32> to vector<1xi32>
    %squeeze3A_1245 = vector.extract %slice3A_1244[0] : i32 from vector<1xi32>
    %dma_start3A_1246 = arith.constant 102 : i32
    %dma_start3A_1247 = arith.constant 0 : i32
    %dma_start3A_1248 = tpu.memref_slice %arg6[%dma_start3A_1246, %dma_start3A_1247] : memref<128x32xf32, #tpu.memory_space<vmem>> -> memref<1x32xf32, #tpu.memory_space<vmem>>
    %dma_start3A_1249 = arith.constant 0 : i32
    %dma_start3A_1250 = tpu.memref_slice %arg3[%squeeze3A_1245, %dma_start3A_1249] : memref<100000x32xf32, #tpu.memory_space<hbm>> -> memref<1x32xf32, #tpu.memory_space<hbm>>
    %dma_start3A_1251 = arith.constant 102 : i32
    %dma_start3A_1252 = arith.constant 0 : i32
    %dma_start3A_1253 = tpu.memref_slice %arg6[%dma_start3A_1251, %dma_start3A_1252] : memref<128x32xf32, #tpu.memory_space<vmem>> -> memref<1x32xf32, #tpu.memory_space<vmem>>
    %dma_start3A_1254 = arith.constant 0 : i32
    %dma_start3A_1255 = tpu.memref_slice %arg3[%squeeze3A_1245, %dma_start3A_1254] : memref<100000x32xf32, #tpu.memory_space<hbm>> -> memref<1x32xf32, #tpu.memory_space<hbm>>
    tpu.enqueue_dma source(%dma_start3A_1255 : memref<1x32xf32, #tpu.memory_space<hbm>>) target(%dma_start3A_1253 : memref<1x32xf32, #tpu.memory_space<vmem>>) target_semaphore(%arg7 : memref<!tpu.dma_semaphore, #tpu.memory_space<semaphore_mem>>)
    %slice3A_1256 = vector.extract_strided_slice %get3A_1171 {offsets = [7], sizes = [1], strides = [1]} : vector<16xi32> to vector<1xi32>
    %squeeze3A_1257 = vector.extract %slice3A_1256[0] : i32 from vector<1xi32>
    %dma_start3A_1258 = arith.constant 103 : i32
    %dma_start3A_1259 = arith.constant 0 : i32
    %dma_start3A_1260 = tpu.memref_slice %arg6[%dma_start3A_1258, %dma_start3A_1259] : memref<128x32xf32, #tpu.memory_space<vmem>> -> memref<1x32xf32, #tpu.memory_space<vmem>>
    %dma_start3A_1261 = arith.constant 0 : i32
    %dma_start3A_1262 = tpu.memref_slice %arg3[%squeeze3A_1257, %dma_start3A_1261] : memref<100000x32xf32, #tpu.memory_space<hbm>> -> memref<1x32xf32, #tpu.memory_space<hbm>>
    %dma_start3A_1263 = arith.constant 103 : i32
    %dma_start3A_1264 = arith.constant 0 : i32
    %dma_start3A_1265 = tpu.memref_slice %arg6[%dma_start3A_1263, %dma_start3A_1264] : memref<128x32xf32, #tpu.memory_space<vmem>> -> memref<1x32xf32, #tpu.memory_space<vmem>>
    %dma_start3A_1266 = arith.constant 0 : i32
    %dma_start3A_1267 = tpu.memref_slice %arg3[%squeeze3A_1257, %dma_start3A_1266] : memref<100000x32xf32, #tpu.memory_space<hbm>> -> memref<1x32xf32, #tpu.memory_space<hbm>>
    tpu.enqueue_dma source(%dma_start3A_1267 : memref<1x32xf32, #tpu.memory_space<hbm>>) target(%dma_start3A_1265 : memref<1x32xf32, #tpu.memory_space<vmem>>) target_semaphore(%arg7 : memref<!tpu.dma_semaphore, #tpu.memory_space<semaphore_mem>>)
    %slice3A_1268 = vector.extract_strided_slice %get3A_1171 {offsets = [8], sizes = [1], strides = [1]} : vector<16xi32> to vector<1xi32>
    %squeeze3A_1269 = vector.extract %slice3A_1268[0] : i32 from vector<1xi32>
    %dma_start3A_1270 = arith.constant 104 : i32
    %dma_start3A_1271 = arith.constant 0 : i32
    %dma_start3A_1272 = tpu.memref_slice %arg6[%dma_start3A_1270, %dma_start3A_1271] : memref<128x32xf32, #tpu.memory_space<vmem>> -> memref<1x32xf32, #tpu.memory_space<vmem>>
    %dma_start3A_1273 = arith.constant 0 : i32
    %dma_start3A_1274 = tpu.memref_slice %arg3[%squeeze3A_1269, %dma_start3A_1273] : memref<100000x32xf32, #tpu.memory_space<hbm>> -> memref<1x32xf32, #tpu.memory_space<hbm>>
    %dma_start3A_1275 = arith.constant 104 : i32
    %dma_start3A_1276 = arith.constant 0 : i32
    %dma_start3A_1277 = tpu.memref_slice %arg6[%dma_start3A_1275, %dma_start3A_1276] : memref<128x32xf32, #tpu.memory_space<vmem>> -> memref<1x32xf32, #tpu.memory_space<vmem>>
    %dma_start3A_1278 = arith.constant 0 : i32
    %dma_start3A_1279 = tpu.memref_slice %arg3[%squeeze3A_1269, %dma_start3A_1278] : memref<100000x32xf32, #tpu.memory_space<hbm>> -> memref<1x32xf32, #tpu.memory_space<hbm>>
    tpu.enqueue_dma source(%dma_start3A_1279 : memref<1x32xf32, #tpu.memory_space<hbm>>) target(%dma_start3A_1277 : memref<1x32xf32, #tpu.memory_space<vmem>>) target_semaphore(%arg7 : memref<!tpu.dma_semaphore, #tpu.memory_space<semaphore_mem>>)
    %slice3A_1280 = vector.extract_strided_slice %get3A_1171 {offsets = [9], sizes = [1], strides = [1]} : vector<16xi32> to vector<1xi32>
    %squeeze3A_1281 = vector.extract %slice3A_1280[0] : i32 from vector<1xi32>
    %dma_start3A_1282 = arith.constant 105 : i32
    %dma_start3A_1283 = arith.constant 0 : i32
    %dma_start3A_1284 = tpu.memref_slice %arg6[%dma_start3A_1282, %dma_start3A_1283] : memref<128x32xf32, #tpu.memory_space<vmem>> -> memref<1x32xf32, #tpu.memory_space<vmem>>
    %dma_start3A_1285 = arith.constant 0 : i32
    %dma_start3A_1286 = tpu.memref_slice %arg3[%squeeze3A_1281, %dma_start3A_1285] : memref<100000x32xf32, #tpu.memory_space<hbm>> -> memref<1x32xf32, #tpu.memory_space<hbm>>
    %dma_start3A_1287 = arith.constant 105 : i32
    %dma_start3A_1288 = arith.constant 0 : i32
    %dma_start3A_1289 = tpu.memref_slice %arg6[%dma_start3A_1287, %dma_start3A_1288] : memref<128x32xf32, #tpu.memory_space<vmem>> -> memref<1x32xf32, #tpu.memory_space<vmem>>
    %dma_start3A_1290 = arith.constant 0 : i32
    %dma_start3A_1291 = tpu.memref_slice %arg3[%squeeze3A_1281, %dma_start3A_1290] : memref<100000x32xf32, #tpu.memory_space<hbm>> -> memref<1x32xf32, #tpu.memory_space<hbm>>
    tpu.enqueue_dma source(%dma_start3A_1291 : memref<1x32xf32, #tpu.memory_space<hbm>>) target(%dma_start3A_1289 : memref<1x32xf32, #tpu.memory_space<vmem>>) target_semaphore(%arg7 : memref<!tpu.dma_semaphore, #tpu.memory_space<semaphore_mem>>)
    %slice3A_1292 = vector.extract_strided_slice %get3A_1171 {offsets = [10], sizes = [1], strides = [1]} : vector<16xi32> to vector<1xi32>
    %squeeze3A_1293 = vector.extract %slice3A_1292[0] : i32 from vector<1xi32>
    %dma_start3A_1294 = arith.constant 106 : i32
    %dma_start3A_1295 = arith.constant 0 : i32
    %dma_start3A_1296 = tpu.memref_slice %arg6[%dma_start3A_1294, %dma_start3A_1295] : memref<128x32xf32, #tpu.memory_space<vmem>> -> memref<1x32xf32, #tpu.memory_space<vmem>>
    %dma_start3A_1297 = arith.constant 0 : i32
    %dma_start3A_1298 = tpu.memref_slice %arg3[%squeeze3A_1293, %dma_start3A_1297] : memref<100000x32xf32, #tpu.memory_space<hbm>> -> memref<1x32xf32, #tpu.memory_space<hbm>>
    %dma_start3A_1299 = arith.constant 106 : i32
    %dma_start3A_1300 = arith.constant 0 : i32
    %dma_start3A_1301 = tpu.memref_slice %arg6[%dma_start3A_1299, %dma_start3A_1300] : memref<128x32xf32, #tpu.memory_space<vmem>> -> memref<1x32xf32, #tpu.memory_space<vmem>>
    %dma_start3A_1302 = arith.constant 0 : i32
    %dma_start3A_1303 = tpu.memref_slice %arg3[%squeeze3A_1293, %dma_start3A_1302] : memref<100000x32xf32, #tpu.memory_space<hbm>> -> memref<1x32xf32, #tpu.memory_space<hbm>>
    tpu.enqueue_dma source(%dma_start3A_1303 : memref<1x32xf32, #tpu.memory_space<hbm>>) target(%dma_start3A_1301 : memref<1x32xf32, #tpu.memory_space<vmem>>) target_semaphore(%arg7 : memref<!tpu.dma_semaphore, #tpu.memory_space<semaphore_mem>>)
    %slice3A_1304 = vector.extract_strided_slice %get3A_1171 {offsets = [11], sizes = [1], strides = [1]} : vector<16xi32> to vector<1xi32>
    %squeeze3A_1305 = vector.extract %slice3A_1304[0] : i32 from vector<1xi32>
    %dma_start3A_1306 = arith.constant 107 : i32
    %dma_start3A_1307 = arith.constant 0 : i32
    %dma_start3A_1308 = tpu.memref_slice %arg6[%dma_start3A_1306, %dma_start3A_1307] : memref<128x32xf32, #tpu.memory_space<vmem>> -> memref<1x32xf32, #tpu.memory_space<vmem>>
    %dma_start3A_1309 = arith.constant 0 : i32
    %dma_start3A_1310 = tpu.memref_slice %arg3[%squeeze3A_1305, %dma_start3A_1309] : memref<100000x32xf32, #tpu.memory_space<hbm>> -> memref<1x32xf32, #tpu.memory_space<hbm>>
    %dma_start3A_1311 = arith.constant 107 : i32
    %dma_start3A_1312 = arith.constant 0 : i32
    %dma_start3A_1313 = tpu.memref_slice %arg6[%dma_start3A_1311, %dma_start3A_1312] : memref<128x32xf32, #tpu.memory_space<vmem>> -> memref<1x32xf32, #tpu.memory_space<vmem>>
    %dma_start3A_1314 = arith.constant 0 : i32
    %dma_start3A_1315 = tpu.memref_slice %arg3[%squeeze3A_1305, %dma_start3A_1314] : memref<100000x32xf32, #tpu.memory_space<hbm>> -> memref<1x32xf32, #tpu.memory_space<hbm>>
    tpu.enqueue_dma source(%dma_start3A_1315 : memref<1x32xf32, #tpu.memory_space<hbm>>) target(%dma_start3A_1313 : memref<1x32xf32, #tpu.memory_space<vmem>>) target_semaphore(%arg7 : memref<!tpu.dma_semaphore, #tpu.memory_space<semaphore_mem>>)
    %slice3A_1316 = vector.extract_strided_slice %get3A_1171 {offsets = [12], sizes = [1], strides = [1]} : vector<16xi32> to vector<1xi32>
    %squeeze3A_1317 = vector.extract %slice3A_1316[0] : i32 from vector<1xi32>
    %dma_start3A_1318 = arith.constant 108 : i32
    %dma_start3A_1319 = arith.constant 0 : i32
    %dma_start3A_1320 = tpu.memref_slice %arg6[%dma_start3A_1318, %dma_start3A_1319] : memref<128x32xf32, #tpu.memory_space<vmem>> -> memref<1x32xf32, #tpu.memory_space<vmem>>
    %dma_start3A_1321 = arith.constant 0 : i32
    %dma_start3A_1322 = tpu.memref_slice %arg3[%squeeze3A_1317, %dma_start3A_1321] : memref<100000x32xf32, #tpu.memory_space<hbm>> -> memref<1x32xf32, #tpu.memory_space<hbm>>
    %dma_start3A_1323 = arith.constant 108 : i32
    %dma_start3A_1324 = arith.constant 0 : i32
    %dma_start3A_1325 = tpu.memref_slice %arg6[%dma_start3A_1323, %dma_start3A_1324] : memref<128x32xf32, #tpu.memory_space<vmem>> -> memref<1x32xf32, #tpu.memory_space<vmem>>
    %dma_start3A_1326 = arith.constant 0 : i32
    %dma_start3A_1327 = tpu.memref_slice %arg3[%squeeze3A_1317, %dma_start3A_1326] : memref<100000x32xf32, #tpu.memory_space<hbm>> -> memref<1x32xf32, #tpu.memory_space<hbm>>
    tpu.enqueue_dma source(%dma_start3A_1327 : memref<1x32xf32, #tpu.memory_space<hbm>>) target(%dma_start3A_1325 : memref<1x32xf32, #tpu.memory_space<vmem>>) target_semaphore(%arg7 : memref<!tpu.dma_semaphore, #tpu.memory_space<semaphore_mem>>)
    %slice3A_1328 = vector.extract_strided_slice %get3A_1171 {offsets = [13], sizes = [1], strides = [1]} : vector<16xi32> to vector<1xi32>
    %squeeze3A_1329 = vector.extract %slice3A_1328[0] : i32 from vector<1xi32>
    %dma_start3A_1330 = arith.constant 109 : i32
    %dma_start3A_1331 = arith.constant 0 : i32
    %dma_start3A_1332 = tpu.memref_slice %arg6[%dma_start3A_1330, %dma_start3A_1331] : memref<128x32xf32, #tpu.memory_space<vmem>> -> memref<1x32xf32, #tpu.memory_space<vmem>>
    %dma_start3A_1333 = arith.constant 0 : i32
    %dma_start3A_1334 = tpu.memref_slice %arg3[%squeeze3A_1329, %dma_start3A_1333] : memref<100000x32xf32, #tpu.memory_space<hbm>> -> memref<1x32xf32, #tpu.memory_space<hbm>>
    %dma_start3A_1335 = arith.constant 109 : i32
    %dma_start3A_1336 = arith.constant 0 : i32
    %dma_start3A_1337 = tpu.memref_slice %arg6[%dma_start3A_1335, %dma_start3A_1336] : memref<128x32xf32, #tpu.memory_space<vmem>> -> memref<1x32xf32, #tpu.memory_space<vmem>>
    %dma_start3A_1338 = arith.constant 0 : i32
    %dma_start3A_1339 = tpu.memref_slice %arg3[%squeeze3A_1329, %dma_start3A_1338] : memref<100000x32xf32, #tpu.memory_space<hbm>> -> memref<1x32xf32, #tpu.memory_space<hbm>>
    tpu.enqueue_dma source(%dma_start3A_1339 : memref<1x32xf32, #tpu.memory_space<hbm>>) target(%dma_start3A_1337 : memref<1x32xf32, #tpu.memory_space<vmem>>) target_semaphore(%arg7 : memref<!tpu.dma_semaphore, #tpu.memory_space<semaphore_mem>>)
    %slice3A_1340 = vector.extract_strided_slice %get3A_1171 {offsets = [14], sizes = [1], strides = [1]} : vector<16xi32> to vector<1xi32>
    %squeeze3A_1341 = vector.extract %slice3A_1340[0] : i32 from vector<1xi32>
    %dma_start3A_1342 = arith.constant 110 : i32
    %dma_start3A_1343 = arith.constant 0 : i32
    %dma_start3A_1344 = tpu.memref_slice %arg6[%dma_start3A_1342, %dma_start3A_1343] : memref<128x32xf32, #tpu.memory_space<vmem>> -> memref<1x32xf32, #tpu.memory_space<vmem>>
    %dma_start3A_1345 = arith.constant 0 : i32
    %dma_start3A_1346 = tpu.memref_slice %arg3[%squeeze3A_1341, %dma_start3A_1345] : memref<100000x32xf32, #tpu.memory_space<hbm>> -> memref<1x32xf32, #tpu.memory_space<hbm>>
    %dma_start3A_1347 = arith.constant 110 : i32
    %dma_start3A_1348 = arith.constant 0 : i32
    %dma_start3A_1349 = tpu.memref_slice %arg6[%dma_start3A_1347, %dma_start3A_1348] : memref<128x32xf32, #tpu.memory_space<vmem>> -> memref<1x32xf32, #tpu.memory_space<vmem>>
    %dma_start3A_1350 = arith.constant 0 : i32
    %dma_start3A_1351 = tpu.memref_slice %arg3[%squeeze3A_1341, %dma_start3A_1350] : memref<100000x32xf32, #tpu.memory_space<hbm>> -> memref<1x32xf32, #tpu.memory_space<hbm>>
    tpu.enqueue_dma source(%dma_start3A_1351 : memref<1x32xf32, #tpu.memory_space<hbm>>) target(%dma_start3A_1349 : memref<1x32xf32, #tpu.memory_space<vmem>>) target_semaphore(%arg7 : memref<!tpu.dma_semaphore, #tpu.memory_space<semaphore_mem>>)
    %slice3A_1352 = vector.extract_strided_slice %get3A_1171 {offsets = [15], sizes = [1], strides = [1]} : vector<16xi32> to vector<1xi32>
    %squeeze3A_1353 = vector.extract %slice3A_1352[0] : i32 from vector<1xi32>
    %dma_start3A_1354 = arith.constant 111 : i32
    %dma_start3A_1355 = arith.constant 0 : i32
    %dma_start3A_1356 = tpu.memref_slice %arg6[%dma_start3A_1354, %dma_start3A_1355] : memref<128x32xf32, #tpu.memory_space<vmem>> -> memref<1x32xf32, #tpu.memory_space<vmem>>
    %dma_start3A_1357 = arith.constant 0 : i32
    %dma_start3A_1358 = tpu.memref_slice %arg3[%squeeze3A_1353, %dma_start3A_1357] : memref<100000x32xf32, #tpu.memory_space<hbm>> -> memref<1x32xf32, #tpu.memory_space<hbm>>
    %dma_start3A_1359 = arith.constant 111 : i32
    %dma_start3A_1360 = arith.constant 0 : i32
    %dma_start3A_1361 = tpu.memref_slice %arg6[%dma_start3A_1359, %dma_start3A_1360] : memref<128x32xf32, #tpu.memory_space<vmem>> -> memref<1x32xf32, #tpu.memory_space<vmem>>
    %dma_start3A_1362 = arith.constant 0 : i32
    %dma_start3A_1363 = tpu.memref_slice %arg3[%squeeze3A_1353, %dma_start3A_1362] : memref<100000x32xf32, #tpu.memory_space<hbm>> -> memref<1x32xf32, #tpu.memory_space<hbm>>
    tpu.enqueue_dma source(%dma_start3A_1363 : memref<1x32xf32, #tpu.memory_space<hbm>>) target(%dma_start3A_1361 : memref<1x32xf32, #tpu.memory_space<vmem>>) target_semaphore(%arg7 : memref<!tpu.dma_semaphore, #tpu.memory_space<semaphore_mem>>)
    %get3A_1364 = arith.constant 112 : index
    %get3A_1365 = tpu.vector_load %arg5[%get3A_1364] {strides = array<i32>} : memref<128xi32, #tpu.memory_space<vmem>>, vector<16xi32>,
    %get3A_1366 = vector.shape_cast %get3A_1365 : vector<16xi32> to vector<16xi32>
    %slice3A_1367 = vector.extract_strided_slice %get3A_1366 {offsets = [0], sizes = [1], strides = [1]} : vector<16xi32> to vector<1xi32>
    %squeeze3A_1368 = vector.extract %slice3A_1367[0] : i32 from vector<1xi32>
    %dma_start3A_1369 = arith.constant 112 : i32
    %dma_start3A_1370 = arith.constant 0 : i32
    %dma_start3A_1371 = tpu.memref_slice %arg6[%dma_start3A_1369, %dma_start3A_1370] : memref<128x32xf32, #tpu.memory_space<vmem>> -> memref<1x32xf32, #tpu.memory_space<vmem>>
    %dma_start3A_1372 = arith.constant 0 : i32
    %dma_start3A_1373 = tpu.memref_slice %arg3[%squeeze3A_1368, %dma_start3A_1372] : memref<100000x32xf32, #tpu.memory_space<hbm>> -> memref<1x32xf32, #tpu.memory_space<hbm>>
    %dma_start3A_1374 = arith.constant 112 : i32
    %dma_start3A_1375 = arith.constant 0 : i32
    %dma_start3A_1376 = tpu.memref_slice %arg6[%dma_start3A_1374, %dma_start3A_1375] : memref<128x32xf32, #tpu.memory_space<vmem>> -> memref<1x32xf32, #tpu.memory_space<vmem>>
    %dma_start3A_1377 = arith.constant 0 : i32
    %dma_start3A_1378 = tpu.memref_slice %arg3[%squeeze3A_1368, %dma_start3A_1377] : memref<100000x32xf32, #tpu.memory_space<hbm>> -> memref<1x32xf32, #tpu.memory_space<hbm>>
    tpu.enqueue_dma source(%dma_start3A_1378 : memref<1x32xf32, #tpu.memory_space<hbm>>) target(%dma_start3A_1376 : memref<1x32xf32, #tpu.memory_space<vmem>>) target_semaphore(%arg7 : memref<!tpu.dma_semaphore, #tpu.memory_space<semaphore_mem>>)
    %slice3A_1379 = vector.extract_strided_slice %get3A_1366 {offsets = [1], sizes = [1], strides = [1]} : vector<16xi32> to vector<1xi32>
    %squeeze3A_1380 = vector.extract %slice3A_1379[0] : i32 from vector<1xi32>
    %dma_start3A_1381 = arith.constant 113 : i32
    %dma_start3A_1382 = arith.constant 0 : i32
    %dma_start3A_1383 = tpu.memref_slice %arg6[%dma_start3A_1381, %dma_start3A_1382] : memref<128x32xf32, #tpu.memory_space<vmem>> -> memref<1x32xf32, #tpu.memory_space<vmem>>
    %dma_start3A_1384 = arith.constant 0 : i32
    %dma_start3A_1385 = tpu.memref_slice %arg3[%squeeze3A_1380, %dma_start3A_1384] : memref<100000x32xf32, #tpu.memory_space<hbm>> -> memref<1x32xf32, #tpu.memory_space<hbm>>
    %dma_start3A_1386 = arith.constant 113 : i32
    %dma_start3A_1387 = arith.constant 0 : i32
    %dma_start3A_1388 = tpu.memref_slice %arg6[%dma_start3A_1386, %dma_start3A_1387] : memref<128x32xf32, #tpu.memory_space<vmem>> -> memref<1x32xf32, #tpu.memory_space<vmem>>
    %dma_start3A_1389 = arith.constant 0 : i32
    %dma_start3A_1390 = tpu.memref_slice %arg3[%squeeze3A_1380, %dma_start3A_1389] : memref<100000x32xf32, #tpu.memory_space<hbm>> -> memref<1x32xf32, #tpu.memory_space<hbm>>
    tpu.enqueue_dma source(%dma_start3A_1390 : memref<1x32xf32, #tpu.memory_space<hbm>>) target(%dma_start3A_1388 : memref<1x32xf32, #tpu.memory_space<vmem>>) target_semaphore(%arg7 : memref<!tpu.dma_semaphore, #tpu.memory_space<semaphore_mem>>)
    %slice3A_1391 = vector.extract_strided_slice %get3A_1366 {offsets = [2], sizes = [1], strides = [1]} : vector<16xi32> to vector<1xi32>
    %squeeze3A_1392 = vector.extract %slice3A_1391[0] : i32 from vector<1xi32>
    %dma_start3A_1393 = arith.constant 114 : i32
    %dma_start3A_1394 = arith.constant 0 : i32
    %dma_start3A_1395 = tpu.memref_slice %arg6[%dma_start3A_1393, %dma_start3A_1394] : memref<128x32xf32, #tpu.memory_space<vmem>> -> memref<1x32xf32, #tpu.memory_space<vmem>>
    %dma_start3A_1396 = arith.constant 0 : i32
    %dma_start3A_1397 = tpu.memref_slice %arg3[%squeeze3A_1392, %dma_start3A_1396] : memref<100000x32xf32, #tpu.memory_space<hbm>> -> memref<1x32xf32, #tpu.memory_space<hbm>>
    %dma_start3A_1398 = arith.constant 114 : i32
    %dma_start3A_1399 = arith.constant 0 : i32
    %dma_start3A_1400 = tpu.memref_slice %arg6[%dma_start3A_1398, %dma_start3A_1399] : memref<128x32xf32, #tpu.memory_space<vmem>> -> memref<1x32xf32, #tpu.memory_space<vmem>>
    %dma_start3A_1401 = arith.constant 0 : i32
    %dma_start3A_1402 = tpu.memref_slice %arg3[%squeeze3A_1392, %dma_start3A_1401] : memref<100000x32xf32, #tpu.memory_space<hbm>> -> memref<1x32xf32, #tpu.memory_space<hbm>>
    tpu.enqueue_dma source(%dma_start3A_1402 : memref<1x32xf32, #tpu.memory_space<hbm>>) target(%dma_start3A_1400 : memref<1x32xf32, #tpu.memory_space<vmem>>) target_semaphore(%arg7 : memref<!tpu.dma_semaphore, #tpu.memory_space<semaphore_mem>>)
    %slice3A_1403 = vector.extract_strided_slice %get3A_1366 {offsets = [3], sizes = [1], strides = [1]} : vector<16xi32> to vector<1xi32>
    %squeeze3A_1404 = vector.extract %slice3A_1403[0] : i32 from vector<1xi32>
    %dma_start3A_1405 = arith.constant 115 : i32
    %dma_start3A_1406 = arith.constant 0 : i32
    %dma_start3A_1407 = tpu.memref_slice %arg6[%dma_start3A_1405, %dma_start3A_1406] : memref<128x32xf32, #tpu.memory_space<vmem>> -> memref<1x32xf32, #tpu.memory_space<vmem>>
    %dma_start3A_1408 = arith.constant 0 : i32
    %dma_start3A_1409 = tpu.memref_slice %arg3[%squeeze3A_1404, %dma_start3A_1408] : memref<100000x32xf32, #tpu.memory_space<hbm>> -> memref<1x32xf32, #tpu.memory_space<hbm>>
    %dma_start3A_1410 = arith.constant 115 : i32
    %dma_start3A_1411 = arith.constant 0 : i32
    %dma_start3A_1412 = tpu.memref_slice %arg6[%dma_start3A_1410, %dma_start3A_1411] : memref<128x32xf32, #tpu.memory_space<vmem>> -> memref<1x32xf32, #tpu.memory_space<vmem>>
    %dma_start3A_1413 = arith.constant 0 : i32
    %dma_start3A_1414 = tpu.memref_slice %arg3[%squeeze3A_1404, %dma_start3A_1413] : memref<100000x32xf32, #tpu.memory_space<hbm>> -> memref<1x32xf32, #tpu.memory_space<hbm>>
    tpu.enqueue_dma source(%dma_start3A_1414 : memref<1x32xf32, #tpu.memory_space<hbm>>) target(%dma_start3A_1412 : memref<1x32xf32, #tpu.memory_space<vmem>>) target_semaphore(%arg7 : memref<!tpu.dma_semaphore, #tpu.memory_space<semaphore_mem>>)
    %slice3A_1415 = vector.extract_strided_slice %get3A_1366 {offsets = [4], sizes = [1], strides = [1]} : vector<16xi32> to vector<1xi32>
    %squeeze3A_1416 = vector.extract %slice3A_1415[0] : i32 from vector<1xi32>
    %dma_start3A_1417 = arith.constant 116 : i32
    %dma_start3A_1418 = arith.constant 0 : i32
    %dma_start3A_1419 = tpu.memref_slice %arg6[%dma_start3A_1417, %dma_start3A_1418] : memref<128x32xf32, #tpu.memory_space<vmem>> -> memref<1x32xf32, #tpu.memory_space<vmem>>
    %dma_start3A_1420 = arith.constant 0 : i32
    %dma_start3A_1421 = tpu.memref_slice %arg3[%squeeze3A_1416, %dma_start3A_1420] : memref<100000x32xf32, #tpu.memory_space<hbm>> -> memref<1x32xf32, #tpu.memory_space<hbm>>
    %dma_start3A_1422 = arith.constant 116 : i32
    %dma_start3A_1423 = arith.constant 0 : i32
    %dma_start3A_1424 = tpu.memref_slice %arg6[%dma_start3A_1422, %dma_start3A_1423] : memref<128x32xf32, #tpu.memory_space<vmem>> -> memref<1x32xf32, #tpu.memory_space<vmem>>
    %dma_start3A_1425 = arith.constant 0 : i32
    %dma_start3A_1426 = tpu.memref_slice %arg3[%squeeze3A_1416, %dma_start3A_1425] : memref<100000x32xf32, #tpu.memory_space<hbm>> -> memref<1x32xf32, #tpu.memory_space<hbm>>
    tpu.enqueue_dma source(%dma_start3A_1426 : memref<1x32xf32, #tpu.memory_space<hbm>>) target(%dma_start3A_1424 : memref<1x32xf32, #tpu.memory_space<vmem>>) target_semaphore(%arg7 : memref<!tpu.dma_semaphore, #tpu.memory_space<semaphore_mem>>)
    %slice3A_1427 = vector.extract_strided_slice %get3A_1366 {offsets = [5], sizes = [1], strides = [1]} : vector<16xi32> to vector<1xi32>
    %squeeze3A_1428 = vector.extract %slice3A_1427[0] : i32 from vector<1xi32>
    %dma_start3A_1429 = arith.constant 117 : i32
    %dma_start3A_1430 = arith.constant 0 : i32
    %dma_start3A_1431 = tpu.memref_slice %arg6[%dma_start3A_1429, %dma_start3A_1430] : memref<128x32xf32, #tpu.memory_space<vmem>> -> memref<1x32xf32, #tpu.memory_space<vmem>>
    %dma_start3A_1432 = arith.constant 0 : i32
    %dma_start3A_1433 = tpu.memref_slice %arg3[%squeeze3A_1428, %dma_start3A_1432] : memref<100000x32xf32, #tpu.memory_space<hbm>> -> memref<1x32xf32, #tpu.memory_space<hbm>>
    %dma_start3A_1434 = arith.constant 117 : i32
    %dma_start3A_1435 = arith.constant 0 : i32
    %dma_start3A_1436 = tpu.memref_slice %arg6[%dma_start3A_1434, %dma_start3A_1435] : memref<128x32xf32, #tpu.memory_space<vmem>> -> memref<1x32xf32, #tpu.memory_space<vmem>>
    %dma_start3A_1437 = arith.constant 0 : i32
    %dma_start3A_1438 = tpu.memref_slice %arg3[%squeeze3A_1428, %dma_start3A_1437] : memref<100000x32xf32, #tpu.memory_space<hbm>> -> memref<1x32xf32, #tpu.memory_space<hbm>>
    tpu.enqueue_dma source(%dma_start3A_1438 : memref<1x32xf32, #tpu.memory_space<hbm>>) target(%dma_start3A_1436 : memref<1x32xf32, #tpu.memory_space<vmem>>) target_semaphore(%arg7 : memref<!tpu.dma_semaphore, #tpu.memory_space<semaphore_mem>>)
    %slice3A_1439 = vector.extract_strided_slice %get3A_1366 {offsets = [6], sizes = [1], strides = [1]} : vector<16xi32> to vector<1xi32>
    %squeeze3A_1440 = vector.extract %slice3A_1439[0] : i32 from vector<1xi32>
    %dma_start3A_1441 = arith.constant 118 : i32
    %dma_start3A_1442 = arith.constant 0 : i32
    %dma_start3A_1443 = tpu.memref_slice %arg6[%dma_start3A_1441, %dma_start3A_1442] : memref<128x32xf32, #tpu.memory_space<vmem>> -> memref<1x32xf32, #tpu.memory_space<vmem>>
    %dma_start3A_1444 = arith.constant 0 : i32
    %dma_start3A_1445 = tpu.memref_slice %arg3[%squeeze3A_1440, %dma_start3A_1444] : memref<100000x32xf32, #tpu.memory_space<hbm>> -> memref<1x32xf32, #tpu.memory_space<hbm>>
    %dma_start3A_1446 = arith.constant 118 : i32
    %dma_start3A_1447 = arith.constant 0 : i32
    %dma_start3A_1448 = tpu.memref_slice %arg6[%dma_start3A_1446, %dma_start3A_1447] : memref<128x32xf32, #tpu.memory_space<vmem>> -> memref<1x32xf32, #tpu.memory_space<vmem>>
    %dma_start3A_1449 = arith.constant 0 : i32
    %dma_start3A_1450 = tpu.memref_slice %arg3[%squeeze3A_1440, %dma_start3A_1449] : memref<100000x32xf32, #tpu.memory_space<hbm>> -> memref<1x32xf32, #tpu.memory_space<hbm>>
    tpu.enqueue_dma source(%dma_start3A_1450 : memref<1x32xf32, #tpu.memory_space<hbm>>) target(%dma_start3A_1448 : memref<1x32xf32, #tpu.memory_space<vmem>>) target_semaphore(%arg7 : memref<!tpu.dma_semaphore, #tpu.memory_space<semaphore_mem>>)
    %slice3A_1451 = vector.extract_strided_slice %get3A_1366 {offsets = [7], sizes = [1], strides = [1]} : vector<16xi32> to vector<1xi32>
    %squeeze3A_1452 = vector.extract %slice3A_1451[0] : i32 from vector<1xi32>
    %dma_start3A_1453 = arith.constant 119 : i32
    %dma_start3A_1454 = arith.constant 0 : i32
    %dma_start3A_1455 = tpu.memref_slice %arg6[%dma_start3A_1453, %dma_start3A_1454] : memref<128x32xf32, #tpu.memory_space<vmem>> -> memref<1x32xf32, #tpu.memory_space<vmem>>
    %dma_start3A_1456 = arith.constant 0 : i32
    %dma_start3A_1457 = tpu.memref_slice %arg3[%squeeze3A_1452, %dma_start3A_1456] : memref<100000x32xf32, #tpu.memory_space<hbm>> -> memref<1x32xf32, #tpu.memory_space<hbm>>
    %dma_start3A_1458 = arith.constant 119 : i32
    %dma_start3A_1459 = arith.constant 0 : i32
    %dma_start3A_1460 = tpu.memref_slice %arg6[%dma_start3A_1458, %dma_start3A_1459] : memref<128x32xf32, #tpu.memory_space<vmem>> -> memref<1x32xf32, #tpu.memory_space<vmem>>
    %dma_start3A_1461 = arith.constant 0 : i32
    %dma_start3A_1462 = tpu.memref_slice %arg3[%squeeze3A_1452, %dma_start3A_1461] : memref<100000x32xf32, #tpu.memory_space<hbm>> -> memref<1x32xf32, #tpu.memory_space<hbm>>
    tpu.enqueue_dma source(%dma_start3A_1462 : memref<1x32xf32, #tpu.memory_space<hbm>>) target(%dma_start3A_1460 : memref<1x32xf32, #tpu.memory_space<vmem>>) target_semaphore(%arg7 : memref<!tpu.dma_semaphore, #tpu.memory_space<semaphore_mem>>)
    %slice3A_1463 = vector.extract_strided_slice %get3A_1366 {offsets = [8], sizes = [1], strides = [1]} : vector<16xi32> to vector<1xi32>
    %squeeze3A_1464 = vector.extract %slice3A_1463[0] : i32 from vector<1xi32>
    %dma_start3A_1465 = arith.constant 120 : i32
    %dma_start3A_1466 = arith.constant 0 : i32
    %dma_start3A_1467 = tpu.memref_slice %arg6[%dma_start3A_1465, %dma_start3A_1466] : memref<128x32xf32, #tpu.memory_space<vmem>> -> memref<1x32xf32, #tpu.memory_space<vmem>>
    %dma_start3A_1468 = arith.constant 0 : i32
    %dma_start3A_1469 = tpu.memref_slice %arg3[%squeeze3A_1464, %dma_start3A_1468] : memref<100000x32xf32, #tpu.memory_space<hbm>> -> memref<1x32xf32, #tpu.memory_space<hbm>>
    %dma_start3A_1470 = arith.constant 120 : i32
    %dma_start3A_1471 = arith.constant 0 : i32
    %dma_start3A_1472 = tpu.memref_slice %arg6[%dma_start3A_1470, %dma_start3A_1471] : memref<128x32xf32, #tpu.memory_space<vmem>> -> memref<1x32xf32, #tpu.memory_space<vmem>>
    %dma_start3A_1473 = arith.constant 0 : i32
    %dma_start3A_1474 = tpu.memref_slice %arg3[%squeeze3A_1464, %dma_start3A_1473] : memref<100000x32xf32, #tpu.memory_space<hbm>> -> memref<1x32xf32, #tpu.memory_space<hbm>>
    tpu.enqueue_dma source(%dma_start3A_1474 : memref<1x32xf32, #tpu.memory_space<hbm>>) target(%dma_start3A_1472 : memref<1x32xf32, #tpu.memory_space<vmem>>) target_semaphore(%arg7 : memref<!tpu.dma_semaphore, #tpu.memory_space<semaphore_mem>>)
    %slice3A_1475 = vector.extract_strided_slice %get3A_1366 {offsets = [9], sizes = [1], strides = [1]} : vector<16xi32> to vector<1xi32>
    %squeeze3A_1476 = vector.extract %slice3A_1475[0] : i32 from vector<1xi32>
    %dma_start3A_1477 = arith.constant 121 : i32
    %dma_start3A_1478 = arith.constant 0 : i32
    %dma_start3A_1479 = tpu.memref_slice %arg6[%dma_start3A_1477, %dma_start3A_1478] : memref<128x32xf32, #tpu.memory_space<vmem>> -> memref<1x32xf32, #tpu.memory_space<vmem>>
    %dma_start3A_1480 = arith.constant 0 : i32
    %dma_start3A_1481 = tpu.memref_slice %arg3[%squeeze3A_1476, %dma_start3A_1480] : memref<100000x32xf32, #tpu.memory_space<hbm>> -> memref<1x32xf32, #tpu.memory_space<hbm>>
    %dma_start3A_1482 = arith.constant 121 : i32
    %dma_start3A_1483 = arith.constant 0 : i32
    %dma_start3A_1484 = tpu.memref_slice %arg6[%dma_start3A_1482, %dma_start3A_1483] : memref<128x32xf32, #tpu.memory_space<vmem>> -> memref<1x32xf32, #tpu.memory_space<vmem>>
    %dma_start3A_1485 = arith.constant 0 : i32
    %dma_start3A_1486 = tpu.memref_slice %arg3[%squeeze3A_1476, %dma_start3A_1485] : memref<100000x32xf32, #tpu.memory_space<hbm>> -> memref<1x32xf32, #tpu.memory_space<hbm>>
    tpu.enqueue_dma source(%dma_start3A_1486 : memref<1x32xf32, #tpu.memory_space<hbm>>) target(%dma_start3A_1484 : memref<1x32xf32, #tpu.memory_space<vmem>>) target_semaphore(%arg7 : memref<!tpu.dma_semaphore, #tpu.memory_space<semaphore_mem>>)
    %slice3A_1487 = vector.extract_strided_slice %get3A_1366 {offsets = [10], sizes = [1], strides = [1]} : vector<16xi32> to vector<1xi32>
    %squeeze3A_1488 = vector.extract %slice3A_1487[0] : i32 from vector<1xi32>
    %dma_start3A_1489 = arith.constant 122 : i32
    %dma_start3A_1490 = arith.constant 0 : i32
    %dma_start3A_1491 = tpu.memref_slice %arg6[%dma_start3A_1489, %dma_start3A_1490] : memref<128x32xf32, #tpu.memory_space<vmem>> -> memref<1x32xf32, #tpu.memory_space<vmem>>
    %dma_start3A_1492 = arith.constant 0 : i32
    %dma_start3A_1493 = tpu.memref_slice %arg3[%squeeze3A_1488, %dma_start3A_1492] : memref<100000x32xf32, #tpu.memory_space<hbm>> -> memref<1x32xf32, #tpu.memory_space<hbm>>
    %dma_start3A_1494 = arith.constant 122 : i32
    %dma_start3A_1495 = arith.constant 0 : i32
    %dma_start3A_1496 = tpu.memref_slice %arg6[%dma_start3A_1494, %dma_start3A_1495] : memref<128x32xf32, #tpu.memory_space<vmem>> -> memref<1x32xf32, #tpu.memory_space<vmem>>
    %dma_start3A_1497 = arith.constant 0 : i32
    %dma_start3A_1498 = tpu.memref_slice %arg3[%squeeze3A_1488, %dma_start3A_1497] : memref<100000x32xf32, #tpu.memory_space<hbm>> -> memref<1x32xf32, #tpu.memory_space<hbm>>
    tpu.enqueue_dma source(%dma_start3A_1498 : memref<1x32xf32, #tpu.memory_space<hbm>>) target(%dma_start3A_1496 : memref<1x32xf32, #tpu.memory_space<vmem>>) target_semaphore(%arg7 : memref<!tpu.dma_semaphore, #tpu.memory_space<semaphore_mem>>)
    %slice3A_1499 = vector.extract_strided_slice %get3A_1366 {offsets = [11], sizes = [1], strides = [1]} : vector<16xi32> to vector<1xi32>
    %squeeze3A_1500 = vector.extract %slice3A_1499[0] : i32 from vector<1xi32>
    %dma_start3A_1501 = arith.constant 123 : i32
    %dma_start3A_1502 = arith.constant 0 : i32
    %dma_start3A_1503 = tpu.memref_slice %arg6[%dma_start3A_1501, %dma_start3A_1502] : memref<128x32xf32, #tpu.memory_space<vmem>> -> memref<1x32xf32, #tpu.memory_space<vmem>>
    %dma_start3A_1504 = arith.constant 0 : i32
    %dma_start3A_1505 = tpu.memref_slice %arg3[%squeeze3A_1500, %dma_start3A_1504] : memref<100000x32xf32, #tpu.memory_space<hbm>> -> memref<1x32xf32, #tpu.memory_space<hbm>>
    %dma_start3A_1506 = arith.constant 123 : i32
    %dma_start3A_1507 = arith.constant 0 : i32
    %dma_start3A_1508 = tpu.memref_slice %arg6[%dma_start3A_1506, %dma_start3A_1507] : memref<128x32xf32, #tpu.memory_space<vmem>> -> memref<1x32xf32, #tpu.memory_space<vmem>>
    %dma_start3A_1509 = arith.constant 0 : i32
    %dma_start3A_1510 = tpu.memref_slice %arg3[%squeeze3A_1500, %dma_start3A_1509] : memref<100000x32xf32, #tpu.memory_space<hbm>> -> memref<1x32xf32, #tpu.memory_space<hbm>>
    tpu.enqueue_dma source(%dma_start3A_1510 : memref<1x32xf32, #tpu.memory_space<hbm>>) target(%dma_start3A_1508 : memref<1x32xf32, #tpu.memory_space<vmem>>) target_semaphore(%arg7 : memref<!tpu.dma_semaphore, #tpu.memory_space<semaphore_mem>>)
    %slice3A_1511 = vector.extract_strided_slice %get3A_1366 {offsets = [12], sizes = [1], strides = [1]} : vector<16xi32> to vector<1xi32>
    %squeeze3A_1512 = vector.extract %slice3A_1511[0] : i32 from vector<1xi32>
    %dma_start3A_1513 = arith.constant 124 : i32
    %dma_start3A_1514 = arith.constant 0 : i32
    %dma_start3A_1515 = tpu.memref_slice %arg6[%dma_start3A_1513, %dma_start3A_1514] : memref<128x32xf32, #tpu.memory_space<vmem>> -> memref<1x32xf32, #tpu.memory_space<vmem>>
    %dma_start3A_1516 = arith.constant 0 : i32
    %dma_start3A_1517 = tpu.memref_slice %arg3[%squeeze3A_1512, %dma_start3A_1516] : memref<100000x32xf32, #tpu.memory_space<hbm>> -> memref<1x32xf32, #tpu.memory_space<hbm>>
    %dma_start3A_1518 = arith.constant 124 : i32
    %dma_start3A_1519 = arith.constant 0 : i32
    %dma_start3A_1520 = tpu.memref_slice %arg6[%dma_start3A_1518, %dma_start3A_1519] : memref<128x32xf32, #tpu.memory_space<vmem>> -> memref<1x32xf32, #tpu.memory_space<vmem>>
    %dma_start3A_1521 = arith.constant 0 : i32
    %dma_start3A_1522 = tpu.memref_slice %arg3[%squeeze3A_1512, %dma_start3A_1521] : memref<100000x32xf32, #tpu.memory_space<hbm>> -> memref<1x32xf32, #tpu.memory_space<hbm>>
    tpu.enqueue_dma source(%dma_start3A_1522 : memref<1x32xf32, #tpu.memory_space<hbm>>) target(%dma_start3A_1520 : memref<1x32xf32, #tpu.memory_space<vmem>>) target_semaphore(%arg7 : memref<!tpu.dma_semaphore, #tpu.memory_space<semaphore_mem>>)
    %slice3A_1523 = vector.extract_strided_slice %get3A_1366 {offsets = [13], sizes = [1], strides = [1]} : vector<16xi32> to vector<1xi32>
    %squeeze3A_1524 = vector.extract %slice3A_1523[0] : i32 from vector<1xi32>
    %dma_start3A_1525 = arith.constant 125 : i32
    %dma_start3A_1526 = arith.constant 0 : i32
    %dma_start3A_1527 = tpu.memref_slice %arg6[%dma_start3A_1525, %dma_start3A_1526] : memref<128x32xf32, #tpu.memory_space<vmem>> -> memref<1x32xf32, #tpu.memory_space<vmem>>
    %dma_start3A_1528 = arith.constant 0 : i32
    %dma_start3A_1529 = tpu.memref_slice %arg3[%squeeze3A_1524, %dma_start3A_1528] : memref<100000x32xf32, #tpu.memory_space<hbm>> -> memref<1x32xf32, #tpu.memory_space<hbm>>
    %dma_start3A_1530 = arith.constant 125 : i32
    %dma_start3A_1531 = arith.constant 0 : i32
    %dma_start3A_1532 = tpu.memref_slice %arg6[%dma_start3A_1530, %dma_start3A_1531] : memref<128x32xf32, #tpu.memory_space<vmem>> -> memref<1x32xf32, #tpu.memory_space<vmem>>
    %dma_start3A_1533 = arith.constant 0 : i32
    %dma_start3A_1534 = tpu.memref_slice %arg3[%squeeze3A_1524, %dma_start3A_1533] : memref<100000x32xf32, #tpu.memory_space<hbm>> -> memref<1x32xf32, #tpu.memory_space<hbm>>
    tpu.enqueue_dma source(%dma_start3A_1534 : memref<1x32xf32, #tpu.memory_space<hbm>>) target(%dma_start3A_1532 : memref<1x32xf32, #tpu.memory_space<vmem>>) target_semaphore(%arg7 : memref<!tpu.dma_semaphore, #tpu.memory_space<semaphore_mem>>)
    %slice3A_1535 = vector.extract_strided_slice %get3A_1366 {offsets = [14], sizes = [1], strides = [1]} : vector<16xi32> to vector<1xi32>
    %squeeze3A_1536 = vector.extract %slice3A_1535[0] : i32 from vector<1xi32>
    %dma_start3A_1537 = arith.constant 126 : i32
    %dma_start3A_1538 = arith.constant 0 : i32
    %dma_start3A_1539 = tpu.memref_slice %arg6[%dma_start3A_1537, %dma_start3A_1538] : memref<128x32xf32, #tpu.memory_space<vmem>> -> memref<1x32xf32, #tpu.memory_space<vmem>>
    %dma_start3A_1540 = arith.constant 0 : i32
    %dma_start3A_1541 = tpu.memref_slice %arg3[%squeeze3A_1536, %dma_start3A_1540] : memref<100000x32xf32, #tpu.memory_space<hbm>> -> memref<1x32xf32, #tpu.memory_space<hbm>>
    %dma_start3A_1542 = arith.constant 126 : i32
    %dma_start3A_1543 = arith.constant 0 : i32
    %dma_start3A_1544 = tpu.memref_slice %arg6[%dma_start3A_1542, %dma_start3A_1543] : memref<128x32xf32, #tpu.memory_space<vmem>> -> memref<1x32xf32, #tpu.memory_space<vmem>>
    %dma_start3A_1545 = arith.constant 0 : i32
    %dma_start3A_1546 = tpu.memref_slice %arg3[%squeeze3A_1536, %dma_start3A_1545] : memref<100000x32xf32, #tpu.memory_space<hbm>> -> memref<1x32xf32, #tpu.memory_space<hbm>>
    tpu.enqueue_dma source(%dma_start3A_1546 : memref<1x32xf32, #tpu.memory_space<hbm>>) target(%dma_start3A_1544 : memref<1x32xf32, #tpu.memory_space<vmem>>) target_semaphore(%arg7 : memref<!tpu.dma_semaphore, #tpu.memory_space<semaphore_mem>>)
    %slice3A_1547 = vector.extract_strided_slice %get3A_1366 {offsets = [15], sizes = [1], strides = [1]} : vector<16xi32> to vector<1xi32>
    %squeeze3A_1548 = vector.extract %slice3A_1547[0] : i32 from vector<1xi32>
    %dma_start3A_1549 = arith.constant 127 : i32
    %dma_start3A_1550 = arith.constant 0 : i32
    %dma_start3A_1551 = tpu.memref_slice %arg6[%dma_start3A_1549, %dma_start3A_1550] : memref<128x32xf32, #tpu.memory_space<vmem>> -> memref<1x32xf32, #tpu.memory_space<vmem>>
    %dma_start3A_1552 = arith.constant 0 : i32
    %dma_start3A_1553 = tpu.memref_slice %arg3[%squeeze3A_1548, %dma_start3A_1552] : memref<100000x32xf32, #tpu.memory_space<hbm>> -> memref<1x32xf32, #tpu.memory_space<hbm>>
    %dma_start3A_1554 = arith.constant 127 : i32
    %dma_start3A_1555 = arith.constant 0 : i32
    %dma_start3A_1556 = tpu.memref_slice %arg6[%dma_start3A_1554, %dma_start3A_1555] : memref<128x32xf32, #tpu.memory_space<vmem>> -> memref<1x32xf32, #tpu.memory_space<vmem>>
    %dma_start3A_1557 = arith.constant 0 : i32
    %dma_start3A_1558 = tpu.memref_slice %arg3[%squeeze3A_1548, %dma_start3A_1557] : memref<100000x32xf32, #tpu.memory_space<hbm>> -> memref<1x32xf32, #tpu.memory_space<hbm>>
    tpu.enqueue_dma source(%dma_start3A_1558 : memref<1x32xf32, #tpu.memory_space<hbm>>) target(%dma_start3A_1556 : memref<1x32xf32, #tpu.memory_space<vmem>>) target_semaphore(%arg7 : memref<!tpu.dma_semaphore, #tpu.memory_space<semaphore_mem>>)
    %scan3A = arith.constant 0 : i32
    %scan3A_1559 = arith.constant 0 : i32
    %scan3A_1560 = arith.constant 128 : i32
    %scan3A_1561 = arith.addi %scan3A_1559, %scan3A_1560 : i32
    %scan3A_1562 = arith.constant 8 : i32
    scf.for %scan3A_1579 = %scan3A_1559 to %scan3A_1561 step %scan3A_1562  : i32 {
      %dma_wait3A_1580 = arith.constant 0 : i32
      %dma_wait3A_1581 = tpu.memref_slice %arg6[%scan3A_1579, %dma_wait3A_1580] : memref<128x32xf32, #tpu.memory_space<vmem>> -> memref<1x32xf32, #tpu.memory_space<vmem>>
      %dma_wait3A_1582 = arith.constant 0 : i32
      %dma_wait3A_1583 = arith.constant 0 : i32
      %dma_wait3A_1584 = tpu.memref_slice %arg3[%dma_wait3A_1582, %dma_wait3A_1583] : memref<100000x32xf32, #tpu.memory_space<hbm>> -> memref<1x32xf32, #tpu.memory_space<hbm>>
      %dma_wait3A_1585 = arith.constant 0 : i32
      %dma_wait3A_1586 = tpu.memref_slice %arg6[%scan3A_1579, %dma_wait3A_1585] : memref<128x32xf32, #tpu.memory_space<vmem>> -> memref<1x32xf32, #tpu.memory_space<vmem>>
      %dma_wait3A_1587 = arith.constant 0 : i32
      %dma_wait3A_1588 = arith.constant 0 : i32
      %dma_wait3A_1589 = tpu.memref_slice %arg3[%dma_wait3A_1587, %dma_wait3A_1588] : memref<100000x32xf32, #tpu.memory_space<hbm>> -> memref<1x32xf32, #tpu.memory_space<hbm>>
      tpu.wait_dma2 semaphore(%arg7 : memref<!tpu.dma_semaphore, #tpu.memory_space<semaphore_mem>>) src(%dma_wait3A_1589 : memref<1x32xf32, #tpu.memory_space<hbm>>) dst(%dma_wait3A_1586 : memref<1x32xf32, #tpu.memory_space<vmem>>)
      %scan3A_1590 = arith.constant 1 : i32
      %scan3A_1591 = arith.addi %scan3A_1579, %scan3A_1590 : i32
      %dma_wait3A_1592 = arith.constant 0 : i32
      %dma_wait3A_1593 = tpu.memref_slice %arg6[%scan3A_1591, %dma_wait3A_1592] : memref<128x32xf32, #tpu.memory_space<vmem>> -> memref<1x32xf32, #tpu.memory_space<vmem>>
      %dma_wait3A_1594 = arith.constant 0 : i32
      %dma_wait3A_1595 = arith.constant 0 : i32
      %dma_wait3A_1596 = tpu.memref_slice %arg3[%dma_wait3A_1594, %dma_wait3A_1595] : memref<100000x32xf32, #tpu.memory_space<hbm>> -> memref<1x32xf32, #tpu.memory_space<hbm>>
      %dma_wait3A_1597 = arith.constant 0 : i32
      %dma_wait3A_1598 = tpu.memref_slice %arg6[%scan3A_1591, %dma_wait3A_1597] : memref<128x32xf32, #tpu.memory_space<vmem>> -> memref<1x32xf32, #tpu.memory_space<vmem>>
      %dma_wait3A_1599 = arith.constant 0 : i32
      %dma_wait3A_1600 = arith.constant 0 : i32
      %dma_wait3A_1601 = tpu.memref_slice %arg3[%dma_wait3A_1599, %dma_wait3A_1600] : memref<100000x32xf32, #tpu.memory_space<hbm>> -> memref<1x32xf32, #tpu.memory_space<hbm>>
      tpu.wait_dma2 semaphore(%arg7 : memref<!tpu.dma_semaphore, #tpu.memory_space<semaphore_mem>>) src(%dma_wait3A_1601 : memref<1x32xf32, #tpu.memory_space<hbm>>) dst(%dma_wait3A_1598 : memref<1x32xf32, #tpu.memory_space<vmem>>)
      %scan3A_1602 = arith.constant 2 : i32
      %scan3A_1603 = arith.addi %scan3A_1579, %scan3A_1602 : i32
      %dma_wait3A_1604 = arith.constant 0 : i32
      %dma_wait3A_1605 = tpu.memref_slice %arg6[%scan3A_1603, %dma_wait3A_1604] : memref<128x32xf32, #tpu.memory_space<vmem>> -> memref<1x32xf32, #tpu.memory_space<vmem>>
      %dma_wait3A_1606 = arith.constant 0 : i32
      %dma_wait3A_1607 = arith.constant 0 : i32
      %dma_wait3A_1608 = tpu.memref_slice %arg3[%dma_wait3A_1606, %dma_wait3A_1607] : memref<100000x32xf32, #tpu.memory_space<hbm>> -> memref<1x32xf32, #tpu.memory_space<hbm>>
      %dma_wait3A_1609 = arith.constant 0 : i32
      %dma_wait3A_1610 = tpu.memref_slice %arg6[%scan3A_1603, %dma_wait3A_1609] : memref<128x32xf32, #tpu.memory_space<vmem>> -> memref<1x32xf32, #tpu.memory_space<vmem>>
      %dma_wait3A_1611 = arith.constant 0 : i32
      %dma_wait3A_1612 = arith.constant 0 : i32
      %dma_wait3A_1613 = tpu.memref_slice %arg3[%dma_wait3A_1611, %dma_wait3A_1612] : memref<100000x32xf32, #tpu.memory_space<hbm>> -> memref<1x32xf32, #tpu.memory_space<hbm>>
      tpu.wait_dma2 semaphore(%arg7 : memref<!tpu.dma_semaphore, #tpu.memory_space<semaphore_mem>>) src(%dma_wait3A_1613 : memref<1x32xf32, #tpu.memory_space<hbm>>) dst(%dma_wait3A_1610 : memref<1x32xf32, #tpu.memory_space<vmem>>)
      %scan3A_1614 = arith.constant 3 : i32
      %scan3A_1615 = arith.addi %scan3A_1579, %scan3A_1614 : i32
      %dma_wait3A_1616 = arith.constant 0 : i32
      %dma_wait3A_1617 = tpu.memref_slice %arg6[%scan3A_1615, %dma_wait3A_1616] : memref<128x32xf32, #tpu.memory_space<vmem>> -> memref<1x32xf32, #tpu.memory_space<vmem>>
      %dma_wait3A_1618 = arith.constant 0 : i32
      %dma_wait3A_1619 = arith.constant 0 : i32
      %dma_wait3A_1620 = tpu.memref_slice %arg3[%dma_wait3A_1618, %dma_wait3A_1619] : memref<100000x32xf32, #tpu.memory_space<hbm>> -> memref<1x32xf32, #tpu.memory_space<hbm>>
      %dma_wait3A_1621 = arith.constant 0 : i32
      %dma_wait3A_1622 = tpu.memref_slice %arg6[%scan3A_1615, %dma_wait3A_1621] : memref<128x32xf32, #tpu.memory_space<vmem>> -> memref<1x32xf32, #tpu.memory_space<vmem>>
      %dma_wait3A_1623 = arith.constant 0 : i32
      %dma_wait3A_1624 = arith.constant 0 : i32
      %dma_wait3A_1625 = tpu.memref_slice %arg3[%dma_wait3A_1623, %dma_wait3A_1624] : memref<100000x32xf32, #tpu.memory_space<hbm>> -> memref<1x32xf32, #tpu.memory_space<hbm>>
      tpu.wait_dma2 semaphore(%arg7 : memref<!tpu.dma_semaphore, #tpu.memory_space<semaphore_mem>>) src(%dma_wait3A_1625 : memref<1x32xf32, #tpu.memory_space<hbm>>) dst(%dma_wait3A_1622 : memref<1x32xf32, #tpu.memory_space<vmem>>)
      %scan3A_1626 = arith.constant 4 : i32
      %scan3A_1627 = arith.addi %scan3A_1579, %scan3A_1626 : i32
      %dma_wait3A_1628 = arith.constant 0 : i32
      %dma_wait3A_1629 = tpu.memref_slice %arg6[%scan3A_1627, %dma_wait3A_1628] : memref<128x32xf32, #tpu.memory_space<vmem>> -> memref<1x32xf32, #tpu.memory_space<vmem>>
      %dma_wait3A_1630 = arith.constant 0 : i32
      %dma_wait3A_1631 = arith.constant 0 : i32
      %dma_wait3A_1632 = tpu.memref_slice %arg3[%dma_wait3A_1630, %dma_wait3A_1631] : memref<100000x32xf32, #tpu.memory_space<hbm>> -> memref<1x32xf32, #tpu.memory_space<hbm>>
      %dma_wait3A_1633 = arith.constant 0 : i32
      %dma_wait3A_1634 = tpu.memref_slice %arg6[%scan3A_1627, %dma_wait3A_1633] : memref<128x32xf32, #tpu.memory_space<vmem>> -> memref<1x32xf32, #tpu.memory_space<vmem>>
      %dma_wait3A_1635 = arith.constant 0 : i32
      %dma_wait3A_1636 = arith.constant 0 : i32
      %dma_wait3A_1637 = tpu.memref_slice %arg3[%dma_wait3A_1635, %dma_wait3A_1636] : memref<100000x32xf32, #tpu.memory_space<hbm>> -> memref<1x32xf32, #tpu.memory_space<hbm>>
      tpu.wait_dma2 semaphore(%arg7 : memref<!tpu.dma_semaphore, #tpu.memory_space<semaphore_mem>>) src(%dma_wait3A_1637 : memref<1x32xf32, #tpu.memory_space<hbm>>) dst(%dma_wait3A_1634 : memref<1x32xf32, #tpu.memory_space<vmem>>)
      %scan3A_1638 = arith.constant 5 : i32
      %scan3A_1639 = arith.addi %scan3A_1579, %scan3A_1638 : i32
      %dma_wait3A_1640 = arith.constant 0 : i32
      %dma_wait3A_1641 = tpu.memref_slice %arg6[%scan3A_1639, %dma_wait3A_1640] : memref<128x32xf32, #tpu.memory_space<vmem>> -> memref<1x32xf32, #tpu.memory_space<vmem>>
      %dma_wait3A_1642 = arith.constant 0 : i32
      %dma_wait3A_1643 = arith.constant 0 : i32
      %dma_wait3A_1644 = tpu.memref_slice %arg3[%dma_wait3A_1642, %dma_wait3A_1643] : memref<100000x32xf32, #tpu.memory_space<hbm>> -> memref<1x32xf32, #tpu.memory_space<hbm>>
      %dma_wait3A_1645 = arith.constant 0 : i32
      %dma_wait3A_1646 = tpu.memref_slice %arg6[%scan3A_1639, %dma_wait3A_1645] : memref<128x32xf32, #tpu.memory_space<vmem>> -> memref<1x32xf32, #tpu.memory_space<vmem>>
      %dma_wait3A_1647 = arith.constant 0 : i32
      %dma_wait3A_1648 = arith.constant 0 : i32
      %dma_wait3A_1649 = tpu.memref_slice %arg3[%dma_wait3A_1647, %dma_wait3A_1648] : memref<100000x32xf32, #tpu.memory_space<hbm>> -> memref<1x32xf32, #tpu.memory_space<hbm>>
      tpu.wait_dma2 semaphore(%arg7 : memref<!tpu.dma_semaphore, #tpu.memory_space<semaphore_mem>>) src(%dma_wait3A_1649 : memref<1x32xf32, #tpu.memory_space<hbm>>) dst(%dma_wait3A_1646 : memref<1x32xf32, #tpu.memory_space<vmem>>)
      %scan3A_1650 = arith.constant 6 : i32
      %scan3A_1651 = arith.addi %scan3A_1579, %scan3A_1650 : i32
      %dma_wait3A_1652 = arith.constant 0 : i32
      %dma_wait3A_1653 = tpu.memref_slice %arg6[%scan3A_1651, %dma_wait3A_1652] : memref<128x32xf32, #tpu.memory_space<vmem>> -> memref<1x32xf32, #tpu.memory_space<vmem>>
      %dma_wait3A_1654 = arith.constant 0 : i32
      %dma_wait3A_1655 = arith.constant 0 : i32
      %dma_wait3A_1656 = tpu.memref_slice %arg3[%dma_wait3A_1654, %dma_wait3A_1655] : memref<100000x32xf32, #tpu.memory_space<hbm>> -> memref<1x32xf32, #tpu.memory_space<hbm>>
      %dma_wait3A_1657 = arith.constant 0 : i32
      %dma_wait3A_1658 = tpu.memref_slice %arg6[%scan3A_1651, %dma_wait3A_1657] : memref<128x32xf32, #tpu.memory_space<vmem>> -> memref<1x32xf32, #tpu.memory_space<vmem>>
      %dma_wait3A_1659 = arith.constant 0 : i32
      %dma_wait3A_1660 = arith.constant 0 : i32
      %dma_wait3A_1661 = tpu.memref_slice %arg3[%dma_wait3A_1659, %dma_wait3A_1660] : memref<100000x32xf32, #tpu.memory_space<hbm>> -> memref<1x32xf32, #tpu.memory_space<hbm>>
      tpu.wait_dma2 semaphore(%arg7 : memref<!tpu.dma_semaphore, #tpu.memory_space<semaphore_mem>>) src(%dma_wait3A_1661 : memref<1x32xf32, #tpu.memory_space<hbm>>) dst(%dma_wait3A_1658 : memref<1x32xf32, #tpu.memory_space<vmem>>)
      %scan3A_1662 = arith.constant 7 : i32
      %scan3A_1663 = arith.addi %scan3A_1579, %scan3A_1662 : i32
      %dma_wait3A_1664 = arith.constant 0 : i32
      %dma_wait3A_1665 = tpu.memref_slice %arg6[%scan3A_1663, %dma_wait3A_1664] : memref<128x32xf32, #tpu.memory_space<vmem>> -> memref<1x32xf32, #tpu.memory_space<vmem>>
      %dma_wait3A_1666 = arith.constant 0 : i32
      %dma_wait3A_1667 = arith.constant 0 : i32
      %dma_wait3A_1668 = tpu.memref_slice %arg3[%dma_wait3A_1666, %dma_wait3A_1667] : memref<100000x32xf32, #tpu.memory_space<hbm>> -> memref<1x32xf32, #tpu.memory_space<hbm>>
      %dma_wait3A_1669 = arith.constant 0 : i32
      %dma_wait3A_1670 = tpu.memref_slice %arg6[%scan3A_1663, %dma_wait3A_1669] : memref<128x32xf32, #tpu.memory_space<vmem>> -> memref<1x32xf32, #tpu.memory_space<vmem>>
      %dma_wait3A_1671 = arith.constant 0 : i32
      %dma_wait3A_1672 = arith.constant 0 : i32
      %dma_wait3A_1673 = tpu.memref_slice %arg3[%dma_wait3A_1671, %dma_wait3A_1672] : memref<100000x32xf32, #tpu.memory_space<hbm>> -> memref<1x32xf32, #tpu.memory_space<hbm>>
      tpu.wait_dma2 semaphore(%arg7 : memref<!tpu.dma_semaphore, #tpu.memory_space<semaphore_mem>>) src(%dma_wait3A_1673 : memref<1x32xf32, #tpu.memory_space<hbm>>) dst(%dma_wait3A_1670 : memref<1x32xf32, #tpu.memory_space<vmem>>)
    }
    %scan3A_1563 = arith.constant 128 : i32
    %dma_start3A_1564 = arith.constant 0 : i32
    %dma_start3A_1565 = arith.constant 0 : i32
    %dma_start3A_1566 = tpu.memref_slice %arg4[%add3A, %dma_start3A_1564, %dma_start3A_1565] : memref<32x128x32xf32, #tpu.memory_space<hbm>> -> memref<1x128x32xf32, #tpu.memory_space<hbm>>
    %dma_start3A_1567 = tpu.memref_squeeze %dma_start3A_1566 : memref<1x128x32xf32, #tpu.memory_space<hbm>> -> memref<128x32xf32, #tpu.memory_space<hbm>>
    %dma_start3A_1568 = arith.constant 0 : i32
    %dma_start3A_1569 = arith.constant 0 : i32
    %dma_start3A_1570 = tpu.memref_slice %arg4[%add3A, %dma_start3A_1568, %dma_start3A_1569] : memref<32x128x32xf32, #tpu.memory_space<hbm>> -> memref<1x128x32xf32, #tpu.memory_space<hbm>>
    %dma_start3A_1571 = tpu.memref_squeeze %dma_start3A_1570 : memref<1x128x32xf32, #tpu.memory_space<hbm>> -> memref<128x32xf32, #tpu.memory_space<hbm>>
    tpu.enqueue_dma source(%arg6 : memref<128x32xf32, #tpu.memory_space<vmem>>) target(%dma_start3A_1571 : memref<128x32xf32, #tpu.memory_space<hbm>>) target_semaphore(%arg8 : memref<!tpu.dma_semaphore, #tpu.memory_space<semaphore_mem>>)
    %dma_wait3A = arith.constant 0 : i32
    %dma_wait3A_1572 = arith.constant 0 : i32
    %dma_wait3A_1573 = tpu.memref_slice %arg4[%add3A, %dma_wait3A, %dma_wait3A_1572] : memref<32x128x32xf32, #tpu.memory_space<hbm>> -> memref<1x128x32xf32, #tpu.memory_space<hbm>>
    %dma_wait3A_1574 = tpu.memref_squeeze %dma_wait3A_1573 : memref<1x128x32xf32, #tpu.memory_space<hbm>> -> memref<128x32xf32, #tpu.memory_space<hbm>>
    %dma_wait3A_1575 = arith.constant 0 : i32
    %dma_wait3A_1576 = arith.constant 0 : i32
    %dma_wait3A_1577 = tpu.memref_slice %arg4[%add3A, %dma_wait3A_1575, %dma_wait3A_1576] : memref<32x128x32xf32, #tpu.memory_space<hbm>> -> memref<1x128x32xf32, #tpu.memory_space<hbm>>
    %dma_wait3A_1578 = tpu.memref_squeeze %dma_wait3A_1577 : memref<1x128x32xf32, #tpu.memory_space<hbm>> -> memref<128x32xf32, #tpu.memory_space<hbm>>
    tpu.wait_dma2 semaphore(%arg8 : memref<!tpu.dma_semaphore, #tpu.memory_space<semaphore_mem>>) src(%arg6 : memref<128x32xf32, #tpu.memory_space<vmem>>) dst(%dma_wait3A_1578 : memref<128x32xf32, #tpu.memory_space<hbm>>)
    return
  }
}

module attributes {stable_mosaic.version = 14 : i64} {
  func.func @_tc_assemble_body(%arg0: i32, %arg1: memref<512x256xf32, #tpu.memory_space<vmem>>, %arg2: memref<256x64xf32, #tpu.memory_space<vmem>>, %arg3: memref<1x64xf32, #tpu.memory_space<vmem>>, %arg4: memref<512x32xf32, #tpu.memory_space<vmem>>, %arg5: memref<262144xf32, #tpu.memory_space<vmem>>, %arg6: memref<512x512xf32, #tpu.memory_space<vmem>>) attributes {dimension_semantics = [#tpu.dimension_semantics<arbitrary>], iteration_bounds = array<i64: 8>, scalar_prefetch = 0 : i64, scratch_operands = 0 : i64, tpu.core_type = #tpu.core_type<tc>, window_params = [{transform_indices = @transform_0, window_bounds = array<i64: 512, 256>}, {pipeline_mode = #tpu.pipeline_mode<synchronous>, transform_indices = @transform_1, window_bounds = array<i64: 256, 64>}, {pipeline_mode = #tpu.pipeline_mode<synchronous>, transform_indices = @transform_2, window_bounds = array<i64: 1, 64>}, {transform_indices = @transform_3, window_bounds = array<i64: 512, 32>}, {transform_indices = @transform_4, window_bounds = array<i64: 262144>}, {transform_indices = @transform_5, window_bounds = array<i64: 512, 512>}]} {
    %get3A = arith.constant 0 : index
    %get3A_0 = arith.constant 0 : index
    %get3A_1 = vector.load %arg1[%get3A, %get3A_0] : memref<512x256xf32, #tpu.memory_space<vmem>>, vector<512x256xf32>
    %get3A_2 = arith.constant 0 : index
    %get3A_3 = arith.constant 0 : index
    %get3A_4 = vector.load %arg2[%get3A_2, %get3A_3] : memref<256x64xf32, #tpu.memory_space<vmem>>, vector<256x64xf32>
    %dot_general3A = arith.constant dense<0.000000e+00> : vector<512x64xf32>
    %dot_general3A_5 = tpu.matmul %get3A_1, %get3A_4, %dot_general3A {dimension_numbers = #tpu.dot_dimension_numbers<[1], [0], [0], [1], [0, 0, 1, 1], [], []>, transpose_lhs_hint = false} : vector<512x256xf32>, vector<256x64xf32>, vector<512x64xf32> -> vector<512x64xf32>
    %get3A_6 = arith.constant 0 : index
    %get3A_7 = arith.constant 0 : index
    %get3A_8 = vector.load %arg3[%get3A_6, %get3A_7] : memref<1x64xf32, #tpu.memory_space<vmem>>, vector<1x64xf32>
    %add3A = vector.broadcast %get3A_8 : vector<1x64xf32> to vector<512x64xf32>
    %add3A_9 = arith.addf %dot_general3A_5, %add3A : vector<512x64xf32>
    %get3A_10 = arith.constant 0 : index
    %get3A_11 = vector.load %arg5[%get3A_10] : memref<262144xf32, #tpu.memory_space<vmem>>, vector<262144xf32>
    %reshape3A = vector.shape_cast %get3A_11 : vector<262144xf32> to vector<512x512xf32>
    %slice3A = vector.extract_strided_slice %reshape3A {offsets = [0, 0], sizes = [512, 416], strides = [1, 1]} : vector<512x512xf32> to vector<512x416xf32>
    %get3A_12 = arith.constant 0 : index
    %get3A_13 = arith.constant 0 : index
    %get3A_14 = vector.load %arg4[%get3A_12, %get3A_13] : memref<512x32xf32, #tpu.memory_space<vmem>>, vector<512x32xf32>
    %concatenate3A = tpu.concatenate %add3A_9, %get3A_14, %slice3A in 1 : vector<512x64xf32>, vector<512x32xf32>, vector<512x416xf32> -> vector<512x512xf32>
    %swap3A = arith.constant 0 : index
    %swap3A_15 = arith.constant 0 : index
    %swap3A_16 = vector.load %arg6[%swap3A, %swap3A_15] : memref<512x512xf32, #tpu.memory_space<vmem>>, vector<512x512xf32>
    tpu.vector_store %arg6[%swap3A, %swap3A_15], %concatenate3A {strides = array<i32>} : memref<512x512xf32, #tpu.memory_space<vmem>>, vector<512x512xf32>,
    return
  }
  func.func @transform_0(%arg0: i32) -> (i32, i32) {
    %c0_i32 = arith.constant 0 : i32
    %c0_i32_0 = arith.constant 0 : i32
    return %arg0, %c0_i32 : i32, i32
  }
  func.func @transform_1(%arg0: i32) -> (i32, i32) {
    %c0_i32 = arith.constant 0 : i32
    %c0_i32_0 = arith.constant 0 : i32
    %c0_i32_1 = arith.constant 0 : i32
    return %c0_i32, %c0_i32_0 : i32, i32
  }
  func.func @transform_2(%arg0: i32) -> (i32, i32) {
    %c0_i32 = arith.constant 0 : i32
    %c0_i32_0 = arith.constant 0 : i32
    %c0_i32_1 = arith.constant 0 : i32
    return %c0_i32, %c0_i32_0 : i32, i32
  }
  func.func @transform_3(%arg0: i32) -> (i32, i32) {
    %c0_i32 = arith.constant 0 : i32
    %c0_i32_0 = arith.constant 0 : i32
    return %arg0, %c0_i32 : i32, i32
  }
  func.func @transform_4(%arg0: i32) -> i32 {
    %c0_i32 = arith.constant 0 : i32
    return %arg0 : i32
  }
  func.func @transform_5(%arg0: i32) -> (i32, i32) {
    %c0_i32 = arith.constant 0 : i32
    %c0_i32_0 = arith.constant 0 : i32
    return %arg0, %c0_i32 : i32, i32
  }
}

</mosaic_0001>

<sc_bundles>
// kernel: kernel.5.cloned.1.call-start
scs
__scs_entry_jumppad:
0x0: {  	(pc) =	sbr.rel $0x88, $3  }
0x1: {  	(tag) =	ssettag $0x0;
	lr =	simm.s32 $0x1  }
0x2: {  	[smem:$0x3F9A] =	sst lr;
	_ =	strace $0xD0000000  }
0x3: {  	_ = 	snop  }
0x4: {  	_ = 	snop  }
0x5: {  	_ = 	snop  }
0x6: {  	_ = 	snop  }
0x7: {  	_ = 	snop  }
__scs_overlays_trampoline_lowered:
0x8: {  	[smem:$0x3FA9] =	sst s0  }
0x9: {  	[smem:$0x3FAA] =	sst s1  }
0xa: {  	[smem:$0x3FAB] =	sst s2  }
0xb: {  	[smem:$0x3FAC] =	sst s3  }
0xc: {  	[smem:$0x3FAD] =	sst s4  }
0xd: {  	[smem:$0x3FAE] =	sst s5  }
0xe: {  	[smem:$0x3FAF] =	sst s6  }
0xf: {  	[smem:$0x3FB0] =	sst s7  }
0x10: {  	[smem:$0x3FB1] =	sst s8  }
0x11: {  	[smem:$0x3FB2] =	sst s9;
	s0 =	simm.s32 @!p0 $0x0  }
0x12: {  	s1 =	sld [smem:$0x3F98];
	s0 =	simm.s32 @p0 $0x1  }
0x13: {  	[smem:$0x3FB3] =	sst s0;
	s0 =	simm.s32 @!p1 $0x0  }
0x14: {  	s2 =	sld [smem:$0x3F97];
	s0 =	simm.s32 @p1 $0x1  }
0x15: {  	[smem:$0x3FB4] =	sst s0;
	s0 =	simm.s32 @!p2 $0x0  }
0x16: {  	s3 =	sld [smem:$0x3FDB];
	s0 =	simm.s32 @p2 $0x1  }
0x17: {  	s4 =	simm.s32 $0x1BF5;
	[smem:$0x3FB6] =	sst s0  }
0x18: {  	s0 =	sld [smem:$0x3F99];
	_ =	swait.ge [sflag:s4], $0x0  }
0x19: {  	s7 =	sld [smem:$0x3F9A]  }
0x1a: {  	s8 =	sadd.s32 $0xFFFFE003, lr  }
0x1b: {  	s9 =	sadd.s32 $0xFFFFFEF7, lr;
	s5 =	simm.s32 $0xFFFFFFFF;
	p2 =	slt.u32 s8, $0xFFFFF086  }
0x1c: {  	p1 =	slt.u32 s9, $0xF7A;
	s5 =	simm.s32 @!p2 $0x0  }
0x1d: {  	s5 =	simm.s32 @p1 $0x1;
	p0 =	seq.s32 s7, s2  }
0x1e: {  	s7 =	smul.u32 @!p0 $0xF7A, s2;
	p2 =	seq.s32 @!p0 s5, $0x0  }
0x1f: {  	s9 =	smul.u32 $0xF7A, s1;
	s8 =	simm.s32 @!p0 $0x1BF5;
	p2 =	por !p2, p0  }
0x20: {  	[sflag:s8] =	ssyncset.s32 @!p0 $0xFFFFF086;
	s6 =	sadd.s32 @!p0 s3, s7;
	s7 =	simm.s32 @!p0 $0x108  }
0x21: {  	s3 =	sadd.s32 s3, s9;
	s6 =	sadd.s32 @!p0 $0x88, s6;
	s7 =	simm.s32 @p2 $0x1082  }
0x22: {  	[simem:s7], [sflag:s8] =	dma.local @!p0 [hbm:s6], $0xF7A  }
0x23: {  	s9 =	sor.u32 $0xD0000000, s2;
	s6 =	simm.s32 $0x108;
	_ =	swait.ge @!p0 [sflag:s8], $0x0  }
0x24: {  	s3 =	sadd.s32 $0x88, s3;
	s6 =	simm.s32 @!p1 $0x1082;
	[sflag:s4] =	ssyncset.s32 $0xFFFFF086  }
0x25: {  	[simem:s6], [sflag:s4] =	dma.local [hbm:s3], $0xF7A  }
0x26: {  	[smem:$0x3F9A] =	sst s1;
	(tag) =	ssettag s2;
	_ =	strace s9  }
0x27: {  	s1 =	sld [smem:$0x3FAA]  }
0x28: {  	s2 =	sld [smem:$0x3FAB]  }
0x29: {  	s4 =	sld [smem:$0x3FAD]  }
0x2a: {  	p0 =	seq.s32 s5, $0x0;
	s5 =	sld [smem:$0x3FAE]  }
0x2b: {  	s6 =	sld [smem:$0x3FAF]  }
0x2c: {  	s7 =	sld [smem:$0x3FB0]  }
0x2d: {  	s3 =	simm.s32 $0x108;
	s8 =	sld [smem:$0x3FB1]  }
0x2e: {  	s3 =	simm.s32 @!p0 $0x1082;
	s9 =	sld [smem:$0x3FB2]  }
0x2f: {  	lr =	sadd.s32 s0, s3;
	s0 =	sld [smem:$0x3FA9]  }
0x30: {  	s3 =	sld [smem:$0x3FAC]  }
0x31: {  	[smem:$0x3FB5] =	sst s10  }
0x32: {  	s10 =	sld [smem:$0x3FB3];
	_ =	sdelay $0x3  }
0x33: {  	p0 =	seq.s32 s10, $0x1;
	s10 =	sld [smem:$0x3FB5];
	_ =	sdelay $0x3  }
0x34: {  	[smem:$0x3FB5] =	sst s10  }
0x35: {  	s10 =	sld [smem:$0x3FB4];
	_ =	sdelay $0x3  }
0x36: {  	p1 =	seq.s32 s10, $0x1;
	s10 =	sld [smem:$0x3FB5];
	_ =	sdelay $0x3  }
0x37: {  	[smem:$0x3FB5] =	sst s10  }
0x38: {  	s10 =	sld [smem:$0x3FB6]  }
0x39: {  	_ = 	snop;
	(pc) =	sbr.ind lr, $3  }
0x3a: {  	_ = 	snop  }
0x3b: {  	_ = 	snop  }
0x3c: {  	p2 =	seq.s32 s10, $0x1;
	s10 =	sld [smem:$0x3FB5]  }
0x3d: {  	_ =	shalt  }
0x3e: {  	_ =	shalt  }
0x3f: {  	_ =	shalt  }
0x40: {  	_ =	shalt  }
0x41: {  	_ =	shalt  }
0x42: {  	_ =	shalt  }
0x43: {  	_ =	shalt  }
0x44: {  	_ =	shalt  }
0x45: {  	_ =	shalt  }
0x46: {  	_ =	shalt  }
0x47: {  	_ =	shalt  }
0x48: {  	_ =	shalt  }
0x49: {  	_ =	shalt  }
0x4a: {  	_ =	shalt  }
0x4b: {  	_ =	shalt  }
0x4c: {  	_ =	shalt  }
0x4d: {  	_ =	shalt  }
0x4e: {  	_ =	shalt  }
0x4f: {  	_ =	shalt  }
0x50: {  	_ =	shalt  }
0x51: {  	_ =	shalt  }
0x52: {  	_ =	shalt  }
0x53: {  	_ =	shalt  }
0x54: {  	_ =	shalt  }
0x55: {  	_ =	shalt  }
0x56: {  	_ =	shalt  }
0x57: {  	_ =	shalt  }
0x58: {  	_ =	shalt  }
0x59: {  	_ =	shalt  }
0x5a: {  	_ =	shalt  }
0x5b: {  	_ =	shalt  }
0x5c: {  	_ =	shalt  }
0x5d: {  	_ =	shalt  }
0x5e: {  	_ =	shalt  }
0x5f: {  	_ =	shalt  }
0x60: {  	_ =	shalt  }
0x61: {  	_ =	shalt  }
0x62: {  	_ =	shalt  }
0x63: {  	_ =	shalt  }
0x64: {  	_ =	shalt  }
0x65: {  	_ =	shalt  }
0x66: {  	_ =	shalt  }
0x67: {  	_ =	shalt  }
0x68: {  	_ =	shalt  }
0x69: {  	_ =	shalt  }
0x6a: {  	_ =	shalt  }
0x6b: {  	_ =	shalt  }
0x6c: {  	_ =	shalt  }
0x6d: {  	_ =	shalt  }
0x6e: {  	_ =	shalt  }
0x6f: {  	_ =	shalt  }
0x70: {  	_ =	shalt  }
0x71: {  	_ =	shalt  }
0x72: {  	_ =	shalt  }
0x73: {  	_ =	shalt  }
0x74: {  	_ =	shalt  }
0x75: {  	_ =	shalt  }
0x76: {  	_ =	shalt  }
0x77: {  	_ =	shalt  }
0x78: {  	_ =	shalt  }
0x79: {  	_ =	shalt  }
0x7a: {  	_ =	shalt  }
0x7b: {  	_ =	shalt  }
0x7c: {  	_ =	shalt  }
0x7d: {  	_ =	shalt  }
0x7e: {  	_ =	shalt  }
0x7f: {  	_ =	shalt  }
0x80: {  	_ =	shalt  }
0x81: {  	_ =	shalt  }
0x82: {  	_ =	shalt  }
0x83: {  	_ =	shalt  }
0x84: {  	_ =	shalt  }
0x85: {  	_ =	shalt  }
0x86: {  	_ =	shalt  }
0x87: {  	_ =	shalt  }
.Lfunc_end0:
.L_simem_size_0:
called_computation_lowered:
.L_overlay_start_0:
0x88: {  	s2 =	sld [smem:$0x3FD9]  }
0x89: {  	s3 =	sld [smem:$0x3FFE];
	_ =	sdelay $0x1  }
0x8a: {  	s1 =	srdreg.scid  }
0x8b: {  	s0 =	sand.u32 $0x1, s1  }
0x8c: {  	s17 =	sshll.u32 s0, $0xA;
	s2 =	sadd.s32 s3, s2  }
0x8d: {  	s2 =	sadd.s32 s2, s17  }
0x8e: {  	[smem:$0x3FC1] =	sst s2  }
0x8f: {  	_ = 	snop  }
0x90: {  	s2 =	sld [smem:$0x3FC8];
	(tm) =	ssettm $0x1  }
0x91: {  	s18 =	sld [smem:$0x3FFB];
	_ =	sdelay $0x3  }
0x92: {  	_ =	strace s18  }
0x93: {  	s3 =	sld [smem:$0x3FFC];
	_ =	sdelay $0x3  }
0x94: {  	_ =	strace s3  }
0x95: {  	s3 =	sld [smem:$0x3FFD];
	_ =	sdelay $0x3  }
0x96: {  	_ =	strace s3  }
0x97: {  	_ =	strace $0x8FFFFFFF  }
0x98: {  	s19 =	sld [smem:$0x3FDB];
	_ =	sdelay $0x1  }
0x99: {  	s4 =	simm.s32 $_scs_section_size  }
0x9a: {  	s5 =	simm.s32 $_size__tile_overlayer_lowered;
	s6 =	simm.s32 $_tile_overlayer_lowered  }
0x9b: {  	s22 =	simm.s32 $0x1BFF;
	s21 =	sshll.u32 s6, $0x1;
	s3 =	sadd.s32 s4, s19  }
0x9c: {  	s7 =	simm.s32 $0x0;
	s20 =	sshll.u32 s5, $0x1;
	s5 =	sadd.s32 s21, s3  }
0x9d: {  	[timem:s7], [sflag:s22] =	dma.local [hbm:s5], s20  }
0x9e: {  	_ =	swait.ge [sflag:s22], s20  }
0x9f: {  	s4 =	ssub.s32 $0x0, s20;
	[sflag:s22] =	ssyncset.done $0x0  }
0xa0: {  	[sflag:s22] =	ssyncadd.s32 s4;
	_ =	sdelay $0x1  }
0xa1: {  	s23 =	simm.s32 $0x1B8B  }
0xa2: {  	_ =	swait.ge [sflag:s23], $0x1  }
0xa3: {  	[sflag:s23] =	ssyncset.done $0x0  }
0xa4: {  	s25 =	simm.s32 $0x1B8E;
	s24 =	sld [smem:$0x3FFE];
	[sflag:s23] =	ssyncadd.s32 $0xFFFFFFFF  }
0xa5: {  	s26 =	simm.s32 $execute0_lowered;
	[smem:$0x3FD2] =	sst s25  }
0xa6: {  	s5 =	sshll.u32 s26, $0x1;
	_ =	strace $0x80000046;
	[dreg:$0x1] =	wrdreg $0xFFFFFFFF  }
0xa7: {  	s28 =	simm.s32 $_size_execute0_lowered;
	s3 =	sadd.s32 s3, s5;
	[dreg:$0x0] =	wrdreg $0x0  }
0xa8: {  	s5 =	sshll.u32 s28, $0x1;
	[dreg:$0x2] =	wrdreg s3  }
0xa9: {  	[dreg:$0x3] =	wrdreg s5  }
0xaa: {  	[dreg:$0x4] =	wrdreg $0xC0  }
0xab: {  	_ =	task [dreg:s7], $0x5FFFF  }
0xac: {  	[dreg:$0x1] =	wrdreg $0xFFFFFFFF  }
0xad: {  	[dreg:$0x0] =	wrdreg $0x60  }
0xae: {  	[dreg:$0x2] =	wrdreg s2  }
0xaf: {  	[dreg:$0x3] =	wrdreg s24  }
0xb0: {  	[dreg:$0x4] =	wrdreg $0x9  }
0xb1: {  	_ =	task.clear_ibuf [dreg:s7], $0x5FFFF;
	_ =	strace $0x90000046  }
0xb2: {  	s29 =	simm.s32 $0x9;
	_ =	strace $0x80000048  }
0xb3: {  	_ =	swait.ge [sflag:s29], $0x1  }
0xb4: {  	[sflag:s29] =	ssyncadd.s32 $0xFFFFFFFF  }
0xb5: {  	_ =	strace $0x90000048  }
0xb6: {  	_ =	sfence  }
0xb7: {  	s30 =	sld [smem:$0x0];
	_ =	sdelay $0x2  }
0xb8: {  	s31 =	sshll.u32 s1, $0xD;
	s1 =	sshrl.u32 s1, $0x2  }
0xb9: {  	s3 =	sand.u32 $0x4000, s31;
	s1 =	sadd.s32 s1, s30  }
0xba: {  	s0 =	sor.u32 s3, s0;
	s1 =	sshll.u32 s1, $0x11  }
0xbb: {  	s0 =	sor.u32 s1, s0  }
0xbc: {  	s0 =	sadd.s32 $0x8F2B, s0  }
0xbd: {  	[sflag:s0] =	ssyncadd.remote.s32 $0x1  }
0xbe: {  	_ =	sfence.sel $0xFFFF  }
0xbf: {  	[dreg:$0x0] =	wrdreg $0xFFFFFFFF;
	(pc) =	sbr.abs _section_cstart, $3  }
0xc0: {  	[dreg:$0x1] =	wrdreg $0xFFFFFFFF  }
0xc1: {  	_ =	task.clear_ibuf [dreg:s7], $0x2FFFF;
	_ =	strace $0x9FFFFFFF  }
0xc2: {  	(tm) =	ssettm $0x7FFFFFFF  }
0xc3: {  	_ =	shalt  }
tec
execute0_lowered:
.L_overlay_start_1:
0x0: {  	(tag) =	ssettag $0x1  }
0x1: {  	s0 =	rddreg [dreg:$0x0]  }
0x2: {  	s1 =	rddreg [dreg:$0x1]  }
0x3: {  	s2 =	simm.s32 $0x0;
	s3 =	srdreg.scid;
	s4 =	stileid.u32  }
0x4: {  	s8 =	simm.s32 $0x80;
	s21 =	simm.s32 $0x3700;
	s22 =	simm.s32 $0x3780  }
0x5: {  	s23 =	simm.s32 $0x3800;
	s24 =	simm.s32 $0x3880;
	s25 =	simm.s32 $0x3900  }
0x6: {  	s28 =	simm.s32 $0x3A00;
	s29 =	simm.s32 $0x3A80;
	s30 =	simm.s32 $0x3B00  }
0x7: {  	s31 =	simm.s32 $0x3B80;
	s9 =	simm.s32 $0x3D00;
	s10 =	simm.s32 $0x3D80  }
0x8: {  	s11 =	simm.s32 $0x3E00;
	s12 =	simm.s32 $0x3E80;
	s13 =	simm.s32 $0x3F00  }
0x9: {  	s14 =	simm.s32 $0x3F80;
	s15 =	simm.s32 $0x4000;
	s16 =	simm.s32 $0x1  }
0xa: {  	s17 =	simm.s32 $0x2;
	s18 =	simm.s32 $0x0;
	[smem:$0x7FF] =	sst s2  }
0xb: {  	s3 =	sand.u32 $0x1, s3;
	s4 =	sshll.u32 s4, $0x1;
	_ =	strace $0x80000047  }
0xc: {  	s4 =	sor.u32 s3, s4;
	s5 =	ssub.s32 $0x2, s3;
	s3 =	sadd.s32 $0x1800, s1  }
0xd: {  	s6 =	sshll.u32 s4, $0xB;
	s7 =	sshrl.u32 s5, $0x1;
	s4 =	sshll.u32 s4, $0x4  }
0xe: {  	s1 =	sadd.s32 s6, s1;
	s26 =	ssub.s32 s5, s7;
	s4 =	sadd.s32 s0, s4  }
0xf: {  	s7 =	simm.s32 $0x3;
	s0 =	simm.s32 $0x3C00;
	s5 =	sadd.s32 $0x188200, s1  }
0x10: {  	s6 =	smax.u32 s26, $0x1;
	s26 =	simm.s32 $0x3980;
	s1 =	simm.s32 $0x3C80  }
.LBB2_1:
0x11: {  	[tilespmem:s2], [sflag:$0x3] =	stream.linear.gather [hbm4b:s4+s2], $0x80, $0x38;
	[tilespmem:$0x4080] =	vst v63  }
0x12: {  	_ =	swait.ge [sflag:s7], $0x80  }
0x13: {  	[sflag:s7] =	ssyncset.done $0x0  }
0x14: {  	[sflag:s7] =	ssyncadd.s32 $0xFFFFFF80  }
0x15: {  	v0 =	vld [tilespmem:$0x0];
	_ =	sdelay $0x4  }
0x16: {  	v0 =	vshll.u32 v0, $0x4  }
0x17: {  	(v2sf) =	vpush v0, $0x0;
	_ =	sdelay $0x1  }
0x18: {  	(v2sf) =	vpush v0, $0x1;
	_ =	sdelay $0x4  }
0x19: {  	(v2sf) =	vpush v0, $0x2;
	_ =	sdelay $0x3  }
0x1a: {  	(v2sf) =	vpush v0, $0x3;
	_ =	sdelay $0x3  }
0x1b: {  	s19 =	spop (v2sf);
	(v2sf) =	vpush v0, $0x4  }
0x1c: {  	s19 =	sand.u32 $0x1FFFFFF0, s19  }
0x1d: {  	s20 =	spop (v2sf);
	s19 =	sadd.s32 s3, s19  }
0x1e: {  	[tilespmem:s8], [sflag:$0x1] =	stream.linear.gather [hbm4b:s19+s2], $0x80, $0x38;
	[tilespmem:$0x4080] =	vst v63  }
0x1f: {  	(v2sf) =	vpush v0, $0x5;
	s19 =	sand.u32 $0x1FFFFFF0, s20  }
0x20: {  	s20 =	simm.s32 $0x100;
	s19 =	sadd.s32 s3, s19  }
0x21: {  	[tilespmem:s20], [sflag:$0x1] =	stream.linear.gather [hbm4b:s19+s2], $0x80, $0x38;
	[tilespmem:$0x4080] =	vst v63  }
0x22: {  	s20 =	spop (v2sf)  }
0x23: {  	(v2sf) =	vpush v0, $0x6;
	s19 =	sand.u32 $0x1FFFFFF0, s20  }
0x24: {  	s20 =	simm.s32 $0x180;
	s19 =	sadd.s32 s3, s19  }
0x25: {  	[tilespmem:s20], [sflag:$0x1] =	stream.linear.gather [hbm4b:s19+s2], $0x80, $0x38;
	[tilespmem:$0x4080] =	vst v63  }
0x26: {  	s20 =	spop (v2sf)  }
0x27: {  	(v2sf) =	vpush v0, $0x7;
	s19 =	sand.u32 $0x1FFFFFF0, s20  }
0x28: {  	s20 =	simm.s32 $0x200;
	s19 =	sadd.s32 s3, s19  }
0x29: {  	[tilespmem:s20], [sflag:$0x1] =	stream.linear.gather [hbm4b:s19+s2], $0x80, $0x38;
	[tilespmem:$0x4080] =	vst v63  }
0x2a: {  	s20 =	spop (v2sf)  }
0x2b: {  	(v2sf) =	vpush v0, $0x8;
	s19 =	sand.u32 $0x1FFFFFF0, s20  }
0x2c: {  	s20 =	simm.s32 $0x280;
	s19 =	sadd.s32 s3, s19  }
0x2d: {  	[tilespmem:s20], [sflag:$0x1] =	stream.linear.gather [hbm4b:s19+s2], $0x80, $0x38;
	[tilespmem:$0x4080] =	vst v63  }
0x2e: {  	s20 =	spop (v2sf)  }
0x2f: {  	(v2sf) =	vpush v0, $0x9;
	s19 =	sand.u32 $0x1FFFFFF0, s20  }
0x30: {  	s20 =	simm.s32 $0x300;
	s19 =	sadd.s32 s3, s19  }
0x31: {  	[tilespmem:s20], [sflag:$0x1] =	stream.linear.gather [hbm4b:s19+s2], $0x80, $0x38;
	[tilespmem:$0x4080] =	vst v63  }
0x32: {  	s20 =	spop (v2sf)  }
0x33: {  	(v2sf) =	vpush v0, $0xA;
	s19 =	sand.u32 $0x1FFFFFF0, s20  }
0x34: {  	s20 =	simm.s32 $0x380;
	s19 =	sadd.s32 s3, s19  }
0x35: {  	[tilespmem:s20], [sflag:$0x1] =	stream.linear.gather [hbm4b:s19+s2], $0x80, $0x38;
	[tilespmem:$0x4080] =	vst v63  }
0x36: {  	s20 =	spop (v2sf)  }
0x37: {  	(v2sf) =	vpush v0, $0xB;
	s19 =	sand.u32 $0x1FFFFFF0, s20  }
0x38: {  	s20 =	simm.s32 $0x400;
	s19 =	sadd.s32 s3, s19  }
0x39: {  	[tilespmem:s20], [sflag:$0x1] =	stream.linear.gather [hbm4b:s19+s2], $0x80, $0x38;
	[tilespmem:$0x4080] =	vst v63  }
0x3a: {  	s20 =	spop (v2sf)  }
0x3b: {  	(v2sf) =	vpush v0, $0xC;
	s19 =	sand.u32 $0x1FFFFFF0, s20  }
0x3c: {  	s20 =	simm.s32 $0x480;
	s19 =	sadd.s32 s3, s19  }
0x3d: {  	[tilespmem:s20], [sflag:$0x1] =	stream.linear.gather [hbm4b:s19+s2], $0x80, $0x38;
	[tilespmem:$0x4080] =	vst v63  }
0x3e: {  	s20 =	spop (v2sf)  }
0x3f: {  	(v2sf) =	vpush v0, $0xD;
	s19 =	sand.u32 $0x1FFFFFF0, s20  }
0x40: {  	s20 =	simm.s32 $0x500;
	s19 =	sadd.s32 s3, s19  }
0x41: {  	[tilespmem:s20], [sflag:$0x1] =	stream.linear.gather [hbm4b:s19+s2], $0x80, $0x38;
	[tilespmem:$0x4080] =	vst v63  }
0x42: {  	s20 =	spop (v2sf)  }
0x43: {  	(v2sf) =	vpush v0, $0xE;
	s19 =	sand.u32 $0x1FFFFFF0, s20  }
0x44: {  	s20 =	simm.s32 $0x580;
	s19 =	sadd.s32 s3, s19  }
0x45: {  	[tilespmem:s20], [sflag:$0x1] =	stream.linear.gather [hbm4b:s19+s2], $0x80, $0x38;
	[tilespmem:$0x4080] =	vst v63  }
0x46: {  	s20 =	spop (v2sf)  }
0x47: {  	(v2sf) =	vpush v0, $0xF;
	s19 =	sand.u32 $0x1FFFFFF0, s20  }
0x48: {  	s20 =	simm.s32 $0x600;
	s19 =	sadd.s32 s3, s19  }
0x49: {  	[tilespmem:s20], [sflag:$0x1] =	stream.linear.gather [hbm4b:s19+s2], $0x80, $0x38;
	[tilespmem:$0x4080] =	vst v63  }
0x4a: {  	s20 =	spop (v2sf)  }
0x4b: {  	s19 =	sand.u32 $0x1FFFFFF0, s20  }
0x4c: {  	s20 =	simm.s32 $0x680;
	s19 =	sadd.s32 s3, s19  }
0x4d: {  	[tilespmem:s20], [sflag:$0x1] =	stream.linear.gather [hbm4b:s19+s2], $0x80, $0x38;
	[tilespmem:$0x4080] =	vst v63  }
0x4e: {  	s20 =	spop (v2sf)  }
0x4f: {  	s19 =	sand.u32 $0x1FFFFFF0, s20  }
0x50: {  	s20 =	simm.s32 $0x700;
	s19 =	sadd.s32 s3, s19  }
0x51: {  	[tilespmem:s20], [sflag:$0x1] =	stream.linear.gather [hbm4b:s19+s2], $0x80, $0x38;
	[tilespmem:$0x4080] =	vst v63  }
0x52: {  	s20 =	spop (v2sf)  }
0x53: {  	s19 =	sand.u32 $0x1FFFFFF0, s20  }
0x54: {  	s20 =	simm.s32 $0x780;
	s19 =	sadd.s32 s3, s19  }
0x55: {  	[tilespmem:s20], [sflag:$0x1] =	stream.linear.gather [hbm4b:s19+s2], $0x80, $0x38;
	[tilespmem:$0x4080] =	vst v63  }
0x56: {  	s20 =	spop (v2sf)  }
0x57: {  	s19 =	sand.u32 $0x1FFFFFF0, s20  }
0x58: {  	s20 =	simm.s32 $0x800;
	s19 =	sadd.s32 s3, s19  }
0x59: {  	[tilespmem:s20], [sflag:$0x1] =	stream.linear.gather [hbm4b:s19+s2], $0x80, $0x38;
	[tilespmem:$0x4080] =	vst v63  }
0x5a: {  	v57 =	vld [tilespmem:$0x10];
	_ =	sdelay $0x4  }
0x5b: {  	v0 =	vshll.u32 v57, $0x4  }
0x5c: {  	(v2sf) =	vpush v0, $0x0;
	_ =	sdelay $0x3  }
0x5d: {  	(v2sf) =	vpush v0, $0x1;
	_ =	sdelay $0x3  }
0x5e: {  	(v2sf) =	vpush v0, $0x2;
	_ =	sdelay $0x3  }
0x5f: {  	(v2sf) =	vpush v0, $0x3;
	_ =	sdelay $0x2  }
0x60: {  	s20 =	spop (v2sf)  }
0x61: {  	(v2sf) =	vpush v0, $0x4;
	s19 =	sand.u32 $0x1FFFFFF0, s20  }
0x62: {  	s20 =	simm.s32 $0x880;
	s19 =	sadd.s32 s3, s19  }
0x63: {  	[tilespmem:s20], [sflag:$0x1] =	stream.linear.gather [hbm4b:s19+s2], $0x80, $0x38;
	[tilespmem:$0x4080] =	vst v63  }
0x64: {  	s20 =	spop (v2sf)  }
0x65: {  	(v2sf) =	vpush v0, $0x5;
	s19 =	sand.u32 $0x1FFFFFF0, s20  }
0x66: {  	s20 =	simm.s32 $0x900;
	s19 =	sadd.s32 s3, s19  }
0x67: {  	[tilespmem:s20], [sflag:$0x1] =	stream.linear.gather [hbm4b:s19+s2], $0x80, $0x38;
	[tilespmem:$0x4080] =	vst v63  }
0x68: {  	s20 =	spop (v2sf)  }
0x69: {  	(v2sf) =	vpush v0, $0x6;
	s19 =	sand.u32 $0x1FFFFFF0, s20  }
0x6a: {  	s20 =	simm.s32 $0x980;
	s19 =	sadd.s32 s3, s19  }
0x6b: {  	[tilespmem:s20], [sflag:$0x1] =	stream.linear.gather [hbm4b:s19+s2], $0x80, $0x38;
	[tilespmem:$0x4080] =	vst v63  }
0x6c: {  	s20 =	spop (v2sf)  }
0x6d: {  	(v2sf) =	vpush v0, $0x7;
	s19 =	sand.u32 $0x1FFFFFF0, s20  }
0x6e: {  	s20 =	simm.s32 $0xA00;
	s19 =	sadd.s32 s3, s19  }
0x6f: {  	[tilespmem:s20], [sflag:$0x1] =	stream.linear.gather [hbm4b:s19+s2], $0x80, $0x38;
	[tilespmem:$0x4080] =	vst v63  }
0x70: {  	s20 =	spop (v2sf)  }
0x71: {  	(v2sf) =	vpush v0, $0x8;
	s19 =	sand.u32 $0x1FFFFFF0, s20  }
0x72: {  	s20 =	simm.s32 $0xA80;
	s19 =	sadd.s32 s3, s19  }
0x73: {  	[tilespmem:s20], [sflag:$0x1] =	stream.linear.gather [hbm4b:s19+s2], $0x80, $0x38;
	[tilespmem:$0x4080] =	vst v63  }
0x74: {  	s20 =	spop (v2sf)  }
0x75: {  	(v2sf) =	vpush v0, $0x9;
	s19 =	sand.u32 $0x1FFFFFF0, s20  }
0x76: {  	s20 =	simm.s32 $0xB00;
	s19 =	sadd.s32 s3, s19  }
0x77: {  	[tilespmem:s20], [sflag:$0x1] =	stream.linear.gather [hbm4b:s19+s2], $0x80, $0x38;
	[tilespmem:$0x4080] =	vst v63  }
0x78: {  	s20 =	spop (v2sf)  }
0x79: {  	(v2sf) =	vpush v0, $0xA;
	s19 =	sand.u32 $0x1FFFFFF0, s20  }
0x7a: {  	s20 =	simm.s32 $0xB80;
	s19 =	sadd.s32 s3, s19  }
0x7b: {  	[tilespmem:s20], [sflag:$0x1] =	stream.linear.gather [hbm4b:s19+s2], $0x80, $0x38;
	[tilespmem:$0x4080] =	vst v63  }
0x7c: {  	s20 =	spop (v2sf)  }
0x7d: {  	(v2sf) =	vpush v0, $0xB;
	s19 =	sand.u32 $0x1FFFFFF0, s20  }
0x7e: {  	s20 =	simm.s32 $0xC00;
	s19 =	sadd.s32 s3, s19  }
0x7f: {  	[tilespmem:s20], [sflag:$0x1] =	stream.linear.gather [hbm4b:s19+s2], $0x80, $0x38;
	[tilespmem:$0x4080] =	vst v63  }
0x80: {  	s20 =	spop (v2sf)  }
0x81: {  	(v2sf) =	vpush v0, $0xC;
	s19 =	sand.u32 $0x1FFFFFF0, s20  }
0x82: {  	s20 =	simm.s32 $0xC80;
	s19 =	sadd.s32 s3, s19  }
0x83: {  	[tilespmem:s20], [sflag:$0x1] =	stream.linear.gather [hbm4b:s19+s2], $0x80, $0x38;
	[tilespmem:$0x4080] =	vst v63  }
0x84: {  	s20 =	spop (v2sf)  }
0x85: {  	(v2sf) =	vpush v0, $0xD;
	s19 =	sand.u32 $0x1FFFFFF0, s20  }
0x86: {  	s20 =	simm.s32 $0xD00;
	s19 =	sadd.s32 s3, s19  }
0x87: {  	[tilespmem:s20], [sflag:$0x1] =	stream.linear.gather [hbm4b:s19+s2], $0x80, $0x38;
	[tilespmem:$0x4080] =	vst v63  }
0x88: {  	s20 =	spop (v2sf)  }
0x89: {  	(v2sf) =	vpush v0, $0xE;
	s19 =	sand.u32 $0x1FFFFFF0, s20  }
0x8a: {  	s20 =	simm.s32 $0xD80;
	s19 =	sadd.s32 s3, s19  }
0x8b: {  	[tilespmem:s20], [sflag:$0x1] =	stream.linear.gather [hbm4b:s19+s2], $0x80, $0x38;
	[tilespmem:$0x4080] =	vst v63  }
0x8c: {  	s20 =	spop (v2sf)  }
0x8d: {  	(v2sf) =	vpush v0, $0xF;
	s19 =	sand.u32 $0x1FFFFFF0, s20  }
0x8e: {  	s20 =	simm.s32 $0xE00;
	s19 =	sadd.s32 s3, s19  }
0x8f: {  	[tilespmem:s20], [sflag:$0x1] =	stream.linear.gather [hbm4b:s19+s2], $0x80, $0x38;
	[tilespmem:$0x4080] =	vst v63  }
0x90: {  	s20 =	spop (v2sf)  }
0x91: {  	s19 =	sand.u32 $0x1FFFFFF0, s20  }
0x92: {  	s20 =	simm.s32 $0xE80;
	s19 =	sadd.s32 s3, s19  }
0x93: {  	[tilespmem:s20], [sflag:$0x1] =	stream.linear.gather [hbm4b:s19+s2], $0x80, $0x38;
	[tilespmem:$0x4080] =	vst v63  }
0x94: {  	s20 =	spop (v2sf)  }
0x95: {  	s19 =	sand.u32 $0x1FFFFFF0, s20  }
0x96: {  	s20 =	simm.s32 $0xF00;
	s19 =	sadd.s32 s3, s19  }
0x97: {  	[tilespmem:s20], [sflag:$0x1] =	stream.linear.gather [hbm4b:s19+s2], $0x80, $0x38;
	[tilespmem:$0x4080] =	vst v63  }
0x98: {  	s20 =	spop (v2sf)  }
0x99: {  	s19 =	sand.u32 $0x1FFFFFF0, s20  }
0x9a: {  	s20 =	simm.s32 $0xF80;
	s19 =	sadd.s32 s3, s19  }
0x9b: {  	[tilespmem:s20], [sflag:$0x1] =	stream.linear.gather [hbm4b:s19+s2], $0x80, $0x38;
	[tilespmem:$0x4080] =	vst v63  }
0x9c: {  	s20 =	spop (v2sf)  }
0x9d: {  	s19 =	sand.u32 $0x1FFFFFF0, s20  }
0x9e: {  	s20 =	simm.s32 $0x1000;
	s19 =	sadd.s32 s3, s19  }
0x9f: {  	[tilespmem:s20], [sflag:$0x1] =	stream.linear.gather [hbm4b:s19+s2], $0x80, $0x38;
	[tilespmem:$0x4080] =	vst v63  }
0xa0: {  	v58 =	vld [tilespmem:$0x20];
	_ =	sdelay $0x4  }
0xa1: {  	v0 =	vshll.u32 v58, $0x4  }
0xa2: {  	(v2sf) =	vpush v0, $0x0;
	_ =	sdelay $0x3  }
0xa3: {  	(v2sf) =	vpush v0, $0x1;
	_ =	sdelay $0x3  }
0xa4: {  	(v2sf) =	vpush v0, $0x2;
	_ =	sdelay $0x3  }
0xa5: {  	(v2sf) =	vpush v0, $0x3;
	_ =	sdelay $0x2  }
0xa6: {  	s20 =	spop (v2sf)  }
0xa7: {  	(v2sf) =	vpush v0, $0x4;
	s19 =	sand.u32 $0x1FFFFFF0, s20  }
0xa8: {  	s20 =	simm.s32 $0x1080;
	s19 =	sadd.s32 s3, s19  }
0xa9: {  	[tilespmem:s20], [sflag:$0x1] =	stream.linear.gather [hbm4b:s19+s2], $0x80, $0x38;
	[tilespmem:$0x4080] =	vst v63  }
0xaa: {  	s20 =	spop (v2sf)  }
0xab: {  	(v2sf) =	vpush v0, $0x5;
	s19 =	sand.u32 $0x1FFFFFF0, s20  }
0xac: {  	s20 =	simm.s32 $0x1100;
	s19 =	sadd.s32 s3, s19  }
0xad: {  	[tilespmem:s20], [sflag:$0x1] =	stream.linear.gather [hbm4b:s19+s2], $0x80, $0x38;
	[tilespmem:$0x4080] =	vst v63  }
0xae: {  	s20 =	spop (v2sf)  }
0xaf: {  	(v2sf) =	vpush v0, $0x6;
	s19 =	sand.u32 $0x1FFFFFF0, s20  }
0xb0: {  	s20 =	simm.s32 $0x1180;
	s19 =	sadd.s32 s3, s19  }
0xb1: {  	[tilespmem:s20], [sflag:$0x1] =	stream.linear.gather [hbm4b:s19+s2], $0x80, $0x38;
	[tilespmem:$0x4080] =	vst v63  }
0xb2: {  	s20 =	spop (v2sf)  }
0xb3: {  	(v2sf) =	vpush v0, $0x7;
	s19 =	sand.u32 $0x1FFFFFF0, s20  }
0xb4: {  	s20 =	simm.s32 $0x1200;
	s19 =	sadd.s32 s3, s19  }
0xb5: {  	[tilespmem:s20], [sflag:$0x1] =	stream.linear.gather [hbm4b:s19+s2], $0x80, $0x38;
	[tilespmem:$0x4080] =	vst v63  }
0xb6: {  	s20 =	spop (v2sf)  }
0xb7: {  	(v2sf) =	vpush v0, $0x8;
	s19 =	sand.u32 $0x1FFFFFF0, s20  }
0xb8: {  	s20 =	simm.s32 $0x1280;
	s19 =	sadd.s32 s3, s19  }
0xb9: {  	[tilespmem:s20], [sflag:$0x1] =	stream.linear.gather [hbm4b:s19+s2], $0x80, $0x38;
	[tilespmem:$0x4080] =	vst v63  }
0xba: {  	s20 =	spop (v2sf)  }
0xbb: {  	(v2sf) =	vpush v0, $0x9;
	s19 =	sand.u32 $0x1FFFFFF0, s20  }
0xbc: {  	s20 =	simm.s32 $0x1300;
	s19 =	sadd.s32 s3, s19  }
0xbd: {  	[tilespmem:s20], [sflag:$0x1] =	stream.linear.gather [hbm4b:s19+s2], $0x80, $0x38;
	[tilespmem:$0x4080] =	vst v63  }
0xbe: {  	s20 =	spop (v2sf)  }
0xbf: {  	(v2sf) =	vpush v0, $0xA;
	s19 =	sand.u32 $0x1FFFFFF0, s20  }
0xc0: {  	s20 =	simm.s32 $0x1380;
	s19 =	sadd.s32 s3, s19  }
0xc1: {  	[tilespmem:s20], [sflag:$0x1] =	stream.linear.gather [hbm4b:s19+s2], $0x80, $0x38;
	[tilespmem:$0x4080] =	vst v63  }
0xc2: {  	s20 =	spop (v2sf)  }
0xc3: {  	(v2sf) =	vpush v0, $0xB;
	s19 =	sand.u32 $0x1FFFFFF0, s20  }
0xc4: {  	s20 =	simm.s32 $0x1400;
	s19 =	sadd.s32 s3, s19  }
0xc5: {  	[tilespmem:s20], [sflag:$0x1] =	stream.linear.gather [hbm4b:s19+s2], $0x80, $0x38;
	[tilespmem:$0x4080] =	vst v63  }
0xc6: {  	s20 =	spop (v2sf)  }
0xc7: {  	(v2sf) =	vpush v0, $0xC;
	s19 =	sand.u32 $0x1FFFFFF0, s20  }
0xc8: {  	s20 =	simm.s32 $0x1480;
	s19 =	sadd.s32 s3, s19  }
0xc9: {  	[tilespmem:s20], [sflag:$0x1] =	stream.linear.gather [hbm4b:s19+s2], $0x80, $0x38;
	[tilespmem:$0x4080] =	vst v63  }
0xca: {  	s20 =	spop (v2sf)  }
0xcb: {  	(v2sf) =	vpush v0, $0xD;
	s19 =	sand.u32 $0x1FFFFFF0, s20  }
0xcc: {  	s20 =	simm.s32 $0x1500;
	s19 =	sadd.s32 s3, s19  }
0xcd: {  	[tilespmem:s20], [sflag:$0x1] =	stream.linear.gather [hbm4b:s19+s2], $0x80, $0x38;
	[tilespmem:$0x4080] =	vst v63  }
0xce: {  	s20 =	spop (v2sf)  }
0xcf: {  	(v2sf) =	vpush v0, $0xE;
	s19 =	sand.u32 $0x1FFFFFF0, s20  }
0xd0: {  	s20 =	simm.s32 $0x1580;
	s19 =	sadd.s32 s3, s19  }
0xd1: {  	[tilespmem:s20], [sflag:$0x1] =	stream.linear.gather [hbm4b:s19+s2], $0x80, $0x38;
	[tilespmem:$0x4080] =	vst v63  }
0xd2: {  	s20 =	spop (v2sf)  }
0xd3: {  	(v2sf) =	vpush v0, $0xF;
	s19 =	sand.u32 $0x1FFFFFF0, s20  }
0xd4: {  	s20 =	simm.s32 $0x1600;
	s19 =	sadd.s32 s3, s19  }
0xd5: {  	[tilespmem:s20], [sflag:$0x1] =	stream.linear.gather [hbm4b:s19+s2], $0x80, $0x38;
	[tilespmem:$0x4080] =	vst v63  }
0xd6: {  	s20 =	spop (v2sf)  }
0xd7: {  	s19 =	sand.u32 $0x1FFFFFF0, s20  }
0xd8: {  	s20 =	simm.s32 $0x1680;
	s19 =	sadd.s32 s3, s19  }
0xd9: {  	[tilespmem:s20], [sflag:$0x1] =	stream.linear.gather [hbm4b:s19+s2], $0x80, $0x38;
	[tilespmem:$0x4080] =	vst v63  }
0xda: {  	s20 =	spop (v2sf)  }
0xdb: {  	s19 =	sand.u32 $0x1FFFFFF0, s20  }
0xdc: {  	s20 =	simm.s32 $0x1700;
	s19 =	sadd.s32 s3, s19  }
0xdd: {  	[tilespmem:s20], [sflag:$0x1] =	stream.linear.gather [hbm4b:s19+s2], $0x80, $0x38;
	[tilespmem:$0x4080] =	vst v63  }
0xde: {  	s20 =	spop (v2sf)  }
0xdf: {  	s19 =	sand.u32 $0x1FFFFFF0, s20  }
0xe0: {  	s20 =	simm.s32 $0x1780;
	s19 =	sadd.s32 s3, s19  }
0xe1: {  	[tilespmem:s20], [sflag:$0x1] =	stream.linear.gather [hbm4b:s19+s2], $0x80, $0x38;
	[tilespmem:$0x4080] =	vst v63  }
0xe2: {  	s20 =	spop (v2sf)  }
0xe3: {  	s19 =	sand.u32 $0x1FFFFFF0, s20  }
0xe4: {  	s20 =	simm.s32 $0x1800;
	s19 =	sadd.s32 s3, s19  }
0xe5: {  	[tilespmem:s20], [sflag:$0x1] =	stream.linear.gather [hbm4b:s19+s2], $0x80, $0x38;
	[tilespmem:$0x4080] =	vst v63  }
0xe6: {  	v59 =	vld [tilespmem:$0x30];
	_ =	sdelay $0x4  }
0xe7: {  	v0 =	vshll.u32 v59, $0x4  }
0xe8: {  	(v2sf) =	vpush v0, $0x0;
	_ =	sdelay $0x3  }
0xe9: {  	(v2sf) =	vpush v0, $0x1;
	_ =	sdelay $0x3  }
0xea: {  	(v2sf) =	vpush v0, $0x2;
	_ =	sdelay $0x3  }
0xeb: {  	(v2sf) =	vpush v0, $0x3;
	_ =	sdelay $0x2  }
0xec: {  	s20 =	spop (v2sf)  }
0xed: {  	(v2sf) =	vpush v0, $0x4;
	s19 =	sand.u32 $0x1FFFFFF0, s20  }
0xee: {  	s20 =	simm.s32 $0x1880;
	s19 =	sadd.s32 s3, s19  }
0xef: {  	[tilespmem:s20], [sflag:$0x1] =	stream.linear.gather [hbm4b:s19+s2], $0x80, $0x38;
	[tilespmem:$0x4080] =	vst v63  }
0xf0: {  	s20 =	spop (v2sf)  }
0xf1: {  	(v2sf) =	vpush v0, $0x5;
	s19 =	sand.u32 $0x1FFFFFF0, s20  }
0xf2: {  	s20 =	simm.s32 $0x1900;
	s19 =	sadd.s32 s3, s19  }
0xf3: {  	[tilespmem:s20], [sflag:$0x1] =	stream.linear.gather [hbm4b:s19+s2], $0x80, $0x38;
	[tilespmem:$0x4080] =	vst v63  }
0xf4: {  	s20 =	spop (v2sf)  }
0xf5: {  	(v2sf) =	vpush v0, $0x6;
	s19 =	sand.u32 $0x1FFFFFF0, s20  }
0xf6: {  	s20 =	simm.s32 $0x1980;
	s19 =	sadd.s32 s3, s19  }
0xf7: {  	[tilespmem:s20], [sflag:$0x1] =	stream.linear.gather [hbm4b:s19+s2], $0x80, $0x38;
	[tilespmem:$0x4080] =	vst v63  }
0xf8: {  	s20 =	spop (v2sf)  }
0xf9: {  	(v2sf) =	vpush v0, $0x7;
	s19 =	sand.u32 $0x1FFFFFF0, s20  }
0xfa: {  	s20 =	simm.s32 $0x1A00;
	s19 =	sadd.s32 s3, s19  }
0xfb: {  	[tilespmem:s20], [sflag:$0x1] =	stream.linear.gather [hbm4b:s19+s2], $0x80, $0x38;
	[tilespmem:$0x4080] =	vst v63  }
0xfc: {  	s20 =	spop (v2sf)  }
0xfd: {  	(v2sf) =	vpush v0, $0x8;
	s19 =	sand.u32 $0x1FFFFFF0, s20  }
0xfe: {  	s20 =	simm.s32 $0x1A80;
	s19 =	sadd.s32 s3, s19  }
0xff: {  	[tilespmem:s20], [sflag:$0x1] =	stream.linear.gather [hbm4b:s19+s2], $0x80, $0x38;
	[tilespmem:$0x4080] =	vst v63  }
0x100: {  	s20 =	spop (v2sf)  }
0x101: {  	(v2sf) =	vpush v0, $0x9;
	s19 =	sand.u32 $0x1FFFFFF0, s20  }
0x102: {  	s20 =	simm.s32 $0x1B00;
	s19 =	sadd.s32 s3, s19  }
0x103: {  	[tilespmem:s20], [sflag:$0x1] =	stream.linear.gather [hbm4b:s19+s2], $0x80, $0x38;
	[tilespmem:$0x4080] =	vst v63  }
0x104: {  	s20 =	spop (v2sf)  }
0x105: {  	(v2sf) =	vpush v0, $0xA;
	s19 =	sand.u32 $0x1FFFFFF0, s20  }
0x106: {  	s20 =	simm.s32 $0x1B80;
	s19 =	sadd.s32 s3, s19  }
0x107: {  	[tilespmem:s20], [sflag:$0x1] =	stream.linear.gather [hbm4b:s19+s2], $0x80, $0x38;
	[tilespmem:$0x4080] =	vst v63  }
0x108: {  	s20 =	spop (v2sf)  }
0x109: {  	(v2sf) =	vpush v0, $0xB;
	s19 =	sand.u32 $0x1FFFFFF0, s20  }
0x10a: {  	s20 =	simm.s32 $0x1C00;
	s19 =	sadd.s32 s3, s19  }
0x10b: {  	[tilespmem:s20], [sflag:$0x1] =	stream.linear.gather [hbm4b:s19+s2], $0x80, $0x38;
	[tilespmem:$0x4080] =	vst v63  }
0x10c: {  	s20 =	spop (v2sf)  }
0x10d: {  	(v2sf) =	vpush v0, $0xC;
	s19 =	sand.u32 $0x1FFFFFF0, s20  }
0x10e: {  	s20 =	simm.s32 $0x1C80;
	s19 =	sadd.s32 s3, s19  }
0x10f: {  	[tilespmem:s20], [sflag:$0x1] =	stream.linear.gather [hbm4b:s19+s2], $0x80, $0x38;
	[tilespmem:$0x4080] =	vst v63  }
0x110: {  	s20 =	spop (v2sf)  }
0x111: {  	(v2sf) =	vpush v0, $0xD;
	s19 =	sand.u32 $0x1FFFFFF0, s20  }
0x112: {  	s20 =	simm.s32 $0x1D00;
	s19 =	sadd.s32 s3, s19  }
0x113: {  	[tilespmem:s20], [sflag:$0x1] =	stream.linear.gather [hbm4b:s19+s2], $0x80, $0x38;
	[tilespmem:$0x4080] =	vst v63  }
0x114: {  	s20 =	spop (v2sf)  }
0x115: {  	(v2sf) =	vpush v0, $0xE;
	s19 =	sand.u32 $0x1FFFFFF0, s20  }
0x116: {  	s20 =	simm.s32 $0x1D80;
	s19 =	sadd.s32 s3, s19  }
0x117: {  	[tilespmem:s20], [sflag:$0x1] =	stream.linear.gather [hbm4b:s19+s2], $0x80, $0x38;
	[tilespmem:$0x4080] =	vst v63  }
0x118: {  	s20 =	spop (v2sf)  }
0x119: {  	(v2sf) =	vpush v0, $0xF;
	s19 =	sand.u32 $0x1FFFFFF0, s20  }
0x11a: {  	s20 =	simm.s32 $0x1E00;
	s19 =	sadd.s32 s3, s19  }
0x11b: {  	[tilespmem:s20], [sflag:$0x1] =	stream.linear.gather [hbm4b:s19+s2], $0x80, $0x38;
	[tilespmem:$0x4080] =	vst v63  }
0x11c: {  	s20 =	spop (v2sf)  }
0x11d: {  	s19 =	sand.u32 $0x1FFFFFF0, s20  }
0x11e: {  	s20 =	simm.s32 $0x1E80;
	s19 =	sadd.s32 s3, s19  }
0x11f: {  	[tilespmem:s20], [sflag:$0x1] =	stream.linear.gather [hbm4b:s19+s2], $0x80, $0x38;
	[tilespmem:$0x4080] =	vst v63  }
0x120: {  	s20 =	spop (v2sf)  }
0x121: {  	s19 =	sand.u32 $0x1FFFFFF0, s20  }
0x122: {  	s20 =	simm.s32 $0x1F00;
	s19 =	sadd.s32 s3, s19  }
0x123: {  	[tilespmem:s20], [sflag:$0x1] =	stream.linear.gather [hbm4b:s19+s2], $0x80, $0x38;
	[tilespmem:$0x4080] =	vst v63  }
0x124: {  	s20 =	spop (v2sf)  }
0x125: {  	s19 =	sand.u32 $0x1FFFFFF0, s20  }
0x126: {  	s20 =	simm.s32 $0x1F80;
	s19 =	sadd.s32 s3, s19  }
0x127: {  	[tilespmem:s20], [sflag:$0x1] =	stream.linear.gather [hbm4b:s19+s2], $0x80, $0x38;
	[tilespmem:$0x4080] =	vst v63  }
0x128: {  	s20 =	spop (v2sf)  }
0x129: {  	s19 =	sand.u32 $0x1FFFFFF0, s20  }
0x12a: {  	s20 =	simm.s32 $0x2000;
	s19 =	sadd.s32 s3, s19  }
0x12b: {  	[tilespmem:s20], [sflag:$0x1] =	stream.linear.gather [hbm4b:s19+s2], $0x80, $0x38;
	[tilespmem:$0x4080] =	vst v63  }
0x12c: {  	v60 =	vld [tilespmem:$0x40];
	_ =	sdelay $0x4  }
0x12d: {  	v0 =	vshll.u32 v60, $0x4  }
0x12e: {  	(v2sf) =	vpush v0, $0x0;
	_ =	sdelay $0x3  }
0x12f: {  	(v2sf) =	vpush v0, $0x1;
	_ =	sdelay $0x3  }
0x130: {  	(v2sf) =	vpush v0, $0x2;
	_ =	sdelay $0x3  }
0x131: {  	(v2sf) =	vpush v0, $0x3;
	_ =	sdelay $0x2  }
0x132: {  	s20 =	spop (v2sf)  }
0x133: {  	(v2sf) =	vpush v0, $0x4;
	s19 =	sand.u32 $0x1FFFFFF0, s20  }
0x134: {  	s20 =	simm.s32 $0x2080;
	s19 =	sadd.s32 s3, s19  }
0x135: {  	[tilespmem:s20], [sflag:$0x1] =	stream.linear.gather [hbm4b:s19+s2], $0x80, $0x38;
	[tilespmem:$0x4080] =	vst v63  }
0x136: {  	s20 =	spop (v2sf)  }
0x137: {  	(v2sf) =	vpush v0, $0x5;
	s19 =	sand.u32 $0x1FFFFFF0, s20  }
0x138: {  	s20 =	simm.s32 $0x2100;
	s19 =	sadd.s32 s3, s19  }
0x139: {  	[tilespmem:s20], [sflag:$0x1] =	stream.linear.gather [hbm4b:s19+s2], $0x80, $0x38;
	[tilespmem:$0x4080] =	vst v63  }
0x13a: {  	s20 =	spop (v2sf)  }
0x13b: {  	(v2sf) =	vpush v0, $0x6;
	s19 =	sand.u32 $0x1FFFFFF0, s20  }
0x13c: {  	s20 =	simm.s32 $0x2180;
	s19 =	sadd.s32 s3, s19  }
0x13d: {  	[tilespmem:s20], [sflag:$0x1] =	stream.linear.gather [hbm4b:s19+s2], $0x80, $0x38;
	[tilespmem:$0x4080] =	vst v63  }
0x13e: {  	s20 =	spop (v2sf)  }
0x13f: {  	(v2sf) =	vpush v0, $0x7;
	s19 =	sand.u32 $0x1FFFFFF0, s20  }
0x140: {  	s20 =	simm.s32 $0x2200;
	s19 =	sadd.s32 s3, s19  }
0x141: {  	[tilespmem:s20], [sflag:$0x1] =	stream.linear.gather [hbm4b:s19+s2], $0x80, $0x38;
	[tilespmem:$0x4080] =	vst v63  }
0x142: {  	s20 =	spop (v2sf)  }
0x143: {  	(v2sf) =	vpush v0, $0x8;
	s19 =	sand.u32 $0x1FFFFFF0, s20  }
0x144: {  	s20 =	simm.s32 $0x2280;
	s19 =	sadd.s32 s3, s19  }
0x145: {  	[tilespmem:s20], [sflag:$0x1] =	stream.linear.gather [hbm4b:s19+s2], $0x80, $0x38;
	[tilespmem:$0x4080] =	vst v63  }
0x146: {  	s20 =	spop (v2sf)  }
0x147: {  	(v2sf) =	vpush v0, $0x9;
	s19 =	sand.u32 $0x1FFFFFF0, s20  }
0x148: {  	s20 =	simm.s32 $0x2300;
	s19 =	sadd.s32 s3, s19  }
0x149: {  	[tilespmem:s20], [sflag:$0x1] =	stream.linear.gather [hbm4b:s19+s2], $0x80, $0x38;
	[tilespmem:$0x4080] =	vst v63  }
0x14a: {  	s20 =	spop (v2sf)  }
0x14b: {  	(v2sf) =	vpush v0, $0xA;
	s19 =	sand.u32 $0x1FFFFFF0, s20  }
0x14c: {  	s20 =	simm.s32 $0x2380;
	s19 =	sadd.s32 s3, s19  }
0x14d: {  	[tilespmem:s20], [sflag:$0x1] =	stream.linear.gather [hbm4b:s19+s2], $0x80, $0x38;
	[tilespmem:$0x4080] =	vst v63  }
0x14e: {  	s20 =	spop (v2sf)  }
0x14f: {  	(v2sf) =	vpush v0, $0xB;
	s19 =	sand.u32 $0x1FFFFFF0, s20  }
0x150: {  	s20 =	simm.s32 $0x2400;
	s19 =	sadd.s32 s3, s19  }
0x151: {  	[tilespmem:s20], [sflag:$0x1] =	stream.linear.gather [hbm4b:s19+s2], $0x80, $0x38;
	[tilespmem:$0x4080] =	vst v63  }
0x152: {  	s20 =	spop (v2sf)  }
0x153: {  	(v2sf) =	vpush v0, $0xC;
	s19 =	sand.u32 $0x1FFFFFF0, s20  }
0x154: {  	s20 =	simm.s32 $0x2480;
	s19 =	sadd.s32 s3, s19  }
0x155: {  	[tilespmem:s20], [sflag:$0x1] =	stream.linear.gather [hbm4b:s19+s2], $0x80, $0x38;
	[tilespmem:$0x4080] =	vst v63  }
0x156: {  	s20 =	spop (v2sf)  }
0x157: {  	(v2sf) =	vpush v0, $0xD;
	s19 =	sand.u32 $0x1FFFFFF0, s20  }
0x158: {  	s20 =	simm.s32 $0x2500;
	s19 =	sadd.s32 s3, s19  }
0x159: {  	[tilespmem:s20], [sflag:$0x1] =	stream.linear.gather [hbm4b:s19+s2], $0x80, $0x38;
	[tilespmem:$0x4080] =	vst v63  }
0x15a: {  	s20 =	spop (v2sf)  }
0x15b: {  	(v2sf) =	vpush v0, $0xE;
	s19 =	sand.u32 $0x1FFFFFF0, s20  }
0x15c: {  	s20 =	simm.s32 $0x2580;
	s19 =	sadd.s32 s3, s19  }
0x15d: {  	[tilespmem:s20], [sflag:$0x1] =	stream.linear.gather [hbm4b:s19+s2], $0x80, $0x38;
	[tilespmem:$0x4080] =	vst v63  }
0x15e: {  	s20 =	spop (v2sf)  }
0x15f: {  	(v2sf) =	vpush v0, $0xF;
	s19 =	sand.u32 $0x1FFFFFF0, s20  }
0x160: {  	s20 =	simm.s32 $0x2600;
	s19 =	sadd.s32 s3, s19  }
0x161: {  	[tilespmem:s20], [sflag:$0x1] =	stream.linear.gather [hbm4b:s19+s2], $0x80, $0x38;
	[tilespmem:$0x4080] =	vst v63  }
0x162: {  	s20 =	spop (v2sf)  }
0x163: {  	s19 =	sand.u32 $0x1FFFFFF0, s20  }
0x164: {  	s20 =	simm.s32 $0x2680;
	s19 =	sadd.s32 s3, s19  }
0x165: {  	[tilespmem:s20], [sflag:$0x1] =	stream.linear.gather [hbm4b:s19+s2], $0x80, $0x38;
	[tilespmem:$0x4080] =	vst v63  }
0x166: {  	s20 =	spop (v2sf)  }
0x167: {  	s19 =	sand.u32 $0x1FFFFFF0, s20  }
0x168: {  	s20 =	simm.s32 $0x2700;
	s19 =	sadd.s32 s3, s19  }
0x169: {  	[tilespmem:s20], [sflag:$0x1] =	stream.linear.gather [hbm4b:s19+s2], $0x80, $0x38;
	[tilespmem:$0x4080] =	vst v63  }
0x16a: {  	s20 =	spop (v2sf)  }
0x16b: {  	s19 =	sand.u32 $0x1FFFFFF0, s20  }
0x16c: {  	s20 =	simm.s32 $0x2780;
	s19 =	sadd.s32 s3, s19  }
0x16d: {  	[tilespmem:s20], [sflag:$0x1] =	stream.linear.gather [hbm4b:s19+s2], $0x80, $0x38;
	[tilespmem:$0x4080] =	vst v63  }
0x16e: {  	s20 =	spop (v2sf)  }
0x16f: {  	s19 =	sand.u32 $0x1FFFFFF0, s20  }
0x170: {  	s20 =	simm.s32 $0x2800;
	s19 =	sadd.s32 s3, s19  }
0x171: {  	[tilespmem:s20], [sflag:$0x1] =	stream.linear.gather [hbm4b:s19+s2], $0x80, $0x38;
	[tilespmem:$0x4080] =	vst v63  }
0x172: {  	v61 =	vld [tilespmem:$0x50];
	_ =	sdelay $0x4  }
0x173: {  	v0 =	vshll.u32 v61, $0x4  }
0x174: {  	(v2sf) =	vpush v0, $0x0;
	_ =	sdelay $0x3  }
0x175: {  	(v2sf) =	vpush v0, $0x1;
	_ =	sdelay $0x3  }
0x176: {  	(v2sf) =	vpush v0, $0x2;
	_ =	sdelay $0x3  }
0x177: {  	(v2sf) =	vpush v0, $0x3;
	_ =	sdelay $0x2  }
0x178: {  	s20 =	spop (v2sf)  }
0x179: {  	(v2sf) =	vpush v0, $0x4;
	s19 =	sand.u32 $0x1FFFFFF0, s20  }
0x17a: {  	s20 =	simm.s32 $0x2880;
	s19 =	sadd.s32 s3, s19  }
0x17b: {  	[tilespmem:s20], [sflag:$0x1] =	stream.linear.gather [hbm4b:s19+s2], $0x80, $0x38;
	[tilespmem:$0x4080] =	vst v63  }
0x17c: {  	s20 =	spop (v2sf)  }
0x17d: {  	(v2sf) =	vpush v0, $0x5;
	s19 =	sand.u32 $0x1FFFFFF0, s20  }
0x17e: {  	s20 =	simm.s32 $0x2900;
	s19 =	sadd.s32 s3, s19  }
0x17f: {  	[tilespmem:s20], [sflag:$0x1] =	stream.linear.gather [hbm4b:s19+s2], $0x80, $0x38;
	[tilespmem:$0x4080] =	vst v63  }
0x180: {  	s20 =	spop (v2sf)  }
0x181: {  	(v2sf) =	vpush v0, $0x6;
	s19 =	sand.u32 $0x1FFFFFF0, s20  }
0x182: {  	s20 =	simm.s32 $0x2980;
	s19 =	sadd.s32 s3, s19  }
0x183: {  	[tilespmem:s20], [sflag:$0x1] =	stream.linear.gather [hbm4b:s19+s2], $0x80, $0x38;
	[tilespmem:$0x4080] =	vst v63  }
0x184: {  	s20 =	spop (v2sf)  }
0x185: {  	(v2sf) =	vpush v0, $0x7;
	s19 =	sand.u32 $0x1FFFFFF0, s20  }
0x186: {  	s20 =	simm.s32 $0x2A00;
	s19 =	sadd.s32 s3, s19  }
0x187: {  	[tilespmem:s20], [sflag:$0x1] =	stream.linear.gather [hbm4b:s19+s2], $0x80, $0x38;
	[tilespmem:$0x4080] =	vst v63  }
0x188: {  	s20 =	spop (v2sf)  }
0x189: {  	(v2sf) =	vpush v0, $0x8;
	s19 =	sand.u32 $0x1FFFFFF0, s20  }
0x18a: {  	s20 =	simm.s32 $0x2A80;
	s19 =	sadd.s32 s3, s19  }
0x18b: {  	[tilespmem:s20], [sflag:$0x1] =	stream.linear.gather [hbm4b:s19+s2], $0x80, $0x38;
	[tilespmem:$0x4080] =	vst v63  }
0x18c: {  	s20 =	spop (v2sf)  }
0x18d: {  	(v2sf) =	vpush v0, $0x9;
	s19 =	sand.u32 $0x1FFFFFF0, s20  }
0x18e: {  	s20 =	simm.s32 $0x2B00;
	s19 =	sadd.s32 s3, s19  }
0x18f: {  	[tilespmem:s20], [sflag:$0x1] =	stream.linear.gather [hbm4b:s19+s2], $0x80, $0x38;
	[tilespmem:$0x4080] =	vst v63  }
0x190: {  	s20 =	spop (v2sf)  }
0x191: {  	(v2sf) =	vpush v0, $0xA;
	s19 =	sand.u32 $0x1FFFFFF0, s20  }
0x192: {  	s20 =	simm.s32 $0x2B80;
	s19 =	sadd.s32 s3, s19  }
0x193: {  	[tilespmem:s20], [sflag:$0x1] =	stream.linear.gather [hbm4b:s19+s2], $0x80, $0x38;
	[tilespmem:$0x4080] =	vst v63  }
0x194: {  	s20 =	spop (v2sf)  }
0x195: {  	(v2sf) =	vpush v0, $0xB;
	s19 =	sand.u32 $0x1FFFFFF0, s20  }
0x196: {  	s20 =	simm.s32 $0x2C00;
	s19 =	sadd.s32 s3, s19  }
0x197: {  	[tilespmem:s20], [sflag:$0x1] =	stream.linear.gather [hbm4b:s19+s2], $0x80, $0x38;
	[tilespmem:$0x4080] =	vst v63  }
0x198: {  	s20 =	spop (v2sf)  }
0x199: {  	(v2sf) =	vpush v0, $0xC;
	s19 =	sand.u32 $0x1FFFFFF0, s20  }
0x19a: {  	s20 =	simm.s32 $0x2C80;
	s19 =	sadd.s32 s3, s19  }
0x19b: {  	[tilespmem:s20], [sflag:$0x1] =	stream.linear.gather [hbm4b:s19+s2], $0x80, $0x38;
	[tilespmem:$0x4080] =	vst v63  }
0x19c: {  	s20 =	spop (v2sf)  }
0x19d: {  	(v2sf) =	vpush v0, $0xD;
	s19 =	sand.u32 $0x1FFFFFF0, s20  }
0x19e: {  	s20 =	simm.s32 $0x2D00;
	s19 =	sadd.s32 s3, s19  }
0x19f: {  	[tilespmem:s20], [sflag:$0x1] =	stream.linear.gather [hbm4b:s19+s2], $0x80, $0x38;
	[tilespmem:$0x4080] =	vst v63  }
0x1a0: {  	s20 =	spop (v2sf)  }
0x1a1: {  	(v2sf) =	vpush v0, $0xE;
	s19 =	sand.u32 $0x1FFFFFF0, s20  }
0x1a2: {  	s20 =	simm.s32 $0x2D80;
	s19 =	sadd.s32 s3, s19  }
0x1a3: {  	[tilespmem:s20], [sflag:$0x1] =	stream.linear.gather [hbm4b:s19+s2], $0x80, $0x38;
	[tilespmem:$0x4080] =	vst v63  }
0x1a4: {  	s20 =	spop (v2sf)  }
0x1a5: {  	(v2sf) =	vpush v0, $0xF;
	s19 =	sand.u32 $0x1FFFFFF0, s20  }
0x1a6: {  	s20 =	simm.s32 $0x2E00;
	s19 =	sadd.s32 s3, s19  }
0x1a7: {  	[tilespmem:s20], [sflag:$0x1] =	stream.linear.gather [hbm4b:s19+s2], $0x80, $0x38;
	[tilespmem:$0x4080] =	vst v63  }
0x1a8: {  	s20 =	spop (v2sf)  }
0x1a9: {  	s19 =	sand.u32 $0x1FFFFFF0, s20  }
0x1aa: {  	s20 =	simm.s32 $0x2E80;
	s19 =	sadd.s32 s3, s19  }
0x1ab: {  	[tilespmem:s20], [sflag:$0x1] =	stream.linear.gather [hbm4b:s19+s2], $0x80, $0x38;
	[tilespmem:$0x4080] =	vst v63  }
0x1ac: {  	s20 =	spop (v2sf)  }
0x1ad: {  	s19 =	sand.u32 $0x1FFFFFF0, s20  }
0x1ae: {  	s20 =	simm.s32 $0x2F00;
	s19 =	sadd.s32 s3, s19  }
0x1af: {  	[tilespmem:s20], [sflag:$0x1] =	stream.linear.gather [hbm4b:s19+s2], $0x80, $0x38;
	[tilespmem:$0x4080] =	vst v63  }
0x1b0: {  	s20 =	spop (v2sf)  }
0x1b1: {  	s19 =	sand.u32 $0x1FFFFFF0, s20  }
0x1b2: {  	s20 =	simm.s32 $0x2F80;
	s19 =	sadd.s32 s3, s19  }
0x1b3: {  	[tilespmem:s20], [sflag:$0x1] =	stream.linear.gather [hbm4b:s19+s2], $0x80, $0x38;
	[tilespmem:$0x4080] =	vst v63  }
0x1b4: {  	s20 =	spop (v2sf)  }
0x1b5: {  	s19 =	sand.u32 $0x1FFFFFF0, s20  }
0x1b6: {  	s20 =	simm.s32 $0x3000;
	s19 =	sadd.s32 s3, s19  }
0x1b7: {  	[tilespmem:s20], [sflag:$0x1] =	stream.linear.gather [hbm4b:s19+s2], $0x80, $0x38;
	[tilespmem:$0x4080] =	vst v63  }
0x1b8: {  	v62 =	vld [tilespmem:$0x60];
	_ =	sdelay $0x4  }
0x1b9: {  	v0 =	vshll.u32 v62, $0x4  }
0x1ba: {  	(v2sf) =	vpush v0, $0x0;
	_ =	sdelay $0x3  }
0x1bb: {  	(v2sf) =	vpush v0, $0x1;
	_ =	sdelay $0x3  }
0x1bc: {  	(v2sf) =	vpush v0, $0x2;
	_ =	sdelay $0x3  }
0x1bd: {  	(v2sf) =	vpush v0, $0x3;
	_ =	sdelay $0x2  }
0x1be: {  	s20 =	spop (v2sf)  }
0x1bf: {  	(v2sf) =	vpush v0, $0x4;
	s19 =	sand.u32 $0x1FFFFFF0, s20  }
0x1c0: {  	s20 =	simm.s32 $0x3080;
	s19 =	sadd.s32 s3, s19  }
0x1c1: {  	[tilespmem:s20], [sflag:$0x1] =	stream.linear.gather [hbm4b:s19+s2], $0x80, $0x38;
	[tilespmem:$0x4080] =	vst v63  }
0x1c2: {  	s20 =	spop (v2sf)  }
0x1c3: {  	(v2sf) =	vpush v0, $0x5;
	s19 =	sand.u32 $0x1FFFFFF0, s20  }
0x1c4: {  	s20 =	simm.s32 $0x3100;
	s19 =	sadd.s32 s3, s19  }
0x1c5: {  	[tilespmem:s20], [sflag:$0x1] =	stream.linear.gather [hbm4b:s19+s2], $0x80, $0x38;
	[tilespmem:$0x4080] =	vst v63  }
0x1c6: {  	s20 =	spop (v2sf)  }
0x1c7: {  	(v2sf) =	vpush v0, $0x6;
	s19 =	sand.u32 $0x1FFFFFF0, s20  }
0x1c8: {  	s20 =	simm.s32 $0x3180;
	s19 =	sadd.s32 s3, s19  }
0x1c9: {  	[tilespmem:s20], [sflag:$0x1] =	stream.linear.gather [hbm4b:s19+s2], $0x80, $0x38;
	[tilespmem:$0x4080] =	vst v63  }
0x1ca: {  	s20 =	spop (v2sf)  }
0x1cb: {  	(v2sf) =	vpush v0, $0x7;
	s19 =	sand.u32 $0x1FFFFFF0, s20  }
0x1cc: {  	s20 =	simm.s32 $0x3200;
	s19 =	sadd.s32 s3, s19  }
0x1cd: {  	[tilespmem:s20], [sflag:$0x1] =	stream.linear.gather [hbm4b:s19+s2], $0x80, $0x38;
	[tilespmem:$0x4080] =	vst v63  }
0x1ce: {  	s20 =	spop (v2sf)  }
0x1cf: {  	(v2sf) =	vpush v0, $0x8;
	s19 =	sand.u32 $0x1FFFFFF0, s20  }
0x1d0: {  	s20 =	simm.s32 $0x3280;
	s19 =	sadd.s32 s3, s19  }
0x1d1: {  	[tilespmem:s20], [sflag:$0x1] =	stream.linear.gather [hbm4b:s19+s2], $0x80, $0x38;
	[tilespmem:$0x4080] =	vst v63  }
0x1d2: {  	s20 =	spop (v2sf)  }
0x1d3: {  	(v2sf) =	vpush v0, $0x9;
	s19 =	sand.u32 $0x1FFFFFF0, s20  }
0x1d4: {  	s20 =	simm.s32 $0x3300;
	s19 =	sadd.s32 s3, s19  }
0x1d5: {  	[tilespmem:s20], [sflag:$0x1] =	stream.linear.gather [hbm4b:s19+s2], $0x80, $0x38;
	[tilespmem:$0x4080] =	vst v63  }
0x1d6: {  	s20 =	spop (v2sf)  }
0x1d7: {  	(v2sf) =	vpush v0, $0xA;
	s19 =	sand.u32 $0x1FFFFFF0, s20  }
0x1d8: {  	s20 =	simm.s32 $0x3380;
	s19 =	sadd.s32 s3, s19  }
0x1d9: {  	[tilespmem:s20], [sflag:$0x1] =	stream.linear.gather [hbm4b:s19+s2], $0x80, $0x38;
	[tilespmem:$0x4080] =	vst v63  }
0x1da: {  	s20 =	spop (v2sf)  }
0x1db: {  	(v2sf) =	vpush v0, $0xB;
	s19 =	sand.u32 $0x1FFFFFF0, s20  }
0x1dc: {  	s20 =	simm.s32 $0x3400;
	s19 =	sadd.s32 s3, s19  }
0x1dd: {  	[tilespmem:s20], [sflag:$0x1] =	stream.linear.gather [hbm4b:s19+s2], $0x80, $0x38;
	[tilespmem:$0x4080] =	vst v63  }
0x1de: {  	s20 =	spop (v2sf)  }
0x1df: {  	(v2sf) =	vpush v0, $0xC;
	s19 =	sand.u32 $0x1FFFFFF0, s20  }
0x1e0: {  	s20 =	simm.s32 $0x3480;
	s19 =	sadd.s32 s3, s19  }
0x1e1: {  	[tilespmem:s20], [sflag:$0x1] =	stream.linear.gather [hbm4b:s19+s2], $0x80, $0x38;
	[tilespmem:$0x4080] =	vst v63  }
0x1e2: {  	s20 =	spop (v2sf)  }
0x1e3: {  	(v2sf) =	vpush v0, $0xD;
	s19 =	sand.u32 $0x1FFFFFF0, s20  }
0x1e4: {  	s20 =	simm.s32 $0x3500;
	s19 =	sadd.s32 s3, s19  }
0x1e5: {  	[tilespmem:s20], [sflag:$0x1] =	stream.linear.gather [hbm4b:s19+s2], $0x80, $0x38;
	[tilespmem:$0x4080] =	vst v63  }
0x1e6: {  	s20 =	spop (v2sf)  }
0x1e7: {  	(v2sf) =	vpush v0, $0xE;
	s19 =	sand.u32 $0x1FFFFFF0, s20  }
0x1e8: {  	s20 =	simm.s32 $0x3580;
	s19 =	sadd.s32 s3, s19  }
0x1e9: {  	[tilespmem:s20], [sflag:$0x1] =	stream.linear.gather [hbm4b:s19+s2], $0x80, $0x38;
	[tilespmem:$0x4080] =	vst v63  }
0x1ea: {  	s20 =	spop (v2sf)  }
0x1eb: {  	(v2sf) =	vpush v0, $0xF;
	s19 =	sand.u32 $0x1FFFFFF0, s20  }
0x1ec: {  	s20 =	simm.s32 $0x3600;
	s19 =	sadd.s32 s3, s19  }
0x1ed: {  	[tilespmem:s20], [sflag:$0x1] =	stream.linear.gather [hbm4b:s19+s2], $0x80, $0x38;
	[tilespmem:$0x4080] =	vst v63  }
0x1ee: {  	s20 =	spop (v2sf)  }
0x1ef: {  	s19 =	sand.u32 $0x1FFFFFF0, s20  }
0x1f0: {  	s20 =	simm.s32 $0x3680;
	s19 =	sadd.s32 s3, s19  }
0x1f1: {  	[tilespmem:s20], [sflag:$0x1] =	stream.linear.gather [hbm4b:s19+s2], $0x80, $0x38;
	[tilespmem:$0x4080] =	vst v63  }
0x1f2: {  	s20 =	spop (v2sf)  }
0x1f3: {  	s19 =	sand.u32 $0x1FFFFFF0, s20  }
0x1f4: {  	s19 =	sadd.s32 s3, s19  }
0x1f5: {  	[tilespmem:s21], [sflag:$0x1] =	stream.linear.gather [hbm4b:s19+s2], $0x80, $0x38;
	[tilespmem:$0x4080] =	vst v63  }
0x1f6: {  	s20 =	spop (v2sf)  }
0x1f7: {  	s19 =	sand.u32 $0x1FFFFFF0, s20  }
0x1f8: {  	s19 =	sadd.s32 s3, s19  }
0x1f9: {  	[tilespmem:s22], [sflag:$0x1] =	stream.linear.gather [hbm4b:s19+s2], $0x80, $0x38;
	[tilespmem:$0x4080] =	vst v63  }
0x1fa: {  	s20 =	spop (v2sf)  }
0x1fb: {  	s19 =	sand.u32 $0x1FFFFFF0, s20  }
0x1fc: {  	s19 =	sadd.s32 s3, s19  }
0x1fd: {  	[tilespmem:s23], [sflag:$0x1] =	stream.linear.gather [hbm4b:s19+s2], $0x80, $0x38;
	[tilespmem:$0x4080] =	vst v63  }
0x1fe: {  	v63 =	vld [tilespmem:$0x70];
	_ =	sdelay $0x4  }
0x1ff: {  	v0 =	vshll.u32 v63, $0x4  }
0x200: {  	(v2sf) =	vpush v0, $0x0;
	_ =	sdelay $0x1  }
0x201: {  	(v2sf) =	vpush v0, $0x1;
	_ =	sdelay $0x2  }
0x202: {  	(v2sf) =	vpush v0, $0x2;
	_ =	sdelay $0x2  }
0x203: {  	(v2sf) =	vpush v0, $0x3;
	_ =	sdelay $0x6  }
0x204: {  	s20 =	spop (v2sf);
	(v2sf) =	vpush v0, $0x4;
	_ =	sdelay $0x1  }
0x205: {  	s19 =	sand.u32 $0x1FFFFFF0, s20;
	s20 =	spop (v2sf);
	(v2sf) =	vpush v0, $0x5  }
0x206: {  	s19 =	sadd.s32 s3, s19  }
0x207: {  	[tilespmem:s24], [sflag:$0x1] =	stream.linear.gather [hbm4b:s19+s2], $0x80, $0x38;
	[tilespmem:$0x4080] =	vst v63  }
0x208: {  	s19 =	sand.u32 $0x1FFFFFF0, s20;
	s20 =	spop (v2sf);
	(v2sf) =	vpush v0, $0x6  }
0x209: {  	s19 =	sadd.s32 s3, s19  }
0x20a: {  	[tilespmem:s25], [sflag:$0x1] =	stream.linear.gather [hbm4b:s19+s2], $0x80, $0x38;
	[tilespmem:$0x4080] =	vst v63  }
0x20b: {  	s19 =	sand.u32 $0x1FFFFFF0, s20;
	s20 =	spop (v2sf);
	(v2sf) =	vpush v0, $0x7;
	_ =	sdelay $0x3  }
0x20c: {  	s19 =	sadd.s32 s3, s19  }
0x20d: {  	[tilespmem:s26], [sflag:$0x1] =	stream.linear.gather [hbm4b:s19+s2], $0x80, $0x38;
	[tilespmem:$0x4080] =	vst v63  }
0x20e: {  	s19 =	sand.u32 $0x1FFFFFF0, s20  }
0x20f: {  	s19 =	sadd.s32 s3, s19;
	s20 =	spop (v2sf);
	(v2sf) =	vpush v0, $0x8  }
0x210: {  	[tilespmem:s28], [sflag:$0x1] =	stream.linear.gather [hbm4b:s19+s2], $0x80, $0x38;
	[tilespmem:$0x4080] =	vst v63  }
0x211: {  	s19 =	sand.u32 $0x1FFFFFF0, s20;
	s20 =	spop (v2sf);
	(v2sf) =	vpush v0, $0x9  }
0x212: {  	s19 =	sadd.s32 s3, s19  }
0x213: {  	[tilespmem:s29], [sflag:$0x1] =	stream.linear.gather [hbm4b:s19+s2], $0x80, $0x38;
	[tilespmem:$0x4080] =	vst v63  }
0x214: {  	s19 =	sand.u32 $0x1FFFFFF0, s20;
	s20 =	spop (v2sf);
	(v2sf) =	vpush v0, $0xA  }
0x215: {  	s19 =	sadd.s32 s3, s19  }
0x216: {  	[tilespmem:s30], [sflag:$0x1] =	stream.linear.gather [hbm4b:s19+s2], $0x80, $0x38;
	[tilespmem:$0x4080] =	vst v63  }
0x217: {  	s19 =	sand.u32 $0x1FFFFFF0, s20;
	s20 =	spop (v2sf);
	(v2sf) =	vpush v0, $0xB;
	_ =	sdelay $0x3  }
0x218: {  	s19 =	sadd.s32 s3, s19  }
0x219: {  	[tilespmem:s31], [sflag:$0x1] =	stream.linear.gather [hbm4b:s19+s2], $0x80, $0x38;
	[tilespmem:$0x4080] =	vst v63  }
0x21a: {  	s19 =	sand.u32 $0x1FFFFFF0, s20  }
0x21b: {  	s19 =	sadd.s32 s3, s19;
	s20 =	spop (v2sf);
	(v2sf) =	vpush v0, $0xC  }
0x21c: {  	[tilespmem:s0], [sflag:$0x1] =	stream.linear.gather [hbm4b:s19+s2], $0x80, $0x38;
	[tilespmem:$0x4080] =	vst v63  }
0x21d: {  	s19 =	sand.u32 $0x1FFFFFF0, s20;
	s20 =	spop (v2sf);
	(v2sf) =	vpush v0, $0xD  }
0x21e: {  	s19 =	sadd.s32 s3, s19  }
0x21f: {  	[tilespmem:s1], [sflag:$0x1] =	stream.linear.gather [hbm4b:s19+s2], $0x80, $0x38;
	[tilespmem:$0x4080] =	vst v63  }
0x220: {  	s19 =	sand.u32 $0x1FFFFFF0, s20;
	s20 =	spop (v2sf);
	(v2sf) =	vpush v0, $0xE  }
0x221: {  	s19 =	sadd.s32 s3, s19  }
0x222: {  	[tilespmem:s9], [sflag:$0x1] =	stream.linear.gather [hbm4b:s19+s2], $0x80, $0x38;
	[tilespmem:$0x4080] =	vst v63  }
0x223: {  	s19 =	sand.u32 $0x1FFFFFF0, s20;
	s20 =	spop (v2sf);
	(v2sf) =	vpush v0, $0xF;
	_ =	sdelay $0x1  }
0x224: {  	s19 =	sadd.s32 s3, s19  }
0x225: {  	[tilespmem:s10], [sflag:$0x1] =	stream.linear.gather [hbm4b:s19+s2], $0x80, $0x38;
	[tilespmem:$0x4080] =	vst v63  }
0x226: {  	s19 =	sand.u32 $0x1FFFFFF0, s20  }
0x227: {  	s19 =	sadd.s32 s3, s19  }
0x228: {  	[tilespmem:s11], [sflag:$0x1] =	stream.linear.gather [hbm4b:s19+s2], $0x80, $0x38;
	[tilespmem:$0x4080] =	vst v63  }
0x229: {  	s20 =	spop (v2sf)  }
0x22a: {  	s19 =	sand.u32 $0x1FFFFFF0, s20  }
0x22b: {  	s20 =	spop (v2sf);
	s19 =	sadd.s32 s3, s19  }
0x22c: {  	[tilespmem:s12], [sflag:$0x1] =	stream.linear.gather [hbm4b:s19+s2], $0x80, $0x38;
	[tilespmem:$0x4080] =	vst v63  }
0x22d: {  	s19 =	sand.u32 $0x1FFFFFF0, s20  }
0x22e: {  	s20 =	spop (v2sf);
	s19 =	sadd.s32 s3, s19  }
0x22f: {  	[tilespmem:s13], [sflag:$0x1] =	stream.linear.gather [hbm4b:s19+s2], $0x80, $0x38;
	[tilespmem:$0x4080] =	vst v63  }
0x230: {  	s19 =	sand.u32 $0x1FFFFFF0, s20  }
0x231: {  	s20 =	spop (v2sf);
	s19 =	sadd.s32 s3, s19  }
0x232: {  	[tilespmem:s14], [sflag:$0x1] =	stream.linear.gather [hbm4b:s19+s2], $0x80, $0x38;
	[tilespmem:$0x4080] =	vst v63  }
0x233: {  	s19 =	sand.u32 $0x1FFFFFF0, s20  }
0x234: {  	s19 =	sadd.s32 s3, s19  }
0x235: {  	[tilespmem:s15], [sflag:$0x1] =	stream.linear.gather [hbm4b:s19+s2], $0x80, $0x38;
	[tilespmem:$0x4080] =	vst v63  }
0x236: {  	_ =	swait.ge [sflag:s16], $0x80  }
0x237: {  	[sflag:s16] =	ssyncset.done $0x0  }
0x238: {  	[sflag:s16] =	ssyncadd.s32 $0xFFFFFF80  }
0x239: {  	_ =	swait.ge [sflag:s16], $0x80  }
0x23a: {  	[sflag:s16] =	ssyncset.done $0x0  }
0x23b: {  	[sflag:s16] =	ssyncadd.s32 $0xFFFFFF80  }
0x23c: {  	_ =	swait.ge [sflag:s16], $0x80  }
0x23d: {  	[sflag:s16] =	ssyncset.done $0x0  }
0x23e: {  	[sflag:s16] =	ssyncadd.s32 $0xFFFFFF80  }
0x23f: {  	_ =	swait.ge [sflag:s16], $0x80  }
0x240: {  	[sflag:s16] =	ssyncset.done $0x0  }
0x241: {  	[sflag:s16] =	ssyncadd.s32 $0xFFFFFF80  }
0x242: {  	_ =	swait.ge [sflag:s16], $0x80  }
0x243: {  	[sflag:s16] =	ssyncset.done $0x0  }
0x244: {  	[sflag:s16] =	ssyncadd.s32 $0xFFFFFF80  }
0x245: {  	_ =	swait.ge [sflag:s16], $0x80  }
0x246: {  	[sflag:s16] =	ssyncset.done $0x0  }
0x247: {  	[sflag:s16] =	ssyncadd.s32 $0xFFFFFF80  }
0x248: {  	_ =	swait.ge [sflag:s16], $0x80  }
0x249: {  	[sflag:s16] =	ssyncset.done $0x0  }
0x24a: {  	[sflag:s16] =	ssyncadd.s32 $0xFFFFFF80  }
0x24b: {  	_ =	swait.ge [sflag:s16], $0x80  }
0x24c: {  	s19 =	simm.s32 $0x0;
	[sflag:s16] =	ssyncset.done $0x0  }
.LBB2_2:
0x24d: {  	s19 =	sadd.s32 $0x8, s19;
	[sflag:s16] =	ssyncadd.s32 $0xFFFFFF80  }
0x24e: {  	_ =	swait.ge [sflag:s16], $0x80;
	p0 =	slt.u32 s19, $0x78  }
0x24f: {  	[sflag:s16] =	ssyncset.done $0x0  }
0x250: {  	[sflag:s16] =	ssyncadd.s32 $0xFFFFFF80  }
0x251: {  	_ =	swait.ge [sflag:s16], $0x80  }
0x252: {  	[sflag:s16] =	ssyncset.done $0x0  }
0x253: {  	[sflag:s16] =	ssyncadd.s32 $0xFFFFFF80  }
0x254: {  	_ =	swait.ge [sflag:s16], $0x80  }
0x255: {  	[sflag:s16] =	ssyncset.done $0x0  }
0x256: {  	[sflag:s16] =	ssyncadd.s32 $0xFFFFFF80  }
0x257: {  	_ =	swait.ge [sflag:s16], $0x80  }
0x258: {  	[sflag:s16] =	ssyncset.done $0x0  }
0x259: {  	[sflag:s16] =	ssyncadd.s32 $0xFFFFFF80  }
0x25a: {  	_ =	swait.ge [sflag:s16], $0x80  }
0x25b: {  	[sflag:s16] =	ssyncset.done $0x0  }
0x25c: {  	[sflag:s16] =	ssyncadd.s32 $0xFFFFFF80  }
0x25d: {  	_ =	swait.ge [sflag:s16], $0x80  }
0x25e: {  	[sflag:s16] =	ssyncset.done $0x0  }
0x25f: {  	[sflag:s16] =	ssyncadd.s32 $0xFFFFFF80  }
.Ltmp0:
0x260: {  	_ =	swait.ge [sflag:s16], $0x80;
	(pc) =	sbr.rel @p0 .LBB2_2-.Ltmp0, $4  }
0x261: {  	[sflag:s16] =	ssyncset.done $0x0  }
0x262: {  	[sflag:s16] =	ssyncadd.s32 $0xFFFFFF80  }
0x263: {  	_ =	swait.ge [sflag:s16], $0x80  }
0x264: {  	[sflag:s16] =	ssyncset.done $0x0  }
0x265: {  	s18 =	sadd.s32 $0x1, s18  }
0x266: {  	p0 =	sne.s32 s18, s6  }
.Ltmp1:
0x267: {  	[sflag:s16] =	ssyncadd.s32 $0xFFFFFF80;
	(pc) =	sbr.rel @p0 .LBB2_1-.Ltmp1, $4  }
0x268: {  	[hbm4b:s5+s2] =	stream.linear.scatter [tilespmem:s8], [sflag:$0x2], $0x4000, $0x38;
	[tilespmem:$0x4080] =	vst v63  }
0x269: {  	_ =	swait.ge [sflag:s17], $0x4000  }
0x26a: {  	[sflag:s17] =	ssyncset.done $0x0  }
0x26b: {  	[sflag:s17] =	ssyncadd.s32 $0xFFFFC000  }
0x26c: {  	_ =	sfence.sel $0x180000  }
0x26d: {  	[bflag:$0x0] =	sbarrier.arrive $0xFFFF  }
0x26e: {  	_ =	strace $0x90000047  }
0x26f: {  	s0 =	stileid.u32;
	[bflag:$0x2] =	sbarrier.arrive $0xFFFF  }
0x270: {  	p0 =	sne.s32 s0, $0x0;
	s0 =	rddreg [dreg:$0x2]  }
0x271: {  	s0 =	sadd.s32 @!p0 $0x100000, s0  }
0x272: {  	[sflag:s0] =	ssyncadd.tile.s32 @!p0 $0x1;
	_ =	shalt  }
.Lfunc_end2:
_tile_overlayer_lowered:
.L_overlay_start_2:
0x273: {  	(tag) =	ssettag $0x2  }
0x274: {  	s0 =	rddreg [dreg:$0x0];
	s2 =	stileid.u32  }
0x275: {  	s1 =	rddreg [dreg:$0x1];
	p0 =	sne.s32 s2, $0x0  }
0x276: {  	s3 =	rddreg [dreg:$0x2];
	[bflag:$0x3] =	sbarrier.arrive $0xFFFF;
	s2 =	simm.s32 @!p0 $0x1C03  }
0x277: {  	[timem:s3], [sflag:s2] =	dma.local @!p0 [hbm:s0], s1  }
0x278: {  	s0 =	simm.s32 @!p0 $0x3  }
0x279: {  	_ =	swait.ge @!p0 [sflag:s0], s1  }
0x27a: {  	s1 =	ssub.s32 @!p0 $0x0, s1;
	[sflag:s0] =	ssyncset.done @!p0 $0x0  }
0x27b: {  	[sflag:s0] =	ssyncadd.s32 @!p0 s1  }
0x27c: {  	[bflag:$0x3] =	sbarrier.arrive $0xFFFF  }
0x27d: {  	_ =	shalt  }

// kernel: kernel.8.cloned.1.call-start
scs
__scs_entry_jumppad:
0x0: {  	(pc) =	sbr.rel $0x88, $3  }
0x1: {  	(tag) =	ssettag $0x0;
	lr =	simm.s32 $0x1  }
0x2: {  	[smem:$0x3F9A] =	sst lr;
	_ =	strace $0xD0000000  }
0x3: {  	_ = 	snop  }
0x4: {  	_ = 	snop  }
0x5: {  	_ = 	snop  }
0x6: {  	_ = 	snop  }
0x7: {  	_ = 	snop  }
__scs_overlays_trampoline_lowered:
0x8: {  	[smem:$0x3FA9] =	sst s0  }
0x9: {  	[smem:$0x3FAA] =	sst s1  }
0xa: {  	[smem:$0x3FAB] =	sst s2  }
0xb: {  	[smem:$0x3FAC] =	sst s3  }
0xc: {  	[smem:$0x3FAD] =	sst s4  }
0xd: {  	[smem:$0x3FAE] =	sst s5  }
0xe: {  	[smem:$0x3FAF] =	sst s6  }
0xf: {  	[smem:$0x3FB0] =	sst s7  }
0x10: {  	[smem:$0x3FB1] =	sst s8  }
0x11: {  	[smem:$0x3FB2] =	sst s9;
	s0 =	simm.s32 @!p0 $0x0  }
0x12: {  	s1 =	sld [smem:$0x3F98];
	s0 =	simm.s32 @p0 $0x1  }
0x13: {  	[smem:$0x3FB3] =	sst s0;
	s0 =	simm.s32 @!p1 $0x0  }
0x14: {  	s2 =	sld [smem:$0x3F97];
	s0 =	simm.s32 @p1 $0x1  }
0x15: {  	[smem:$0x3FB4] =	sst s0;
	s0 =	simm.s32 @!p2 $0x0  }
0x16: {  	s3 =	sld [smem:$0x3FDB];
	s0 =	simm.s32 @p2 $0x1  }
0x17: {  	s4 =	simm.s32 $0x1BF5;
	[smem:$0x3FB6] =	sst s0  }
0x18: {  	s0 =	sld [smem:$0x3F99];
	_ =	swait.ge [sflag:s4], $0x0  }
0x19: {  	s7 =	sld [smem:$0x3F9A]  }
0x1a: {  	s8 =	sadd.s32 $0xFFFFE003, lr  }
0x1b: {  	s9 =	sadd.s32 $0xFFFFFEF7, lr;
	s5 =	simm.s32 $0xFFFFFFFF;
	p2 =	slt.u32 s8, $0xFFFFF086  }
0x1c: {  	p1 =	slt.u32 s9, $0xF7A;
	s5 =	simm.s32 @!p2 $0x0  }
0x1d: {  	s5 =	simm.s32 @p1 $0x1;
	p0 =	seq.s32 s7, s2  }
0x1e: {  	s7 =	smul.u32 @!p0 $0xF7A, s2;
	p2 =	seq.s32 @!p0 s5, $0x0  }
0x1f: {  	s9 =	smul.u32 $0xF7A, s1;
	s8 =	simm.s32 @!p0 $0x1BF5;
	p2 =	por !p2, p0  }
0x20: {  	[sflag:s8] =	ssyncset.s32 @!p0 $0xFFFFF086;
	s6 =	sadd.s32 @!p0 s3, s7;
	s7 =	simm.s32 @!p0 $0x108  }
0x21: {  	s3 =	sadd.s32 s3, s9;
	s6 =	sadd.s32 @!p0 $0x88, s6;
	s7 =	simm.s32 @p2 $0x1082  }
0x22: {  	[simem:s7], [sflag:s8] =	dma.local @!p0 [hbm:s6], $0xF7A  }
0x23: {  	s9 =	sor.u32 $0xD0000000, s2;
	s6 =	simm.s32 $0x108;
	_ =	swait.ge @!p0 [sflag:s8], $0x0  }
0x24: {  	s3 =	sadd.s32 $0x88, s3;
	s6 =	simm.s32 @!p1 $0x1082;
	[sflag:s4] =	ssyncset.s32 $0xFFFFF086  }
0x25: {  	[simem:s6], [sflag:s4] =	dma.local [hbm:s3], $0xF7A  }
0x26: {  	[smem:$0x3F9A] =	sst s1;
	(tag) =	ssettag s2;
	_ =	strace s9  }
0x27: {  	s1 =	sld [smem:$0x3FAA]  }
0x28: {  	s2 =	sld [smem:$0x3FAB]  }
0x29: {  	s4 =	sld [smem:$0x3FAD]  }
0x2a: {  	p0 =	seq.s32 s5, $0x0;
	s5 =	sld [smem:$0x3FAE]  }
0x2b: {  	s6 =	sld [smem:$0x3FAF]  }
0x2c: {  	s7 =	sld [smem:$0x3FB0]  }
0x2d: {  	s3 =	simm.s32 $0x108;
	s8 =	sld [smem:$0x3FB1]  }
0x2e: {  	s3 =	simm.s32 @!p0 $0x1082;
	s9 =	sld [smem:$0x3FB2]  }
0x2f: {  	lr =	sadd.s32 s0, s3;
	s0 =	sld [smem:$0x3FA9]  }
0x30: {  	s3 =	sld [smem:$0x3FAC]  }
0x31: {  	[smem:$0x3FB5] =	sst s10  }
0x32: {  	s10 =	sld [smem:$0x3FB3];
	_ =	sdelay $0x3  }
0x33: {  	p0 =	seq.s32 s10, $0x1;
	s10 =	sld [smem:$0x3FB5];
	_ =	sdelay $0x3  }
0x34: {  	[smem:$0x3FB5] =	sst s10  }
0x35: {  	s10 =	sld [smem:$0x3FB4];
	_ =	sdelay $0x3  }
0x36: {  	p1 =	seq.s32 s10, $0x1;
	s10 =	sld [smem:$0x3FB5];
	_ =	sdelay $0x3  }
0x37: {  	[smem:$0x3FB5] =	sst s10  }
0x38: {  	s10 =	sld [smem:$0x3FB6]  }
0x39: {  	_ = 	snop;
	(pc) =	sbr.ind lr, $3  }
0x3a: {  	_ = 	snop  }
0x3b: {  	_ = 	snop  }
0x3c: {  	p2 =	seq.s32 s10, $0x1;
	s10 =	sld [smem:$0x3FB5]  }
0x3d: {  	_ =	shalt  }
0x3e: {  	_ =	shalt  }
0x3f: {  	_ =	shalt  }
0x40: {  	_ =	shalt  }
0x41: {  	_ =	shalt  }
0x42: {  	_ =	shalt  }
0x43: {  	_ =	shalt  }
0x44: {  	_ =	shalt  }
0x45: {  	_ =	shalt  }
0x46: {  	_ =	shalt  }
0x47: {  	_ =	shalt  }
0x48: {  	_ =	shalt  }
0x49: {  	_ =	shalt  }
0x4a: {  	_ =	shalt  }
0x4b: {  	_ =	shalt  }
0x4c: {  	_ =	shalt  }
0x4d: {  	_ =	shalt  }
0x4e: {  	_ =	shalt  }
0x4f: {  	_ =	shalt  }
0x50: {  	_ =	shalt  }
0x51: {  	_ =	shalt  }
0x52: {  	_ =	shalt  }
0x53: {  	_ =	shalt  }
0x54: {  	_ =	shalt  }
0x55: {  	_ =	shalt  }
0x56: {  	_ =	shalt  }
0x57: {  	_ =	shalt  }
0x58: {  	_ =	shalt  }
0x59: {  	_ =	shalt  }
0x5a: {  	_ =	shalt  }
0x5b: {  	_ =	shalt  }
0x5c: {  	_ =	shalt  }
0x5d: {  	_ =	shalt  }
0x5e: {  	_ =	shalt  }
0x5f: {  	_ =	shalt  }
0x60: {  	_ =	shalt  }
0x61: {  	_ =	shalt  }
0x62: {  	_ =	shalt  }
0x63: {  	_ =	shalt  }
0x64: {  	_ =	shalt  }
0x65: {  	_ =	shalt  }
0x66: {  	_ =	shalt  }
0x67: {  	_ =	shalt  }
0x68: {  	_ =	shalt  }
0x69: {  	_ =	shalt  }
0x6a: {  	_ =	shalt  }
0x6b: {  	_ =	shalt  }
0x6c: {  	_ =	shalt  }
0x6d: {  	_ =	shalt  }
0x6e: {  	_ =	shalt  }
0x6f: {  	_ =	shalt  }
0x70: {  	_ =	shalt  }
0x71: {  	_ =	shalt  }
0x72: {  	_ =	shalt  }
0x73: {  	_ =	shalt  }
0x74: {  	_ =	shalt  }
0x75: {  	_ =	shalt  }
0x76: {  	_ =	shalt  }
0x77: {  	_ =	shalt  }
0x78: {  	_ =	shalt  }
0x79: {  	_ =	shalt  }
0x7a: {  	_ =	shalt  }
0x7b: {  	_ =	shalt  }
0x7c: {  	_ =	shalt  }
0x7d: {  	_ =	shalt  }
0x7e: {  	_ =	shalt  }
0x7f: {  	_ =	shalt  }
0x80: {  	_ =	shalt  }
0x81: {  	_ =	shalt  }
0x82: {  	_ =	shalt  }
0x83: {  	_ =	shalt  }
0x84: {  	_ =	shalt  }
0x85: {  	_ =	shalt  }
0x86: {  	_ =	shalt  }
0x87: {  	_ =	shalt  }
.Lfunc_end0:
.L_simem_size_0:
called_computation.1_lowered:
.L_overlay_start_0:
0x88: {  	s2 =	sld [smem:$0x3FD9]  }
0x89: {  	s3 =	sld [smem:$0x3FFE];
	_ =	sdelay $0x1  }
0x8a: {  	s1 =	srdreg.scid  }
0x8b: {  	s0 =	sand.u32 $0x1, s1  }
0x8c: {  	s17 =	sshll.u32 s0, $0xA;
	s2 =	sadd.s32 s3, s2  }
0x8d: {  	s2 =	sadd.s32 s2, s17  }
0x8e: {  	[smem:$0x3FC1] =	sst s2  }
0x8f: {  	_ = 	snop  }
0x90: {  	s18 =	sld [smem:$0x3FD0];
	(tm) =	ssettm $0x1  }
0x91: {  	s19 =	sld [smem:$0x3FFB];
	_ =	sdelay $0x3  }
0x92: {  	_ =	strace s19  }
0x93: {  	s2 =	sld [smem:$0x3FFC];
	_ =	sdelay $0x3  }
0x94: {  	_ =	strace s2  }
0x95: {  	s2 =	sld [smem:$0x3FFD];
	_ =	sdelay $0x3  }
0x96: {  	_ =	strace s2  }
0x97: {  	_ =	strace $0x8FFFFFFF  }
0x98: {  	s20 =	sld [smem:$0x3FDB];
	_ =	sdelay $0x1  }
0x99: {  	s4 =	simm.s32 $_scs_section_size  }
0x9a: {  	s5 =	simm.s32 $_size__tile_overlayer_lowered;
	s6 =	simm.s32 $_tile_overlayer_lowered  }
0x9b: {  	s7 =	simm.s32 $0x1BFF;
	s21 =	sshll.u32 s6, $0x1;
	s4 =	sadd.s32 s4, s20  }
0x9c: {  	s22 =	simm.s32 $0x0;
	s5 =	sshll.u32 s5, $0x1;
	s6 =	sadd.s32 s21, s4  }
0x9d: {  	[timem:s22], [sflag:s7] =	dma.local [hbm:s6], s5  }
0x9e: {  	_ =	swait.ge [sflag:s7], s5  }
0x9f: {  	s5 =	ssub.s32 $0x0, s5;
	[sflag:s7] =	ssyncset.done $0x0  }
0xa0: {  	[sflag:s7] =	ssyncadd.s32 s5;
	_ =	sdelay $0x1  }
0xa1: {  	s23 =	simm.s32 $0x1B8B  }
0xa2: {  	_ =	swait.ge [sflag:s23], $0x1  }
0xa3: {  	[sflag:s23] =	ssyncset.done $0x0  }
0xa4: {  	[sflag:s23] =	ssyncadd.s32 $0xFFFFFFFF  }
0xa5: {  	s5 =	sld [smem:$0x0]  }
0xa6: {  	s6 =	sand.u32 $0xFFFFFFFE, s1  }
0xa7: {  	p0 =	sne.s32 s1, s6  }
0xa8: {  	s6 =	sshll.u32 @p0 s6, $0xE  }
0xa9: {  	s6 =	sadd.s32 @p0 $0x11B8D, s6;
	s7 =	sshll.u32 @p0 s5, $0x11  }
0xaa: {  	s6 =	sor.u32 @p0 s7, s6  }
0xab: {  	[sflag:s6] =	ssyncadd.remote.s32 @p0 $0x1;
	_ =	sdelay $0x1  }
0xac: {  	s6 =	simm.s32 @p0 $0x1B8D  }
0xad: {  	_ =	swait.eq @p0 [sflag:s6], $0x1  }
0xae: {  	[sflag:s6] =	ssyncadd.s32 @p0 $0xFFFFFFFF  }
0xaf: {  	s7 =	sshll.u32 @!p0 s1, $0xE  }
0xb0: {  	s7 =	sor.u32 @!p0 $0x4000, s7;
	s6 =	simm.s32 @!p0 $0x1B8D  }
0xb1: {  	s5 =	sshll.u32 @!p0 s5, $0x11;
	s7 =	sadd.s32 @!p0 $0x11B8D, s7;
	_ =	swait.eq @!p0 [sflag:s6], $0x1  }
0xb2: {  	s5 =	sor.u32 @!p0 s5, s7;
	[sflag:s6] =	ssyncadd.s32 @!p0 $0xFFFFFFFF  }
0xb3: {  	s25 =	simm.s32 $0x1B8E;
	s24 =	sld [smem:$0x3FFE];
	[sflag:s5] =	ssyncadd.remote.s32 @!p0 $0x1  }
0xb4: {  	s26 =	simm.s32 $execute0_lowered;
	[smem:$0x3FD2] =	sst s25  }
0xb5: {  	s6 =	sshll.u32 s26, $0x1;
	_ =	strace $0x80000049;
	[dreg:$0x1] =	wrdreg $0xFFFFFFFF  }
0xb6: {  	s28 =	simm.s32 $_size_execute0_lowered;
	s4 =	sadd.s32 s4, s6;
	[dreg:$0x0] =	wrdreg $0x0  }
0xb7: {  	s6 =	sshll.u32 s28, $0x1;
	[dreg:$0x2] =	wrdreg s4  }
0xb8: {  	[dreg:$0x3] =	wrdreg s6  }
0xb9: {  	[dreg:$0x4] =	wrdreg $0xC0  }
0xba: {  	_ =	task [dreg:s22], $0x5FFFF  }
0xbb: {  	[dreg:$0x1] =	wrdreg $0xFFFFFFFF  }
0xbc: {  	[dreg:$0x0] =	wrdreg $0x60  }
0xbd: {  	[dreg:$0x2] =	wrdreg s24  }
0xbe: {  	[dreg:$0x3] =	wrdreg s18  }
0xbf: {  	[dreg:$0x4] =	wrdreg $0xA  }
0xc0: {  	_ =	task.clear_ibuf [dreg:s22], $0x5FFFF;
	_ =	strace $0x90000049  }
0xc1: {  	s29 =	simm.s32 $0xA;
	_ =	strace $0x8000004B  }
0xc2: {  	_ =	swait.ge [sflag:s29], $0x1  }
0xc3: {  	[sflag:s29] =	ssyncadd.s32 $0xFFFFFFFF  }
0xc4: {  	_ =	strace $0x9000004B  }
0xc5: {  	_ =	sfence  }
0xc6: {  	s30 =	sld [smem:$0x0];
	_ =	sdelay $0x2  }
0xc7: {  	s31 =	sshll.u32 s1, $0xD;
	s1 =	sshrl.u32 s1, $0x2  }
0xc8: {  	s4 =	sand.u32 $0x4000, s31;
	s1 =	sadd.s32 s1, s30  }
0xc9: {  	s0 =	sor.u32 s4, s0;
	s1 =	sshll.u32 s1, $0x11  }
0xca: {  	s0 =	sor.u32 s1, s0  }
0xcb: {  	s0 =	sadd.s32 $0x8F2B, s0  }
0xcc: {  	[sflag:s0] =	ssyncadd.remote.s32 $0x1  }
0xcd: {  	_ =	sfence.sel $0xFFFF  }
0xce: {  	[dreg:$0x0] =	wrdreg $0xFFFFFFFF;
	(pc) =	sbr.abs _section_cstart, $3  }
0xcf: {  	[dreg:$0x1] =	wrdreg $0xFFFFFFFF  }
0xd0: {  	_ =	task.clear_ibuf [dreg:s22], $0x2FFFF;
	_ =	strace $0x9FFFFFFF  }
0xd1: {  	(tm) =	ssettm $0x7FFFFFFF  }
tec
execute0_lowered:
.L_overlay_start_1:
0x0: {  	(tag) =	ssettag $0x1  }
0x1: {  	s0 =	rddreg [dreg:$0x0];
	s2 =	stileid.u32  }
0x2: {  	s3 =	rddreg [dreg:$0x1];
	s4 =	sshll.u32 s2, $0x1;
	s2 =	simm.s32 $0x0  }
0x3: {  	s8 =	simm.s32 $0x1800;
	[smem:$0x7FF] =	sst s2  }
0x4: {  	s9 =	simm.s32 $0x100;
	_ =	strace $0x8000004A;
	[dreg:$0x5] =	wrdreg s8  }
0x5: {  	s10 =	simm.s32 $0x2000;
	[dreg:$0x6] =	wrdreg s9  }
0x6: {  	s11 =	simm.s32 $0x180;
	[dreg:$0x7] =	wrdreg s10  }
0x7: {  	s12 =	simm.s32 $0x2800;
	[dreg:$0x8] =	wrdreg s11  }
0x8: {  	s13 =	simm.s32 $0x200;
	[dreg:$0x9] =	wrdreg s12  }
0x9: {  	s14 =	simm.s32 $0x3000;
	[dreg:$0xa] =	wrdreg s13  }
0xa: {  	s15 =	simm.s32 $0x280;
	[dreg:$0xb] =	wrdreg s14  }
0xb: {  	s16 =	simm.s32 $0x3800;
	[dreg:$0xc] =	wrdreg s15  }
0xc: {  	s17 =	simm.s32 $0x300;
	[dreg:$0xd] =	wrdreg s16  }
0xd: {  	s18 =	simm.s32 $0x4000;
	[dreg:$0xe] =	wrdreg s17  }
0xe: {  	s19 =	simm.s32 $0x380;
	[dreg:$0xf] =	wrdreg s18  }
0xf: {  	s20 =	simm.s32 $0x4800;
	[dreg:$0x10] =	wrdreg s19  }
0x10: {  	s21 =	simm.s32 $0x400;
	[dreg:$0x11] =	wrdreg s20  }
0x11: {  	s22 =	simm.s32 $0x5000;
	[dreg:$0x12] =	wrdreg s21  }
0x12: {  	s23 =	simm.s32 $0x480;
	[dreg:$0x13] =	wrdreg s22  }
0x13: {  	s24 =	simm.s32 $0x5800;
	[dreg:$0x14] =	wrdreg s23  }
0x14: {  	s25 =	simm.s32 $0x500;
	[dreg:$0x15] =	wrdreg s24  }
0x15: {  	s26 =	simm.s32 $0x6000;
	[dreg:$0x16] =	wrdreg s25  }
0x16: {  	s28 =	simm.s32 $0x580;
	[dreg:$0x17] =	wrdreg s26  }
0x17: {  	s6 =	simm.s32 $0x7000;
	[dreg:$0x18] =	wrdreg s28  }
0x18: {  	s7 =	simm.s32 $0x680;
	[dreg:$0x1b] =	wrdreg s6  }
0x19: {  	[dreg:$0x1c] =	wrdreg s7;
	s8 =	simm.s32 $0x7800  }
0x1a: {  	s9 =	simm.s32 $0x700;
	[dreg:$0x1d] =	wrdreg s8  }
0x1b: {  	s10 =	simm.s32 $0x8000;
	[dreg:$0x1e] =	wrdreg s9  }
0x1c: {  	s11 =	simm.s32 $0x780;
	[dreg:$0x1f] =	wrdreg s10  }
0x1d: {  	s12 =	simm.s32 $0x8800;
	[smem:$0x7F8] =	sst s11  }
0x1e: {  	s13 =	simm.s32 $0x800;
	[smem:$0x7F7] =	sst s12  }
0x1f: {  	s14 =	simm.s32 $0x9000;
	[smem:$0x7F9] =	sst s13  }
0x20: {  	s15 =	simm.s32 $0x880;
	[smem:$0x7F6] =	sst s14  }
0x21: {  	s16 =	simm.s32 $0x9800;
	[smem:$0x7FA] =	sst s15  }
0x22: {  	s17 =	simm.s32 $0x900;
	[smem:$0x7F5] =	sst s16  }
0x23: {  	s1 =	srdreg.scid;
	s18 =	simm.s32 $0xA000;
	[smem:$0x7FB] =	sst s17  }
0x24: {  	s1 =	sand.u32 $0x1, s1;
	s19 =	simm.s32 $0x980;
	[smem:$0x7F4] =	sst s18  }
0x25: {  	s4 =	sor.u32 s1, s4;
	s20 =	simm.s32 $0xA800;
	[smem:$0x7FC] =	sst s19  }
0x26: {  	s5 =	sshll.u32 s4, $0x9;
	s21 =	simm.s32 $0xA00;
	[smem:$0x7F3] =	sst s20  }
0x27: {  	s4 =	sshll.u32 s4, $0xD;
	s23 =	simm.s32 $0xB000;
	[smem:$0x7FD] =	sst s21  }
0x28: {  	s3 =	sadd.s32 s3, s4;
	[smem:$0x7F2] =	sst s23  }
0x29: {  	s5 =	sadd.s32 s5, s0;
	s4 =	simm.s32 $0x6800;
	[dreg:$0x4] =	wrdreg s3  }
0x2a: {  	s5 =	sadd.s32 $0x198200, s5;
	[dreg:$0x19] =	wrdreg s4  }
0x2b: {  	[dreg:$0x3] =	wrdreg s5;
	s5 =	simm.s32 $0x600  }
0x2c: {  	[dreg:$0x1a] =	wrdreg s5  }
0x2d: {  	s3 =	simm.s32 $0x3;
	s22 =	rddreg [dreg:$0x3]  }
0x2e: {  	[tilespmem:s2], [sflag:$0x3] =	stream.linear.gather [hbm4b:s22+s2], $0x1000, $0x38;
	[tilespmem:$0x11000] =	vst v63  }
0x2f: {  	_ =	swait.ge [sflag:s3], $0x1000  }
0x30: {  	s7 =	sld [smem:$0x7F2]  }
0x31: {  	s8 =	sld [smem:$0x7F3]  }
0x32: {  	s9 =	sld [smem:$0x7F4]  }
0x33: {  	s10 =	sld [smem:$0x7F5]  }
0x34: {  	s11 =	sld [smem:$0x7F6]  }
0x35: {  	s12 =	sld [smem:$0x7F7]  }
0x36: {  	s13 =	rddreg [dreg:$0x1f]  }
0x37: {  	s14 =	rddreg [dreg:$0x1d]  }
0x38: {  	s15 =	rddreg [dreg:$0x1b]  }
0x39: {  	s16 =	rddreg [dreg:$0x19]  }
0x3a: {  	s17 =	rddreg [dreg:$0x17]  }
0x3b: {  	s18 =	rddreg [dreg:$0x15]  }
0x3c: {  	s19 =	rddreg [dreg:$0x13]  }
0x3d: {  	s20 =	rddreg [dreg:$0x11]  }
0x3e: {  	s24 =	rddreg [dreg:$0x6]  }
0x3f: {  	s21 =	rddreg [dreg:$0x5]  }
0x40: {  	s22 =	rddreg [dreg:$0x7]  }
0x41: {  	s6 =	simm.s32 $0x80;
	s23 =	rddreg [dreg:$0x9]  }
0x42: {  	s4 =	simm.s32 $0x1000;
	[sflag:s3] =	ssyncset.done $0x0;
	s25 =	rddreg [dreg:$0x8]  }
0x43: {  	s5 =	sadd.s32 $0x19C200, s0;
	s26 =	rddreg [dreg:$0xb];
	[sflag:s3] =	ssyncadd.s32 $0xFFFFF000  }
0x44: {  	[tilespmem:s4], [sflag:$0x1] =	stream.indirect.gather [hbm4b:s5+s6], $0x10, s2, s6, $0xb8;
	[tilespmem:$0x11000] =	vst v63  }
0x45: {  	s28 =	rddreg [dreg:$0xa]  }
0x46: {  	[tilespmem:s21], [sflag:$0x1] =	stream.indirect.gather [hbm4b:s5+s6], $0x10, s6, s6, $0xb8;
	[tilespmem:$0x11000] =	vst v63  }
0x47: {  	s21 =	rddreg [dreg:$0x1e]  }
0x48: {  	[tilespmem:s22], [sflag:$0x1] =	stream.indirect.gather [hbm4b:s5+s6], $0x10, s24, s6, $0xb8;
	[tilespmem:$0x11000] =	vst v63  }
0x49: {  	s24 =	rddreg [dreg:$0xd]  }
0x4a: {  	[tilespmem:s23], [sflag:$0x1] =	stream.indirect.gather [hbm4b:s5+s6], $0x10, s25, s6, $0xb8;
	[tilespmem:$0x11000] =	vst v63  }
0x4b: {  	s25 =	rddreg [dreg:$0xc]  }
0x4c: {  	[tilespmem:s26], [sflag:$0x1] =	stream.indirect.gather [hbm4b:s5+s6], $0x10, s28, s6, $0xb8;
	[tilespmem:$0x11000] =	vst v63  }
0x4d: {  	s26 =	rddreg [dreg:$0xf]  }
0x4e: {  	[tilespmem:s24], [sflag:$0x1] =	stream.indirect.gather [hbm4b:s5+s6], $0x10, s25, s6, $0xb8;
	[tilespmem:$0x11000] =	vst v63  }
0x4f: {  	s28 =	rddreg [dreg:$0xe]  }
0x50: {  	[tilespmem:s26], [sflag:$0x1] =	stream.indirect.gather [hbm4b:s5+s6], $0x10, s28, s6, $0xb8;
	[tilespmem:$0x11000] =	vst v63  }
0x51: {  	s23 =	rddreg [dreg:$0x10]  }
0x52: {  	[tilespmem:s20], [sflag:$0x1] =	stream.indirect.gather [hbm4b:s5+s6], $0x10, s23, s6, $0xb8;
	[tilespmem:$0x11000] =	vst v63  }
0x53: {  	s24 =	rddreg [dreg:$0x12]  }
0x54: {  	[tilespmem:s19], [sflag:$0x1] =	stream.indirect.gather [hbm4b:s5+s6], $0x10, s24, s6, $0xb8;
	[tilespmem:$0x11000] =	vst v63  }
0x55: {  	s25 =	rddreg [dreg:$0x14]  }
0x56: {  	[tilespmem:s18], [sflag:$0x1] =	stream.indirect.gather [hbm4b:s5+s6], $0x10, s25, s6, $0xb8;
	[tilespmem:$0x11000] =	vst v63  }
0x57: {  	s26 =	rddreg [dreg:$0x16]  }
0x58: {  	[tilespmem:s17], [sflag:$0x1] =	stream.indirect.gather [hbm4b:s5+s6], $0x10, s26, s6, $0xb8;
	[tilespmem:$0x11000] =	vst v63  }
0x59: {  	s28 =	rddreg [dreg:$0x18]  }
0x5a: {  	[tilespmem:s16], [sflag:$0x1] =	stream.indirect.gather [hbm4b:s5+s6], $0x10, s28, s6, $0xb8;
	[tilespmem:$0x11000] =	vst v63  }
0x5b: {  	s19 =	rddreg [dreg:$0x1a]  }
0x5c: {  	[tilespmem:s15], [sflag:$0x1] =	stream.indirect.gather [hbm4b:s5+s6], $0x10, s19, s6, $0xb8;
	[tilespmem:$0x11000] =	vst v63  }
0x5d: {  	s20 =	rddreg [dreg:$0x1c]  }
0x5e: {  	[tilespmem:s14], [sflag:$0x1] =	stream.indirect.gather [hbm4b:s5+s6], $0x10, s20, s6, $0xb8;
	[tilespmem:$0x11000] =	vst v63  }
0x5f: {  	s22 =	sld [smem:$0x7F8]  }
0x60: {  	[tilespmem:s13], [sflag:$0x1] =	stream.indirect.gather [hbm4b:s5+s6], $0x10, s21, s6, $0xb8;
	[tilespmem:$0x11000] =	vst v63  }
0x61: {  	s23 =	sld [smem:$0x7F9]  }
0x62: {  	[tilespmem:s12], [sflag:$0x1] =	stream.indirect.gather [hbm4b:s5+s6], $0x10, s22, s6, $0xb8;
	[tilespmem:$0x11000] =	vst v63  }
0x63: {  	s24 =	sld [smem:$0x7FA]  }
0x64: {  	[tilespmem:s11], [sflag:$0x1] =	stream.indirect.gather [hbm4b:s5+s6], $0x10, s23, s6, $0xb8;
	[tilespmem:$0x11000] =	vst v63  }
0x65: {  	s25 =	sld [smem:$0x7FB]  }
0x66: {  	[tilespmem:s10], [sflag:$0x1] =	stream.indirect.gather [hbm4b:s5+s6], $0x10, s24, s6, $0xb8;
	[tilespmem:$0x11000] =	vst v63  }
0x67: {  	s26 =	sld [smem:$0x7FC]  }
0x68: {  	[tilespmem:s9], [sflag:$0x1] =	stream.indirect.gather [hbm4b:s5+s6], $0x10, s25, s6, $0xb8;
	[tilespmem:$0x11000] =	vst v63  }
0x69: {  	s28 =	sld [smem:$0x7FD]  }
0x6a: {  	[tilespmem:s8], [sflag:$0x1] =	stream.indirect.gather [hbm4b:s5+s6], $0x10, s26, s6, $0xb8;
	[tilespmem:$0x11000] =	vst v63  }
0x6b: {  	_ = 	snop  }
0x6c: {  	[tilespmem:s7], [sflag:$0x1] =	stream.indirect.gather [hbm4b:s5+s6], $0x10, s28, s6, $0xb8;
	[tilespmem:$0x11000] =	vst v63  }
0x6d: {  	s8 =	simm.s32 $0xB800;
	s7 =	simm.s32 $0xA80  }
0x6e: {  	[tilespmem:s8], [sflag:$0x1] =	stream.indirect.gather [hbm4b:s5+s6], $0x10, s7, s6, $0xb8;
	[tilespmem:$0x11000] =	vst v63  }
0x6f: {  	s10 =	simm.s32 $0xC000;
	s9 =	simm.s32 $0xB00  }
0x70: {  	[tilespmem:s10], [sflag:$0x1] =	stream.indirect.gather [hbm4b:s5+s6], $0x10, s9, s6, $0xb8;
	[tilespmem:$0x11000] =	vst v63  }
0x71: {  	s12 =	simm.s32 $0xC800;
	s11 =	simm.s32 $0xB80  }
0x72: {  	[tilespmem:s12], [sflag:$0x1] =	stream.indirect.gather [hbm4b:s5+s6], $0x10, s11, s6, $0xb8;
	[tilespmem:$0x11000] =	vst v63  }
0x73: {  	s14 =	simm.s32 $0xD000;
	s13 =	simm.s32 $0xC00  }
0x74: {  	[tilespmem:s14], [sflag:$0x1] =	stream.indirect.gather [hbm4b:s5+s6], $0x10, s13, s6, $0xb8;
	[tilespmem:$0x11000] =	vst v63  }
0x75: {  	s16 =	simm.s32 $0xD800;
	s15 =	simm.s32 $0xC80  }
0x76: {  	[tilespmem:s16], [sflag:$0x1] =	stream.indirect.gather [hbm4b:s5+s6], $0x10, s15, s6, $0xb8;
	[tilespmem:$0x11000] =	vst v63  }
0x77: {  	s18 =	simm.s32 $0xE000;
	s17 =	simm.s32 $0xD00  }
0x78: {  	[tilespmem:s18], [sflag:$0x1] =	stream.indirect.gather [hbm4b:s5+s6], $0x10, s17, s6, $0xb8;
	[tilespmem:$0x11000] =	vst v63  }
0x79: {  	s19 =	simm.s32 $0xD80;
	s20 =	simm.s32 $0xE800  }
0x7a: {  	[tilespmem:s20], [sflag:$0x1] =	stream.indirect.gather [hbm4b:s5+s6], $0x10, s19, s6, $0xb8;
	[tilespmem:$0x11000] =	vst v63  }
0x7b: {  	s21 =	simm.s32 $0xE00;
	s22 =	simm.s32 $0xF000  }
0x7c: {  	[tilespmem:s22], [sflag:$0x1] =	stream.indirect.gather [hbm4b:s5+s6], $0x10, s21, s6, $0xb8;
	[tilespmem:$0x11000] =	vst v63  }
0x7d: {  	s23 =	simm.s32 $0xE80;
	s24 =	simm.s32 $0xF800  }
0x7e: {  	[tilespmem:s24], [sflag:$0x1] =	stream.indirect.gather [hbm4b:s5+s6], $0x10, s23, s6, $0xb8;
	[tilespmem:$0x11000] =	vst v63  }
0x7f: {  	s25 =	simm.s32 $0xF00;
	s26 =	simm.s32 $0x10000  }
0x80: {  	[tilespmem:s26], [sflag:$0x1] =	stream.indirect.gather [hbm4b:s5+s6], $0x10, s25, s6, $0xb8;
	[tilespmem:$0x11000] =	vst v63  }
0x81: {  	s29 =	simm.s32 $0xF80;
	s30 =	simm.s32 $0x10800;
	s19 =	simm.s32 $0x1  }
0x82: {  	[tilespmem:s30], [sflag:$0x1] =	stream.indirect.gather [hbm4b:s5+s6], $0x10, s29, s6, $0xb8;
	[tilespmem:$0x11000] =	vst v63  }
0x83: {  	_ =	swait.ge [sflag:s19], $0x800  }
0x84: {  	[sflag:s19] =	ssyncset.done $0x0  }
0x85: {  	[sflag:s19] =	ssyncadd.s32 $0xFFFFF800  }
0x86: {  	_ =	swait.ge [sflag:s19], $0x800  }
0x87: {  	[sflag:s19] =	ssyncset.done $0x0  }
0x88: {  	[sflag:s19] =	ssyncadd.s32 $0xFFFFF800  }
0x89: {  	_ =	swait.ge [sflag:s19], $0x800  }
0x8a: {  	[sflag:s19] =	ssyncset.done $0x0  }
0x8b: {  	[sflag:s19] =	ssyncadd.s32 $0xFFFFF800  }
0x8c: {  	_ =	swait.ge [sflag:s19], $0x800  }
0x8d: {  	[sflag:s19] =	ssyncset.done $0x0  }
0x8e: {  	[sflag:s19] =	ssyncadd.s32 $0xFFFFF800  }
0x8f: {  	_ =	swait.ge [sflag:s19], $0x800  }
0x90: {  	[sflag:s19] =	ssyncset.done $0x0  }
0x91: {  	[sflag:s19] =	ssyncadd.s32 $0xFFFFF800  }
0x92: {  	_ =	swait.ge [sflag:s19], $0x800  }
0x93: {  	[sflag:s19] =	ssyncset.done $0x0  }
0x94: {  	[sflag:s19] =	ssyncadd.s32 $0xFFFFF800  }
0x95: {  	_ =	swait.ge [sflag:s19], $0x800  }
0x96: {  	[sflag:s19] =	ssyncset.done $0x0  }
0x97: {  	[sflag:s19] =	ssyncadd.s32 $0xFFFFF800  }
0x98: {  	_ =	swait.ge [sflag:s19], $0x800  }
0x99: {  	[sflag:s19] =	ssyncset.done $0x0  }
0x9a: {  	[sflag:s19] =	ssyncadd.s32 $0xFFFFF800  }
0x9b: {  	_ =	swait.ge [sflag:s19], $0x800  }
0x9c: {  	[sflag:s19] =	ssyncset.done $0x0  }
0x9d: {  	[sflag:s19] =	ssyncadd.s32 $0xFFFFF800  }
0x9e: {  	_ =	swait.ge [sflag:s19], $0x800  }
0x9f: {  	[sflag:s19] =	ssyncset.done $0x0  }
0xa0: {  	[sflag:s19] =	ssyncadd.s32 $0xFFFFF800  }
0xa1: {  	_ =	swait.ge [sflag:s19], $0x800  }
0xa2: {  	[sflag:s19] =	ssyncset.done $0x0  }
0xa3: {  	[sflag:s19] =	ssyncadd.s32 $0xFFFFF800  }
0xa4: {  	_ =	swait.ge [sflag:s19], $0x800  }
0xa5: {  	[sflag:s19] =	ssyncset.done $0x0  }
0xa6: {  	[sflag:s19] =	ssyncadd.s32 $0xFFFFF800  }
0xa7: {  	_ =	swait.ge [sflag:s19], $0x800  }
0xa8: {  	[sflag:s19] =	ssyncset.done $0x0  }
0xa9: {  	[sflag:s19] =	ssyncadd.s32 $0xFFFFF800  }
0xaa: {  	_ =	swait.ge [sflag:s19], $0x800  }
0xab: {  	[sflag:s19] =	ssyncset.done $0x0  }
0xac: {  	[sflag:s19] =	ssyncadd.s32 $0xFFFFF800  }
0xad: {  	_ =	swait.ge [sflag:s19], $0x800  }
0xae: {  	[sflag:s19] =	ssyncset.done $0x0  }
0xaf: {  	[sflag:s19] =	ssyncadd.s32 $0xFFFFF800  }
0xb0: {  	_ =	swait.ge [sflag:s19], $0x800  }
0xb1: {  	[sflag:s19] =	ssyncset.done $0x0  }
0xb2: {  	[sflag:s19] =	ssyncadd.s32 $0xFFFFF800  }
0xb3: {  	_ =	swait.ge [sflag:s19], $0x800  }
0xb4: {  	[sflag:s19] =	ssyncset.done $0x0  }
0xb5: {  	[sflag:s19] =	ssyncadd.s32 $0xFFFFF800  }
0xb6: {  	_ =	swait.ge [sflag:s19], $0x800  }
0xb7: {  	[sflag:s19] =	ssyncset.done $0x0  }
0xb8: {  	[sflag:s19] =	ssyncadd.s32 $0xFFFFF800  }
0xb9: {  	_ =	swait.ge [sflag:s19], $0x800  }
0xba: {  	[sflag:s19] =	ssyncset.done $0x0  }
0xbb: {  	[sflag:s19] =	ssyncadd.s32 $0xFFFFF800  }
0xbc: {  	_ =	swait.ge [sflag:s19], $0x800  }
0xbd: {  	[sflag:s19] =	ssyncset.done $0x0  }
0xbe: {  	[sflag:s19] =	ssyncadd.s32 $0xFFFFF800  }
0xbf: {  	_ =	swait.ge [sflag:s19], $0x800  }
0xc0: {  	[sflag:s19] =	ssyncset.done $0x0  }
0xc1: {  	[sflag:s19] =	ssyncadd.s32 $0xFFFFF800  }
0xc2: {  	_ =	swait.ge [sflag:s19], $0x800  }
0xc3: {  	[sflag:s19] =	ssyncset.done $0x0  }
0xc4: {  	[sflag:s19] =	ssyncadd.s32 $0xFFFFF800  }
0xc5: {  	_ =	swait.ge [sflag:s19], $0x800  }
0xc6: {  	[sflag:s19] =	ssyncset.done $0x0  }
0xc7: {  	[sflag:s19] =	ssyncadd.s32 $0xFFFFF800  }
0xc8: {  	_ =	swait.ge [sflag:s19], $0x800  }
0xc9: {  	[sflag:s19] =	ssyncset.done $0x0  }
0xca: {  	[sflag:s19] =	ssyncadd.s32 $0xFFFFF800  }
0xcb: {  	s28 =	ssub.s32 $0x2, s1;
	_ =	swait.ge [sflag:s19], $0x800  }
0xcc: {  	s1 =	sshrl.u32 s28, $0x1;
	[sflag:s19] =	ssyncset.done $0x0  }
0xcd: {  	s0 =	ssub.s32 s28, s1;
	[sflag:s19] =	ssyncadd.s32 $0xFFFFF800  }
0xce: {  	s0 =	smax.u32 s0, $0x1;
	_ =	swait.ge [sflag:s19], $0x800  }
0xcf: {  	p0 =	sne.s32 s0, $0x1;
	[sflag:s19] =	ssyncset.done $0x0  }
.Ltmp0:
0xd0: {  	[sflag:s19] =	ssyncadd.s32 $0xFFFFF800;
	(pc) =	sbr.rel @!p0 .LBB2_2-.Ltmp0, $4  }
0xd1: {  	_ =	swait.ge [sflag:s19], $0x800  }
0xd2: {  	[sflag:s19] =	ssyncset.done $0x0  }
0xd3: {  	[sflag:s19] =	ssyncadd.s32 $0xFFFFF800  }
0xd4: {  	s31 =	simm.s32 $0x2;
	s1 =	sadd.s32 $0xFFFFFFFF, s0;
	_ =	swait.ge [sflag:s19], $0x800  }
.LBB2_1:
0xd5: {  	[sflag:s19] =	ssyncset.done $0x0  }
0xd6: {  	[sflag:s19] =	ssyncadd.s32 $0xFFFFF800  }
0xd7: {  	_ =	swait.ge [sflag:s19], $0x800  }
0xd8: {  	[sflag:s19] =	ssyncset.done $0x0  }
0xd9: {  	[sflag:s19] =	ssyncadd.s32 $0xFFFFF800  }
0xda: {  	_ =	swait.ge [sflag:s19], $0x800  }
0xdb: {  	[sflag:s19] =	ssyncset.done $0x0  }
0xdc: {  	[sflag:s19] =	ssyncadd.s32 $0xFFFFF800  }
0xdd: {  	_ =	swait.ge [sflag:s19], $0x800  }
0xde: {  	[sflag:s19] =	ssyncset.done $0x0  }
0xdf: {  	[sflag:s19] =	ssyncadd.s32 $0xFFFFF800  }
0xe0: {  	_ =	swait.ge [sflag:s19], $0x800  }
0xe1: {  	[sflag:s19] =	ssyncset.done $0x0  }
0xe2: {  	s0 =	rddreg [dreg:$0x4];
	[sflag:s19] =	ssyncadd.s32 $0xFFFFF800  }
0xe3: {  	[hbm4b:s0+s2] =	stream.linear.scatter [tilespmem:s4], [sflag:$0x2], $0x10000, $0x38;
	[tilespmem:$0x11000] =	vst v63  }
0xe4: {  	_ =	swait.ge [sflag:s31], $0x10000  }
0xe5: {  	[sflag:s31] =	ssyncset.done $0x0  }
0xe6: {  	s25 =	rddreg [dreg:$0x3];
	[sflag:s31] =	ssyncadd.s32 $0xFFFF0000  }
0xe7: {  	[tilespmem:s2], [sflag:$0x3] =	stream.linear.gather [hbm4b:s25+s2], $0x1000, $0x38;
	[tilespmem:$0x11000] =	vst v63  }
0xe8: {  	_ =	swait.ge [sflag:s3], $0x1000  }
0xe9: {  	s0 =	sld [smem:$0x7F2]  }
0xea: {  	s7 =	sld [smem:$0x7F3]  }
0xeb: {  	s8 =	sld [smem:$0x7F4]  }
0xec: {  	s9 =	sld [smem:$0x7F5]  }
0xed: {  	s10 =	sld [smem:$0x7F6]  }
0xee: {  	s11 =	sld [smem:$0x7F7]  }
0xef: {  	s12 =	rddreg [dreg:$0x1f]  }
0xf0: {  	s13 =	rddreg [dreg:$0x1d]  }
0xf1: {  	s14 =	rddreg [dreg:$0x1b]  }
0xf2: {  	s15 =	rddreg [dreg:$0x19]  }
0xf3: {  	s16 =	rddreg [dreg:$0x17]  }
0xf4: {  	s17 =	rddreg [dreg:$0x15]  }
0xf5: {  	s18 =	rddreg [dreg:$0x13]  }
0xf6: {  	s20 =	rddreg [dreg:$0x11]  }
0xf7: {  	s21 =	rddreg [dreg:$0xf]  }
0xf8: {  	s22 =	rddreg [dreg:$0xd]  }
0xf9: {  	s23 =	rddreg [dreg:$0xb]  }
0xfa: {  	s24 =	rddreg [dreg:$0x6]  }
0xfb: {  	[sflag:s3] =	ssyncset.done $0x0;
	s25 =	rddreg [dreg:$0x5]  }
0xfc: {  	s26 =	rddreg [dreg:$0x7];
	[sflag:s3] =	ssyncadd.s32 $0xFFFFF000  }
0xfd: {  	[tilespmem:s4], [sflag:$0x1] =	stream.indirect.gather [hbm4b:s5+s6], $0x10, s2, s6, $0xb8;
	[tilespmem:$0x11000] =	vst v63  }
0xfe: {  	s28 =	rddreg [dreg:$0x9]  }
0xff: {  	[tilespmem:s25], [sflag:$0x1] =	stream.indirect.gather [hbm4b:s5+s6], $0x10, s6, s6, $0xb8;
	[tilespmem:$0x11000] =	vst v63  }
0x100: {  	s25 =	rddreg [dreg:$0x8]  }
0x101: {  	[tilespmem:s26], [sflag:$0x1] =	stream.indirect.gather [hbm4b:s5+s6], $0x10, s24, s6, $0xb8;
	[tilespmem:$0x11000] =	vst v63  }
0x102: {  	s26 =	rddreg [dreg:$0xa]  }
0x103: {  	[tilespmem:s28], [sflag:$0x1] =	stream.indirect.gather [hbm4b:s5+s6], $0x10, s25, s6, $0xb8;
	[tilespmem:$0x11000] =	vst v63  }
0x104: {  	s24 =	rddreg [dreg:$0x12]  }
0x105: {  	[tilespmem:s23], [sflag:$0x1] =	stream.indirect.gather [hbm4b:s5+s6], $0x10, s26, s6, $0xb8;
	[tilespmem:$0x11000] =	vst v63  }
0x106: {  	s28 =	rddreg [dreg:$0xc]  }
0x107: {  	[tilespmem:s22], [sflag:$0x1] =	stream.indirect.gather [hbm4b:s5+s6], $0x10, s28, s6, $0xb8;
	[tilespmem:$0x11000] =	vst v63  }
0x108: {  	s26 =	rddreg [dreg:$0xe]  }
0x109: {  	[tilespmem:s21], [sflag:$0x1] =	stream.indirect.gather [hbm4b:s5+s6], $0x10, s26, s6, $0xb8;
	[tilespmem:$0x11000] =	vst v63  }
0x10a: {  	s28 =	rddreg [dreg:$0x10]  }
0x10b: {  	[tilespmem:s20], [sflag:$0x1] =	stream.indirect.gather [hbm4b:s5+s6], $0x10, s28, s6, $0xb8;
	[tilespmem:$0x11000] =	vst v63  }
0x10c: {  	s25 =	rddreg [dreg:$0x14]  }
0x10d: {  	[tilespmem:s18], [sflag:$0x1] =	stream.indirect.gather [hbm4b:s5+s6], $0x10, s24, s6, $0xb8;
	[tilespmem:$0x11000] =	vst v63  }
0x10e: {  	s22 =	sld [smem:$0x7F8]  }
0x10f: {  	[tilespmem:s17], [sflag:$0x1] =	stream.indirect.gather [hbm4b:s5+s6], $0x10, s25, s6, $0xb8;
	[tilespmem:$0x11000] =	vst v63  }
0x110: {  	s26 =	rddreg [dreg:$0x16]  }
0x111: {  	[tilespmem:s16], [sflag:$0x1] =	stream.indirect.gather [hbm4b:s5+s6], $0x10, s26, s6, $0xb8;
	[tilespmem:$0x11000] =	vst v63  }
0x112: {  	s28 =	rddreg [dreg:$0x18]  }
0x113: {  	[tilespmem:s15], [sflag:$0x1] =	stream.indirect.gather [hbm4b:s5+s6], $0x10, s28, s6, $0xb8;
	[tilespmem:$0x11000] =	vst v63  }
0x114: {  	s18 =	rddreg [dreg:$0x1a]  }
0x115: {  	[tilespmem:s14], [sflag:$0x1] =	stream.indirect.gather [hbm4b:s5+s6], $0x10, s18, s6, $0xb8;
	[tilespmem:$0x11000] =	vst v63  }
0x116: {  	s20 =	rddreg [dreg:$0x1c]  }
0x117: {  	[tilespmem:s13], [sflag:$0x1] =	stream.indirect.gather [hbm4b:s5+s6], $0x10, s20, s6, $0xb8;
	[tilespmem:$0x11000] =	vst v63  }
0x118: {  	s21 =	rddreg [dreg:$0x1e]  }
0x119: {  	[tilespmem:s12], [sflag:$0x1] =	stream.indirect.gather [hbm4b:s5+s6], $0x10, s21, s6, $0xb8;
	[tilespmem:$0x11000] =	vst v63  }
0x11a: {  	s23 =	sld [smem:$0x7F9]  }
0x11b: {  	[tilespmem:s11], [sflag:$0x1] =	stream.indirect.gather [hbm4b:s5+s6], $0x10, s22, s6, $0xb8;
	[tilespmem:$0x11000] =	vst v63  }
0x11c: {  	s24 =	sld [smem:$0x7FA]  }
0x11d: {  	[tilespmem:s10], [sflag:$0x1] =	stream.indirect.gather [hbm4b:s5+s6], $0x10, s23, s6, $0xb8;
	[tilespmem:$0x11000] =	vst v63  }
0x11e: {  	s25 =	sld [smem:$0x7FB]  }
0x11f: {  	[tilespmem:s9], [sflag:$0x1] =	stream.indirect.gather [hbm4b:s5+s6], $0x10, s24, s6, $0xb8;
	[tilespmem:$0x11000] =	vst v63  }
0x120: {  	s26 =	sld [smem:$0x7FC]  }
0x121: {  	[tilespmem:s8], [sflag:$0x1] =	stream.indirect.gather [hbm4b:s5+s6], $0x10, s25, s6, $0xb8;
	[tilespmem:$0x11000] =	vst v63  }
0x122: {  	s28 =	sld [smem:$0x7FD]  }
0x123: {  	[tilespmem:s7], [sflag:$0x1] =	stream.indirect.gather [hbm4b:s5+s6], $0x10, s26, s6, $0xb8;
	[tilespmem:$0x11000] =	vst v63  }
0x124: {  	_ = 	snop  }
0x125: {  	[tilespmem:s0], [sflag:$0x1] =	stream.indirect.gather [hbm4b:s5+s6], $0x10, s28, s6, $0xb8;
	[tilespmem:$0x11000] =	vst v63  }
0x126: {  	s8 =	simm.s32 $0xB800;
	s7 =	simm.s32 $0xA80  }
0x127: {  	[tilespmem:s8], [sflag:$0x1] =	stream.indirect.gather [hbm4b:s5+s6], $0x10, s7, s6, $0xb8;
	[tilespmem:$0x11000] =	vst v63  }
0x128: {  	s10 =	simm.s32 $0xC000;
	s9 =	simm.s32 $0xB00  }
0x129: {  	[tilespmem:s10], [sflag:$0x1] =	stream.indirect.gather [hbm4b:s5+s6], $0x10, s9, s6, $0xb8;
	[tilespmem:$0x11000] =	vst v63  }
0x12a: {  	s12 =	simm.s32 $0xC800;
	s11 =	simm.s32 $0xB80  }
0x12b: {  	[tilespmem:s12], [sflag:$0x1] =	stream.indirect.gather [hbm4b:s5+s6], $0x10, s11, s6, $0xb8;
	[tilespmem:$0x11000] =	vst v63  }
0x12c: {  	s14 =	simm.s32 $0xD000;
	s13 =	simm.s32 $0xC00  }
0x12d: {  	[tilespmem:s14], [sflag:$0x1] =	stream.indirect.gather [hbm4b:s5+s6], $0x10, s13, s6, $0xb8;
	[tilespmem:$0x11000] =	vst v63  }
0x12e: {  	s16 =	simm.s32 $0xD800;
	s15 =	simm.s32 $0xC80  }
0x12f: {  	[tilespmem:s16], [sflag:$0x1] =	stream.indirect.gather [hbm4b:s5+s6], $0x10, s15, s6, $0xb8;
	[tilespmem:$0x11000] =	vst v63  }
0x130: {  	s17 =	simm.s32 $0xD00;
	s18 =	simm.s32 $0xE000  }
0x131: {  	[tilespmem:s18], [sflag:$0x1] =	stream.indirect.gather [hbm4b:s5+s6], $0x10, s17, s6, $0xb8;
	[tilespmem:$0x11000] =	vst v63  }
0x132: {  	s20 =	simm.s32 $0xD80;
	s21 =	simm.s32 $0xE800  }
0x133: {  	[tilespmem:s21], [sflag:$0x1] =	stream.indirect.gather [hbm4b:s5+s6], $0x10, s20, s6, $0xb8;
	[tilespmem:$0x11000] =	vst v63  }
0x134: {  	s22 =	simm.s32 $0xE00;
	s23 =	simm.s32 $0xF000  }
0x135: {  	[tilespmem:s23], [sflag:$0x1] =	stream.indirect.gather [hbm4b:s5+s6], $0x10, s22, s6, $0xb8;
	[tilespmem:$0x11000] =	vst v63  }
0x136: {  	s24 =	simm.s32 $0xE80;
	s25 =	simm.s32 $0xF800  }
0x137: {  	[tilespmem:s25], [sflag:$0x1] =	stream.indirect.gather [hbm4b:s5+s6], $0x10, s24, s6, $0xb8;
	[tilespmem:$0x11000] =	vst v63  }
0x138: {  	s26 =	simm.s32 $0xF00;
	s28 =	simm.s32 $0x10000  }
0x139: {  	[tilespmem:s28], [sflag:$0x1] =	stream.indirect.gather [hbm4b:s5+s6], $0x10, s26, s6, $0xb8;
	[tilespmem:$0x11000] =	vst v63  }
0x13a: {  	_ = 	snop  }
0x13b: {  	[tilespmem:s30], [sflag:$0x1] =	stream.indirect.gather [hbm4b:s5+s6], $0x10, s29, s6, $0xb8;
	[tilespmem:$0x11000] =	vst v63  }
0x13c: {  	_ =	swait.ge [sflag:s19], $0x800  }
0x13d: {  	[sflag:s19] =	ssyncset.done $0x0  }
0x13e: {  	[sflag:s19] =	ssyncadd.s32 $0xFFFFF800  }
0x13f: {  	_ =	swait.ge [sflag:s19], $0x800  }
0x140: {  	[sflag:s19] =	ssyncset.done $0x0  }
0x141: {  	[sflag:s19] =	ssyncadd.s32 $0xFFFFF800  }
0x142: {  	_ =	swait.ge [sflag:s19], $0x800  }
0x143: {  	[sflag:s19] =	ssyncset.done $0x0  }
0x144: {  	[sflag:s19] =	ssyncadd.s32 $0xFFFFF800  }
0x145: {  	_ =	swait.ge [sflag:s19], $0x800  }
0x146: {  	[sflag:s19] =	ssyncset.done $0x0  }
0x147: {  	[sflag:s19] =	ssyncadd.s32 $0xFFFFF800  }
0x148: {  	_ =	swait.ge [sflag:s19], $0x800  }
0x149: {  	[sflag:s19] =	ssyncset.done $0x0  }
0x14a: {  	[sflag:s19] =	ssyncadd.s32 $0xFFFFF800  }
0x14b: {  	_ =	swait.ge [sflag:s19], $0x800  }
0x14c: {  	[sflag:s19] =	ssyncset.done $0x0  }
0x14d: {  	[sflag:s19] =	ssyncadd.s32 $0xFFFFF800  }
0x14e: {  	_ =	swait.ge [sflag:s19], $0x800  }
0x14f: {  	[sflag:s19] =	ssyncset.done $0x0  }
0x150: {  	[sflag:s19] =	ssyncadd.s32 $0xFFFFF800  }
0x151: {  	_ =	swait.ge [sflag:s19], $0x800  }
0x152: {  	[sflag:s19] =	ssyncset.done $0x0  }
0x153: {  	[sflag:s19] =	ssyncadd.s32 $0xFFFFF800  }
0x154: {  	_ =	swait.ge [sflag:s19], $0x800  }
0x155: {  	[sflag:s19] =	ssyncset.done $0x0  }
0x156: {  	[sflag:s19] =	ssyncadd.s32 $0xFFFFF800  }
0x157: {  	_ =	swait.ge [sflag:s19], $0x800  }
0x158: {  	[sflag:s19] =	ssyncset.done $0x0  }
0x159: {  	[sflag:s19] =	ssyncadd.s32 $0xFFFFF800  }
0x15a: {  	_ =	swait.ge [sflag:s19], $0x800  }
0x15b: {  	[sflag:s19] =	ssyncset.done $0x0  }
0x15c: {  	[sflag:s19] =	ssyncadd.s32 $0xFFFFF800  }
0x15d: {  	_ =	swait.ge [sflag:s19], $0x800  }
0x15e: {  	[sflag:s19] =	ssyncset.done $0x0  }
0x15f: {  	[sflag:s19] =	ssyncadd.s32 $0xFFFFF800  }
0x160: {  	_ =	swait.ge [sflag:s19], $0x800  }
0x161: {  	[sflag:s19] =	ssyncset.done $0x0  }
0x162: {  	[sflag:s19] =	ssyncadd.s32 $0xFFFFF800  }
0x163: {  	_ =	swait.ge [sflag:s19], $0x800  }
0x164: {  	[sflag:s19] =	ssyncset.done $0x0  }
0x165: {  	[sflag:s19] =	ssyncadd.s32 $0xFFFFF800  }
0x166: {  	_ =	swait.ge [sflag:s19], $0x800  }
0x167: {  	[sflag:s19] =	ssyncset.done $0x0  }
0x168: {  	[sflag:s19] =	ssyncadd.s32 $0xFFFFF800  }
0x169: {  	_ =	swait.ge [sflag:s19], $0x800  }
0x16a: {  	[sflag:s19] =	ssyncset.done $0x0  }
0x16b: {  	[sflag:s19] =	ssyncadd.s32 $0xFFFFF800  }
0x16c: {  	_ =	swait.ge [sflag:s19], $0x800  }
0x16d: {  	[sflag:s19] =	ssyncset.done $0x0  }
0x16e: {  	[sflag:s19] =	ssyncadd.s32 $0xFFFFF800  }
0x16f: {  	_ =	swait.ge [sflag:s19], $0x800  }
0x170: {  	[sflag:s19] =	ssyncset.done $0x0  }
0x171: {  	[sflag:s19] =	ssyncadd.s32 $0xFFFFF800  }
0x172: {  	_ =	swait.ge [sflag:s19], $0x800  }
0x173: {  	[sflag:s19] =	ssyncset.done $0x0  }
0x174: {  	[sflag:s19] =	ssyncadd.s32 $0xFFFFF800  }
0x175: {  	_ =	swait.ge [sflag:s19], $0x800  }
0x176: {  	[sflag:s19] =	ssyncset.done $0x0  }
0x177: {  	[sflag:s19] =	ssyncadd.s32 $0xFFFFF800  }
0x178: {  	_ =	swait.ge [sflag:s19], $0x800  }
0x179: {  	[sflag:s19] =	ssyncset.done $0x0  }
0x17a: {  	[sflag:s19] =	ssyncadd.s32 $0xFFFFF800  }
0x17b: {  	_ =	swait.ge [sflag:s19], $0x800  }
0x17c: {  	[sflag:s19] =	ssyncset.done $0x0  }
0x17d: {  	[sflag:s19] =	ssyncadd.s32 $0xFFFFF800  }
0x17e: {  	_ =	swait.ge [sflag:s19], $0x800  }
0x17f: {  	[sflag:s19] =	ssyncset.done $0x0  }
0x180: {  	[sflag:s19] =	ssyncadd.s32 $0xFFFFF800  }
0x181: {  	_ =	swait.ge [sflag:s19], $0x800  }
0x182: {  	[sflag:s19] =	ssyncset.done $0x0  }
0x183: {  	[sflag:s19] =	ssyncadd.s32 $0xFFFFF800  }
0x184: {  	_ =	swait.ge [sflag:s19], $0x800  }
0x185: {  	[sflag:s19] =	ssyncset.done $0x0  }
0x186: {  	[sflag:s19] =	ssyncadd.s32 $0xFFFFF800  }
0x187: {  	_ =	swait.ge [sflag:s19], $0x800  }
0x188: {  	p0 =	sne.s32 s1, $0x1;
	[sflag:s19] =	ssyncset.done $0x0  }
.Ltmp1:
0x189: {  	[sflag:s19] =	ssyncadd.s32 $0xFFFFF800;
	(pc) =	sbr.rel @p0 .LBB2_1-.Ltmp1, $4  }
0x18a: {  	_ =	swait.ge [sflag:s19], $0x800  }
0x18b: {  	[sflag:s19] =	ssyncset.done $0x0  }
0x18c: {  	[sflag:s19] =	ssyncadd.s32 $0xFFFFF800  }
0x18d: {  	s1 =	sadd.s32 $0xFFFFFFFF, s1;
	_ =	swait.ge [sflag:s19], $0x800  }
.LBB2_2:
0x18e: {  	[sflag:s19] =	ssyncset.done $0x0  }
0x18f: {  	[sflag:s19] =	ssyncadd.s32 $0xFFFFF800  }
0x190: {  	_ =	swait.ge [sflag:s19], $0x800  }
0x191: {  	[sflag:s19] =	ssyncset.done $0x0  }
0x192: {  	[sflag:s19] =	ssyncadd.s32 $0xFFFFF800  }
0x193: {  	_ =	swait.ge [sflag:s19], $0x800  }
0x194: {  	[sflag:s19] =	ssyncset.done $0x0  }
0x195: {  	[sflag:s19] =	ssyncadd.s32 $0xFFFFF800  }
0x196: {  	_ =	swait.ge [sflag:s19], $0x800  }
0x197: {  	[sflag:s19] =	ssyncset.done $0x0  }
0x198: {  	[sflag:s19] =	ssyncadd.s32 $0xFFFFF800  }
0x199: {  	_ =	swait.ge [sflag:s19], $0x800  }
0x19a: {  	[sflag:s19] =	ssyncset.done $0x0  }
0x19b: {  	s0 =	rddreg [dreg:$0x4];
	[sflag:s19] =	ssyncadd.s32 $0xFFFFF800  }
0x19c: {  	[hbm4b:s0+s2] =	stream.linear.scatter [tilespmem:s4], [sflag:$0x2], $0x10000, $0x38;
	[tilespmem:$0x11000] =	vst v63  }
0x19d: {  	_ =	swait.ge [sflag:s31], $0x10000  }
0x19e: {  	[sflag:s31] =	ssyncset.done $0x0  }
0x19f: {  	[sflag:s31] =	ssyncadd.s32 $0xFFFF0000  }
0x1a0: {  	_ =	sfence.sel $0x180000  }
0x1a1: {  	[bflag:$0x0] =	sbarrier.arrive $0xFFFF  }
0x1a2: {  	_ =	strace $0x9000004A  }
0x1a3: {  	s31 =	stileid.u32;
	[bflag:$0x2] =	sbarrier.arrive $0xFFFF  }
0x1a4: {  	p0 =	sne.s32 s31, $0x0;
	s0 =	rddreg [dreg:$0x2]  }
0x1a5: {  	s0 =	sadd.s32 @!p0 $0x100000, s0  }
0x1a6: {  	[sflag:s0] =	ssyncadd.tile.s32 @!p0 $0x1;
	_ =	shalt  }
.Lfunc_end2:
_tile_overlayer_lowered:
.L_overlay_start_2:
0x1a7: {  	(tag) =	ssettag $0x2  }
0x1a8: {  	s0 =	rddreg [dreg:$0x0];
	s2 =	stileid.u32  }
0x1a9: {  	s1 =	rddreg [dreg:$0x1];
	p0 =	sne.s32 s2, $0x0  }
0x1aa: {  	s3 =	rddreg [dreg:$0x2];
	[bflag:$0x3] =	sbarrier.arrive $0xFFFF;
	s2 =	simm.s32 @!p0 $0x1C03  }
0x1ab: {  	[timem:s3], [sflag:s2] =	dma.local @!p0 [hbm:s0], s1  }
0x1ac: {  	s0 =	simm.s32 @!p0 $0x3  }
0x1ad: {  	_ =	swait.ge @!p0 [sflag:s0], s1  }
0x1ae: {  	s1 =	ssub.s32 @!p0 $0x0, s1;
	[sflag:s0] =	ssyncset.done @!p0 $0x0  }
0x1af: {  	[sflag:s0] =	ssyncadd.s32 @!p0 s1  }
0x1b0: {  	[bflag:$0x3] =	sbarrier.arrive $0xFFFF  }
0x1b1: {  	_ =	shalt  }

</sc_bundles>
